<compile_context>
chip_gen: v7x
topology: tpu7x:2x2x1
jax: 0.10.2.dev20260603
libtpu: 0.0.44.dev20260713+nightly
codegen_flags: <defaults>
</compile_context>

<pallas_src>
import jax
import jax.numpy as jnp
from jax import lax
from jax.experimental import pallas as pl
from jax.experimental.pallas import tpu as pltpu
from jax.experimental.pallas import tpu_sc as plsc

EMB = 64
SCALE = 8.0

NW = 32
GSZ = 128
GRP = 256
NGRP = 100
NSLOT = 4
IDX_PER_W = NGRP * GRP
TOTAL = NW * IDX_PER_W
NIDXROW = IDX_PER_W // GSZ


def _emb_body(xr_hbm, table_hbm, out_hbm, idx_v, rows_v, gsem, osem):
    c = lax.axis_index("c")
    s = lax.axis_index("s")
    wid = s * 2 + c
    base = wid * IDX_PER_W

    pltpu.sync_copy(xr_hbm.at[wid], idx_v)

    def fire_gather(g, slot):
        for h in range(2):
            pltpu.make_async_copy(
                table_hbm.at[idx_v.at[2 * g + h]],
                rows_v.at[pl.ds(slot * GRP + h * GSZ, GSZ)],
                gsem.at[slot],
            ).start()

    def wait_gather(slot):
        for h in range(2):
            pltpu.make_async_copy(
                table_hbm.at[idx_v.at[h]],
                rows_v.at[pl.ds(slot * GRP + h * GSZ, GSZ)],
                gsem.at[slot],
            ).wait()

    def scale_slot(slot):
        sb = slot * GRP

        def body(i, carry):
            r = sb + i * 4
            for rr in range(4):
                for cc in range(4):
                    sl = pl.ds(cc * 16, 16)
                    rows_v[r + rr, sl] = rows_v[r + rr, sl] * SCALE
            return carry

        lax.fori_loop(0, GRP // 4, body, 0)

    def out_desc(g, slot):
        return pltpu.make_async_copy(
            rows_v.at[pl.ds(slot * GRP, GRP)],
            out_hbm.at[pl.ds(base + g * GRP, GRP)],
            osem.at[slot],
        )

    def consume(g, slot):
        wait_gather(slot)
        scale_slot(slot)
        out_desc(g, slot).start()

    fire_gather(0, 0)
    fire_gather(1, 1)

    fire_gather(2, 2)
    consume(0, 0)
    fire_gather(3, 3)
    consume(1, 1)

    def main_blk(i, carry):
        g0 = 2 + i * 4
        for db in range(4):
            g = g0 + db
            slot = (2 + db) % 4
            fslot = db
            out_desc(g, fslot).wait()
            fire_gather(g + 2, fslot)
            consume(g, slot)
        return carry

    lax.fori_loop(0, 24, main_blk, 0)

    consume(98, 2)
    consume(99, 3)

    for slot in range(4):
        out_desc(0, slot).wait()


def kernel(x, table):
    xr = x.astype(jnp.int32).reshape(NW, NIDXROW, GSZ)
    mesh = plsc.VectorSubcoreMesh(core_axis_name="c", subcore_axis_name="s")
    out = pl.kernel(
        _emb_body,
        out_type=jax.ShapeDtypeStruct((TOTAL, EMB), jnp.float32),
        mesh=mesh,
        compiler_params=pltpu.CompilerParams(use_tc_tiling_on_sc=False),
        scratch_types=[
            pltpu.VMEM((NIDXROW, GSZ), jnp.int32),
            pltpu.VMEM((NSLOT * GRP, EMB), jnp.float32),
            pltpu.SemaphoreType.DMA((NSLOT,)),
            pltpu.SemaphoreType.DMA((NSLOT,)),
        ],
    )(xr, table)
    return out.reshape(x.shape[0], x.shape[1], EMB)

# --- scband reference (transcript-rebuilt; emitter-appended) ---
"""Pipeline reference for scband-embedding-layer-43344809952043 (READ-ONLY COPY).

The authoritative reference and input builder live on the scoring server;
editing this copy changes nothing except your own understanding.
"""

import jax, jax.numpy as jnp
import numpy as np
import math

EMBEDDING_DIMS = 64
VOCAB_SIZE = 1000000

def setup_inputs(seed: int = 0) -> dict:
    key = jax.random.key(seed)
    k1, k2 = jax.random.split(key)
    x = jax.random.randint(k1, (16384, 50), 0, VOCAB_SIZE, dtype=jnp.int64 if jax.config.jax_enable_x64 else jnp.int32)
    table = jax.random.normal(k2, (VOCAB_SIZE, EMBEDDING_DIMS), dtype=jnp.float32)
    return {"x": x, "table": table}

def reference(x, table):
    embedding_prescaled = jnp.take(table, x, axis=0)
    embedding = embedding_prescaled * math.sqrt(EMBEDDING_DIMS)
    return embedding

if __name__ == "__main__":
    import jax
    _d = setup_inputs()
    print(jax.jit(kernel)(*tuple(_d.values())))

</pallas_src>

<mosaic_0001>
#map = affine_map<(d0, d1) -> (0, 0, 0)>
#map1 = affine_map<(d0, d1) -> (0, 0)>
module attributes {stable_mosaic.version = 14 : i64} {
  func.func @_emb_body(%arg0: i32, %arg1: i32, %arg2: memref<32x200x128xi32, #tpu.memory_space<hbm>>, %arg3: memref<1000000x64xf32, #tpu.memory_space<hbm>>, %arg4: memref<819200x64xf32, #tpu.memory_space<hbm>>, %arg5: memref<200x128xi32, #tpu.memory_space<vmem>>, %arg6: memref<1024x64xf32, #tpu.memory_space<vmem>>, %arg7: memref<4x!tpu.dma_semaphore, #tpu.memory_space<semaphore_mem>>, %arg8: memref<4x!tpu.dma_semaphore, #tpu.memory_space<semaphore_mem>>) attributes {dimension_semantics = [#tpu.dimension_semantics<core_parallel>, #tpu.dimension_semantics<subcore_parallel>], iteration_bounds = array<i64: 2, 16>, scalar_prefetch = 0 : i64, scratch_operands = 4 : i64, tpu.core_type = #tpu.core_type<sc_vector_subcore>, window_params = [{transform_indices = #map}, {transform_indices = #map1}, {transform_indices = #map1}]} {
    %mul3A = arith.constant 2 : i32
    %mul3A_0 = arith.muli %arg1, %mul3A : i32
    %add3A = arith.addi %mul3A_0, %arg0 : i32
    %mul3A_1 = arith.constant 25600 : i32
    %mul3A_2 = arith.muli %add3A, %mul3A_1 : i32
    "tpu.region"() ({
      %run_scoped3A = tpu.sem_alloc : memref<!tpu.dma_semaphore, #tpu.memory_space<semaphore_mem>>
      %dma_start3A_358 = arith.constant 0 : i32
      %dma_start3A_359 = arith.constant 0 : i32
      %dma_start3A_360 = tpu.memref_slice %arg2[%add3A, %dma_start3A_358, %dma_start3A_359] : memref<32x200x128xi32, #tpu.memory_space<hbm>> -> memref<1x200x128xi32, #tpu.memory_space<hbm>>
      %dma_start3A_361 = tpu.memref_squeeze %dma_start3A_360 : memref<1x200x128xi32, #tpu.memory_space<hbm>> -> memref<200x128xi32, #tpu.memory_space<hbm>>
      %dma_start3A_362 = arith.constant 0 : i32
      %dma_start3A_363 = arith.constant 0 : i32
      %dma_start3A_364 = tpu.memref_slice %arg2[%add3A, %dma_start3A_362, %dma_start3A_363] : memref<32x200x128xi32, #tpu.memory_space<hbm>> -> memref<1x200x128xi32, #tpu.memory_space<hbm>>
      %dma_start3A_365 = tpu.memref_squeeze %dma_start3A_364 : memref<1x200x128xi32, #tpu.memory_space<hbm>> -> memref<200x128xi32, #tpu.memory_space<hbm>>
      tpu.enqueue_dma source(%dma_start3A_365 : memref<200x128xi32, #tpu.memory_space<hbm>>) target(%arg5 : memref<200x128xi32, #tpu.memory_space<vmem>>) target_semaphore(%run_scoped3A : memref<!tpu.dma_semaphore, #tpu.memory_space<semaphore_mem>>)
      %dma_wait3A_366 = arith.constant 0 : i32
      %dma_wait3A_367 = arith.constant 0 : i32
      %dma_wait3A_368 = tpu.memref_slice %arg2[%add3A, %dma_wait3A_366, %dma_wait3A_367] : memref<32x200x128xi32, #tpu.memory_space<hbm>> -> memref<1x200x128xi32, #tpu.memory_space<hbm>>
      %dma_wait3A_369 = tpu.memref_squeeze %dma_wait3A_368 : memref<1x200x128xi32, #tpu.memory_space<hbm>> -> memref<200x128xi32, #tpu.memory_space<hbm>>
      %dma_wait3A_370 = arith.constant 0 : i32
      %dma_wait3A_371 = arith.constant 0 : i32
      %dma_wait3A_372 = tpu.memref_slice %arg2[%add3A, %dma_wait3A_370, %dma_wait3A_371] : memref<32x200x128xi32, #tpu.memory_space<hbm>> -> memref<1x200x128xi32, #tpu.memory_space<hbm>>
      %dma_wait3A_373 = tpu.memref_squeeze %dma_wait3A_372 : memref<1x200x128xi32, #tpu.memory_space<hbm>> -> memref<200x128xi32, #tpu.memory_space<hbm>>
      tpu.wait_dma2 semaphore(%run_scoped3A : memref<!tpu.dma_semaphore, #tpu.memory_space<semaphore_mem>>) src(%dma_wait3A_373 : memref<200x128xi32, #tpu.memory_space<hbm>>) dst(%arg5 : memref<200x128xi32, #tpu.memory_space<vmem>>)
      tpu.yield
    }) : () -> ()
    %dma_start3A = arith.constant 0 : i32
    %dma_start3A_3 = arith.constant 0 : i32
    %dma_start3A_4 = arith.constant 0 : i32
    %dma_start3A_5 = arith.constant 0 : i32
    %dma_start3A_6 = tpu.memref_slice %arg6[%dma_start3A_4, %dma_start3A_5] : memref<1024x64xf32, #tpu.memory_space<vmem>> -> memref<128x64xf32, #tpu.memory_space<vmem>>
    %dma_start3A_7 = arith.constant 0 : i32
    %dma_start3A_8 = tpu.memref_slice %arg5[%dma_start3A, %dma_start3A_7] : memref<200x128xi32, #tpu.memory_space<vmem>> -> memref<1x128xi32, #tpu.memory_space<vmem>>
    %dma_start3A_9 = tpu.memref_squeeze %dma_start3A_8 : memref<1x128xi32, #tpu.memory_space<vmem>> -> memref<128xi32, #tpu.memory_space<vmem>>
    %dma_start3A_10 = arith.constant 0 : i32
    %dma_start3A_11 = arith.constant 0 : i32
    %dma_start3A_12 = tpu.memref_slice %arg3[%dma_start3A_10, %dma_start3A_11] : memref<1000000x64xf32, #tpu.memory_space<hbm>> -> memref<1000000x64xf32, #tpu.memory_space<hbm>>
    %dma_start3A_13 = tpu.memref_slice %arg7[%dma_start3A_3] : memref<4x!tpu.dma_semaphore, #tpu.memory_space<semaphore_mem>> -> memref<1x!tpu.dma_semaphore, #tpu.memory_space<semaphore_mem>>
    %dma_start3A_14 = tpu.memref_squeeze %dma_start3A_13 : memref<1x!tpu.dma_semaphore, #tpu.memory_space<semaphore_mem>> -> memref<!tpu.dma_semaphore, #tpu.memory_space<semaphore_mem>>
    tpu.enqueue_indirect_dma source(%dma_start3A_12 : memref<1000000x64xf32, #tpu.memory_space<hbm>>) target(%dma_start3A_6 : memref<128x64xf32, #tpu.memory_space<vmem>>) offsets(%dma_start3A_9 : memref<128xi32, #tpu.memory_space<vmem>>) semaphore(%dma_start3A_14 : memref<!tpu.dma_semaphore, #tpu.memory_space<semaphore_mem>>)
    %dma_start3A_15 = arith.constant 1 : i32
    %dma_start3A_16 = arith.constant 0 : i32
    %dma_start3A_17 = arith.constant 128 : i32
    %dma_start3A_18 = arith.constant 0 : i32
    %dma_start3A_19 = tpu.memref_slice %arg6[%dma_start3A_17, %dma_start3A_18] : memref<1024x64xf32, #tpu.memory_space<vmem>> -> memref<128x64xf32, #tpu.memory_space<vmem>>
    %dma_start3A_20 = arith.constant 0 : i32
    %dma_start3A_21 = tpu.memref_slice %arg5[%dma_start3A_15, %dma_start3A_20] : memref<200x128xi32, #tpu.memory_space<vmem>> -> memref<1x128xi32, #tpu.memory_space<vmem>>
    %dma_start3A_22 = tpu.memref_squeeze %dma_start3A_21 : memref<1x128xi32, #tpu.memory_space<vmem>> -> memref<128xi32, #tpu.memory_space<vmem>>
    %dma_start3A_23 = arith.constant 0 : i32
    %dma_start3A_24 = arith.constant 0 : i32
    %dma_start3A_25 = tpu.memref_slice %arg3[%dma_start3A_23, %dma_start3A_24] : memref<1000000x64xf32, #tpu.memory_space<hbm>> -> memref<1000000x64xf32, #tpu.memory_space<hbm>>
    %dma_start3A_26 = tpu.memref_slice %arg7[%dma_start3A_16] : memref<4x!tpu.dma_semaphore, #tpu.memory_space<semaphore_mem>> -> memref<1x!tpu.dma_semaphore, #tpu.memory_space<semaphore_mem>>
    %dma_start3A_27 = tpu.memref_squeeze %dma_start3A_26 : memref<1x!tpu.dma_semaphore, #tpu.memory_space<semaphore_mem>> -> memref<!tpu.dma_semaphore, #tpu.memory_space<semaphore_mem>>
    tpu.enqueue_indirect_dma source(%dma_start3A_25 : memref<1000000x64xf32, #tpu.memory_space<hbm>>) target(%dma_start3A_19 : memref<128x64xf32, #tpu.memory_space<vmem>>) offsets(%dma_start3A_22 : memref<128xi32, #tpu.memory_space<vmem>>) semaphore(%dma_start3A_27 : memref<!tpu.dma_semaphore, #tpu.memory_space<semaphore_mem>>)
    %dma_start3A_28 = arith.constant 2 : i32
    %dma_start3A_29 = arith.constant 1 : i32
    %dma_start3A_30 = arith.constant 256 : i32
    %dma_start3A_31 = arith.constant 0 : i32
    %dma_start3A_32 = tpu.memref_slice %arg6[%dma_start3A_30, %dma_start3A_31] : memref<1024x64xf32, #tpu.memory_space<vmem>> -> memref<128x64xf32, #tpu.memory_space<vmem>>
    %dma_start3A_33 = arith.constant 0 : i32
    %dma_start3A_34 = tpu.memref_slice %arg5[%dma_start3A_28, %dma_start3A_33] : memref<200x128xi32, #tpu.memory_space<vmem>> -> memref<1x128xi32, #tpu.memory_space<vmem>>
    %dma_start3A_35 = tpu.memref_squeeze %dma_start3A_34 : memref<1x128xi32, #tpu.memory_space<vmem>> -> memref<128xi32, #tpu.memory_space<vmem>>
    %dma_start3A_36 = arith.constant 0 : i32
    %dma_start3A_37 = arith.constant 0 : i32
    %dma_start3A_38 = tpu.memref_slice %arg3[%dma_start3A_36, %dma_start3A_37] : memref<1000000x64xf32, #tpu.memory_space<hbm>> -> memref<1000000x64xf32, #tpu.memory_space<hbm>>
    %dma_start3A_39 = tpu.memref_slice %arg7[%dma_start3A_29] : memref<4x!tpu.dma_semaphore, #tpu.memory_space<semaphore_mem>> -> memref<1x!tpu.dma_semaphore, #tpu.memory_space<semaphore_mem>>
    %dma_start3A_40 = tpu.memref_squeeze %dma_start3A_39 : memref<1x!tpu.dma_semaphore, #tpu.memory_space<semaphore_mem>> -> memref<!tpu.dma_semaphore, #tpu.memory_space<semaphore_mem>>
    tpu.enqueue_indirect_dma source(%dma_start3A_38 : memref<1000000x64xf32, #tpu.memory_space<hbm>>) target(%dma_start3A_32 : memref<128x64xf32, #tpu.memory_space<vmem>>) offsets(%dma_start3A_35 : memref<128xi32, #tpu.memory_space<vmem>>) semaphore(%dma_start3A_40 : memref<!tpu.dma_semaphore, #tpu.memory_space<semaphore_mem>>)
    %dma_start3A_41 = arith.constant 3 : i32
    %dma_start3A_42 = arith.constant 1 : i32
    %dma_start3A_43 = arith.constant 384 : i32
    %dma_start3A_44 = arith.constant 0 : i32
    %dma_start3A_45 = tpu.memref_slice %arg6[%dma_start3A_43, %dma_start3A_44] : memref<1024x64xf32, #tpu.memory_space<vmem>> -> memref<128x64xf32, #tpu.memory_space<vmem>>
    %dma_start3A_46 = arith.constant 0 : i32
    %dma_start3A_47 = tpu.memref_slice %arg5[%dma_start3A_41, %dma_start3A_46] : memref<200x128xi32, #tpu.memory_space<vmem>> -> memref<1x128xi32, #tpu.memory_space<vmem>>
    %dma_start3A_48 = tpu.memref_squeeze %dma_start3A_47 : memref<1x128xi32, #tpu.memory_space<vmem>> -> memref<128xi32, #tpu.memory_space<vmem>>
    %dma_start3A_49 = arith.constant 0 : i32
    %dma_start3A_50 = arith.constant 0 : i32
    %dma_start3A_51 = tpu.memref_slice %arg3[%dma_start3A_49, %dma_start3A_50] : memref<1000000x64xf32, #tpu.memory_space<hbm>> -> memref<1000000x64xf32, #tpu.memory_space<hbm>>
    %dma_start3A_52 = tpu.memref_slice %arg7[%dma_start3A_42] : memref<4x!tpu.dma_semaphore, #tpu.memory_space<semaphore_mem>> -> memref<1x!tpu.dma_semaphore, #tpu.memory_space<semaphore_mem>>
    %dma_start3A_53 = tpu.memref_squeeze %dma_start3A_52 : memref<1x!tpu.dma_semaphore, #tpu.memory_space<semaphore_mem>> -> memref<!tpu.dma_semaphore, #tpu.memory_space<semaphore_mem>>
    tpu.enqueue_indirect_dma source(%dma_start3A_51 : memref<1000000x64xf32, #tpu.memory_space<hbm>>) target(%dma_start3A_45 : memref<128x64xf32, #tpu.memory_space<vmem>>) offsets(%dma_start3A_48 : memref<128xi32, #tpu.memory_space<vmem>>) semaphore(%dma_start3A_53 : memref<!tpu.dma_semaphore, #tpu.memory_space<semaphore_mem>>)
    %dma_start3A_54 = arith.constant 4 : i32
    %dma_start3A_55 = arith.constant 2 : i32
    %dma_start3A_56 = arith.constant 512 : i32
    %dma_start3A_57 = arith.constant 0 : i32
    %dma_start3A_58 = tpu.memref_slice %arg6[%dma_start3A_56, %dma_start3A_57] : memref<1024x64xf32, #tpu.memory_space<vmem>> -> memref<128x64xf32, #tpu.memory_space<vmem>>
    %dma_start3A_59 = arith.constant 0 : i32
    %dma_start3A_60 = tpu.memref_slice %arg5[%dma_start3A_54, %dma_start3A_59] : memref<200x128xi32, #tpu.memory_space<vmem>> -> memref<1x128xi32, #tpu.memory_space<vmem>>
    %dma_start3A_61 = tpu.memref_squeeze %dma_start3A_60 : memref<1x128xi32, #tpu.memory_space<vmem>> -> memref<128xi32, #tpu.memory_space<vmem>>
    %dma_start3A_62 = arith.constant 0 : i32
    %dma_start3A_63 = arith.constant 0 : i32
    %dma_start3A_64 = tpu.memref_slice %arg3[%dma_start3A_62, %dma_start3A_63] : memref<1000000x64xf32, #tpu.memory_space<hbm>> -> memref<1000000x64xf32, #tpu.memory_space<hbm>>
    %dma_start3A_65 = tpu.memref_slice %arg7[%dma_start3A_55] : memref<4x!tpu.dma_semaphore, #tpu.memory_space<semaphore_mem>> -> memref<1x!tpu.dma_semaphore, #tpu.memory_space<semaphore_mem>>
    %dma_start3A_66 = tpu.memref_squeeze %dma_start3A_65 : memref<1x!tpu.dma_semaphore, #tpu.memory_space<semaphore_mem>> -> memref<!tpu.dma_semaphore, #tpu.memory_space<semaphore_mem>>
    tpu.enqueue_indirect_dma source(%dma_start3A_64 : memref<1000000x64xf32, #tpu.memory_space<hbm>>) target(%dma_start3A_58 : memref<128x64xf32, #tpu.memory_space<vmem>>) offsets(%dma_start3A_61 : memref<128xi32, #tpu.memory_space<vmem>>) semaphore(%dma_start3A_66 : memref<!tpu.dma_semaphore, #tpu.memory_space<semaphore_mem>>)
    %dma_start3A_67 = arith.constant 5 : i32
    %dma_start3A_68 = arith.constant 2 : i32
    %dma_start3A_69 = arith.constant 640 : i32
    %dma_start3A_70 = arith.constant 0 : i32
    %dma_start3A_71 = tpu.memref_slice %arg6[%dma_start3A_69, %dma_start3A_70] : memref<1024x64xf32, #tpu.memory_space<vmem>> -> memref<128x64xf32, #tpu.memory_space<vmem>>
    %dma_start3A_72 = arith.constant 0 : i32
    %dma_start3A_73 = tpu.memref_slice %arg5[%dma_start3A_67, %dma_start3A_72] : memref<200x128xi32, #tpu.memory_space<vmem>> -> memref<1x128xi32, #tpu.memory_space<vmem>>
    %dma_start3A_74 = tpu.memref_squeeze %dma_start3A_73 : memref<1x128xi32, #tpu.memory_space<vmem>> -> memref<128xi32, #tpu.memory_space<vmem>>
    %dma_start3A_75 = arith.constant 0 : i32
    %dma_start3A_76 = arith.constant 0 : i32
    %dma_start3A_77 = tpu.memref_slice %arg3[%dma_start3A_75, %dma_start3A_76] : memref<1000000x64xf32, #tpu.memory_space<hbm>> -> memref<1000000x64xf32, #tpu.memory_space<hbm>>
    %dma_start3A_78 = tpu.memref_slice %arg7[%dma_start3A_68] : memref<4x!tpu.dma_semaphore, #tpu.memory_space<semaphore_mem>> -> memref<1x!tpu.dma_semaphore, #tpu.memory_space<semaphore_mem>>
    %dma_start3A_79 = tpu.memref_squeeze %dma_start3A_78 : memref<1x!tpu.dma_semaphore, #tpu.memory_space<semaphore_mem>> -> memref<!tpu.dma_semaphore, #tpu.memory_space<semaphore_mem>>
    tpu.enqueue_indirect_dma source(%dma_start3A_77 : memref<1000000x64xf32, #tpu.memory_space<hbm>>) target(%dma_start3A_71 : memref<128x64xf32, #tpu.memory_space<vmem>>) offsets(%dma_start3A_74 : memref<128xi32, #tpu.memory_space<vmem>>) semaphore(%dma_start3A_79 : memref<!tpu.dma_semaphore, #tpu.memory_space<semaphore_mem>>)
    %dma_wait3A = arith.constant 0 : i32
    %dma_wait3A_80 = arith.constant 0 : i32
    %dma_wait3A_81 = arith.constant 0 : i32
    %dma_wait3A_82 = arith.constant 0 : i32
    %dma_wait3A_83 = tpu.memref_slice %arg6[%dma_wait3A_81, %dma_wait3A_82] : memref<1024x64xf32, #tpu.memory_space<vmem>> -> memref<128x64xf32, #tpu.memory_space<vmem>>
    %dma_wait3A_84 = arith.constant 0 : i32
    %dma_wait3A_85 = tpu.memref_slice %arg5[%dma_wait3A, %dma_wait3A_84] : memref<200x128xi32, #tpu.memory_space<vmem>> -> memref<1x128xi32, #tpu.memory_space<vmem>>
    %dma_wait3A_86 = tpu.memref_squeeze %dma_wait3A_85 : memref<1x128xi32, #tpu.memory_space<vmem>> -> memref<128xi32, #tpu.memory_space<vmem>>
    %dma_wait3A_87 = arith.constant 0 : i32
    %dma_wait3A_88 = arith.constant 0 : i32
    %dma_wait3A_89 = tpu.memref_slice %arg3[%dma_wait3A_87, %dma_wait3A_88] : memref<1000000x64xf32, #tpu.memory_space<hbm>> -> memref<1000000x64xf32, #tpu.memory_space<hbm>>
    %dma_wait3A_90 = tpu.memref_slice %arg7[%dma_wait3A_80] : memref<4x!tpu.dma_semaphore, #tpu.memory_space<semaphore_mem>> -> memref<1x!tpu.dma_semaphore, #tpu.memory_space<semaphore_mem>>
    %dma_wait3A_91 = tpu.memref_squeeze %dma_wait3A_90 : memref<1x!tpu.dma_semaphore, #tpu.memory_space<semaphore_mem>> -> memref<!tpu.dma_semaphore, #tpu.memory_space<semaphore_mem>>
    tpu.wait_indirect_dma semaphore(%dma_wait3A_91 : memref<!tpu.dma_semaphore, #tpu.memory_space<semaphore_mem>>) src(%dma_wait3A_89 : memref<1000000x64xf32, #tpu.memory_space<hbm>>) dst(%dma_wait3A_83 : memref<128x64xf32, #tpu.memory_space<vmem>>)
    %dma_wait3A_92 = arith.constant 1 : i32
    %dma_wait3A_93 = arith.constant 0 : i32
    %dma_wait3A_94 = arith.constant 128 : i32
    %dma_wait3A_95 = arith.constant 0 : i32
    %dma_wait3A_96 = tpu.memref_slice %arg6[%dma_wait3A_94, %dma_wait3A_95] : memref<1024x64xf32, #tpu.memory_space<vmem>> -> memref<128x64xf32, #tpu.memory_space<vmem>>
    %dma_wait3A_97 = arith.constant 0 : i32
    %dma_wait3A_98 = tpu.memref_slice %arg5[%dma_wait3A_92, %dma_wait3A_97] : memref<200x128xi32, #tpu.memory_space<vmem>> -> memref<1x128xi32, #tpu.memory_space<vmem>>
    %dma_wait3A_99 = tpu.memref_squeeze %dma_wait3A_98 : memref<1x128xi32, #tpu.memory_space<vmem>> -> memref<128xi32, #tpu.memory_space<vmem>>
    %dma_wait3A_100 = arith.constant 0 : i32
    %dma_wait3A_101 = arith.constant 0 : i32
    %dma_wait3A_102 = tpu.memref_slice %arg3[%dma_wait3A_100, %dma_wait3A_101] : memref<1000000x64xf32, #tpu.memory_space<hbm>> -> memref<1000000x64xf32, #tpu.memory_space<hbm>>
    %dma_wait3A_103 = tpu.memref_slice %arg7[%dma_wait3A_93] : memref<4x!tpu.dma_semaphore, #tpu.memory_space<semaphore_mem>> -> memref<1x!tpu.dma_semaphore, #tpu.memory_space<semaphore_mem>>
    %dma_wait3A_104 = tpu.memref_squeeze %dma_wait3A_103 : memref<1x!tpu.dma_semaphore, #tpu.memory_space<semaphore_mem>> -> memref<!tpu.dma_semaphore, #tpu.memory_space<semaphore_mem>>
    tpu.wait_indirect_dma semaphore(%dma_wait3A_104 : memref<!tpu.dma_semaphore, #tpu.memory_space<semaphore_mem>>) src(%dma_wait3A_102 : memref<1000000x64xf32, #tpu.memory_space<hbm>>) dst(%dma_wait3A_96 : memref<128x64xf32, #tpu.memory_space<vmem>>)
    %scan3A = arith.constant 0 : i32
    %scan3A_105 = arith.constant 0 : i32
    %scan3A_106 = arith.constant 64 : i32
    %scan3A_107 = arith.addi %scan3A_105, %scan3A_106 : i32
    %scan3A_108 = arith.constant 1 : i32
    scf.for %scan3A_358 = %scan3A_105 to %scan3A_107 step %scan3A_108  : i32 {
      %mul3A_359 = arith.constant 4 : i32
      %mul3A_360 = arith.muli %scan3A_358, %mul3A_359 : i32
      %add3A_361 = arith.constant 0 : i32
      %add3A_362 = arith.addi %add3A_361, %mul3A_360 : i32
      %add3A_363 = arith.constant 0 : i32
      %add3A_364 = arith.addi %add3A_362, %add3A_363 : i32
      %get3A = arith.index_cast %add3A_364 : i32 to index
      %get3A_365 = arith.constant 0 : index
      %get3A_366 = tpu.vector_load %arg6[%get3A, %get3A_365] {strides = array<i32>} : memref<1024x64xf32, #tpu.memory_space<vmem>>, vector<1x16xf32>,
      %get3A_367 = vector.shape_cast %get3A_366 : vector<1x16xf32> to vector<16xf32>
      %mul3A_368 = arith.constant 8.000000e+00 : f32
      %mul3A_369 = vector.broadcast %mul3A_368 : f32 to vector<16xf32>
      %mul3A_370 = arith.mulf %get3A_367, %mul3A_369 : vector<16xf32>
      %add3A_371 = arith.constant 0 : i32
      %add3A_372 = arith.addi %add3A_362, %add3A_371 : i32
      %swap3A = arith.index_cast %add3A_372 : i32 to index
      %swap3A_373 = arith.constant 0 : index
      %swap3A_374 = tpu.vector_load %arg6[%swap3A, %swap3A_373] {strides = array<i32>} : memref<1024x64xf32, #tpu.memory_space<vmem>>, vector<1x16xf32>,
      %swap3A_375 = vector.shape_cast %swap3A_374 : vector<1x16xf32> to vector<16xf32>
      %swap3A_376 = vector.shape_cast %mul3A_370 : vector<16xf32> to vector<1x16xf32>
      tpu.vector_store %arg6[%swap3A, %swap3A_373], %swap3A_376 {strides = array<i32>} : memref<1024x64xf32, #tpu.memory_space<vmem>>, vector<1x16xf32>,
      %add3A_377 = arith.constant 0 : i32
      %add3A_378 = arith.addi %add3A_362, %add3A_377 : i32
      %get3A_379 = arith.index_cast %add3A_378 : i32 to index
      %get3A_380 = arith.constant 16 : index
      %get3A_381 = tpu.vector_load %arg6[%get3A_379, %get3A_380] {strides = array<i32>} : memref<1024x64xf32, #tpu.memory_space<vmem>>, vector<1x16xf32>,
      %get3A_382 = vector.shape_cast %get3A_381 : vector<1x16xf32> to vector<16xf32>
      %mul3A_383 = arith.constant 8.000000e+00 : f32
      %mul3A_384 = vector.broadcast %mul3A_383 : f32 to vector<16xf32>
      %mul3A_385 = arith.mulf %get3A_382, %mul3A_384 : vector<16xf32>
      %add3A_386 = arith.constant 0 : i32
      %add3A_387 = arith.addi %add3A_362, %add3A_386 : i32
      %swap3A_388 = arith.index_cast %add3A_387 : i32 to index
      %swap3A_389 = arith.constant 16 : index
      %swap3A_390 = tpu.vector_load %arg6[%swap3A_388, %swap3A_389] {strides = array<i32>} : memref<1024x64xf32, #tpu.memory_space<vmem>>, vector<1x16xf32>,
      %swap3A_391 = vector.shape_cast %swap3A_390 : vector<1x16xf32> to vector<16xf32>
      %swap3A_392 = vector.shape_cast %mul3A_385 : vector<16xf32> to vector<1x16xf32>
      tpu.vector_store %arg6[%swap3A_388, %swap3A_389], %swap3A_392 {strides = array<i32>} : memref<1024x64xf32, #tpu.memory_space<vmem>>, vector<1x16xf32>,
      %add3A_393 = arith.constant 0 : i32
      %add3A_394 = arith.addi %add3A_362, %add3A_393 : i32
      %get3A_395 = arith.index_cast %add3A_394 : i32 to index
      %get3A_396 = arith.constant 32 : index
      %get3A_397 = tpu.vector_load %arg6[%get3A_395, %get3A_396] {strides = array<i32>} : memref<1024x64xf32, #tpu.memory_space<vmem>>, vector<1x16xf32>,
      %get3A_398 = vector.shape_cast %get3A_397 : vector<1x16xf32> to vector<16xf32>
      %mul3A_399 = arith.constant 8.000000e+00 : f32
      %mul3A_400 = vector.broadcast %mul3A_399 : f32 to vector<16xf32>
      %mul3A_401 = arith.mulf %get3A_398, %mul3A_400 : vector<16xf32>
      %add3A_402 = arith.constant 0 : i32
      %add3A_403 = arith.addi %add3A_362, %add3A_402 : i32
      %swap3A_404 = arith.index_cast %add3A_403 : i32 to index
      %swap3A_405 = arith.constant 32 : index
      %swap3A_406 = tpu.vector_load %arg6[%swap3A_404, %swap3A_405] {strides = array<i32>} : memref<1024x64xf32, #tpu.memory_space<vmem>>, vector<1x16xf32>,
      %swap3A_407 = vector.shape_cast %swap3A_406 : vector<1x16xf32> to vector<16xf32>
      %swap3A_408 = vector.shape_cast %mul3A_401 : vector<16xf32> to vector<1x16xf32>
      tpu.vector_store %arg6[%swap3A_404, %swap3A_405], %swap3A_408 {strides = array<i32>} : memref<1024x64xf32, #tpu.memory_space<vmem>>, vector<1x16xf32>,
      %add3A_409 = arith.constant 0 : i32
      %add3A_410 = arith.addi %add3A_362, %add3A_409 : i32
      %get3A_411 = arith.index_cast %add3A_410 : i32 to index
      %get3A_412 = arith.constant 48 : index
      %get3A_413 = tpu.vector_load %arg6[%get3A_411, %get3A_412] {strides = array<i32>} : memref<1024x64xf32, #tpu.memory_space<vmem>>, vector<1x16xf32>,
      %get3A_414 = vector.shape_cast %get3A_413 : vector<1x16xf32> to vector<16xf32>
      %mul3A_415 = arith.constant 8.000000e+00 : f32
      %mul3A_416 = vector.broadcast %mul3A_415 : f32 to vector<16xf32>
      %mul3A_417 = arith.mulf %get3A_414, %mul3A_416 : vector<16xf32>
      %add3A_418 = arith.constant 0 : i32
      %add3A_419 = arith.addi %add3A_362, %add3A_418 : i32
      %swap3A_420 = arith.index_cast %add3A_419 : i32 to index
      %swap3A_421 = arith.constant 48 : index
      %swap3A_422 = tpu.vector_load %arg6[%swap3A_420, %swap3A_421] {strides = array<i32>} : memref<1024x64xf32, #tpu.memory_space<vmem>>, vector<1x16xf32>,
      %swap3A_423 = vector.shape_cast %swap3A_422 : vector<1x16xf32> to vector<16xf32>
      %swap3A_424 = vector.shape_cast %mul3A_417 : vector<16xf32> to vector<1x16xf32>
      tpu.vector_store %arg6[%swap3A_420, %swap3A_421], %swap3A_424 {strides = array<i32>} : memref<1024x64xf32, #tpu.memory_space<vmem>>, vector<1x16xf32>,
      %add3A_425 = arith.constant 1 : i32
      %add3A_426 = arith.addi %add3A_362, %add3A_425 : i32
      %get3A_427 = arith.index_cast %add3A_426 : i32 to index
      %get3A_428 = arith.constant 0 : index
      %get3A_429 = tpu.vector_load %arg6[%get3A_427, %get3A_428] {strides = array<i32>} : memref<1024x64xf32, #tpu.memory_space<vmem>>, vector<1x16xf32>,
      %get3A_430 = vector.shape_cast %get3A_429 : vector<1x16xf32> to vector<16xf32>
      %mul3A_431 = arith.constant 8.000000e+00 : f32
      %mul3A_432 = vector.broadcast %mul3A_431 : f32 to vector<16xf32>
      %mul3A_433 = arith.mulf %get3A_430, %mul3A_432 : vector<16xf32>
      %add3A_434 = arith.constant 1 : i32
      %add3A_435 = arith.addi %add3A_362, %add3A_434 : i32
      %swap3A_436 = arith.index_cast %add3A_435 : i32 to index
      %swap3A_437 = arith.constant 0 : index
      %swap3A_438 = tpu.vector_load %arg6[%swap3A_436, %swap3A_437] {strides = array<i32>} : memref<1024x64xf32, #tpu.memory_space<vmem>>, vector<1x16xf32>,
      %swap3A_439 = vector.shape_cast %swap3A_438 : vector<1x16xf32> to vector<16xf32>
      %swap3A_440 = vector.shape_cast %mul3A_433 : vector<16xf32> to vector<1x16xf32>
      tpu.vector_store %arg6[%swap3A_436, %swap3A_437], %swap3A_440 {strides = array<i32>} : memref<1024x64xf32, #tpu.memory_space<vmem>>, vector<1x16xf32>,
      %add3A_441 = arith.constant 1 : i32
      %add3A_442 = arith.addi %add3A_362, %add3A_441 : i32
      %get3A_443 = arith.index_cast %add3A_442 : i32 to index
      %get3A_444 = arith.constant 16 : index
      %get3A_445 = tpu.vector_load %arg6[%get3A_443, %get3A_444] {strides = array<i32>} : memref<1024x64xf32, #tpu.memory_space<vmem>>, vector<1x16xf32>,
      %get3A_446 = vector.shape_cast %get3A_445 : vector<1x16xf32> to vector<16xf32>
      %mul3A_447 = arith.constant 8.000000e+00 : f32
      %mul3A_448 = vector.broadcast %mul3A_447 : f32 to vector<16xf32>
      %mul3A_449 = arith.mulf %get3A_446, %mul3A_448 : vector<16xf32>
      %add3A_450 = arith.constant 1 : i32
      %add3A_451 = arith.addi %add3A_362, %add3A_450 : i32
      %swap3A_452 = arith.index_cast %add3A_451 : i32 to index
      %swap3A_453 = arith.constant 16 : index
      %swap3A_454 = tpu.vector_load %arg6[%swap3A_452, %swap3A_453] {strides = array<i32>} : memref<1024x64xf32, #tpu.memory_space<vmem>>, vector<1x16xf32>,
      %swap3A_455 = vector.shape_cast %swap3A_454 : vector<1x16xf32> to vector<16xf32>
      %swap3A_456 = vector.shape_cast %mul3A_449 : vector<16xf32> to vector<1x16xf32>
      tpu.vector_store %arg6[%swap3A_452, %swap3A_453], %swap3A_456 {strides = array<i32>} : memref<1024x64xf32, #tpu.memory_space<vmem>>, vector<1x16xf32>,
      %add3A_457 = arith.constant 1 : i32
      %add3A_458 = arith.addi %add3A_362, %add3A_457 : i32
      %get3A_459 = arith.index_cast %add3A_458 : i32 to index
      %get3A_460 = arith.constant 32 : index
      %get3A_461 = tpu.vector_load %arg6[%get3A_459, %get3A_460] {strides = array<i32>} : memref<1024x64xf32, #tpu.memory_space<vmem>>, vector<1x16xf32>,
      %get3A_462 = vector.shape_cast %get3A_461 : vector<1x16xf32> to vector<16xf32>
      %mul3A_463 = arith.constant 8.000000e+00 : f32
      %mul3A_464 = vector.broadcast %mul3A_463 : f32 to vector<16xf32>
      %mul3A_465 = arith.mulf %get3A_462, %mul3A_464 : vector<16xf32>
      %add3A_466 = arith.constant 1 : i32
      %add3A_467 = arith.addi %add3A_362, %add3A_466 : i32
      %swap3A_468 = arith.index_cast %add3A_467 : i32 to index
      %swap3A_469 = arith.constant 32 : index
      %swap3A_470 = tpu.vector_load %arg6[%swap3A_468, %swap3A_469] {strides = array<i32>} : memref<1024x64xf32, #tpu.memory_space<vmem>>, vector<1x16xf32>,
      %swap3A_471 = vector.shape_cast %swap3A_470 : vector<1x16xf32> to vector<16xf32>
      %swap3A_472 = vector.shape_cast %mul3A_465 : vector<16xf32> to vector<1x16xf32>
      tpu.vector_store %arg6[%swap3A_468, %swap3A_469], %swap3A_472 {strides = array<i32>} : memref<1024x64xf32, #tpu.memory_space<vmem>>, vector<1x16xf32>,
      %add3A_473 = arith.constant 1 : i32
      %add3A_474 = arith.addi %add3A_362, %add3A_473 : i32
      %get3A_475 = arith.index_cast %add3A_474 : i32 to index
      %get3A_476 = arith.constant 48 : index
      %get3A_477 = tpu.vector_load %arg6[%get3A_475, %get3A_476] {strides = array<i32>} : memref<1024x64xf32, #tpu.memory_space<vmem>>, vector<1x16xf32>,
      %get3A_478 = vector.shape_cast %get3A_477 : vector<1x16xf32> to vector<16xf32>
      %mul3A_479 = arith.constant 8.000000e+00 : f32
      %mul3A_480 = vector.broadcast %mul3A_479 : f32 to vector<16xf32>
      %mul3A_481 = arith.mulf %get3A_478, %mul3A_480 : vector<16xf32>
      %add3A_482 = arith.constant 1 : i32
      %add3A_483 = arith.addi %add3A_362, %add3A_482 : i32
      %swap3A_484 = arith.index_cast %add3A_483 : i32 to index
      %swap3A_485 = arith.constant 48 : index
      %swap3A_486 = tpu.vector_load %arg6[%swap3A_484, %swap3A_485] {strides = array<i32>} : memref<1024x64xf32, #tpu.memory_space<vmem>>, vector<1x16xf32>,
      %swap3A_487 = vector.shape_cast %swap3A_486 : vector<1x16xf32> to vector<16xf32>
      %swap3A_488 = vector.shape_cast %mul3A_481 : vector<16xf32> to vector<1x16xf32>
      tpu.vector_store %arg6[%swap3A_484, %swap3A_485], %swap3A_488 {strides = array<i32>} : memref<1024x64xf32, #tpu.memory_space<vmem>>, vector<1x16xf32>,
      %add3A_489 = arith.constant 2 : i32
      %add3A_490 = arith.addi %add3A_362, %add3A_489 : i32
      %get3A_491 = arith.index_cast %add3A_490 : i32 to index
      %get3A_492 = arith.constant 0 : index
      %get3A_493 = tpu.vector_load %arg6[%get3A_491, %get3A_492] {strides = array<i32>} : memref<1024x64xf32, #tpu.memory_space<vmem>>, vector<1x16xf32>,
      %get3A_494 = vector.shape_cast %get3A_493 : vector<1x16xf32> to vector<16xf32>
      %mul3A_495 = arith.constant 8.000000e+00 : f32
      %mul3A_496 = vector.broadcast %mul3A_495 : f32 to vector<16xf32>
      %mul3A_497 = arith.mulf %get3A_494, %mul3A_496 : vector<16xf32>
      %add3A_498 = arith.constant 2 : i32
      %add3A_499 = arith.addi %add3A_362, %add3A_498 : i32
      %swap3A_500 = arith.index_cast %add3A_499 : i32 to index
      %swap3A_501 = arith.constant 0 : index
      %swap3A_502 = tpu.vector_load %arg6[%swap3A_500, %swap3A_501] {strides = array<i32>} : memref<1024x64xf32, #tpu.memory_space<vmem>>, vector<1x16xf32>,
      %swap3A_503 = vector.shape_cast %swap3A_502 : vector<1x16xf32> to vector<16xf32>
      %swap3A_504 = vector.shape_cast %mul3A_497 : vector<16xf32> to vector<1x16xf32>
      tpu.vector_store %arg6[%swap3A_500, %swap3A_501], %swap3A_504 {strides = array<i32>} : memref<1024x64xf32, #tpu.memory_space<vmem>>, vector<1x16xf32>,
      %add3A_505 = arith.constant 2 : i32
      %add3A_506 = arith.addi %add3A_362, %add3A_505 : i32
      %get3A_507 = arith.index_cast %add3A_506 : i32 to index
      %get3A_508 = arith.constant 16 : index
      %get3A_509 = tpu.vector_load %arg6[%get3A_507, %get3A_508] {strides = array<i32>} : memref<1024x64xf32, #tpu.memory_space<vmem>>, vector<1x16xf32>,
      %get3A_510 = vector.shape_cast %get3A_509 : vector<1x16xf32> to vector<16xf32>
      %mul3A_511 = arith.constant 8.000000e+00 : f32
      %mul3A_512 = vector.broadcast %mul3A_511 : f32 to vector<16xf32>
      %mul3A_513 = arith.mulf %get3A_510, %mul3A_512 : vector<16xf32>
      %add3A_514 = arith.constant 2 : i32
      %add3A_515 = arith.addi %add3A_362, %add3A_514 : i32
      %swap3A_516 = arith.index_cast %add3A_515 : i32 to index
      %swap3A_517 = arith.constant 16 : index
      %swap3A_518 = tpu.vector_load %arg6[%swap3A_516, %swap3A_517] {strides = array<i32>} : memref<1024x64xf32, #tpu.memory_space<vmem>>, vector<1x16xf32>,
      %swap3A_519 = vector.shape_cast %swap3A_518 : vector<1x16xf32> to vector<16xf32>
      %swap3A_520 = vector.shape_cast %mul3A_513 : vector<16xf32> to vector<1x16xf32>
      tpu.vector_store %arg6[%swap3A_516, %swap3A_517], %swap3A_520 {strides = array<i32>} : memref<1024x64xf32, #tpu.memory_space<vmem>>, vector<1x16xf32>,
      %add3A_521 = arith.constant 2 : i32
      %add3A_522 = arith.addi %add3A_362, %add3A_521 : i32
      %get3A_523 = arith.index_cast %add3A_522 : i32 to index
      %get3A_524 = arith.constant 32 : index
      %get3A_525 = tpu.vector_load %arg6[%get3A_523, %get3A_524] {strides = array<i32>} : memref<1024x64xf32, #tpu.memory_space<vmem>>, vector<1x16xf32>,
      %get3A_526 = vector.shape_cast %get3A_525 : vector<1x16xf32> to vector<16xf32>
      %mul3A_527 = arith.constant 8.000000e+00 : f32
      %mul3A_528 = vector.broadcast %mul3A_527 : f32 to vector<16xf32>
      %mul3A_529 = arith.mulf %get3A_526, %mul3A_528 : vector<16xf32>
      %add3A_530 = arith.constant 2 : i32
      %add3A_531 = arith.addi %add3A_362, %add3A_530 : i32
      %swap3A_532 = arith.index_cast %add3A_531 : i32 to index
      %swap3A_533 = arith.constant 32 : index
      %swap3A_534 = tpu.vector_load %arg6[%swap3A_532, %swap3A_533] {strides = array<i32>} : memref<1024x64xf32, #tpu.memory_space<vmem>>, vector<1x16xf32>,
      %swap3A_535 = vector.shape_cast %swap3A_534 : vector<1x16xf32> to vector<16xf32>
      %swap3A_536 = vector.shape_cast %mul3A_529 : vector<16xf32> to vector<1x16xf32>
      tpu.vector_store %arg6[%swap3A_532, %swap3A_533], %swap3A_536 {strides = array<i32>} : memref<1024x64xf32, #tpu.memory_space<vmem>>, vector<1x16xf32>,
      %add3A_537 = arith.constant 2 : i32
      %add3A_538 = arith.addi %add3A_362, %add3A_537 : i32
      %get3A_539 = arith.index_cast %add3A_538 : i32 to index
      %get3A_540 = arith.constant 48 : index
      %get3A_541 = tpu.vector_load %arg6[%get3A_539, %get3A_540] {strides = array<i32>} : memref<1024x64xf32, #tpu.memory_space<vmem>>, vector<1x16xf32>,
      %get3A_542 = vector.shape_cast %get3A_541 : vector<1x16xf32> to vector<16xf32>
      %mul3A_543 = arith.constant 8.000000e+00 : f32
      %mul3A_544 = vector.broadcast %mul3A_543 : f32 to vector<16xf32>
      %mul3A_545 = arith.mulf %get3A_542, %mul3A_544 : vector<16xf32>
      %add3A_546 = arith.constant 2 : i32
      %add3A_547 = arith.addi %add3A_362, %add3A_546 : i32
      %swap3A_548 = arith.index_cast %add3A_547 : i32 to index
      %swap3A_549 = arith.constant 48 : index
      %swap3A_550 = tpu.vector_load %arg6[%swap3A_548, %swap3A_549] {strides = array<i32>} : memref<1024x64xf32, #tpu.memory_space<vmem>>, vector<1x16xf32>,
      %swap3A_551 = vector.shape_cast %swap3A_550 : vector<1x16xf32> to vector<16xf32>
      %swap3A_552 = vector.shape_cast %mul3A_545 : vector<16xf32> to vector<1x16xf32>
      tpu.vector_store %arg6[%swap3A_548, %swap3A_549], %swap3A_552 {strides = array<i32>} : memref<1024x64xf32, #tpu.memory_space<vmem>>, vector<1x16xf32>,
      %add3A_553 = arith.constant 3 : i32
      %add3A_554 = arith.addi %add3A_362, %add3A_553 : i32
      %get3A_555 = arith.index_cast %add3A_554 : i32 to index
      %get3A_556 = arith.constant 0 : index
      %get3A_557 = tpu.vector_load %arg6[%get3A_555, %get3A_556] {strides = array<i32>} : memref<1024x64xf32, #tpu.memory_space<vmem>>, vector<1x16xf32>,
      %get3A_558 = vector.shape_cast %get3A_557 : vector<1x16xf32> to vector<16xf32>
      %mul3A_559 = arith.constant 8.000000e+00 : f32
      %mul3A_560 = vector.broadcast %mul3A_559 : f32 to vector<16xf32>
      %mul3A_561 = arith.mulf %get3A_558, %mul3A_560 : vector<16xf32>
      %add3A_562 = arith.constant 3 : i32
      %add3A_563 = arith.addi %add3A_362, %add3A_562 : i32
      %swap3A_564 = arith.index_cast %add3A_563 : i32 to index
      %swap3A_565 = arith.constant 0 : index
      %swap3A_566 = tpu.vector_load %arg6[%swap3A_564, %swap3A_565] {strides = array<i32>} : memref<1024x64xf32, #tpu.memory_space<vmem>>, vector<1x16xf32>,
      %swap3A_567 = vector.shape_cast %swap3A_566 : vector<1x16xf32> to vector<16xf32>
      %swap3A_568 = vector.shape_cast %mul3A_561 : vector<16xf32> to vector<1x16xf32>
      tpu.vector_store %arg6[%swap3A_564, %swap3A_565], %swap3A_568 {strides = array<i32>} : memref<1024x64xf32, #tpu.memory_space<vmem>>, vector<1x16xf32>,
      %add3A_569 = arith.constant 3 : i32
      %add3A_570 = arith.addi %add3A_362, %add3A_569 : i32
      %get3A_571 = arith.index_cast %add3A_570 : i32 to index
      %get3A_572 = arith.constant 16 : index
      %get3A_573 = tpu.vector_load %arg6[%get3A_571, %get3A_572] {strides = array<i32>} : memref<1024x64xf32, #tpu.memory_space<vmem>>, vector<1x16xf32>,
      %get3A_574 = vector.shape_cast %get3A_573 : vector<1x16xf32> to vector<16xf32>
      %mul3A_575 = arith.constant 8.000000e+00 : f32
      %mul3A_576 = vector.broadcast %mul3A_575 : f32 to vector<16xf32>
      %mul3A_577 = arith.mulf %get3A_574, %mul3A_576 : vector<16xf32>
      %add3A_578 = arith.constant 3 : i32
      %add3A_579 = arith.addi %add3A_362, %add3A_578 : i32
      %swap3A_580 = arith.index_cast %add3A_579 : i32 to index
      %swap3A_581 = arith.constant 16 : index
      %swap3A_582 = tpu.vector_load %arg6[%swap3A_580, %swap3A_581] {strides = array<i32>} : memref<1024x64xf32, #tpu.memory_space<vmem>>, vector<1x16xf32>,
      %swap3A_583 = vector.shape_cast %swap3A_582 : vector<1x16xf32> to vector<16xf32>
      %swap3A_584 = vector.shape_cast %mul3A_577 : vector<16xf32> to vector<1x16xf32>
      tpu.vector_store %arg6[%swap3A_580, %swap3A_581], %swap3A_584 {strides = array<i32>} : memref<1024x64xf32, #tpu.memory_space<vmem>>, vector<1x16xf32>,
      %add3A_585 = arith.constant 3 : i32
      %add3A_586 = arith.addi %add3A_362, %add3A_585 : i32
      %get3A_587 = arith.index_cast %add3A_586 : i32 to index
      %get3A_588 = arith.constant 32 : index
      %get3A_589 = tpu.vector_load %arg6[%get3A_587, %get3A_588] {strides = array<i32>} : memref<1024x64xf32, #tpu.memory_space<vmem>>, vector<1x16xf32>,
      %get3A_590 = vector.shape_cast %get3A_589 : vector<1x16xf32> to vector<16xf32>
      %mul3A_591 = arith.constant 8.000000e+00 : f32
      %mul3A_592 = vector.broadcast %mul3A_591 : f32 to vector<16xf32>
      %mul3A_593 = arith.mulf %get3A_590, %mul3A_592 : vector<16xf32>
      %add3A_594 = arith.constant 3 : i32
      %add3A_595 = arith.addi %add3A_362, %add3A_594 : i32
      %swap3A_596 = arith.index_cast %add3A_595 : i32 to index
      %swap3A_597 = arith.constant 32 : index
      %swap3A_598 = tpu.vector_load %arg6[%swap3A_596, %swap3A_597] {strides = array<i32>} : memref<1024x64xf32, #tpu.memory_space<vmem>>, vector<1x16xf32>,
      %swap3A_599 = vector.shape_cast %swap3A_598 : vector<1x16xf32> to vector<16xf32>
      %swap3A_600 = vector.shape_cast %mul3A_593 : vector<16xf32> to vector<1x16xf32>
      tpu.vector_store %arg6[%swap3A_596, %swap3A_597], %swap3A_600 {strides = array<i32>} : memref<1024x64xf32, #tpu.memory_space<vmem>>, vector<1x16xf32>,
      %add3A_601 = arith.constant 3 : i32
      %add3A_602 = arith.addi %add3A_362, %add3A_601 : i32
      %get3A_603 = arith.index_cast %add3A_602 : i32 to index
      %get3A_604 = arith.constant 48 : index
      %get3A_605 = tpu.vector_load %arg6[%get3A_603, %get3A_604] {strides = array<i32>} : memref<1024x64xf32, #tpu.memory_space<vmem>>, vector<1x16xf32>,
      %get3A_606 = vector.shape_cast %get3A_605 : vector<1x16xf32> to vector<16xf32>
      %mul3A_607 = arith.constant 8.000000e+00 : f32
      %mul3A_608 = vector.broadcast %mul3A_607 : f32 to vector<16xf32>
      %mul3A_609 = arith.mulf %get3A_606, %mul3A_608 : vector<16xf32>
      %add3A_610 = arith.constant 3 : i32
      %add3A_611 = arith.addi %add3A_362, %add3A_610 : i32
      %swap3A_612 = arith.index_cast %add3A_611 : i32 to index
      %swap3A_613 = arith.constant 48 : index
      %swap3A_614 = tpu.vector_load %arg6[%swap3A_612, %swap3A_613] {strides = array<i32>} : memref<1024x64xf32, #tpu.memory_space<vmem>>, vector<1x16xf32>,
      %swap3A_615 = vector.shape_cast %swap3A_614 : vector<1x16xf32> to vector<16xf32>
      %swap3A_616 = vector.shape_cast %mul3A_609 : vector<16xf32> to vector<1x16xf32>
      tpu.vector_store %arg6[%swap3A_612, %swap3A_613], %swap3A_616 {strides = array<i32>} : memref<1024x64xf32, #tpu.memory_space<vmem>>, vector<1x16xf32>,
    }
    %scan3A_109 = arith.constant 64 : i32
    %add3A_110 = arith.constant 0 : i32
    %add3A_111 = arith.addi %mul3A_2, %add3A_110 : i32
    %dma_start3A_112 = arith.constant 0 : i32
    %dma_start3A_113 = arith.constant 0 : i32
    %dma_start3A_114 = arith.constant 0 : i32
    %dma_start3A_115 = tpu.memref_slice %arg6[%dma_start3A_113, %dma_start3A_114] : memref<1024x64xf32, #tpu.memory_space<vmem>> -> memref<256x64xf32, #tpu.memory_space<vmem>>
    %dma_start3A_116 = arith.constant 0 : i32
    %dma_start3A_117 = tpu.memref_slice %arg4[%add3A_111, %dma_start3A_116] : memref<819200x64xf32, #tpu.memory_space<hbm>> -> memref<256x64xf32, #tpu.memory_space<hbm>>
    %dma_start3A_118 = tpu.memref_slice %arg8[%dma_start3A_112] : memref<4x!tpu.dma_semaphore, #tpu.memory_space<semaphore_mem>> -> memref<1x!tpu.dma_semaphore, #tpu.memory_space<semaphore_mem>>
    %dma_start3A_119 = tpu.memref_squeeze %dma_start3A_118 : memref<1x!tpu.dma_semaphore, #tpu.memory_space<semaphore_mem>> -> memref<!tpu.dma_semaphore, #tpu.memory_space<semaphore_mem>>
    %dma_start3A_120 = arith.constant 0 : i32
    %dma_start3A_121 = tpu.memref_slice %arg4[%add3A_111, %dma_start3A_120] : memref<819200x64xf32, #tpu.memory_space<hbm>> -> memref<256x64xf32, #tpu.memory_space<hbm>>
    %dma_start3A_122 = arith.constant 0 : i32
    %dma_start3A_123 = arith.constant 0 : i32
    %dma_start3A_124 = tpu.memref_slice %arg6[%dma_start3A_122, %dma_start3A_123] : memref<1024x64xf32, #tpu.memory_space<vmem>> -> memref<256x64xf32, #tpu.memory_space<vmem>>
    tpu.enqueue_dma source(%dma_start3A_124 : memref<256x64xf32, #tpu.memory_space<vmem>>) target(%dma_start3A_121 : memref<256x64xf32, #tpu.memory_space<hbm>>) target_semaphore(%dma_start3A_119 : memref<!tpu.dma_semaphore, #tpu.memory_space<semaphore_mem>>)
    %dma_start3A_125 = arith.constant 6 : i32
    %dma_start3A_126 = arith.constant 3 : i32
    %dma_start3A_127 = arith.constant 768 : i32
    %dma_start3A_128 = arith.constant 0 : i32
    %dma_start3A_129 = tpu.memref_slice %arg6[%dma_start3A_127, %dma_start3A_128] : memref<1024x64xf32, #tpu.memory_space<vmem>> -> memref<128x64xf32, #tpu.memory_space<vmem>>
    %dma_start3A_130 = arith.constant 0 : i32
    %dma_start3A_131 = tpu.memref_slice %arg5[%dma_start3A_125, %dma_start3A_130] : memref<200x128xi32, #tpu.memory_space<vmem>> -> memref<1x128xi32, #tpu.memory_space<vmem>>
    %dma_start3A_132 = tpu.memref_squeeze %dma_start3A_131 : memref<1x128xi32, #tpu.memory_space<vmem>> -> memref<128xi32, #tpu.memory_space<vmem>>
    %dma_start3A_133 = arith.constant 0 : i32
    %dma_start3A_134 = arith.constant 0 : i32
    %dma_start3A_135 = tpu.memref_slice %arg3[%dma_start3A_133, %dma_start3A_134] : memref<1000000x64xf32, #tpu.memory_space<hbm>> -> memref<1000000x64xf32, #tpu.memory_space<hbm>>
    %dma_start3A_136 = tpu.memref_slice %arg7[%dma_start3A_126] : memref<4x!tpu.dma_semaphore, #tpu.memory_space<semaphore_mem>> -> memref<1x!tpu.dma_semaphore, #tpu.memory_space<semaphore_mem>>
    %dma_start3A_137 = tpu.memref_squeeze %dma_start3A_136 : memref<1x!tpu.dma_semaphore, #tpu.memory_space<semaphore_mem>> -> memref<!tpu.dma_semaphore, #tpu.memory_space<semaphore_mem>>
    tpu.enqueue_indirect_dma source(%dma_start3A_135 : memref<1000000x64xf32, #tpu.memory_space<hbm>>) target(%dma_start3A_129 : memref<128x64xf32, #tpu.memory_space<vmem>>) offsets(%dma_start3A_132 : memref<128xi32, #tpu.memory_space<vmem>>) semaphore(%dma_start3A_137 : memref<!tpu.dma_semaphore, #tpu.memory_space<semaphore_mem>>)
    %dma_start3A_138 = arith.constant 7 : i32
    %dma_start3A_139 = arith.constant 3 : i32
    %dma_start3A_140 = arith.constant 896 : i32
    %dma_start3A_141 = arith.constant 0 : i32
    %dma_start3A_142 = tpu.memref_slice %arg6[%dma_start3A_140, %dma_start3A_141] : memref<1024x64xf32, #tpu.memory_space<vmem>> -> memref<128x64xf32, #tpu.memory_space<vmem>>
    %dma_start3A_143 = arith.constant 0 : i32
    %dma_start3A_144 = tpu.memref_slice %arg5[%dma_start3A_138, %dma_start3A_143] : memref<200x128xi32, #tpu.memory_space<vmem>> -> memref<1x128xi32, #tpu.memory_space<vmem>>
    %dma_start3A_145 = tpu.memref_squeeze %dma_start3A_144 : memref<1x128xi32, #tpu.memory_space<vmem>> -> memref<128xi32, #tpu.memory_space<vmem>>
    %dma_start3A_146 = arith.constant 0 : i32
    %dma_start3A_147 = arith.constant 0 : i32
    %dma_start3A_148 = tpu.memref_slice %arg3[%dma_start3A_146, %dma_start3A_147] : memref<1000000x64xf32, #tpu.memory_space<hbm>> -> memref<1000000x64xf32, #tpu.memory_space<hbm>>
    %dma_start3A_149 = tpu.memref_slice %arg7[%dma_start3A_139] : memref<4x!tpu.dma_semaphore, #tpu.memory_space<semaphore_mem>> -> memref<1x!tpu.dma_semaphore, #tpu.memory_space<semaphore_mem>>
    %dma_start3A_150 = tpu.memref_squeeze %dma_start3A_149 : memref<1x!tpu.dma_semaphore, #tpu.memory_space<semaphore_mem>> -> memref<!tpu.dma_semaphore, #tpu.memory_space<semaphore_mem>>
    tpu.enqueue_indirect_dma source(%dma_start3A_148 : memref<1000000x64xf32, #tpu.memory_space<hbm>>) target(%dma_start3A_142 : memref<128x64xf32, #tpu.memory_space<vmem>>) offsets(%dma_start3A_145 : memref<128xi32, #tpu.memory_space<vmem>>) semaphore(%dma_start3A_150 : memref<!tpu.dma_semaphore, #tpu.memory_space<semaphore_mem>>)
    %dma_wait3A_151 = arith.constant 0 : i32
    %dma_wait3A_152 = arith.constant 1 : i32
    %dma_wait3A_153 = arith.constant 256 : i32
    %dma_wait3A_154 = arith.constant 0 : i32
    %dma_wait3A_155 = tpu.memref_slice %arg6[%dma_wait3A_153, %dma_wait3A_154] : memref<1024x64xf32, #tpu.memory_space<vmem>> -> memref<128x64xf32, #tpu.memory_space<vmem>>
    %dma_wait3A_156 = arith.constant 0 : i32
    %dma_wait3A_157 = tpu.memref_slice %arg5[%dma_wait3A_151, %dma_wait3A_156] : memref<200x128xi32, #tpu.memory_space<vmem>> -> memref<1x128xi32, #tpu.memory_space<vmem>>
    %dma_wait3A_158 = tpu.memref_squeeze %dma_wait3A_157 : memref<1x128xi32, #tpu.memory_space<vmem>> -> memref<128xi32, #tpu.memory_space<vmem>>
    %dma_wait3A_159 = arith.constant 0 : i32
    %dma_wait3A_160 = arith.constant 0 : i32
    %dma_wait3A_161 = tpu.memref_slice %arg3[%dma_wait3A_159, %dma_wait3A_160] : memref<1000000x64xf32, #tpu.memory_space<hbm>> -> memref<1000000x64xf32, #tpu.memory_space<hbm>>
    %dma_wait3A_162 = tpu.memref_slice %arg7[%dma_wait3A_152] : memref<4x!tpu.dma_semaphore, #tpu.memory_space<semaphore_mem>> -> memref<1x!tpu.dma_semaphore, #tpu.memory_space<semaphore_mem>>
    %dma_wait3A_163 = tpu.memref_squeeze %dma_wait3A_162 : memref<1x!tpu.dma_semaphore, #tpu.memory_space<semaphore_mem>> -> memref<!tpu.dma_semaphore, #tpu.memory_space<semaphore_mem>>
    tpu.wait_indirect_dma semaphore(%dma_wait3A_163 : memref<!tpu.dma_semaphore, #tpu.memory_space<semaphore_mem>>) src(%dma_wait3A_161 : memref<1000000x64xf32, #tpu.memory_space<hbm>>) dst(%dma_wait3A_155 : memref<128x64xf32, #tpu.memory_space<vmem>>)
    %dma_wait3A_164 = arith.constant 1 : i32
    %dma_wait3A_165 = arith.constant 1 : i32
    %dma_wait3A_166 = arith.constant 384 : i32
    %dma_wait3A_167 = arith.constant 0 : i32
    %dma_wait3A_168 = tpu.memref_slice %arg6[%dma_wait3A_166, %dma_wait3A_167] : memref<1024x64xf32, #tpu.memory_space<vmem>> -> memref<128x64xf32, #tpu.memory_space<vmem>>
    %dma_wait3A_169 = arith.constant 0 : i32
    %dma_wait3A_170 = tpu.memref_slice %arg5[%dma_wait3A_164, %dma_wait3A_169] : memref<200x128xi32, #tpu.memory_space<vmem>> -> memref<1x128xi32, #tpu.memory_space<vmem>>
    %dma_wait3A_171 = tpu.memref_squeeze %dma_wait3A_170 : memref<1x128xi32, #tpu.memory_space<vmem>> -> memref<128xi32, #tpu.memory_space<vmem>>
    %dma_wait3A_172 = arith.constant 0 : i32
    %dma_wait3A_173 = arith.constant 0 : i32
    %dma_wait3A_174 = tpu.memref_slice %arg3[%dma_wait3A_172, %dma_wait3A_173] : memref<1000000x64xf32, #tpu.memory_space<hbm>> -> memref<1000000x64xf32, #tpu.memory_space<hbm>>
    %dma_wait3A_175 = tpu.memref_slice %arg7[%dma_wait3A_165] : memref<4x!tpu.dma_semaphore, #tpu.memory_space<semaphore_mem>> -> memref<1x!tpu.dma_semaphore, #tpu.memory_space<semaphore_mem>>
    %dma_wait3A_176 = tpu.memref_squeeze %dma_wait3A_175 : memref<1x!tpu.dma_semaphore, #tpu.memory_space<semaphore_mem>> -> memref<!tpu.dma_semaphore, #tpu.memory_space<semaphore_mem>>
    tpu.wait_indirect_dma semaphore(%dma_wait3A_176 : memref<!tpu.dma_semaphore, #tpu.memory_space<semaphore_mem>>) src(%dma_wait3A_174 : memref<1000000x64xf32, #tpu.memory_space<hbm>>) dst(%dma_wait3A_168 : memref<128x64xf32, #tpu.memory_space<vmem>>)
    %scan3A_177 = arith.constant 0 : i32
    %scan3A_178 = arith.constant 0 : i32
    %scan3A_179 = arith.constant 64 : i32
    %scan3A_180 = arith.addi %scan3A_178, %scan3A_179 : i32
    %scan3A_181 = arith.constant 1 : i32
    scf.for %scan3A_358 = %scan3A_178 to %scan3A_180 step %scan3A_181  : i32 {
      %mul3A_359 = arith.constant 4 : i32
      %mul3A_360 = arith.muli %scan3A_358, %mul3A_359 : i32
      %add3A_361 = arith.constant 256 : i32
      %add3A_362 = arith.addi %add3A_361, %mul3A_360 : i32
      %add3A_363 = arith.constant 0 : i32
      %add3A_364 = arith.addi %add3A_362, %add3A_363 : i32
      %get3A = arith.index_cast %add3A_364 : i32 to index
      %get3A_365 = arith.constant 0 : index
      %get3A_366 = tpu.vector_load %arg6[%get3A, %get3A_365] {strides = array<i32>} : memref<1024x64xf32, #tpu.memory_space<vmem>>, vector<1x16xf32>,
      %get3A_367 = vector.shape_cast %get3A_366 : vector<1x16xf32> to vector<16xf32>
      %mul3A_368 = arith.constant 8.000000e+00 : f32
      %mul3A_369 = vector.broadcast %mul3A_368 : f32 to vector<16xf32>
      %mul3A_370 = arith.mulf %get3A_367, %mul3A_369 : vector<16xf32>
      %add3A_371 = arith.constant 0 : i32
      %add3A_372 = arith.addi %add3A_362, %add3A_371 : i32
      %swap3A = arith.index_cast %add3A_372 : i32 to index
      %swap3A_373 = arith.constant 0 : index
      %swap3A_374 = tpu.vector_load %arg6[%swap3A, %swap3A_373] {strides = array<i32>} : memref<1024x64xf32, #tpu.memory_space<vmem>>, vector<1x16xf32>,
      %swap3A_375 = vector.shape_cast %swap3A_374 : vector<1x16xf32> to vector<16xf32>
      %swap3A_376 = vector.shape_cast %mul3A_370 : vector<16xf32> to vector<1x16xf32>
      tpu.vector_store %arg6[%swap3A, %swap3A_373], %swap3A_376 {strides = array<i32>} : memref<1024x64xf32, #tpu.memory_space<vmem>>, vector<1x16xf32>,
      %add3A_377 = arith.constant 0 : i32
      %add3A_378 = arith.addi %add3A_362, %add3A_377 : i32
      %get3A_379 = arith.index_cast %add3A_378 : i32 to index
      %get3A_380 = arith.constant 16 : index
      %get3A_381 = tpu.vector_load %arg6[%get3A_379, %get3A_380] {strides = array<i32>} : memref<1024x64xf32, #tpu.memory_space<vmem>>, vector<1x16xf32>,
      %get3A_382 = vector.shape_cast %get3A_381 : vector<1x16xf32> to vector<16xf32>
      %mul3A_383 = arith.constant 8.000000e+00 : f32
      %mul3A_384 = vector.broadcast %mul3A_383 : f32 to vector<16xf32>
      %mul3A_385 = arith.mulf %get3A_382, %mul3A_384 : vector<16xf32>
      %add3A_386 = arith.constant 0 : i32
      %add3A_387 = arith.addi %add3A_362, %add3A_386 : i32
      %swap3A_388 = arith.index_cast %add3A_387 : i32 to index
      %swap3A_389 = arith.constant 16 : index
      %swap3A_390 = tpu.vector_load %arg6[%swap3A_388, %swap3A_389] {strides = array<i32>} : memref<1024x64xf32, #tpu.memory_space<vmem>>, vector<1x16xf32>,
      %swap3A_391 = vector.shape_cast %swap3A_390 : vector<1x16xf32> to vector<16xf32>
      %swap3A_392 = vector.shape_cast %mul3A_385 : vector<16xf32> to vector<1x16xf32>
      tpu.vector_store %arg6[%swap3A_388, %swap3A_389], %swap3A_392 {strides = array<i32>} : memref<1024x64xf32, #tpu.memory_space<vmem>>, vector<1x16xf32>,
      %add3A_393 = arith.constant 0 : i32
      %add3A_394 = arith.addi %add3A_362, %add3A_393 : i32
      %get3A_395 = arith.index_cast %add3A_394 : i32 to index
      %get3A_396 = arith.constant 32 : index
      %get3A_397 = tpu.vector_load %arg6[%get3A_395, %get3A_396] {strides = array<i32>} : memref<1024x64xf32, #tpu.memory_space<vmem>>, vector<1x16xf32>,
      %get3A_398 = vector.shape_cast %get3A_397 : vector<1x16xf32> to vector<16xf32>
      %mul3A_399 = arith.constant 8.000000e+00 : f32
      %mul3A_400 = vector.broadcast %mul3A_399 : f32 to vector<16xf32>
      %mul3A_401 = arith.mulf %get3A_398, %mul3A_400 : vector<16xf32>
      %add3A_402 = arith.constant 0 : i32
      %add3A_403 = arith.addi %add3A_362, %add3A_402 : i32
      %swap3A_404 = arith.index_cast %add3A_403 : i32 to index
      %swap3A_405 = arith.constant 32 : index
      %swap3A_406 = tpu.vector_load %arg6[%swap3A_404, %swap3A_405] {strides = array<i32>} : memref<1024x64xf32, #tpu.memory_space<vmem>>, vector<1x16xf32>,
      %swap3A_407 = vector.shape_cast %swap3A_406 : vector<1x16xf32> to vector<16xf32>
      %swap3A_408 = vector.shape_cast %mul3A_401 : vector<16xf32> to vector<1x16xf32>
      tpu.vector_store %arg6[%swap3A_404, %swap3A_405], %swap3A_408 {strides = array<i32>} : memref<1024x64xf32, #tpu.memory_space<vmem>>, vector<1x16xf32>,
      %add3A_409 = arith.constant 0 : i32
      %add3A_410 = arith.addi %add3A_362, %add3A_409 : i32
      %get3A_411 = arith.index_cast %add3A_410 : i32 to index
      %get3A_412 = arith.constant 48 : index
      %get3A_413 = tpu.vector_load %arg6[%get3A_411, %get3A_412] {strides = array<i32>} : memref<1024x64xf32, #tpu.memory_space<vmem>>, vector<1x16xf32>,
      %get3A_414 = vector.shape_cast %get3A_413 : vector<1x16xf32> to vector<16xf32>
      %mul3A_415 = arith.constant 8.000000e+00 : f32
      %mul3A_416 = vector.broadcast %mul3A_415 : f32 to vector<16xf32>
      %mul3A_417 = arith.mulf %get3A_414, %mul3A_416 : vector<16xf32>
      %add3A_418 = arith.constant 0 : i32
      %add3A_419 = arith.addi %add3A_362, %add3A_418 : i32
      %swap3A_420 = arith.index_cast %add3A_419 : i32 to index
      %swap3A_421 = arith.constant 48 : index
      %swap3A_422 = tpu.vector_load %arg6[%swap3A_420, %swap3A_421] {strides = array<i32>} : memref<1024x64xf32, #tpu.memory_space<vmem>>, vector<1x16xf32>,
      %swap3A_423 = vector.shape_cast %swap3A_422 : vector<1x16xf32> to vector<16xf32>
      %swap3A_424 = vector.shape_cast %mul3A_417 : vector<16xf32> to vector<1x16xf32>
      tpu.vector_store %arg6[%swap3A_420, %swap3A_421], %swap3A_424 {strides = array<i32>} : memref<1024x64xf32, #tpu.memory_space<vmem>>, vector<1x16xf32>,
      %add3A_425 = arith.constant 1 : i32
      %add3A_426 = arith.addi %add3A_362, %add3A_425 : i32
      %get3A_427 = arith.index_cast %add3A_426 : i32 to index
      %get3A_428 = arith.constant 0 : index
      %get3A_429 = tpu.vector_load %arg6[%get3A_427, %get3A_428] {strides = array<i32>} : memref<1024x64xf32, #tpu.memory_space<vmem>>, vector<1x16xf32>,
      %get3A_430 = vector.shape_cast %get3A_429 : vector<1x16xf32> to vector<16xf32>
      %mul3A_431 = arith.constant 8.000000e+00 : f32
      %mul3A_432 = vector.broadcast %mul3A_431 : f32 to vector<16xf32>
      %mul3A_433 = arith.mulf %get3A_430, %mul3A_432 : vector<16xf32>
      %add3A_434 = arith.constant 1 : i32
      %add3A_435 = arith.addi %add3A_362, %add3A_434 : i32
      %swap3A_436 = arith.index_cast %add3A_435 : i32 to index
      %swap3A_437 = arith.constant 0 : index
      %swap3A_438 = tpu.vector_load %arg6[%swap3A_436, %swap3A_437] {strides = array<i32>} : memref<1024x64xf32, #tpu.memory_space<vmem>>, vector<1x16xf32>,
      %swap3A_439 = vector.shape_cast %swap3A_438 : vector<1x16xf32> to vector<16xf32>
      %swap3A_440 = vector.shape_cast %mul3A_433 : vector<16xf32> to vector<1x16xf32>
      tpu.vector_store %arg6[%swap3A_436, %swap3A_437], %swap3A_440 {strides = array<i32>} : memref<1024x64xf32, #tpu.memory_space<vmem>>, vector<1x16xf32>,
      %add3A_441 = arith.constant 1 : i32
      %add3A_442 = arith.addi %add3A_362, %add3A_441 : i32
      %get3A_443 = arith.index_cast %add3A_442 : i32 to index
      %get3A_444 = arith.constant 16 : index
      %get3A_445 = tpu.vector_load %arg6[%get3A_443, %get3A_444] {strides = array<i32>} : memref<1024x64xf32, #tpu.memory_space<vmem>>, vector<1x16xf32>,
      %get3A_446 = vector.shape_cast %get3A_445 : vector<1x16xf32> to vector<16xf32>
      %mul3A_447 = arith.constant 8.000000e+00 : f32
      %mul3A_448 = vector.broadcast %mul3A_447 : f32 to vector<16xf32>
      %mul3A_449 = arith.mulf %get3A_446, %mul3A_448 : vector<16xf32>
      %add3A_450 = arith.constant 1 : i32
      %add3A_451 = arith.addi %add3A_362, %add3A_450 : i32
      %swap3A_452 = arith.index_cast %add3A_451 : i32 to index
      %swap3A_453 = arith.constant 16 : index
      %swap3A_454 = tpu.vector_load %arg6[%swap3A_452, %swap3A_453] {strides = array<i32>} : memref<1024x64xf32, #tpu.memory_space<vmem>>, vector<1x16xf32>,
      %swap3A_455 = vector.shape_cast %swap3A_454 : vector<1x16xf32> to vector<16xf32>
      %swap3A_456 = vector.shape_cast %mul3A_449 : vector<16xf32> to vector<1x16xf32>
      tpu.vector_store %arg6[%swap3A_452, %swap3A_453], %swap3A_456 {strides = array<i32>} : memref<1024x64xf32, #tpu.memory_space<vmem>>, vector<1x16xf32>,
      %add3A_457 = arith.constant 1 : i32
      %add3A_458 = arith.addi %add3A_362, %add3A_457 : i32
      %get3A_459 = arith.index_cast %add3A_458 : i32 to index
      %get3A_460 = arith.constant 32 : index
      %get3A_461 = tpu.vector_load %arg6[%get3A_459, %get3A_460] {strides = array<i32>} : memref<1024x64xf32, #tpu.memory_space<vmem>>, vector<1x16xf32>,
      %get3A_462 = vector.shape_cast %get3A_461 : vector<1x16xf32> to vector<16xf32>
      %mul3A_463 = arith.constant 8.000000e+00 : f32
      %mul3A_464 = vector.broadcast %mul3A_463 : f32 to vector<16xf32>
      %mul3A_465 = arith.mulf %get3A_462, %mul3A_464 : vector<16xf32>
      %add3A_466 = arith.constant 1 : i32
      %add3A_467 = arith.addi %add3A_362, %add3A_466 : i32
      %swap3A_468 = arith.index_cast %add3A_467 : i32 to index
      %swap3A_469 = arith.constant 32 : index
      %swap3A_470 = tpu.vector_load %arg6[%swap3A_468, %swap3A_469] {strides = array<i32>} : memref<1024x64xf32, #tpu.memory_space<vmem>>, vector<1x16xf32>,
      %swap3A_471 = vector.shape_cast %swap3A_470 : vector<1x16xf32> to vector<16xf32>
      %swap3A_472 = vector.shape_cast %mul3A_465 : vector<16xf32> to vector<1x16xf32>
      tpu.vector_store %arg6[%swap3A_468, %swap3A_469], %swap3A_472 {strides = array<i32>} : memref<1024x64xf32, #tpu.memory_space<vmem>>, vector<1x16xf32>,
      %add3A_473 = arith.constant 1 : i32
      %add3A_474 = arith.addi %add3A_362, %add3A_473 : i32
      %get3A_475 = arith.index_cast %add3A_474 : i32 to index
      %get3A_476 = arith.constant 48 : index
      %get3A_477 = tpu.vector_load %arg6[%get3A_475, %get3A_476] {strides = array<i32>} : memref<1024x64xf32, #tpu.memory_space<vmem>>, vector<1x16xf32>,
      %get3A_478 = vector.shape_cast %get3A_477 : vector<1x16xf32> to vector<16xf32>
      %mul3A_479 = arith.constant 8.000000e+00 : f32
      %mul3A_480 = vector.broadcast %mul3A_479 : f32 to vector<16xf32>
      %mul3A_481 = arith.mulf %get3A_478, %mul3A_480 : vector<16xf32>
      %add3A_482 = arith.constant 1 : i32
      %add3A_483 = arith.addi %add3A_362, %add3A_482 : i32
      %swap3A_484 = arith.index_cast %add3A_483 : i32 to index
      %swap3A_485 = arith.constant 48 : index
      %swap3A_486 = tpu.vector_load %arg6[%swap3A_484, %swap3A_485] {strides = array<i32>} : memref<1024x64xf32, #tpu.memory_space<vmem>>, vector<1x16xf32>,
      %swap3A_487 = vector.shape_cast %swap3A_486 : vector<1x16xf32> to vector<16xf32>
      %swap3A_488 = vector.shape_cast %mul3A_481 : vector<16xf32> to vector<1x16xf32>
      tpu.vector_store %arg6[%swap3A_484, %swap3A_485], %swap3A_488 {strides = array<i32>} : memref<1024x64xf32, #tpu.memory_space<vmem>>, vector<1x16xf32>,
      %add3A_489 = arith.constant 2 : i32
      %add3A_490 = arith.addi %add3A_362, %add3A_489 : i32
      %get3A_491 = arith.index_cast %add3A_490 : i32 to index
      %get3A_492 = arith.constant 0 : index
      %get3A_493 = tpu.vector_load %arg6[%get3A_491, %get3A_492] {strides = array<i32>} : memref<1024x64xf32, #tpu.memory_space<vmem>>, vector<1x16xf32>,
      %get3A_494 = vector.shape_cast %get3A_493 : vector<1x16xf32> to vector<16xf32>
      %mul3A_495 = arith.constant 8.000000e+00 : f32
      %mul3A_496 = vector.broadcast %mul3A_495 : f32 to vector<16xf32>
      %mul3A_497 = arith.mulf %get3A_494, %mul3A_496 : vector<16xf32>
      %add3A_498 = arith.constant 2 : i32
      %add3A_499 = arith.addi %add3A_362, %add3A_498 : i32
      %swap3A_500 = arith.index_cast %add3A_499 : i32 to index
      %swap3A_501 = arith.constant 0 : index
      %swap3A_502 = tpu.vector_load %arg6[%swap3A_500, %swap3A_501] {strides = array<i32>} : memref<1024x64xf32, #tpu.memory_space<vmem>>, vector<1x16xf32>,
      %swap3A_503 = vector.shape_cast %swap3A_502 : vector<1x16xf32> to vector<16xf32>
      %swap3A_504 = vector.shape_cast %mul3A_497 : vector<16xf32> to vector<1x16xf32>
      tpu.vector_store %arg6[%swap3A_500, %swap3A_501], %swap3A_504 {strides = array<i32>} : memref<1024x64xf32, #tpu.memory_space<vmem>>, vector<1x16xf32>,
      %add3A_505 = arith.constant 2 : i32
      %add3A_506 = arith.addi %add3A_362, %add3A_505 : i32
      %get3A_507 = arith.index_cast %add3A_506 : i32 to index
      %get3A_508 = arith.constant 16 : index
      %get3A_509 = tpu.vector_load %arg6[%get3A_507, %get3A_508] {strides = array<i32>} : memref<1024x64xf32, #tpu.memory_space<vmem>>, vector<1x16xf32>,
      %get3A_510 = vector.shape_cast %get3A_509 : vector<1x16xf32> to vector<16xf32>
      %mul3A_511 = arith.constant 8.000000e+00 : f32
      %mul3A_512 = vector.broadcast %mul3A_511 : f32 to vector<16xf32>
      %mul3A_513 = arith.mulf %get3A_510, %mul3A_512 : vector<16xf32>
      %add3A_514 = arith.constant 2 : i32
      %add3A_515 = arith.addi %add3A_362, %add3A_514 : i32
      %swap3A_516 = arith.index_cast %add3A_515 : i32 to index
      %swap3A_517 = arith.constant 16 : index
      %swap3A_518 = tpu.vector_load %arg6[%swap3A_516, %swap3A_517] {strides = array<i32>} : memref<1024x64xf32, #tpu.memory_space<vmem>>, vector<1x16xf32>,
      %swap3A_519 = vector.shape_cast %swap3A_518 : vector<1x16xf32> to vector<16xf32>
      %swap3A_520 = vector.shape_cast %mul3A_513 : vector<16xf32> to vector<1x16xf32>
      tpu.vector_store %arg6[%swap3A_516, %swap3A_517], %swap3A_520 {strides = array<i32>} : memref<1024x64xf32, #tpu.memory_space<vmem>>, vector<1x16xf32>,
      %add3A_521 = arith.constant 2 : i32
      %add3A_522 = arith.addi %add3A_362, %add3A_521 : i32
      %get3A_523 = arith.index_cast %add3A_522 : i32 to index
      %get3A_524 = arith.constant 32 : index
      %get3A_525 = tpu.vector_load %arg6[%get3A_523, %get3A_524] {strides = array<i32>} : memref<1024x64xf32, #tpu.memory_space<vmem>>, vector<1x16xf32>,
      %get3A_526 = vector.shape_cast %get3A_525 : vector<1x16xf32> to vector<16xf32>
      %mul3A_527 = arith.constant 8.000000e+00 : f32
      %mul3A_528 = vector.broadcast %mul3A_527 : f32 to vector<16xf32>
      %mul3A_529 = arith.mulf %get3A_526, %mul3A_528 : vector<16xf32>
      %add3A_530 = arith.constant 2 : i32
      %add3A_531 = arith.addi %add3A_362, %add3A_530 : i32
      %swap3A_532 = arith.index_cast %add3A_531 : i32 to index
      %swap3A_533 = arith.constant 32 : index
      %swap3A_534 = tpu.vector_load %arg6[%swap3A_532, %swap3A_533] {strides = array<i32>} : memref<1024x64xf32, #tpu.memory_space<vmem>>, vector<1x16xf32>,
      %swap3A_535 = vector.shape_cast %swap3A_534 : vector<1x16xf32> to vector<16xf32>
      %swap3A_536 = vector.shape_cast %mul3A_529 : vector<16xf32> to vector<1x16xf32>
      tpu.vector_store %arg6[%swap3A_532, %swap3A_533], %swap3A_536 {strides = array<i32>} : memref<1024x64xf32, #tpu.memory_space<vmem>>, vector<1x16xf32>,
      %add3A_537 = arith.constant 2 : i32
      %add3A_538 = arith.addi %add3A_362, %add3A_537 : i32
      %get3A_539 = arith.index_cast %add3A_538 : i32 to index
      %get3A_540 = arith.constant 48 : index
      %get3A_541 = tpu.vector_load %arg6[%get3A_539, %get3A_540] {strides = array<i32>} : memref<1024x64xf32, #tpu.memory_space<vmem>>, vector<1x16xf32>,
      %get3A_542 = vector.shape_cast %get3A_541 : vector<1x16xf32> to vector<16xf32>
      %mul3A_543 = arith.constant 8.000000e+00 : f32
      %mul3A_544 = vector.broadcast %mul3A_543 : f32 to vector<16xf32>
      %mul3A_545 = arith.mulf %get3A_542, %mul3A_544 : vector<16xf32>
      %add3A_546 = arith.constant 2 : i32
      %add3A_547 = arith.addi %add3A_362, %add3A_546 : i32
      %swap3A_548 = arith.index_cast %add3A_547 : i32 to index
      %swap3A_549 = arith.constant 48 : index
      %swap3A_550 = tpu.vector_load %arg6[%swap3A_548, %swap3A_549] {strides = array<i32>} : memref<1024x64xf32, #tpu.memory_space<vmem>>, vector<1x16xf32>,
      %swap3A_551 = vector.shape_cast %swap3A_550 : vector<1x16xf32> to vector<16xf32>
      %swap3A_552 = vector.shape_cast %mul3A_545 : vector<16xf32> to vector<1x16xf32>
      tpu.vector_store %arg6[%swap3A_548, %swap3A_549], %swap3A_552 {strides = array<i32>} : memref<1024x64xf32, #tpu.memory_space<vmem>>, vector<1x16xf32>,
      %add3A_553 = arith.constant 3 : i32
      %add3A_554 = arith.addi %add3A_362, %add3A_553 : i32
      %get3A_555 = arith.index_cast %add3A_554 : i32 to index
      %get3A_556 = arith.constant 0 : index
      %get3A_557 = tpu.vector_load %arg6[%get3A_555, %get3A_556] {strides = array<i32>} : memref<1024x64xf32, #tpu.memory_space<vmem>>, vector<1x16xf32>,
      %get3A_558 = vector.shape_cast %get3A_557 : vector<1x16xf32> to vector<16xf32>
      %mul3A_559 = arith.constant 8.000000e+00 : f32
      %mul3A_560 = vector.broadcast %mul3A_559 : f32 to vector<16xf32>
      %mul3A_561 = arith.mulf %get3A_558, %mul3A_560 : vector<16xf32>
      %add3A_562 = arith.constant 3 : i32
      %add3A_563 = arith.addi %add3A_362, %add3A_562 : i32
      %swap3A_564 = arith.index_cast %add3A_563 : i32 to index
      %swap3A_565 = arith.constant 0 : index
      %swap3A_566 = tpu.vector_load %arg6[%swap3A_564, %swap3A_565] {strides = array<i32>} : memref<1024x64xf32, #tpu.memory_space<vmem>>, vector<1x16xf32>,
      %swap3A_567 = vector.shape_cast %swap3A_566 : vector<1x16xf32> to vector<16xf32>
      %swap3A_568 = vector.shape_cast %mul3A_561 : vector<16xf32> to vector<1x16xf32>
      tpu.vector_store %arg6[%swap3A_564, %swap3A_565], %swap3A_568 {strides = array<i32>} : memref<1024x64xf32, #tpu.memory_space<vmem>>, vector<1x16xf32>,
      %add3A_569 = arith.constant 3 : i32
      %add3A_570 = arith.addi %add3A_362, %add3A_569 : i32
      %get3A_571 = arith.index_cast %add3A_570 : i32 to index
      %get3A_572 = arith.constant 16 : index
      %get3A_573 = tpu.vector_load %arg6[%get3A_571, %get3A_572] {strides = array<i32>} : memref<1024x64xf32, #tpu.memory_space<vmem>>, vector<1x16xf32>,
      %get3A_574 = vector.shape_cast %get3A_573 : vector<1x16xf32> to vector<16xf32>
      %mul3A_575 = arith.constant 8.000000e+00 : f32
      %mul3A_576 = vector.broadcast %mul3A_575 : f32 to vector<16xf32>
      %mul3A_577 = arith.mulf %get3A_574, %mul3A_576 : vector<16xf32>
      %add3A_578 = arith.constant 3 : i32
      %add3A_579 = arith.addi %add3A_362, %add3A_578 : i32
      %swap3A_580 = arith.index_cast %add3A_579 : i32 to index
      %swap3A_581 = arith.constant 16 : index
      %swap3A_582 = tpu.vector_load %arg6[%swap3A_580, %swap3A_581] {strides = array<i32>} : memref<1024x64xf32, #tpu.memory_space<vmem>>, vector<1x16xf32>,
      %swap3A_583 = vector.shape_cast %swap3A_582 : vector<1x16xf32> to vector<16xf32>
      %swap3A_584 = vector.shape_cast %mul3A_577 : vector<16xf32> to vector<1x16xf32>
      tpu.vector_store %arg6[%swap3A_580, %swap3A_581], %swap3A_584 {strides = array<i32>} : memref<1024x64xf32, #tpu.memory_space<vmem>>, vector<1x16xf32>,
      %add3A_585 = arith.constant 3 : i32
      %add3A_586 = arith.addi %add3A_362, %add3A_585 : i32
      %get3A_587 = arith.index_cast %add3A_586 : i32 to index
      %get3A_588 = arith.constant 32 : index
      %get3A_589 = tpu.vector_load %arg6[%get3A_587, %get3A_588] {strides = array<i32>} : memref<1024x64xf32, #tpu.memory_space<vmem>>, vector<1x16xf32>,
      %get3A_590 = vector.shape_cast %get3A_589 : vector<1x16xf32> to vector<16xf32>
      %mul3A_591 = arith.constant 8.000000e+00 : f32
      %mul3A_592 = vector.broadcast %mul3A_591 : f32 to vector<16xf32>
      %mul3A_593 = arith.mulf %get3A_590, %mul3A_592 : vector<16xf32>
      %add3A_594 = arith.constant 3 : i32
      %add3A_595 = arith.addi %add3A_362, %add3A_594 : i32
      %swap3A_596 = arith.index_cast %add3A_595 : i32 to index
      %swap3A_597 = arith.constant 32 : index
      %swap3A_598 = tpu.vector_load %arg6[%swap3A_596, %swap3A_597] {strides = array<i32>} : memref<1024x64xf32, #tpu.memory_space<vmem>>, vector<1x16xf32>,
      %swap3A_599 = vector.shape_cast %swap3A_598 : vector<1x16xf32> to vector<16xf32>
      %swap3A_600 = vector.shape_cast %mul3A_593 : vector<16xf32> to vector<1x16xf32>
      tpu.vector_store %arg6[%swap3A_596, %swap3A_597], %swap3A_600 {strides = array<i32>} : memref<1024x64xf32, #tpu.memory_space<vmem>>, vector<1x16xf32>,
      %add3A_601 = arith.constant 3 : i32
      %add3A_602 = arith.addi %add3A_362, %add3A_601 : i32
      %get3A_603 = arith.index_cast %add3A_602 : i32 to index
      %get3A_604 = arith.constant 48 : index
      %get3A_605 = tpu.vector_load %arg6[%get3A_603, %get3A_604] {strides = array<i32>} : memref<1024x64xf32, #tpu.memory_space<vmem>>, vector<1x16xf32>,
      %get3A_606 = vector.shape_cast %get3A_605 : vector<1x16xf32> to vector<16xf32>
      %mul3A_607 = arith.constant 8.000000e+00 : f32
      %mul3A_608 = vector.broadcast %mul3A_607 : f32 to vector<16xf32>
      %mul3A_609 = arith.mulf %get3A_606, %mul3A_608 : vector<16xf32>
      %add3A_610 = arith.constant 3 : i32
      %add3A_611 = arith.addi %add3A_362, %add3A_610 : i32
      %swap3A_612 = arith.index_cast %add3A_611 : i32 to index
      %swap3A_613 = arith.constant 48 : index
      %swap3A_614 = tpu.vector_load %arg6[%swap3A_612, %swap3A_613] {strides = array<i32>} : memref<1024x64xf32, #tpu.memory_space<vmem>>, vector<1x16xf32>,
      %swap3A_615 = vector.shape_cast %swap3A_614 : vector<1x16xf32> to vector<16xf32>
      %swap3A_616 = vector.shape_cast %mul3A_609 : vector<16xf32> to vector<1x16xf32>
      tpu.vector_store %arg6[%swap3A_612, %swap3A_613], %swap3A_616 {strides = array<i32>} : memref<1024x64xf32, #tpu.memory_space<vmem>>, vector<1x16xf32>,
    }
    %scan3A_182 = arith.constant 64 : i32
    %add3A_183 = arith.constant 256 : i32
    %add3A_184 = arith.addi %mul3A_2, %add3A_183 : i32
    %dma_start3A_185 = arith.constant 1 : i32
    %dma_start3A_186 = arith.constant 256 : i32
    %dma_start3A_187 = arith.constant 0 : i32
    %dma_start3A_188 = tpu.memref_slice %arg6[%dma_start3A_186, %dma_start3A_187] : memref<1024x64xf32, #tpu.memory_space<vmem>> -> memref<256x64xf32, #tpu.memory_space<vmem>>
    %dma_start3A_189 = arith.constant 0 : i32
    %dma_start3A_190 = tpu.memref_slice %arg4[%add3A_184, %dma_start3A_189] : memref<819200x64xf32, #tpu.memory_space<hbm>> -> memref<256x64xf32, #tpu.memory_space<hbm>>
    %dma_start3A_191 = tpu.memref_slice %arg8[%dma_start3A_185] : memref<4x!tpu.dma_semaphore, #tpu.memory_space<semaphore_mem>> -> memref<1x!tpu.dma_semaphore, #tpu.memory_space<semaphore_mem>>
    %dma_start3A_192 = tpu.memref_squeeze %dma_start3A_191 : memref<1x!tpu.dma_semaphore, #tpu.memory_space<semaphore_mem>> -> memref<!tpu.dma_semaphore, #tpu.memory_space<semaphore_mem>>
    %dma_start3A_193 = arith.constant 0 : i32
    %dma_start3A_194 = tpu.memref_slice %arg4[%add3A_184, %dma_start3A_193] : memref<819200x64xf32, #tpu.memory_space<hbm>> -> memref<256x64xf32, #tpu.memory_space<hbm>>
    %dma_start3A_195 = arith.constant 256 : i32
    %dma_start3A_196 = arith.constant 0 : i32
    %dma_start3A_197 = tpu.memref_slice %arg6[%dma_start3A_195, %dma_start3A_196] : memref<1024x64xf32, #tpu.memory_space<vmem>> -> memref<256x64xf32, #tpu.memory_space<vmem>>
    tpu.enqueue_dma source(%dma_start3A_197 : memref<256x64xf32, #tpu.memory_space<vmem>>) target(%dma_start3A_194 : memref<256x64xf32, #tpu.memory_space<hbm>>) target_semaphore(%dma_start3A_192 : memref<!tpu.dma_semaphore, #tpu.memory_space<semaphore_mem>>)
    %scan3A_198 = arith.constant 0 : i32
    %scan3A_199 = arith.constant 0 : i32
    %scan3A_200 = arith.constant 24 : i32
    %scan3A_201 = arith.addi %scan3A_199, %scan3A_200 : i32
    %scan3A_202 = arith.constant 1 : i32
    scf.for %scan3A_358 = %scan3A_199 to %scan3A_201 step %scan3A_202  : i32 {
      %mul3A_359 = arith.constant 4 : i32
      %mul3A_360 = arith.muli %scan3A_358, %mul3A_359 : i32
      %add3A_361 = arith.constant 2 : i32
      %add3A_362 = arith.addi %add3A_361, %mul3A_360 : i32
      %add3A_363 = arith.constant 0 : i32
      %add3A_364 = arith.addi %add3A_362, %add3A_363 : i32
      %mul3A_365 = arith.constant 256 : i32
      %mul3A_366 = arith.muli %add3A_364, %mul3A_365 : i32
      %add3A_367 = arith.addi %mul3A_2, %mul3A_366 : i32
      %dma_wait3A_368 = arith.constant 0 : i32
      %dma_wait3A_369 = arith.constant 0 : i32
      %dma_wait3A_370 = arith.constant 0 : i32
      %dma_wait3A_371 = tpu.memref_slice %arg6[%dma_wait3A_369, %dma_wait3A_370] : memref<1024x64xf32, #tpu.memory_space<vmem>> -> memref<256x64xf32, #tpu.memory_space<vmem>>
      %dma_wait3A_372 = arith.constant 0 : i32
      %dma_wait3A_373 = tpu.memref_slice %arg4[%add3A_367, %dma_wait3A_372] : memref<819200x64xf32, #tpu.memory_space<hbm>> -> memref<256x64xf32, #tpu.memory_space<hbm>>
      %dma_wait3A_374 = tpu.memref_slice %arg8[%dma_wait3A_368] : memref<4x!tpu.dma_semaphore, #tpu.memory_space<semaphore_mem>> -> memref<1x!tpu.dma_semaphore, #tpu.memory_space<semaphore_mem>>
      %dma_wait3A_375 = tpu.memref_squeeze %dma_wait3A_374 : memref<1x!tpu.dma_semaphore, #tpu.memory_space<semaphore_mem>> -> memref<!tpu.dma_semaphore, #tpu.memory_space<semaphore_mem>>
      %dma_wait3A_376 = arith.constant 0 : i32
      %dma_wait3A_377 = tpu.memref_slice %arg4[%add3A_367, %dma_wait3A_376] : memref<819200x64xf32, #tpu.memory_space<hbm>> -> memref<256x64xf32, #tpu.memory_space<hbm>>
      %dma_wait3A_378 = arith.constant 0 : i32
      %dma_wait3A_379 = arith.constant 0 : i32
      %dma_wait3A_380 = tpu.memref_slice %arg6[%dma_wait3A_378, %dma_wait3A_379] : memref<1024x64xf32, #tpu.memory_space<vmem>> -> memref<256x64xf32, #tpu.memory_space<vmem>>
      tpu.wait_dma2 semaphore(%dma_wait3A_375 : memref<!tpu.dma_semaphore, #tpu.memory_space<semaphore_mem>>) src(%dma_wait3A_380 : memref<256x64xf32, #tpu.memory_space<vmem>>) dst(%dma_wait3A_377 : memref<256x64xf32, #tpu.memory_space<hbm>>)
      %add3A_381 = arith.constant 2 : i32
      %add3A_382 = arith.addi %add3A_364, %add3A_381 : i32
      %mul3A_383 = arith.constant 2 : i32
      %mul3A_384 = arith.muli %mul3A_383, %add3A_382 : i32
      %add3A_385 = arith.constant 0 : i32
      %add3A_386 = arith.addi %mul3A_384, %add3A_385 : i32
      %dma_start3A_387 = arith.constant 0 : i32
      %dma_start3A_388 = arith.constant 0 : i32
      %dma_start3A_389 = arith.constant 0 : i32
      %dma_start3A_390 = tpu.memref_slice %arg6[%dma_start3A_388, %dma_start3A_389] : memref<1024x64xf32, #tpu.memory_space<vmem>> -> memref<128x64xf32, #tpu.memory_space<vmem>>
      %dma_start3A_391 = arith.constant 0 : i32
      %dma_start3A_392 = tpu.memref_slice %arg5[%add3A_386, %dma_start3A_391] : memref<200x128xi32, #tpu.memory_space<vmem>> -> memref<1x128xi32, #tpu.memory_space<vmem>>
      %dma_start3A_393 = tpu.memref_squeeze %dma_start3A_392 : memref<1x128xi32, #tpu.memory_space<vmem>> -> memref<128xi32, #tpu.memory_space<vmem>>
      %dma_start3A_394 = arith.constant 0 : i32
      %dma_start3A_395 = arith.constant 0 : i32
      %dma_start3A_396 = tpu.memref_slice %arg3[%dma_start3A_394, %dma_start3A_395] : memref<1000000x64xf32, #tpu.memory_space<hbm>> -> memref<1000000x64xf32, #tpu.memory_space<hbm>>
      %dma_start3A_397 = tpu.memref_slice %arg7[%dma_start3A_387] : memref<4x!tpu.dma_semaphore, #tpu.memory_space<semaphore_mem>> -> memref<1x!tpu.dma_semaphore, #tpu.memory_space<semaphore_mem>>
      %dma_start3A_398 = tpu.memref_squeeze %dma_start3A_397 : memref<1x!tpu.dma_semaphore, #tpu.memory_space<semaphore_mem>> -> memref<!tpu.dma_semaphore, #tpu.memory_space<semaphore_mem>>
      tpu.enqueue_indirect_dma source(%dma_start3A_396 : memref<1000000x64xf32, #tpu.memory_space<hbm>>) target(%dma_start3A_390 : memref<128x64xf32, #tpu.memory_space<vmem>>) offsets(%dma_start3A_393 : memref<128xi32, #tpu.memory_space<vmem>>) semaphore(%dma_start3A_398 : memref<!tpu.dma_semaphore, #tpu.memory_space<semaphore_mem>>)
      %mul3A_399 = arith.constant 2 : i32
      %mul3A_400 = arith.muli %mul3A_399, %add3A_382 : i32
      %add3A_401 = arith.constant 1 : i32
      %add3A_402 = arith.addi %mul3A_400, %add3A_401 : i32
      %dma_start3A_403 = arith.constant 0 : i32
      %dma_start3A_404 = arith.constant 128 : i32
      %dma_start3A_405 = arith.constant 0 : i32
      %dma_start3A_406 = tpu.memref_slice %arg6[%dma_start3A_404, %dma_start3A_405] : memref<1024x64xf32, #tpu.memory_space<vmem>> -> memref<128x64xf32, #tpu.memory_space<vmem>>
      %dma_start3A_407 = arith.constant 0 : i32
      %dma_start3A_408 = tpu.memref_slice %arg5[%add3A_402, %dma_start3A_407] : memref<200x128xi32, #tpu.memory_space<vmem>> -> memref<1x128xi32, #tpu.memory_space<vmem>>
      %dma_start3A_409 = tpu.memref_squeeze %dma_start3A_408 : memref<1x128xi32, #tpu.memory_space<vmem>> -> memref<128xi32, #tpu.memory_space<vmem>>
      %dma_start3A_410 = arith.constant 0 : i32
      %dma_start3A_411 = arith.constant 0 : i32
      %dma_start3A_412 = tpu.memref_slice %arg3[%dma_start3A_410, %dma_start3A_411] : memref<1000000x64xf32, #tpu.memory_space<hbm>> -> memref<1000000x64xf32, #tpu.memory_space<hbm>>
      %dma_start3A_413 = tpu.memref_slice %arg7[%dma_start3A_403] : memref<4x!tpu.dma_semaphore, #tpu.memory_space<semaphore_mem>> -> memref<1x!tpu.dma_semaphore, #tpu.memory_space<semaphore_mem>>
      %dma_start3A_414 = tpu.memref_squeeze %dma_start3A_413 : memref<1x!tpu.dma_semaphore, #tpu.memory_space<semaphore_mem>> -> memref<!tpu.dma_semaphore, #tpu.memory_space<semaphore_mem>>
      tpu.enqueue_indirect_dma source(%dma_start3A_412 : memref<1000000x64xf32, #tpu.memory_space<hbm>>) target(%dma_start3A_406 : memref<128x64xf32, #tpu.memory_space<vmem>>) offsets(%dma_start3A_409 : memref<128xi32, #tpu.memory_space<vmem>>) semaphore(%dma_start3A_414 : memref<!tpu.dma_semaphore, #tpu.memory_space<semaphore_mem>>)
      %dma_wait3A_415 = arith.constant 0 : i32
      %dma_wait3A_416 = arith.constant 2 : i32
      %dma_wait3A_417 = arith.constant 512 : i32
      %dma_wait3A_418 = arith.constant 0 : i32
      %dma_wait3A_419 = tpu.memref_slice %arg6[%dma_wait3A_417, %dma_wait3A_418] : memref<1024x64xf32, #tpu.memory_space<vmem>> -> memref<128x64xf32, #tpu.memory_space<vmem>>
      %dma_wait3A_420 = arith.constant 0 : i32
      %dma_wait3A_421 = tpu.memref_slice %arg5[%dma_wait3A_415, %dma_wait3A_420] : memref<200x128xi32, #tpu.memory_space<vmem>> -> memref<1x128xi32, #tpu.memory_space<vmem>>
      %dma_wait3A_422 = tpu.memref_squeeze %dma_wait3A_421 : memref<1x128xi32, #tpu.memory_space<vmem>> -> memref<128xi32, #tpu.memory_space<vmem>>
      %dma_wait3A_423 = arith.constant 0 : i32
      %dma_wait3A_424 = arith.constant 0 : i32
      %dma_wait3A_425 = tpu.memref_slice %arg3[%dma_wait3A_423, %dma_wait3A_424] : memref<1000000x64xf32, #tpu.memory_space<hbm>> -> memref<1000000x64xf32, #tpu.memory_space<hbm>>
      %dma_wait3A_426 = tpu.memref_slice %arg7[%dma_wait3A_416] : memref<4x!tpu.dma_semaphore, #tpu.memory_space<semaphore_mem>> -> memref<1x!tpu.dma_semaphore, #tpu.memory_space<semaphore_mem>>
      %dma_wait3A_427 = tpu.memref_squeeze %dma_wait3A_426 : memref<1x!tpu.dma_semaphore, #tpu.memory_space<semaphore_mem>> -> memref<!tpu.dma_semaphore, #tpu.memory_space<semaphore_mem>>
      tpu.wait_indirect_dma semaphore(%dma_wait3A_427 : memref<!tpu.dma_semaphore, #tpu.memory_space<semaphore_mem>>) src(%dma_wait3A_425 : memref<1000000x64xf32, #tpu.memory_space<hbm>>) dst(%dma_wait3A_419 : memref<128x64xf32, #tpu.memory_space<vmem>>)
      %dma_wait3A_428 = arith.constant 1 : i32
      %dma_wait3A_429 = arith.constant 2 : i32
      %dma_wait3A_430 = arith.constant 640 : i32
      %dma_wait3A_431 = arith.constant 0 : i32
      %dma_wait3A_432 = tpu.memref_slice %arg6[%dma_wait3A_430, %dma_wait3A_431] : memref<1024x64xf32, #tpu.memory_space<vmem>> -> memref<128x64xf32, #tpu.memory_space<vmem>>
      %dma_wait3A_433 = arith.constant 0 : i32
      %dma_wait3A_434 = tpu.memref_slice %arg5[%dma_wait3A_428, %dma_wait3A_433] : memref<200x128xi32, #tpu.memory_space<vmem>> -> memref<1x128xi32, #tpu.memory_space<vmem>>
      %dma_wait3A_435 = tpu.memref_squeeze %dma_wait3A_434 : memref<1x128xi32, #tpu.memory_space<vmem>> -> memref<128xi32, #tpu.memory_space<vmem>>
      %dma_wait3A_436 = arith.constant 0 : i32
      %dma_wait3A_437 = arith.constant 0 : i32
      %dma_wait3A_438 = tpu.memref_slice %arg3[%dma_wait3A_436, %dma_wait3A_437] : memref<1000000x64xf32, #tpu.memory_space<hbm>> -> memref<1000000x64xf32, #tpu.memory_space<hbm>>
      %dma_wait3A_439 = tpu.memref_slice %arg7[%dma_wait3A_429] : memref<4x!tpu.dma_semaphore, #tpu.memory_space<semaphore_mem>> -> memref<1x!tpu.dma_semaphore, #tpu.memory_space<semaphore_mem>>
      %dma_wait3A_440 = tpu.memref_squeeze %dma_wait3A_439 : memref<1x!tpu.dma_semaphore, #tpu.memory_space<semaphore_mem>> -> memref<!tpu.dma_semaphore, #tpu.memory_space<semaphore_mem>>
      tpu.wait_indirect_dma semaphore(%dma_wait3A_440 : memref<!tpu.dma_semaphore, #tpu.memory_space<semaphore_mem>>) src(%dma_wait3A_438 : memref<1000000x64xf32, #tpu.memory_space<hbm>>) dst(%dma_wait3A_432 : memref<128x64xf32, #tpu.memory_space<vmem>>)
      %scan3A_441 = arith.constant 0 : i32
      %scan3A_442 = arith.constant 0 : i32
      %scan3A_443 = arith.constant 64 : i32
      %scan3A_444 = arith.addi %scan3A_442, %scan3A_443 : i32
      %scan3A_445 = arith.constant 1 : i32
      scf.for %scan3A_763 = %scan3A_442 to %scan3A_444 step %scan3A_445  : i32 {
        %mul3A_764 = arith.constant 4 : i32
        %mul3A_765 = arith.muli %scan3A_763, %mul3A_764 : i32
        %add3A_766 = arith.constant 512 : i32
        %add3A_767 = arith.addi %add3A_766, %mul3A_765 : i32
        %add3A_768 = arith.constant 0 : i32
        %add3A_769 = arith.addi %add3A_767, %add3A_768 : i32
        %get3A = arith.index_cast %add3A_769 : i32 to index
        %get3A_770 = arith.constant 0 : index
        %get3A_771 = tpu.vector_load %arg6[%get3A, %get3A_770] {strides = array<i32>} : memref<1024x64xf32, #tpu.memory_space<vmem>>, vector<1x16xf32>,
        %get3A_772 = vector.shape_cast %get3A_771 : vector<1x16xf32> to vector<16xf32>
        %mul3A_773 = arith.constant 8.000000e+00 : f32
        %mul3A_774 = vector.broadcast %mul3A_773 : f32 to vector<16xf32>
        %mul3A_775 = arith.mulf %get3A_772, %mul3A_774 : vector<16xf32>
        %add3A_776 = arith.constant 0 : i32
        %add3A_777 = arith.addi %add3A_767, %add3A_776 : i32
        %swap3A = arith.index_cast %add3A_777 : i32 to index
        %swap3A_778 = arith.constant 0 : index
        %swap3A_779 = tpu.vector_load %arg6[%swap3A, %swap3A_778] {strides = array<i32>} : memref<1024x64xf32, #tpu.memory_space<vmem>>, vector<1x16xf32>,
        %swap3A_780 = vector.shape_cast %swap3A_779 : vector<1x16xf32> to vector<16xf32>
        %swap3A_781 = vector.shape_cast %mul3A_775 : vector<16xf32> to vector<1x16xf32>
        tpu.vector_store %arg6[%swap3A, %swap3A_778], %swap3A_781 {strides = array<i32>} : memref<1024x64xf32, #tpu.memory_space<vmem>>, vector<1x16xf32>,
        %add3A_782 = arith.constant 0 : i32
        %add3A_783 = arith.addi %add3A_767, %add3A_782 : i32
        %get3A_784 = arith.index_cast %add3A_783 : i32 to index
        %get3A_785 = arith.constant 16 : index
        %get3A_786 = tpu.vector_load %arg6[%get3A_784, %get3A_785] {strides = array<i32>} : memref<1024x64xf32, #tpu.memory_space<vmem>>, vector<1x16xf32>,
        %get3A_787 = vector.shape_cast %get3A_786 : vector<1x16xf32> to vector<16xf32>
        %mul3A_788 = arith.constant 8.000000e+00 : f32
        %mul3A_789 = vector.broadcast %mul3A_788 : f32 to vector<16xf32>
        %mul3A_790 = arith.mulf %get3A_787, %mul3A_789 : vector<16xf32>
        %add3A_791 = arith.constant 0 : i32
        %add3A_792 = arith.addi %add3A_767, %add3A_791 : i32
        %swap3A_793 = arith.index_cast %add3A_792 : i32 to index
        %swap3A_794 = arith.constant 16 : index
        %swap3A_795 = tpu.vector_load %arg6[%swap3A_793, %swap3A_794] {strides = array<i32>} : memref<1024x64xf32, #tpu.memory_space<vmem>>, vector<1x16xf32>,
        %swap3A_796 = vector.shape_cast %swap3A_795 : vector<1x16xf32> to vector<16xf32>
        %swap3A_797 = vector.shape_cast %mul3A_790 : vector<16xf32> to vector<1x16xf32>
        tpu.vector_store %arg6[%swap3A_793, %swap3A_794], %swap3A_797 {strides = array<i32>} : memref<1024x64xf32, #tpu.memory_space<vmem>>, vector<1x16xf32>,
        %add3A_798 = arith.constant 0 : i32
        %add3A_799 = arith.addi %add3A_767, %add3A_798 : i32
        %get3A_800 = arith.index_cast %add3A_799 : i32 to index
        %get3A_801 = arith.constant 32 : index
        %get3A_802 = tpu.vector_load %arg6[%get3A_800, %get3A_801] {strides = array<i32>} : memref<1024x64xf32, #tpu.memory_space<vmem>>, vector<1x16xf32>,
        %get3A_803 = vector.shape_cast %get3A_802 : vector<1x16xf32> to vector<16xf32>
        %mul3A_804 = arith.constant 8.000000e+00 : f32
        %mul3A_805 = vector.broadcast %mul3A_804 : f32 to vector<16xf32>
        %mul3A_806 = arith.mulf %get3A_803, %mul3A_805 : vector<16xf32>
        %add3A_807 = arith.constant 0 : i32
        %add3A_808 = arith.addi %add3A_767, %add3A_807 : i32
        %swap3A_809 = arith.index_cast %add3A_808 : i32 to index
        %swap3A_810 = arith.constant 32 : index
        %swap3A_811 = tpu.vector_load %arg6[%swap3A_809, %swap3A_810] {strides = array<i32>} : memref<1024x64xf32, #tpu.memory_space<vmem>>, vector<1x16xf32>,
        %swap3A_812 = vector.shape_cast %swap3A_811 : vector<1x16xf32> to vector<16xf32>
        %swap3A_813 = vector.shape_cast %mul3A_806 : vector<16xf32> to vector<1x16xf32>
        tpu.vector_store %arg6[%swap3A_809, %swap3A_810], %swap3A_813 {strides = array<i32>} : memref<1024x64xf32, #tpu.memory_space<vmem>>, vector<1x16xf32>,
        %add3A_814 = arith.constant 0 : i32
        %add3A_815 = arith.addi %add3A_767, %add3A_814 : i32
        %get3A_816 = arith.index_cast %add3A_815 : i32 to index
        %get3A_817 = arith.constant 48 : index
        %get3A_818 = tpu.vector_load %arg6[%get3A_816, %get3A_817] {strides = array<i32>} : memref<1024x64xf32, #tpu.memory_space<vmem>>, vector<1x16xf32>,
        %get3A_819 = vector.shape_cast %get3A_818 : vector<1x16xf32> to vector<16xf32>
        %mul3A_820 = arith.constant 8.000000e+00 : f32
        %mul3A_821 = vector.broadcast %mul3A_820 : f32 to vector<16xf32>
        %mul3A_822 = arith.mulf %get3A_819, %mul3A_821 : vector<16xf32>
        %add3A_823 = arith.constant 0 : i32
        %add3A_824 = arith.addi %add3A_767, %add3A_823 : i32
        %swap3A_825 = arith.index_cast %add3A_824 : i32 to index
        %swap3A_826 = arith.constant 48 : index
        %swap3A_827 = tpu.vector_load %arg6[%swap3A_825, %swap3A_826] {strides = array<i32>} : memref<1024x64xf32, #tpu.memory_space<vmem>>, vector<1x16xf32>,
        %swap3A_828 = vector.shape_cast %swap3A_827 : vector<1x16xf32> to vector<16xf32>
        %swap3A_829 = vector.shape_cast %mul3A_822 : vector<16xf32> to vector<1x16xf32>
        tpu.vector_store %arg6[%swap3A_825, %swap3A_826], %swap3A_829 {strides = array<i32>} : memref<1024x64xf32, #tpu.memory_space<vmem>>, vector<1x16xf32>,
        %add3A_830 = arith.constant 1 : i32
        %add3A_831 = arith.addi %add3A_767, %add3A_830 : i32
        %get3A_832 = arith.index_cast %add3A_831 : i32 to index
        %get3A_833 = arith.constant 0 : index
        %get3A_834 = tpu.vector_load %arg6[%get3A_832, %get3A_833] {strides = array<i32>} : memref<1024x64xf32, #tpu.memory_space<vmem>>, vector<1x16xf32>,
        %get3A_835 = vector.shape_cast %get3A_834 : vector<1x16xf32> to vector<16xf32>
        %mul3A_836 = arith.constant 8.000000e+00 : f32
        %mul3A_837 = vector.broadcast %mul3A_836 : f32 to vector<16xf32>
        %mul3A_838 = arith.mulf %get3A_835, %mul3A_837 : vector<16xf32>
        %add3A_839 = arith.constant 1 : i32
        %add3A_840 = arith.addi %add3A_767, %add3A_839 : i32
        %swap3A_841 = arith.index_cast %add3A_840 : i32 to index
        %swap3A_842 = arith.constant 0 : index
        %swap3A_843 = tpu.vector_load %arg6[%swap3A_841, %swap3A_842] {strides = array<i32>} : memref<1024x64xf32, #tpu.memory_space<vmem>>, vector<1x16xf32>,
        %swap3A_844 = vector.shape_cast %swap3A_843 : vector<1x16xf32> to vector<16xf32>
        %swap3A_845 = vector.shape_cast %mul3A_838 : vector<16xf32> to vector<1x16xf32>
        tpu.vector_store %arg6[%swap3A_841, %swap3A_842], %swap3A_845 {strides = array<i32>} : memref<1024x64xf32, #tpu.memory_space<vmem>>, vector<1x16xf32>,
        %add3A_846 = arith.constant 1 : i32
        %add3A_847 = arith.addi %add3A_767, %add3A_846 : i32
        %get3A_848 = arith.index_cast %add3A_847 : i32 to index
        %get3A_849 = arith.constant 16 : index
        %get3A_850 = tpu.vector_load %arg6[%get3A_848, %get3A_849] {strides = array<i32>} : memref<1024x64xf32, #tpu.memory_space<vmem>>, vector<1x16xf32>,
        %get3A_851 = vector.shape_cast %get3A_850 : vector<1x16xf32> to vector<16xf32>
        %mul3A_852 = arith.constant 8.000000e+00 : f32
        %mul3A_853 = vector.broadcast %mul3A_852 : f32 to vector<16xf32>
        %mul3A_854 = arith.mulf %get3A_851, %mul3A_853 : vector<16xf32>
        %add3A_855 = arith.constant 1 : i32
        %add3A_856 = arith.addi %add3A_767, %add3A_855 : i32
        %swap3A_857 = arith.index_cast %add3A_856 : i32 to index
        %swap3A_858 = arith.constant 16 : index
        %swap3A_859 = tpu.vector_load %arg6[%swap3A_857, %swap3A_858] {strides = array<i32>} : memref<1024x64xf32, #tpu.memory_space<vmem>>, vector<1x16xf32>,
        %swap3A_860 = vector.shape_cast %swap3A_859 : vector<1x16xf32> to vector<16xf32>
        %swap3A_861 = vector.shape_cast %mul3A_854 : vector<16xf32> to vector<1x16xf32>
        tpu.vector_store %arg6[%swap3A_857, %swap3A_858], %swap3A_861 {strides = array<i32>} : memref<1024x64xf32, #tpu.memory_space<vmem>>, vector<1x16xf32>,
        %add3A_862 = arith.constant 1 : i32
        %add3A_863 = arith.addi %add3A_767, %add3A_862 : i32
        %get3A_864 = arith.index_cast %add3A_863 : i32 to index
        %get3A_865 = arith.constant 32 : index
        %get3A_866 = tpu.vector_load %arg6[%get3A_864, %get3A_865] {strides = array<i32>} : memref<1024x64xf32, #tpu.memory_space<vmem>>, vector<1x16xf32>,
        %get3A_867 = vector.shape_cast %get3A_866 : vector<1x16xf32> to vector<16xf32>
        %mul3A_868 = arith.constant 8.000000e+00 : f32
        %mul3A_869 = vector.broadcast %mul3A_868 : f32 to vector<16xf32>
        %mul3A_870 = arith.mulf %get3A_867, %mul3A_869 : vector<16xf32>
        %add3A_871 = arith.constant 1 : i32
        %add3A_872 = arith.addi %add3A_767, %add3A_871 : i32
        %swap3A_873 = arith.index_cast %add3A_872 : i32 to index
        %swap3A_874 = arith.constant 32 : index
        %swap3A_875 = tpu.vector_load %arg6[%swap3A_873, %swap3A_874] {strides = array<i32>} : memref<1024x64xf32, #tpu.memory_space<vmem>>, vector<1x16xf32>,
        %swap3A_876 = vector.shape_cast %swap3A_875 : vector<1x16xf32> to vector<16xf32>
        %swap3A_877 = vector.shape_cast %mul3A_870 : vector<16xf32> to vector<1x16xf32>
        tpu.vector_store %arg6[%swap3A_873, %swap3A_874], %swap3A_877 {strides = array<i32>} : memref<1024x64xf32, #tpu.memory_space<vmem>>, vector<1x16xf32>,
        %add3A_878 = arith.constant 1 : i32
        %add3A_879 = arith.addi %add3A_767, %add3A_878 : i32
        %get3A_880 = arith.index_cast %add3A_879 : i32 to index
        %get3A_881 = arith.constant 48 : index
        %get3A_882 = tpu.vector_load %arg6[%get3A_880, %get3A_881] {strides = array<i32>} : memref<1024x64xf32, #tpu.memory_space<vmem>>, vector<1x16xf32>,
        %get3A_883 = vector.shape_cast %get3A_882 : vector<1x16xf32> to vector<16xf32>
        %mul3A_884 = arith.constant 8.000000e+00 : f32
        %mul3A_885 = vector.broadcast %mul3A_884 : f32 to vector<16xf32>
        %mul3A_886 = arith.mulf %get3A_883, %mul3A_885 : vector<16xf32>
        %add3A_887 = arith.constant 1 : i32
        %add3A_888 = arith.addi %add3A_767, %add3A_887 : i32
        %swap3A_889 = arith.index_cast %add3A_888 : i32 to index
        %swap3A_890 = arith.constant 48 : index
        %swap3A_891 = tpu.vector_load %arg6[%swap3A_889, %swap3A_890] {strides = array<i32>} : memref<1024x64xf32, #tpu.memory_space<vmem>>, vector<1x16xf32>,
        %swap3A_892 = vector.shape_cast %swap3A_891 : vector<1x16xf32> to vector<16xf32>
        %swap3A_893 = vector.shape_cast %mul3A_886 : vector<16xf32> to vector<1x16xf32>
        tpu.vector_store %arg6[%swap3A_889, %swap3A_890], %swap3A_893 {strides = array<i32>} : memref<1024x64xf32, #tpu.memory_space<vmem>>, vector<1x16xf32>,
        %add3A_894 = arith.constant 2 : i32
        %add3A_895 = arith.addi %add3A_767, %add3A_894 : i32
        %get3A_896 = arith.index_cast %add3A_895 : i32 to index
        %get3A_897 = arith.constant 0 : index
        %get3A_898 = tpu.vector_load %arg6[%get3A_896, %get3A_897] {strides = array<i32>} : memref<1024x64xf32, #tpu.memory_space<vmem>>, vector<1x16xf32>,
        %get3A_899 = vector.shape_cast %get3A_898 : vector<1x16xf32> to vector<16xf32>
        %mul3A_900 = arith.constant 8.000000e+00 : f32
        %mul3A_901 = vector.broadcast %mul3A_900 : f32 to vector<16xf32>
        %mul3A_902 = arith.mulf %get3A_899, %mul3A_901 : vector<16xf32>
        %add3A_903 = arith.constant 2 : i32
        %add3A_904 = arith.addi %add3A_767, %add3A_903 : i32
        %swap3A_905 = arith.index_cast %add3A_904 : i32 to index
        %swap3A_906 = arith.constant 0 : index
        %swap3A_907 = tpu.vector_load %arg6[%swap3A_905, %swap3A_906] {strides = array<i32>} : memref<1024x64xf32, #tpu.memory_space<vmem>>, vector<1x16xf32>,
        %swap3A_908 = vector.shape_cast %swap3A_907 : vector<1x16xf32> to vector<16xf32>
        %swap3A_909 = vector.shape_cast %mul3A_902 : vector<16xf32> to vector<1x16xf32>
        tpu.vector_store %arg6[%swap3A_905, %swap3A_906], %swap3A_909 {strides = array<i32>} : memref<1024x64xf32, #tpu.memory_space<vmem>>, vector<1x16xf32>,
        %add3A_910 = arith.constant 2 : i32
        %add3A_911 = arith.addi %add3A_767, %add3A_910 : i32
        %get3A_912 = arith.index_cast %add3A_911 : i32 to index
        %get3A_913 = arith.constant 16 : index
        %get3A_914 = tpu.vector_load %arg6[%get3A_912, %get3A_913] {strides = array<i32>} : memref<1024x64xf32, #tpu.memory_space<vmem>>, vector<1x16xf32>,
        %get3A_915 = vector.shape_cast %get3A_914 : vector<1x16xf32> to vector<16xf32>
        %mul3A_916 = arith.constant 8.000000e+00 : f32
        %mul3A_917 = vector.broadcast %mul3A_916 : f32 to vector<16xf32>
        %mul3A_918 = arith.mulf %get3A_915, %mul3A_917 : vector<16xf32>
        %add3A_919 = arith.constant 2 : i32
        %add3A_920 = arith.addi %add3A_767, %add3A_919 : i32
        %swap3A_921 = arith.index_cast %add3A_920 : i32 to index
        %swap3A_922 = arith.constant 16 : index
        %swap3A_923 = tpu.vector_load %arg6[%swap3A_921, %swap3A_922] {strides = array<i32>} : memref<1024x64xf32, #tpu.memory_space<vmem>>, vector<1x16xf32>,
        %swap3A_924 = vector.shape_cast %swap3A_923 : vector<1x16xf32> to vector<16xf32>
        %swap3A_925 = vector.shape_cast %mul3A_918 : vector<16xf32> to vector<1x16xf32>
        tpu.vector_store %arg6[%swap3A_921, %swap3A_922], %swap3A_925 {strides = array<i32>} : memref<1024x64xf32, #tpu.memory_space<vmem>>, vector<1x16xf32>,
        %add3A_926 = arith.constant 2 : i32
        %add3A_927 = arith.addi %add3A_767, %add3A_926 : i32
        %get3A_928 = arith.index_cast %add3A_927 : i32 to index
        %get3A_929 = arith.constant 32 : index
        %get3A_930 = tpu.vector_load %arg6[%get3A_928, %get3A_929] {strides = array<i32>} : memref<1024x64xf32, #tpu.memory_space<vmem>>, vector<1x16xf32>,
        %get3A_931 = vector.shape_cast %get3A_930 : vector<1x16xf32> to vector<16xf32>
        %mul3A_932 = arith.constant 8.000000e+00 : f32
        %mul3A_933 = vector.broadcast %mul3A_932 : f32 to vector<16xf32>
        %mul3A_934 = arith.mulf %get3A_931, %mul3A_933 : vector<16xf32>
        %add3A_935 = arith.constant 2 : i32
        %add3A_936 = arith.addi %add3A_767, %add3A_935 : i32
        %swap3A_937 = arith.index_cast %add3A_936 : i32 to index
        %swap3A_938 = arith.constant 32 : index
        %swap3A_939 = tpu.vector_load %arg6[%swap3A_937, %swap3A_938] {strides = array<i32>} : memref<1024x64xf32, #tpu.memory_space<vmem>>, vector<1x16xf32>,
        %swap3A_940 = vector.shape_cast %swap3A_939 : vector<1x16xf32> to vector<16xf32>
        %swap3A_941 = vector.shape_cast %mul3A_934 : vector<16xf32> to vector<1x16xf32>
        tpu.vector_store %arg6[%swap3A_937, %swap3A_938], %swap3A_941 {strides = array<i32>} : memref<1024x64xf32, #tpu.memory_space<vmem>>, vector<1x16xf32>,
        %add3A_942 = arith.constant 2 : i32
        %add3A_943 = arith.addi %add3A_767, %add3A_942 : i32
        %get3A_944 = arith.index_cast %add3A_943 : i32 to index
        %get3A_945 = arith.constant 48 : index
        %get3A_946 = tpu.vector_load %arg6[%get3A_944, %get3A_945] {strides = array<i32>} : memref<1024x64xf32, #tpu.memory_space<vmem>>, vector<1x16xf32>,
        %get3A_947 = vector.shape_cast %get3A_946 : vector<1x16xf32> to vector<16xf32>
        %mul3A_948 = arith.constant 8.000000e+00 : f32
        %mul3A_949 = vector.broadcast %mul3A_948 : f32 to vector<16xf32>
        %mul3A_950 = arith.mulf %get3A_947, %mul3A_949 : vector<16xf32>
        %add3A_951 = arith.constant 2 : i32
        %add3A_952 = arith.addi %add3A_767, %add3A_951 : i32
        %swap3A_953 = arith.index_cast %add3A_952 : i32 to index
        %swap3A_954 = arith.constant 48 : index
        %swap3A_955 = tpu.vector_load %arg6[%swap3A_953, %swap3A_954] {strides = array<i32>} : memref<1024x64xf32, #tpu.memory_space<vmem>>, vector<1x16xf32>,
        %swap3A_956 = vector.shape_cast %swap3A_955 : vector<1x16xf32> to vector<16xf32>
        %swap3A_957 = vector.shape_cast %mul3A_950 : vector<16xf32> to vector<1x16xf32>
        tpu.vector_store %arg6[%swap3A_953, %swap3A_954], %swap3A_957 {strides = array<i32>} : memref<1024x64xf32, #tpu.memory_space<vmem>>, vector<1x16xf32>,
        %add3A_958 = arith.constant 3 : i32
        %add3A_959 = arith.addi %add3A_767, %add3A_958 : i32
        %get3A_960 = arith.index_cast %add3A_959 : i32 to index
        %get3A_961 = arith.constant 0 : index
        %get3A_962 = tpu.vector_load %arg6[%get3A_960, %get3A_961] {strides = array<i32>} : memref<1024x64xf32, #tpu.memory_space<vmem>>, vector<1x16xf32>,
        %get3A_963 = vector.shape_cast %get3A_962 : vector<1x16xf32> to vector<16xf32>
        %mul3A_964 = arith.constant 8.000000e+00 : f32
        %mul3A_965 = vector.broadcast %mul3A_964 : f32 to vector<16xf32>
        %mul3A_966 = arith.mulf %get3A_963, %mul3A_965 : vector<16xf32>
        %add3A_967 = arith.constant 3 : i32
        %add3A_968 = arith.addi %add3A_767, %add3A_967 : i32
        %swap3A_969 = arith.index_cast %add3A_968 : i32 to index
        %swap3A_970 = arith.constant 0 : index
        %swap3A_971 = tpu.vector_load %arg6[%swap3A_969, %swap3A_970] {strides = array<i32>} : memref<1024x64xf32, #tpu.memory_space<vmem>>, vector<1x16xf32>,
        %swap3A_972 = vector.shape_cast %swap3A_971 : vector<1x16xf32> to vector<16xf32>
        %swap3A_973 = vector.shape_cast %mul3A_966 : vector<16xf32> to vector<1x16xf32>
        tpu.vector_store %arg6[%swap3A_969, %swap3A_970], %swap3A_973 {strides = array<i32>} : memref<1024x64xf32, #tpu.memory_space<vmem>>, vector<1x16xf32>,
        %add3A_974 = arith.constant 3 : i32
        %add3A_975 = arith.addi %add3A_767, %add3A_974 : i32
        %get3A_976 = arith.index_cast %add3A_975 : i32 to index
        %get3A_977 = arith.constant 16 : index
        %get3A_978 = tpu.vector_load %arg6[%get3A_976, %get3A_977] {strides = array<i32>} : memref<1024x64xf32, #tpu.memory_space<vmem>>, vector<1x16xf32>,
        %get3A_979 = vector.shape_cast %get3A_978 : vector<1x16xf32> to vector<16xf32>
        %mul3A_980 = arith.constant 8.000000e+00 : f32
        %mul3A_981 = vector.broadcast %mul3A_980 : f32 to vector<16xf32>
        %mul3A_982 = arith.mulf %get3A_979, %mul3A_981 : vector<16xf32>
        %add3A_983 = arith.constant 3 : i32
        %add3A_984 = arith.addi %add3A_767, %add3A_983 : i32
        %swap3A_985 = arith.index_cast %add3A_984 : i32 to index
        %swap3A_986 = arith.constant 16 : index
        %swap3A_987 = tpu.vector_load %arg6[%swap3A_985, %swap3A_986] {strides = array<i32>} : memref<1024x64xf32, #tpu.memory_space<vmem>>, vector<1x16xf32>,
        %swap3A_988 = vector.shape_cast %swap3A_987 : vector<1x16xf32> to vector<16xf32>
        %swap3A_989 = vector.shape_cast %mul3A_982 : vector<16xf32> to vector<1x16xf32>
        tpu.vector_store %arg6[%swap3A_985, %swap3A_986], %swap3A_989 {strides = array<i32>} : memref<1024x64xf32, #tpu.memory_space<vmem>>, vector<1x16xf32>,
        %add3A_990 = arith.constant 3 : i32
        %add3A_991 = arith.addi %add3A_767, %add3A_990 : i32
        %get3A_992 = arith.index_cast %add3A_991 : i32 to index
        %get3A_993 = arith.constant 32 : index
        %get3A_994 = tpu.vector_load %arg6[%get3A_992, %get3A_993] {strides = array<i32>} : memref<1024x64xf32, #tpu.memory_space<vmem>>, vector<1x16xf32>,
        %get3A_995 = vector.shape_cast %get3A_994 : vector<1x16xf32> to vector<16xf32>
        %mul3A_996 = arith.constant 8.000000e+00 : f32
        %mul3A_997 = vector.broadcast %mul3A_996 : f32 to vector<16xf32>
        %mul3A_998 = arith.mulf %get3A_995, %mul3A_997 : vector<16xf32>
        %add3A_999 = arith.constant 3 : i32
        %add3A_1000 = arith.addi %add3A_767, %add3A_999 : i32
        %swap3A_1001 = arith.index_cast %add3A_1000 : i32 to index
        %swap3A_1002 = arith.constant 32 : index
        %swap3A_1003 = tpu.vector_load %arg6[%swap3A_1001, %swap3A_1002] {strides = array<i32>} : memref<1024x64xf32, #tpu.memory_space<vmem>>, vector<1x16xf32>,
        %swap3A_1004 = vector.shape_cast %swap3A_1003 : vector<1x16xf32> to vector<16xf32>
        %swap3A_1005 = vector.shape_cast %mul3A_998 : vector<16xf32> to vector<1x16xf32>
        tpu.vector_store %arg6[%swap3A_1001, %swap3A_1002], %swap3A_1005 {strides = array<i32>} : memref<1024x64xf32, #tpu.memory_space<vmem>>, vector<1x16xf32>,
        %add3A_1006 = arith.constant 3 : i32
        %add3A_1007 = arith.addi %add3A_767, %add3A_1006 : i32
        %get3A_1008 = arith.index_cast %add3A_1007 : i32 to index
        %get3A_1009 = arith.constant 48 : index
        %get3A_1010 = tpu.vector_load %arg6[%get3A_1008, %get3A_1009] {strides = array<i32>} : memref<1024x64xf32, #tpu.memory_space<vmem>>, vector<1x16xf32>,
        %get3A_1011 = vector.shape_cast %get3A_1010 : vector<1x16xf32> to vector<16xf32>
        %mul3A_1012 = arith.constant 8.000000e+00 : f32
        %mul3A_1013 = vector.broadcast %mul3A_1012 : f32 to vector<16xf32>
        %mul3A_1014 = arith.mulf %get3A_1011, %mul3A_1013 : vector<16xf32>
        %add3A_1015 = arith.constant 3 : i32
        %add3A_1016 = arith.addi %add3A_767, %add3A_1015 : i32
        %swap3A_1017 = arith.index_cast %add3A_1016 : i32 to index
        %swap3A_1018 = arith.constant 48 : index
        %swap3A_1019 = tpu.vector_load %arg6[%swap3A_1017, %swap3A_1018] {strides = array<i32>} : memref<1024x64xf32, #tpu.memory_space<vmem>>, vector<1x16xf32>,
        %swap3A_1020 = vector.shape_cast %swap3A_1019 : vector<1x16xf32> to vector<16xf32>
        %swap3A_1021 = vector.shape_cast %mul3A_1014 : vector<16xf32> to vector<1x16xf32>
        tpu.vector_store %arg6[%swap3A_1017, %swap3A_1018], %swap3A_1021 {strides = array<i32>} : memref<1024x64xf32, #tpu.memory_space<vmem>>, vector<1x16xf32>,
      }
      %scan3A_446 = arith.constant 64 : i32
      %mul3A_447 = arith.constant 256 : i32
      %mul3A_448 = arith.muli %add3A_364, %mul3A_447 : i32
      %add3A_449 = arith.addi %mul3A_2, %mul3A_448 : i32
      %dma_start3A_450 = arith.constant 2 : i32
      %dma_start3A_451 = arith.constant 512 : i32
      %dma_start3A_452 = arith.constant 0 : i32
      %dma_start3A_453 = tpu.memref_slice %arg6[%dma_start3A_451, %dma_start3A_452] : memref<1024x64xf32, #tpu.memory_space<vmem>> -> memref<256x64xf32, #tpu.memory_space<vmem>>
      %dma_start3A_454 = arith.constant 0 : i32
      %dma_start3A_455 = tpu.memref_slice %arg4[%add3A_449, %dma_start3A_454] : memref<819200x64xf32, #tpu.memory_space<hbm>> -> memref<256x64xf32, #tpu.memory_space<hbm>>
      %dma_start3A_456 = tpu.memref_slice %arg8[%dma_start3A_450] : memref<4x!tpu.dma_semaphore, #tpu.memory_space<semaphore_mem>> -> memref<1x!tpu.dma_semaphore, #tpu.memory_space<semaphore_mem>>
      %dma_start3A_457 = tpu.memref_squeeze %dma_start3A_456 : memref<1x!tpu.dma_semaphore, #tpu.memory_space<semaphore_mem>> -> memref<!tpu.dma_semaphore, #tpu.memory_space<semaphore_mem>>
      %dma_start3A_458 = arith.constant 0 : i32
      %dma_start3A_459 = tpu.memref_slice %arg4[%add3A_449, %dma_start3A_458] : memref<819200x64xf32, #tpu.memory_space<hbm>> -> memref<256x64xf32, #tpu.memory_space<hbm>>
      %dma_start3A_460 = arith.constant 512 : i32
      %dma_start3A_461 = arith.constant 0 : i32
      %dma_start3A_462 = tpu.memref_slice %arg6[%dma_start3A_460, %dma_start3A_461] : memref<1024x64xf32, #tpu.memory_space<vmem>> -> memref<256x64xf32, #tpu.memory_space<vmem>>
      tpu.enqueue_dma source(%dma_start3A_462 : memref<256x64xf32, #tpu.memory_space<vmem>>) target(%dma_start3A_459 : memref<256x64xf32, #tpu.memory_space<hbm>>) target_semaphore(%dma_start3A_457 : memref<!tpu.dma_semaphore, #tpu.memory_space<semaphore_mem>>)
      %add3A_463 = arith.constant 1 : i32
      %add3A_464 = arith.addi %add3A_362, %add3A_463 : i32
      %mul3A_465 = arith.constant 256 : i32
      %mul3A_466 = arith.muli %add3A_464, %mul3A_465 : i32
      %add3A_467 = arith.addi %mul3A_2, %mul3A_466 : i32
      %dma_wait3A_468 = arith.constant 1 : i32
      %dma_wait3A_469 = arith.constant 256 : i32
      %dma_wait3A_470 = arith.constant 0 : i32
      %dma_wait3A_471 = tpu.memref_slice %arg6[%dma_wait3A_469, %dma_wait3A_470] : memref<1024x64xf32, #tpu.memory_space<vmem>> -> memref<256x64xf32, #tpu.memory_space<vmem>>
      %dma_wait3A_472 = arith.constant 0 : i32
      %dma_wait3A_473 = tpu.memref_slice %arg4[%add3A_467, %dma_wait3A_472] : memref<819200x64xf32, #tpu.memory_space<hbm>> -> memref<256x64xf32, #tpu.memory_space<hbm>>
      %dma_wait3A_474 = tpu.memref_slice %arg8[%dma_wait3A_468] : memref<4x!tpu.dma_semaphore, #tpu.memory_space<semaphore_mem>> -> memref<1x!tpu.dma_semaphore, #tpu.memory_space<semaphore_mem>>
      %dma_wait3A_475 = tpu.memref_squeeze %dma_wait3A_474 : memref<1x!tpu.dma_semaphore, #tpu.memory_space<semaphore_mem>> -> memref<!tpu.dma_semaphore, #tpu.memory_space<semaphore_mem>>
      %dma_wait3A_476 = arith.constant 0 : i32
      %dma_wait3A_477 = tpu.memref_slice %arg4[%add3A_467, %dma_wait3A_476] : memref<819200x64xf32, #tpu.memory_space<hbm>> -> memref<256x64xf32, #tpu.memory_space<hbm>>
      %dma_wait3A_478 = arith.constant 256 : i32
      %dma_wait3A_479 = arith.constant 0 : i32
      %dma_wait3A_480 = tpu.memref_slice %arg6[%dma_wait3A_478, %dma_wait3A_479] : memref<1024x64xf32, #tpu.memory_space<vmem>> -> memref<256x64xf32, #tpu.memory_space<vmem>>
      tpu.wait_dma2 semaphore(%dma_wait3A_475 : memref<!tpu.dma_semaphore, #tpu.memory_space<semaphore_mem>>) src(%dma_wait3A_480 : memref<256x64xf32, #tpu.memory_space<vmem>>) dst(%dma_wait3A_477 : memref<256x64xf32, #tpu.memory_space<hbm>>)
      %add3A_481 = arith.constant 2 : i32
      %add3A_482 = arith.addi %add3A_464, %add3A_481 : i32
      %mul3A_483 = arith.constant 2 : i32
      %mul3A_484 = arith.muli %mul3A_483, %add3A_482 : i32
      %add3A_485 = arith.constant 0 : i32
      %add3A_486 = arith.addi %mul3A_484, %add3A_485 : i32
      %dma_start3A_487 = arith.constant 1 : i32
      %dma_start3A_488 = arith.constant 256 : i32
      %dma_start3A_489 = arith.constant 0 : i32
      %dma_start3A_490 = tpu.memref_slice %arg6[%dma_start3A_488, %dma_start3A_489] : memref<1024x64xf32, #tpu.memory_space<vmem>> -> memref<128x64xf32, #tpu.memory_space<vmem>>
      %dma_start3A_491 = arith.constant 0 : i32
      %dma_start3A_492 = tpu.memref_slice %arg5[%add3A_486, %dma_start3A_491] : memref<200x128xi32, #tpu.memory_space<vmem>> -> memref<1x128xi32, #tpu.memory_space<vmem>>
      %dma_start3A_493 = tpu.memref_squeeze %dma_start3A_492 : memref<1x128xi32, #tpu.memory_space<vmem>> -> memref<128xi32, #tpu.memory_space<vmem>>
      %dma_start3A_494 = arith.constant 0 : i32
      %dma_start3A_495 = arith.constant 0 : i32
      %dma_start3A_496 = tpu.memref_slice %arg3[%dma_start3A_494, %dma_start3A_495] : memref<1000000x64xf32, #tpu.memory_space<hbm>> -> memref<1000000x64xf32, #tpu.memory_space<hbm>>
      %dma_start3A_497 = tpu.memref_slice %arg7[%dma_start3A_487] : memref<4x!tpu.dma_semaphore, #tpu.memory_space<semaphore_mem>> -> memref<1x!tpu.dma_semaphore, #tpu.memory_space<semaphore_mem>>
      %dma_start3A_498 = tpu.memref_squeeze %dma_start3A_497 : memref<1x!tpu.dma_semaphore, #tpu.memory_space<semaphore_mem>> -> memref<!tpu.dma_semaphore, #tpu.memory_space<semaphore_mem>>
      tpu.enqueue_indirect_dma source(%dma_start3A_496 : memref<1000000x64xf32, #tpu.memory_space<hbm>>) target(%dma_start3A_490 : memref<128x64xf32, #tpu.memory_space<vmem>>) offsets(%dma_start3A_493 : memref<128xi32, #tpu.memory_space<vmem>>) semaphore(%dma_start3A_498 : memref<!tpu.dma_semaphore, #tpu.memory_space<semaphore_mem>>)
      %mul3A_499 = arith.constant 2 : i32
      %mul3A_500 = arith.muli %mul3A_499, %add3A_482 : i32
      %add3A_501 = arith.constant 1 : i32
      %add3A_502 = arith.addi %mul3A_500, %add3A_501 : i32
      %dma_start3A_503 = arith.constant 1 : i32
      %dma_start3A_504 = arith.constant 384 : i32
      %dma_start3A_505 = arith.constant 0 : i32
      %dma_start3A_506 = tpu.memref_slice %arg6[%dma_start3A_504, %dma_start3A_505] : memref<1024x64xf32, #tpu.memory_space<vmem>> -> memref<128x64xf32, #tpu.memory_space<vmem>>
      %dma_start3A_507 = arith.constant 0 : i32
      %dma_start3A_508 = tpu.memref_slice %arg5[%add3A_502, %dma_start3A_507] : memref<200x128xi32, #tpu.memory_space<vmem>> -> memref<1x128xi32, #tpu.memory_space<vmem>>
      %dma_start3A_509 = tpu.memref_squeeze %dma_start3A_508 : memref<1x128xi32, #tpu.memory_space<vmem>> -> memref<128xi32, #tpu.memory_space<vmem>>
      %dma_start3A_510 = arith.constant 0 : i32
      %dma_start3A_511 = arith.constant 0 : i32
      %dma_start3A_512 = tpu.memref_slice %arg3[%dma_start3A_510, %dma_start3A_511] : memref<1000000x64xf32, #tpu.memory_space<hbm>> -> memref<1000000x64xf32, #tpu.memory_space<hbm>>
      %dma_start3A_513 = tpu.memref_slice %arg7[%dma_start3A_503] : memref<4x!tpu.dma_semaphore, #tpu.memory_space<semaphore_mem>> -> memref<1x!tpu.dma_semaphore, #tpu.memory_space<semaphore_mem>>
      %dma_start3A_514 = tpu.memref_squeeze %dma_start3A_513 : memref<1x!tpu.dma_semaphore, #tpu.memory_space<semaphore_mem>> -> memref<!tpu.dma_semaphore, #tpu.memory_space<semaphore_mem>>
      tpu.enqueue_indirect_dma source(%dma_start3A_512 : memref<1000000x64xf32, #tpu.memory_space<hbm>>) target(%dma_start3A_506 : memref<128x64xf32, #tpu.memory_space<vmem>>) offsets(%dma_start3A_509 : memref<128xi32, #tpu.memory_space<vmem>>) semaphore(%dma_start3A_514 : memref<!tpu.dma_semaphore, #tpu.memory_space<semaphore_mem>>)
      %dma_wait3A_515 = arith.constant 0 : i32
      %dma_wait3A_516 = arith.constant 3 : i32
      %dma_wait3A_517 = arith.constant 768 : i32
      %dma_wait3A_518 = arith.constant 0 : i32
      %dma_wait3A_519 = tpu.memref_slice %arg6[%dma_wait3A_517, %dma_wait3A_518] : memref<1024x64xf32, #tpu.memory_space<vmem>> -> memref<128x64xf32, #tpu.memory_space<vmem>>
      %dma_wait3A_520 = arith.constant 0 : i32
      %dma_wait3A_521 = tpu.memref_slice %arg5[%dma_wait3A_515, %dma_wait3A_520] : memref<200x128xi32, #tpu.memory_space<vmem>> -> memref<1x128xi32, #tpu.memory_space<vmem>>
      %dma_wait3A_522 = tpu.memref_squeeze %dma_wait3A_521 : memref<1x128xi32, #tpu.memory_space<vmem>> -> memref<128xi32, #tpu.memory_space<vmem>>
      %dma_wait3A_523 = arith.constant 0 : i32
      %dma_wait3A_524 = arith.constant 0 : i32
      %dma_wait3A_525 = tpu.memref_slice %arg3[%dma_wait3A_523, %dma_wait3A_524] : memref<1000000x64xf32, #tpu.memory_space<hbm>> -> memref<1000000x64xf32, #tpu.memory_space<hbm>>
      %dma_wait3A_526 = tpu.memref_slice %arg7[%dma_wait3A_516] : memref<4x!tpu.dma_semaphore, #tpu.memory_space<semaphore_mem>> -> memref<1x!tpu.dma_semaphore, #tpu.memory_space<semaphore_mem>>
      %dma_wait3A_527 = tpu.memref_squeeze %dma_wait3A_526 : memref<1x!tpu.dma_semaphore, #tpu.memory_space<semaphore_mem>> -> memref<!tpu.dma_semaphore, #tpu.memory_space<semaphore_mem>>
      tpu.wait_indirect_dma semaphore(%dma_wait3A_527 : memref<!tpu.dma_semaphore, #tpu.memory_space<semaphore_mem>>) src(%dma_wait3A_525 : memref<1000000x64xf32, #tpu.memory_space<hbm>>) dst(%dma_wait3A_519 : memref<128x64xf32, #tpu.memory_space<vmem>>)
      %dma_wait3A_528 = arith.constant 1 : i32
      %dma_wait3A_529 = arith.constant 3 : i32
      %dma_wait3A_530 = arith.constant 896 : i32
      %dma_wait3A_531 = arith.constant 0 : i32
      %dma_wait3A_532 = tpu.memref_slice %arg6[%dma_wait3A_530, %dma_wait3A_531] : memref<1024x64xf32, #tpu.memory_space<vmem>> -> memref<128x64xf32, #tpu.memory_space<vmem>>
      %dma_wait3A_533 = arith.constant 0 : i32
      %dma_wait3A_534 = tpu.memref_slice %arg5[%dma_wait3A_528, %dma_wait3A_533] : memref<200x128xi32, #tpu.memory_space<vmem>> -> memref<1x128xi32, #tpu.memory_space<vmem>>
      %dma_wait3A_535 = tpu.memref_squeeze %dma_wait3A_534 : memref<1x128xi32, #tpu.memory_space<vmem>> -> memref<128xi32, #tpu.memory_space<vmem>>
      %dma_wait3A_536 = arith.constant 0 : i32
      %dma_wait3A_537 = arith.constant 0 : i32
      %dma_wait3A_538 = tpu.memref_slice %arg3[%dma_wait3A_536, %dma_wait3A_537] : memref<1000000x64xf32, #tpu.memory_space<hbm>> -> memref<1000000x64xf32, #tpu.memory_space<hbm>>
      %dma_wait3A_539 = tpu.memref_slice %arg7[%dma_wait3A_529] : memref<4x!tpu.dma_semaphore, #tpu.memory_space<semaphore_mem>> -> memref<1x!tpu.dma_semaphore, #tpu.memory_space<semaphore_mem>>
      %dma_wait3A_540 = tpu.memref_squeeze %dma_wait3A_539 : memref<1x!tpu.dma_semaphore, #tpu.memory_space<semaphore_mem>> -> memref<!tpu.dma_semaphore, #tpu.memory_space<semaphore_mem>>
      tpu.wait_indirect_dma semaphore(%dma_wait3A_540 : memref<!tpu.dma_semaphore, #tpu.memory_space<semaphore_mem>>) src(%dma_wait3A_538 : memref<1000000x64xf32, #tpu.memory_space<hbm>>) dst(%dma_wait3A_532 : memref<128x64xf32, #tpu.memory_space<vmem>>)
      %scan3A_541 = arith.constant 0 : i32
      %scan3A_542 = arith.constant 0 : i32
      %scan3A_543 = arith.constant 64 : i32
      %scan3A_544 = arith.addi %scan3A_542, %scan3A_543 : i32
      %scan3A_545 = arith.constant 1 : i32
      scf.for %scan3A_763 = %scan3A_542 to %scan3A_544 step %scan3A_545  : i32 {
        %mul3A_764 = arith.constant 4 : i32
        %mul3A_765 = arith.muli %scan3A_763, %mul3A_764 : i32
        %add3A_766 = arith.constant 768 : i32
        %add3A_767 = arith.addi %add3A_766, %mul3A_765 : i32
        %add3A_768 = arith.constant 0 : i32
        %add3A_769 = arith.addi %add3A_767, %add3A_768 : i32
        %get3A = arith.index_cast %add3A_769 : i32 to index
        %get3A_770 = arith.constant 0 : index
        %get3A_771 = tpu.vector_load %arg6[%get3A, %get3A_770] {strides = array<i32>} : memref<1024x64xf32, #tpu.memory_space<vmem>>, vector<1x16xf32>,
        %get3A_772 = vector.shape_cast %get3A_771 : vector<1x16xf32> to vector<16xf32>
        %mul3A_773 = arith.constant 8.000000e+00 : f32
        %mul3A_774 = vector.broadcast %mul3A_773 : f32 to vector<16xf32>
        %mul3A_775 = arith.mulf %get3A_772, %mul3A_774 : vector<16xf32>
        %add3A_776 = arith.constant 0 : i32
        %add3A_777 = arith.addi %add3A_767, %add3A_776 : i32
        %swap3A = arith.index_cast %add3A_777 : i32 to index
        %swap3A_778 = arith.constant 0 : index
        %swap3A_779 = tpu.vector_load %arg6[%swap3A, %swap3A_778] {strides = array<i32>} : memref<1024x64xf32, #tpu.memory_space<vmem>>, vector<1x16xf32>,
        %swap3A_780 = vector.shape_cast %swap3A_779 : vector<1x16xf32> to vector<16xf32>
        %swap3A_781 = vector.shape_cast %mul3A_775 : vector<16xf32> to vector<1x16xf32>
        tpu.vector_store %arg6[%swap3A, %swap3A_778], %swap3A_781 {strides = array<i32>} : memref<1024x64xf32, #tpu.memory_space<vmem>>, vector<1x16xf32>,
        %add3A_782 = arith.constant 0 : i32
        %add3A_783 = arith.addi %add3A_767, %add3A_782 : i32
        %get3A_784 = arith.index_cast %add3A_783 : i32 to index
        %get3A_785 = arith.constant 16 : index
        %get3A_786 = tpu.vector_load %arg6[%get3A_784, %get3A_785] {strides = array<i32>} : memref<1024x64xf32, #tpu.memory_space<vmem>>, vector<1x16xf32>,
        %get3A_787 = vector.shape_cast %get3A_786 : vector<1x16xf32> to vector<16xf32>
        %mul3A_788 = arith.constant 8.000000e+00 : f32
        %mul3A_789 = vector.broadcast %mul3A_788 : f32 to vector<16xf32>
        %mul3A_790 = arith.mulf %get3A_787, %mul3A_789 : vector<16xf32>
        %add3A_791 = arith.constant 0 : i32
        %add3A_792 = arith.addi %add3A_767, %add3A_791 : i32
        %swap3A_793 = arith.index_cast %add3A_792 : i32 to index
        %swap3A_794 = arith.constant 16 : index
        %swap3A_795 = tpu.vector_load %arg6[%swap3A_793, %swap3A_794] {strides = array<i32>} : memref<1024x64xf32, #tpu.memory_space<vmem>>, vector<1x16xf32>,
        %swap3A_796 = vector.shape_cast %swap3A_795 : vector<1x16xf32> to vector<16xf32>
        %swap3A_797 = vector.shape_cast %mul3A_790 : vector<16xf32> to vector<1x16xf32>
        tpu.vector_store %arg6[%swap3A_793, %swap3A_794], %swap3A_797 {strides = array<i32>} : memref<1024x64xf32, #tpu.memory_space<vmem>>, vector<1x16xf32>,
        %add3A_798 = arith.constant 0 : i32
        %add3A_799 = arith.addi %add3A_767, %add3A_798 : i32
        %get3A_800 = arith.index_cast %add3A_799 : i32 to index
        %get3A_801 = arith.constant 32 : index
        %get3A_802 = tpu.vector_load %arg6[%get3A_800, %get3A_801] {strides = array<i32>} : memref<1024x64xf32, #tpu.memory_space<vmem>>, vector<1x16xf32>,
        %get3A_803 = vector.shape_cast %get3A_802 : vector<1x16xf32> to vector<16xf32>
        %mul3A_804 = arith.constant 8.000000e+00 : f32
        %mul3A_805 = vector.broadcast %mul3A_804 : f32 to vector<16xf32>
        %mul3A_806 = arith.mulf %get3A_803, %mul3A_805 : vector<16xf32>
        %add3A_807 = arith.constant 0 : i32
        %add3A_808 = arith.addi %add3A_767, %add3A_807 : i32
        %swap3A_809 = arith.index_cast %add3A_808 : i32 to index
        %swap3A_810 = arith.constant 32 : index
        %swap3A_811 = tpu.vector_load %arg6[%swap3A_809, %swap3A_810] {strides = array<i32>} : memref<1024x64xf32, #tpu.memory_space<vmem>>, vector<1x16xf32>,
        %swap3A_812 = vector.shape_cast %swap3A_811 : vector<1x16xf32> to vector<16xf32>
        %swap3A_813 = vector.shape_cast %mul3A_806 : vector<16xf32> to vector<1x16xf32>
        tpu.vector_store %arg6[%swap3A_809, %swap3A_810], %swap3A_813 {strides = array<i32>} : memref<1024x64xf32, #tpu.memory_space<vmem>>, vector<1x16xf32>,
        %add3A_814 = arith.constant 0 : i32
        %add3A_815 = arith.addi %add3A_767, %add3A_814 : i32
        %get3A_816 = arith.index_cast %add3A_815 : i32 to index
        %get3A_817 = arith.constant 48 : index
        %get3A_818 = tpu.vector_load %arg6[%get3A_816, %get3A_817] {strides = array<i32>} : memref<1024x64xf32, #tpu.memory_space<vmem>>, vector<1x16xf32>,
        %get3A_819 = vector.shape_cast %get3A_818 : vector<1x16xf32> to vector<16xf32>
        %mul3A_820 = arith.constant 8.000000e+00 : f32
        %mul3A_821 = vector.broadcast %mul3A_820 : f32 to vector<16xf32>
        %mul3A_822 = arith.mulf %get3A_819, %mul3A_821 : vector<16xf32>
        %add3A_823 = arith.constant 0 : i32
        %add3A_824 = arith.addi %add3A_767, %add3A_823 : i32
        %swap3A_825 = arith.index_cast %add3A_824 : i32 to index
        %swap3A_826 = arith.constant 48 : index
        %swap3A_827 = tpu.vector_load %arg6[%swap3A_825, %swap3A_826] {strides = array<i32>} : memref<1024x64xf32, #tpu.memory_space<vmem>>, vector<1x16xf32>,
        %swap3A_828 = vector.shape_cast %swap3A_827 : vector<1x16xf32> to vector<16xf32>
        %swap3A_829 = vector.shape_cast %mul3A_822 : vector<16xf32> to vector<1x16xf32>
        tpu.vector_store %arg6[%swap3A_825, %swap3A_826], %swap3A_829 {strides = array<i32>} : memref<1024x64xf32, #tpu.memory_space<vmem>>, vector<1x16xf32>,
        %add3A_830 = arith.constant 1 : i32
        %add3A_831 = arith.addi %add3A_767, %add3A_830 : i32
        %get3A_832 = arith.index_cast %add3A_831 : i32 to index
        %get3A_833 = arith.constant 0 : index
        %get3A_834 = tpu.vector_load %arg6[%get3A_832, %get3A_833] {strides = array<i32>} : memref<1024x64xf32, #tpu.memory_space<vmem>>, vector<1x16xf32>,
        %get3A_835 = vector.shape_cast %get3A_834 : vector<1x16xf32> to vector<16xf32>
        %mul3A_836 = arith.constant 8.000000e+00 : f32
        %mul3A_837 = vector.broadcast %mul3A_836 : f32 to vector<16xf32>
        %mul3A_838 = arith.mulf %get3A_835, %mul3A_837 : vector<16xf32>
        %add3A_839 = arith.constant 1 : i32
        %add3A_840 = arith.addi %add3A_767, %add3A_839 : i32
        %swap3A_841 = arith.index_cast %add3A_840 : i32 to index
        %swap3A_842 = arith.constant 0 : index
        %swap3A_843 = tpu.vector_load %arg6[%swap3A_841, %swap3A_842] {strides = array<i32>} : memref<1024x64xf32, #tpu.memory_space<vmem>>, vector<1x16xf32>,
        %swap3A_844 = vector.shape_cast %swap3A_843 : vector<1x16xf32> to vector<16xf32>
        %swap3A_845 = vector.shape_cast %mul3A_838 : vector<16xf32> to vector<1x16xf32>
        tpu.vector_store %arg6[%swap3A_841, %swap3A_842], %swap3A_845 {strides = array<i32>} : memref<1024x64xf32, #tpu.memory_space<vmem>>, vector<1x16xf32>,
        %add3A_846 = arith.constant 1 : i32
        %add3A_847 = arith.addi %add3A_767, %add3A_846 : i32
        %get3A_848 = arith.index_cast %add3A_847 : i32 to index
        %get3A_849 = arith.constant 16 : index
        %get3A_850 = tpu.vector_load %arg6[%get3A_848, %get3A_849] {strides = array<i32>} : memref<1024x64xf32, #tpu.memory_space<vmem>>, vector<1x16xf32>,
        %get3A_851 = vector.shape_cast %get3A_850 : vector<1x16xf32> to vector<16xf32>
        %mul3A_852 = arith.constant 8.000000e+00 : f32
        %mul3A_853 = vector.broadcast %mul3A_852 : f32 to vector<16xf32>
        %mul3A_854 = arith.mulf %get3A_851, %mul3A_853 : vector<16xf32>
        %add3A_855 = arith.constant 1 : i32
        %add3A_856 = arith.addi %add3A_767, %add3A_855 : i32
        %swap3A_857 = arith.index_cast %add3A_856 : i32 to index
        %swap3A_858 = arith.constant 16 : index
        %swap3A_859 = tpu.vector_load %arg6[%swap3A_857, %swap3A_858] {strides = array<i32>} : memref<1024x64xf32, #tpu.memory_space<vmem>>, vector<1x16xf32>,
        %swap3A_860 = vector.shape_cast %swap3A_859 : vector<1x16xf32> to vector<16xf32>
        %swap3A_861 = vector.shape_cast %mul3A_854 : vector<16xf32> to vector<1x16xf32>
        tpu.vector_store %arg6[%swap3A_857, %swap3A_858], %swap3A_861 {strides = array<i32>} : memref<1024x64xf32, #tpu.memory_space<vmem>>, vector<1x16xf32>,
        %add3A_862 = arith.constant 1 : i32
        %add3A_863 = arith.addi %add3A_767, %add3A_862 : i32
        %get3A_864 = arith.index_cast %add3A_863 : i32 to index
        %get3A_865 = arith.constant 32 : index
        %get3A_866 = tpu.vector_load %arg6[%get3A_864, %get3A_865] {strides = array<i32>} : memref<1024x64xf32, #tpu.memory_space<vmem>>, vector<1x16xf32>,
        %get3A_867 = vector.shape_cast %get3A_866 : vector<1x16xf32> to vector<16xf32>
        %mul3A_868 = arith.constant 8.000000e+00 : f32
        %mul3A_869 = vector.broadcast %mul3A_868 : f32 to vector<16xf32>
        %mul3A_870 = arith.mulf %get3A_867, %mul3A_869 : vector<16xf32>
        %add3A_871 = arith.constant 1 : i32
        %add3A_872 = arith.addi %add3A_767, %add3A_871 : i32
        %swap3A_873 = arith.index_cast %add3A_872 : i32 to index
        %swap3A_874 = arith.constant 32 : index
        %swap3A_875 = tpu.vector_load %arg6[%swap3A_873, %swap3A_874] {strides = array<i32>} : memref<1024x64xf32, #tpu.memory_space<vmem>>, vector<1x16xf32>,
        %swap3A_876 = vector.shape_cast %swap3A_875 : vector<1x16xf32> to vector<16xf32>
        %swap3A_877 = vector.shape_cast %mul3A_870 : vector<16xf32> to vector<1x16xf32>
        tpu.vector_store %arg6[%swap3A_873, %swap3A_874], %swap3A_877 {strides = array<i32>} : memref<1024x64xf32, #tpu.memory_space<vmem>>, vector<1x16xf32>,
        %add3A_878 = arith.constant 1 : i32
        %add3A_879 = arith.addi %add3A_767, %add3A_878 : i32
        %get3A_880 = arith.index_cast %add3A_879 : i32 to index
        %get3A_881 = arith.constant 48 : index
        %get3A_882 = tpu.vector_load %arg6[%get3A_880, %get3A_881] {strides = array<i32>} : memref<1024x64xf32, #tpu.memory_space<vmem>>, vector<1x16xf32>,
        %get3A_883 = vector.shape_cast %get3A_882 : vector<1x16xf32> to vector<16xf32>
        %mul3A_884 = arith.constant 8.000000e+00 : f32
        %mul3A_885 = vector.broadcast %mul3A_884 : f32 to vector<16xf32>
        %mul3A_886 = arith.mulf %get3A_883, %mul3A_885 : vector<16xf32>
        %add3A_887 = arith.constant 1 : i32
        %add3A_888 = arith.addi %add3A_767, %add3A_887 : i32
        %swap3A_889 = arith.index_cast %add3A_888 : i32 to index
        %swap3A_890 = arith.constant 48 : index
        %swap3A_891 = tpu.vector_load %arg6[%swap3A_889, %swap3A_890] {strides = array<i32>} : memref<1024x64xf32, #tpu.memory_space<vmem>>, vector<1x16xf32>,
        %swap3A_892 = vector.shape_cast %swap3A_891 : vector<1x16xf32> to vector<16xf32>
        %swap3A_893 = vector.shape_cast %mul3A_886 : vector<16xf32> to vector<1x16xf32>
        tpu.vector_store %arg6[%swap3A_889, %swap3A_890], %swap3A_893 {strides = array<i32>} : memref<1024x64xf32, #tpu.memory_space<vmem>>, vector<1x16xf32>,
        %add3A_894 = arith.constant 2 : i32
        %add3A_895 = arith.addi %add3A_767, %add3A_894 : i32
        %get3A_896 = arith.index_cast %add3A_895 : i32 to index
        %get3A_897 = arith.constant 0 : index
        %get3A_898 = tpu.vector_load %arg6[%get3A_896, %get3A_897] {strides = array<i32>} : memref<1024x64xf32, #tpu.memory_space<vmem>>, vector<1x16xf32>,
        %get3A_899 = vector.shape_cast %get3A_898 : vector<1x16xf32> to vector<16xf32>
        %mul3A_900 = arith.constant 8.000000e+00 : f32
        %mul3A_901 = vector.broadcast %mul3A_900 : f32 to vector<16xf32>
        %mul3A_902 = arith.mulf %get3A_899, %mul3A_901 : vector<16xf32>
        %add3A_903 = arith.constant 2 : i32
        %add3A_904 = arith.addi %add3A_767, %add3A_903 : i32
        %swap3A_905 = arith.index_cast %add3A_904 : i32 to index
        %swap3A_906 = arith.constant 0 : index
        %swap3A_907 = tpu.vector_load %arg6[%swap3A_905, %swap3A_906] {strides = array<i32>} : memref<1024x64xf32, #tpu.memory_space<vmem>>, vector<1x16xf32>,
        %swap3A_908 = vector.shape_cast %swap3A_907 : vector<1x16xf32> to vector<16xf32>
        %swap3A_909 = vector.shape_cast %mul3A_902 : vector<16xf32> to vector<1x16xf32>
        tpu.vector_store %arg6[%swap3A_905, %swap3A_906], %swap3A_909 {strides = array<i32>} : memref<1024x64xf32, #tpu.memory_space<vmem>>, vector<1x16xf32>,
        %add3A_910 = arith.constant 2 : i32
        %add3A_911 = arith.addi %add3A_767, %add3A_910 : i32
        %get3A_912 = arith.index_cast %add3A_911 : i32 to index
        %get3A_913 = arith.constant 16 : index
        %get3A_914 = tpu.vector_load %arg6[%get3A_912, %get3A_913] {strides = array<i32>} : memref<1024x64xf32, #tpu.memory_space<vmem>>, vector<1x16xf32>,
        %get3A_915 = vector.shape_cast %get3A_914 : vector<1x16xf32> to vector<16xf32>
        %mul3A_916 = arith.constant 8.000000e+00 : f32
        %mul3A_917 = vector.broadcast %mul3A_916 : f32 to vector<16xf32>
        %mul3A_918 = arith.mulf %get3A_915, %mul3A_917 : vector<16xf32>
        %add3A_919 = arith.constant 2 : i32
        %add3A_920 = arith.addi %add3A_767, %add3A_919 : i32
        %swap3A_921 = arith.index_cast %add3A_920 : i32 to index
        %swap3A_922 = arith.constant 16 : index
        %swap3A_923 = tpu.vector_load %arg6[%swap3A_921, %swap3A_922] {strides = array<i32>} : memref<1024x64xf32, #tpu.memory_space<vmem>>, vector<1x16xf32>,
        %swap3A_924 = vector.shape_cast %swap3A_923 : vector<1x16xf32> to vector<16xf32>
        %swap3A_925 = vector.shape_cast %mul3A_918 : vector<16xf32> to vector<1x16xf32>
        tpu.vector_store %arg6[%swap3A_921, %swap3A_922], %swap3A_925 {strides = array<i32>} : memref<1024x64xf32, #tpu.memory_space<vmem>>, vector<1x16xf32>,
        %add3A_926 = arith.constant 2 : i32
        %add3A_927 = arith.addi %add3A_767, %add3A_926 : i32
        %get3A_928 = arith.index_cast %add3A_927 : i32 to index
        %get3A_929 = arith.constant 32 : index
        %get3A_930 = tpu.vector_load %arg6[%get3A_928, %get3A_929] {strides = array<i32>} : memref<1024x64xf32, #tpu.memory_space<vmem>>, vector<1x16xf32>,
        %get3A_931 = vector.shape_cast %get3A_930 : vector<1x16xf32> to vector<16xf32>
        %mul3A_932 = arith.constant 8.000000e+00 : f32
        %mul3A_933 = vector.broadcast %mul3A_932 : f32 to vector<16xf32>
        %mul3A_934 = arith.mulf %get3A_931, %mul3A_933 : vector<16xf32>
        %add3A_935 = arith.constant 2 : i32
        %add3A_936 = arith.addi %add3A_767, %add3A_935 : i32
        %swap3A_937 = arith.index_cast %add3A_936 : i32 to index
        %swap3A_938 = arith.constant 32 : index
        %swap3A_939 = tpu.vector_load %arg6[%swap3A_937, %swap3A_938] {strides = array<i32>} : memref<1024x64xf32, #tpu.memory_space<vmem>>, vector<1x16xf32>,
        %swap3A_940 = vector.shape_cast %swap3A_939 : vector<1x16xf32> to vector<16xf32>
        %swap3A_941 = vector.shape_cast %mul3A_934 : vector<16xf32> to vector<1x16xf32>
        tpu.vector_store %arg6[%swap3A_937, %swap3A_938], %swap3A_941 {strides = array<i32>} : memref<1024x64xf32, #tpu.memory_space<vmem>>, vector<1x16xf32>,
        %add3A_942 = arith.constant 2 : i32
        %add3A_943 = arith.addi %add3A_767, %add3A_942 : i32
        %get3A_944 = arith.index_cast %add3A_943 : i32 to index
        %get3A_945 = arith.constant 48 : index
        %get3A_946 = tpu.vector_load %arg6[%get3A_944, %get3A_945] {strides = array<i32>} : memref<1024x64xf32, #tpu.memory_space<vmem>>, vector<1x16xf32>,
        %get3A_947 = vector.shape_cast %get3A_946 : vector<1x16xf32> to vector<16xf32>
        %mul3A_948 = arith.constant 8.000000e+00 : f32
        %mul3A_949 = vector.broadcast %mul3A_948 : f32 to vector<16xf32>
        %mul3A_950 = arith.mulf %get3A_947, %mul3A_949 : vector<16xf32>
        %add3A_951 = arith.constant 2 : i32
        %add3A_952 = arith.addi %add3A_767, %add3A_951 : i32
        %swap3A_953 = arith.index_cast %add3A_952 : i32 to index
        %swap3A_954 = arith.constant 48 : index
        %swap3A_955 = tpu.vector_load %arg6[%swap3A_953, %swap3A_954] {strides = array<i32>} : memref<1024x64xf32, #tpu.memory_space<vmem>>, vector<1x16xf32>,
        %swap3A_956 = vector.shape_cast %swap3A_955 : vector<1x16xf32> to vector<16xf32>
        %swap3A_957 = vector.shape_cast %mul3A_950 : vector<16xf32> to vector<1x16xf32>
        tpu.vector_store %arg6[%swap3A_953, %swap3A_954], %swap3A_957 {strides = array<i32>} : memref<1024x64xf32, #tpu.memory_space<vmem>>, vector<1x16xf32>,
        %add3A_958 = arith.constant 3 : i32
        %add3A_959 = arith.addi %add3A_767, %add3A_958 : i32
        %get3A_960 = arith.index_cast %add3A_959 : i32 to index
        %get3A_961 = arith.constant 0 : index
        %get3A_962 = tpu.vector_load %arg6[%get3A_960, %get3A_961] {strides = array<i32>} : memref<1024x64xf32, #tpu.memory_space<vmem>>, vector<1x16xf32>,
        %get3A_963 = vector.shape_cast %get3A_962 : vector<1x16xf32> to vector<16xf32>
        %mul3A_964 = arith.constant 8.000000e+00 : f32
        %mul3A_965 = vector.broadcast %mul3A_964 : f32 to vector<16xf32>
        %mul3A_966 = arith.mulf %get3A_963, %mul3A_965 : vector<16xf32>
        %add3A_967 = arith.constant 3 : i32
        %add3A_968 = arith.addi %add3A_767, %add3A_967 : i32
        %swap3A_969 = arith.index_cast %add3A_968 : i32 to index
        %swap3A_970 = arith.constant 0 : index
        %swap3A_971 = tpu.vector_load %arg6[%swap3A_969, %swap3A_970] {strides = array<i32>} : memref<1024x64xf32, #tpu.memory_space<vmem>>, vector<1x16xf32>,
        %swap3A_972 = vector.shape_cast %swap3A_971 : vector<1x16xf32> to vector<16xf32>
        %swap3A_973 = vector.shape_cast %mul3A_966 : vector<16xf32> to vector<1x16xf32>
        tpu.vector_store %arg6[%swap3A_969, %swap3A_970], %swap3A_973 {strides = array<i32>} : memref<1024x64xf32, #tpu.memory_space<vmem>>, vector<1x16xf32>,
        %add3A_974 = arith.constant 3 : i32
        %add3A_975 = arith.addi %add3A_767, %add3A_974 : i32
        %get3A_976 = arith.index_cast %add3A_975 : i32 to index
        %get3A_977 = arith.constant 16 : index
        %get3A_978 = tpu.vector_load %arg6[%get3A_976, %get3A_977] {strides = array<i32>} : memref<1024x64xf32, #tpu.memory_space<vmem>>, vector<1x16xf32>,
        %get3A_979 = vector.shape_cast %get3A_978 : vector<1x16xf32> to vector<16xf32>
        %mul3A_980 = arith.constant 8.000000e+00 : f32
        %mul3A_981 = vector.broadcast %mul3A_980 : f32 to vector<16xf32>
        %mul3A_982 = arith.mulf %get3A_979, %mul3A_981 : vector<16xf32>
        %add3A_983 = arith.constant 3 : i32
        %add3A_984 = arith.addi %add3A_767, %add3A_983 : i32
        %swap3A_985 = arith.index_cast %add3A_984 : i32 to index
        %swap3A_986 = arith.constant 16 : index
        %swap3A_987 = tpu.vector_load %arg6[%swap3A_985, %swap3A_986] {strides = array<i32>} : memref<1024x64xf32, #tpu.memory_space<vmem>>, vector<1x16xf32>,
        %swap3A_988 = vector.shape_cast %swap3A_987 : vector<1x16xf32> to vector<16xf32>
        %swap3A_989 = vector.shape_cast %mul3A_982 : vector<16xf32> to vector<1x16xf32>
        tpu.vector_store %arg6[%swap3A_985, %swap3A_986], %swap3A_989 {strides = array<i32>} : memref<1024x64xf32, #tpu.memory_space<vmem>>, vector<1x16xf32>,
        %add3A_990 = arith.constant 3 : i32
        %add3A_991 = arith.addi %add3A_767, %add3A_990 : i32
        %get3A_992 = arith.index_cast %add3A_991 : i32 to index
        %get3A_993 = arith.constant 32 : index
        %get3A_994 = tpu.vector_load %arg6[%get3A_992, %get3A_993] {strides = array<i32>} : memref<1024x64xf32, #tpu.memory_space<vmem>>, vector<1x16xf32>,
        %get3A_995 = vector.shape_cast %get3A_994 : vector<1x16xf32> to vector<16xf32>
        %mul3A_996 = arith.constant 8.000000e+00 : f32
        %mul3A_997 = vector.broadcast %mul3A_996 : f32 to vector<16xf32>
        %mul3A_998 = arith.mulf %get3A_995, %mul3A_997 : vector<16xf32>
        %add3A_999 = arith.constant 3 : i32
        %add3A_1000 = arith.addi %add3A_767, %add3A_999 : i32
        %swap3A_1001 = arith.index_cast %add3A_1000 : i32 to index
        %swap3A_1002 = arith.constant 32 : index
        %swap3A_1003 = tpu.vector_load %arg6[%swap3A_1001, %swap3A_1002] {strides = array<i32>} : memref<1024x64xf32, #tpu.memory_space<vmem>>, vector<1x16xf32>,
        %swap3A_1004 = vector.shape_cast %swap3A_1003 : vector<1x16xf32> to vector<16xf32>
        %swap3A_1005 = vector.shape_cast %mul3A_998 : vector<16xf32> to vector<1x16xf32>
        tpu.vector_store %arg6[%swap3A_1001, %swap3A_1002], %swap3A_1005 {strides = array<i32>} : memref<1024x64xf32, #tpu.memory_space<vmem>>, vector<1x16xf32>,
        %add3A_1006 = arith.constant 3 : i32
        %add3A_1007 = arith.addi %add3A_767, %add3A_1006 : i32
        %get3A_1008 = arith.index_cast %add3A_1007 : i32 to index
        %get3A_1009 = arith.constant 48 : index
        %get3A_1010 = tpu.vector_load %arg6[%get3A_1008, %get3A_1009] {strides = array<i32>} : memref<1024x64xf32, #tpu.memory_space<vmem>>, vector<1x16xf32>,
        %get3A_1011 = vector.shape_cast %get3A_1010 : vector<1x16xf32> to vector<16xf32>
        %mul3A_1012 = arith.constant 8.000000e+00 : f32
        %mul3A_1013 = vector.broadcast %mul3A_1012 : f32 to vector<16xf32>
        %mul3A_1014 = arith.mulf %get3A_1011, %mul3A_1013 : vector<16xf32>
        %add3A_1015 = arith.constant 3 : i32
        %add3A_1016 = arith.addi %add3A_767, %add3A_1015 : i32
        %swap3A_1017 = arith.index_cast %add3A_1016 : i32 to index
        %swap3A_1018 = arith.constant 48 : index
        %swap3A_1019 = tpu.vector_load %arg6[%swap3A_1017, %swap3A_1018] {strides = array<i32>} : memref<1024x64xf32, #tpu.memory_space<vmem>>, vector<1x16xf32>,
        %swap3A_1020 = vector.shape_cast %swap3A_1019 : vector<1x16xf32> to vector<16xf32>
        %swap3A_1021 = vector.shape_cast %mul3A_1014 : vector<16xf32> to vector<1x16xf32>
        tpu.vector_store %arg6[%swap3A_1017, %swap3A_1018], %swap3A_1021 {strides = array<i32>} : memref<1024x64xf32, #tpu.memory_space<vmem>>, vector<1x16xf32>,
      }
      %scan3A_546 = arith.constant 64 : i32
      %mul3A_547 = arith.constant 256 : i32
      %mul3A_548 = arith.muli %add3A_464, %mul3A_547 : i32
      %add3A_549 = arith.addi %mul3A_2, %mul3A_548 : i32
      %dma_start3A_550 = arith.constant 3 : i32
      %dma_start3A_551 = arith.constant 768 : i32
      %dma_start3A_552 = arith.constant 0 : i32
      %dma_start3A_553 = tpu.memref_slice %arg6[%dma_start3A_551, %dma_start3A_552] : memref<1024x64xf32, #tpu.memory_space<vmem>> -> memref<256x64xf32, #tpu.memory_space<vmem>>
      %dma_start3A_554 = arith.constant 0 : i32
      %dma_start3A_555 = tpu.memref_slice %arg4[%add3A_549, %dma_start3A_554] : memref<819200x64xf32, #tpu.memory_space<hbm>> -> memref<256x64xf32, #tpu.memory_space<hbm>>
      %dma_start3A_556 = tpu.memref_slice %arg8[%dma_start3A_550] : memref<4x!tpu.dma_semaphore, #tpu.memory_space<semaphore_mem>> -> memref<1x!tpu.dma_semaphore, #tpu.memory_space<semaphore_mem>>
      %dma_start3A_557 = tpu.memref_squeeze %dma_start3A_556 : memref<1x!tpu.dma_semaphore, #tpu.memory_space<semaphore_mem>> -> memref<!tpu.dma_semaphore, #tpu.memory_space<semaphore_mem>>
      %dma_start3A_558 = arith.constant 0 : i32
      %dma_start3A_559 = tpu.memref_slice %arg4[%add3A_549, %dma_start3A_558] : memref<819200x64xf32, #tpu.memory_space<hbm>> -> memref<256x64xf32, #tpu.memory_space<hbm>>
      %dma_start3A_560 = arith.constant 768 : i32
      %dma_start3A_561 = arith.constant 0 : i32
      %dma_start3A_562 = tpu.memref_slice %arg6[%dma_start3A_560, %dma_start3A_561] : memref<1024x64xf32, #tpu.memory_space<vmem>> -> memref<256x64xf32, #tpu.memory_space<vmem>>
      tpu.enqueue_dma source(%dma_start3A_562 : memref<256x64xf32, #tpu.memory_space<vmem>>) target(%dma_start3A_559 : memref<256x64xf32, #tpu.memory_space<hbm>>) target_semaphore(%dma_start3A_557 : memref<!tpu.dma_semaphore, #tpu.memory_space<semaphore_mem>>)
      %add3A_563 = arith.constant 2 : i32
      %add3A_564 = arith.addi %add3A_362, %add3A_563 : i32
      %mul3A_565 = arith.constant 256 : i32
      %mul3A_566 = arith.muli %add3A_564, %mul3A_565 : i32
      %add3A_567 = arith.addi %mul3A_2, %mul3A_566 : i32
      %dma_wait3A_568 = arith.constant 2 : i32
      %dma_wait3A_569 = arith.constant 512 : i32
      %dma_wait3A_570 = arith.constant 0 : i32
      %dma_wait3A_571 = tpu.memref_slice %arg6[%dma_wait3A_569, %dma_wait3A_570] : memref<1024x64xf32, #tpu.memory_space<vmem>> -> memref<256x64xf32, #tpu.memory_space<vmem>>
      %dma_wait3A_572 = arith.constant 0 : i32
      %dma_wait3A_573 = tpu.memref_slice %arg4[%add3A_567, %dma_wait3A_572] : memref<819200x64xf32, #tpu.memory_space<hbm>> -> memref<256x64xf32, #tpu.memory_space<hbm>>
      %dma_wait3A_574 = tpu.memref_slice %arg8[%dma_wait3A_568] : memref<4x!tpu.dma_semaphore, #tpu.memory_space<semaphore_mem>> -> memref<1x!tpu.dma_semaphore, #tpu.memory_space<semaphore_mem>>
      %dma_wait3A_575 = tpu.memref_squeeze %dma_wait3A_574 : memref<1x!tpu.dma_semaphore, #tpu.memory_space<semaphore_mem>> -> memref<!tpu.dma_semaphore, #tpu.memory_space<semaphore_mem>>
      %dma_wait3A_576 = arith.constant 0 : i32
      %dma_wait3A_577 = tpu.memref_slice %arg4[%add3A_567, %dma_wait3A_576] : memref<819200x64xf32, #tpu.memory_space<hbm>> -> memref<256x64xf32, #tpu.memory_space<hbm>>
      %dma_wait3A_578 = arith.constant 512 : i32
      %dma_wait3A_579 = arith.constant 0 : i32
      %dma_wait3A_580 = tpu.memref_slice %arg6[%dma_wait3A_578, %dma_wait3A_579] : memref<1024x64xf32, #tpu.memory_space<vmem>> -> memref<256x64xf32, #tpu.memory_space<vmem>>
      tpu.wait_dma2 semaphore(%dma_wait3A_575 : memref<!tpu.dma_semaphore, #tpu.memory_space<semaphore_mem>>) src(%dma_wait3A_580 : memref<256x64xf32, #tpu.memory_space<vmem>>) dst(%dma_wait3A_577 : memref<256x64xf32, #tpu.memory_space<hbm>>)
      %add3A_581 = arith.constant 2 : i32
      %add3A_582 = arith.addi %add3A_564, %add3A_581 : i32
      %mul3A_583 = arith.constant 2 : i32
      %mul3A_584 = arith.muli %mul3A_583, %add3A_582 : i32
      %add3A_585 = arith.constant 0 : i32
      %add3A_586 = arith.addi %mul3A_584, %add3A_585 : i32
      %dma_start3A_587 = arith.constant 2 : i32
      %dma_start3A_588 = arith.constant 512 : i32
      %dma_start3A_589 = arith.constant 0 : i32
      %dma_start3A_590 = tpu.memref_slice %arg6[%dma_start3A_588, %dma_start3A_589] : memref<1024x64xf32, #tpu.memory_space<vmem>> -> memref<128x64xf32, #tpu.memory_space<vmem>>
      %dma_start3A_591 = arith.constant 0 : i32
      %dma_start3A_592 = tpu.memref_slice %arg5[%add3A_586, %dma_start3A_591] : memref<200x128xi32, #tpu.memory_space<vmem>> -> memref<1x128xi32, #tpu.memory_space<vmem>>
      %dma_start3A_593 = tpu.memref_squeeze %dma_start3A_592 : memref<1x128xi32, #tpu.memory_space<vmem>> -> memref<128xi32, #tpu.memory_space<vmem>>
      %dma_start3A_594 = arith.constant 0 : i32
      %dma_start3A_595 = arith.constant 0 : i32
      %dma_start3A_596 = tpu.memref_slice %arg3[%dma_start3A_594, %dma_start3A_595] : memref<1000000x64xf32, #tpu.memory_space<hbm>> -> memref<1000000x64xf32, #tpu.memory_space<hbm>>
      %dma_start3A_597 = tpu.memref_slice %arg7[%dma_start3A_587] : memref<4x!tpu.dma_semaphore, #tpu.memory_space<semaphore_mem>> -> memref<1x!tpu.dma_semaphore, #tpu.memory_space<semaphore_mem>>
      %dma_start3A_598 = tpu.memref_squeeze %dma_start3A_597 : memref<1x!tpu.dma_semaphore, #tpu.memory_space<semaphore_mem>> -> memref<!tpu.dma_semaphore, #tpu.memory_space<semaphore_mem>>
      tpu.enqueue_indirect_dma source(%dma_start3A_596 : memref<1000000x64xf32, #tpu.memory_space<hbm>>) target(%dma_start3A_590 : memref<128x64xf32, #tpu.memory_space<vmem>>) offsets(%dma_start3A_593 : memref<128xi32, #tpu.memory_space<vmem>>) semaphore(%dma_start3A_598 : memref<!tpu.dma_semaphore, #tpu.memory_space<semaphore_mem>>)
      %mul3A_599 = arith.constant 2 : i32
      %mul3A_600 = arith.muli %mul3A_599, %add3A_582 : i32
      %add3A_601 = arith.constant 1 : i32
      %add3A_602 = arith.addi %mul3A_600, %add3A_601 : i32
      %dma_start3A_603 = arith.constant 2 : i32
      %dma_start3A_604 = arith.constant 640 : i32
      %dma_start3A_605 = arith.constant 0 : i32
      %dma_start3A_606 = tpu.memref_slice %arg6[%dma_start3A_604, %dma_start3A_605] : memref<1024x64xf32, #tpu.memory_space<vmem>> -> memref<128x64xf32, #tpu.memory_space<vmem>>
      %dma_start3A_607 = arith.constant 0 : i32
      %dma_start3A_608 = tpu.memref_slice %arg5[%add3A_602, %dma_start3A_607] : memref<200x128xi32, #tpu.memory_space<vmem>> -> memref<1x128xi32, #tpu.memory_space<vmem>>
      %dma_start3A_609 = tpu.memref_squeeze %dma_start3A_608 : memref<1x128xi32, #tpu.memory_space<vmem>> -> memref<128xi32, #tpu.memory_space<vmem>>
      %dma_start3A_610 = arith.constant 0 : i32
      %dma_start3A_611 = arith.constant 0 : i32
      %dma_start3A_612 = tpu.memref_slice %arg3[%dma_start3A_610, %dma_start3A_611] : memref<1000000x64xf32, #tpu.memory_space<hbm>> -> memref<1000000x64xf32, #tpu.memory_space<hbm>>
      %dma_start3A_613 = tpu.memref_slice %arg7[%dma_start3A_603] : memref<4x!tpu.dma_semaphore, #tpu.memory_space<semaphore_mem>> -> memref<1x!tpu.dma_semaphore, #tpu.memory_space<semaphore_mem>>
      %dma_start3A_614 = tpu.memref_squeeze %dma_start3A_613 : memref<1x!tpu.dma_semaphore, #tpu.memory_space<semaphore_mem>> -> memref<!tpu.dma_semaphore, #tpu.memory_space<semaphore_mem>>
      tpu.enqueue_indirect_dma source(%dma_start3A_612 : memref<1000000x64xf32, #tpu.memory_space<hbm>>) target(%dma_start3A_606 : memref<128x64xf32, #tpu.memory_space<vmem>>) offsets(%dma_start3A_609 : memref<128xi32, #tpu.memory_space<vmem>>) semaphore(%dma_start3A_614 : memref<!tpu.dma_semaphore, #tpu.memory_space<semaphore_mem>>)
      %dma_wait3A_615 = arith.constant 0 : i32
      %dma_wait3A_616 = arith.constant 0 : i32
      %dma_wait3A_617 = arith.constant 0 : i32
      %dma_wait3A_618 = arith.constant 0 : i32
      %dma_wait3A_619 = tpu.memref_slice %arg6[%dma_wait3A_617, %dma_wait3A_618] : memref<1024x64xf32, #tpu.memory_space<vmem>> -> memref<128x64xf32, #tpu.memory_space<vmem>>
      %dma_wait3A_620 = arith.constant 0 : i32
      %dma_wait3A_621 = tpu.memref_slice %arg5[%dma_wait3A_615, %dma_wait3A_620] : memref<200x128xi32, #tpu.memory_space<vmem>> -> memref<1x128xi32, #tpu.memory_space<vmem>>
      %dma_wait3A_622 = tpu.memref_squeeze %dma_wait3A_621 : memref<1x128xi32, #tpu.memory_space<vmem>> -> memref<128xi32, #tpu.memory_space<vmem>>
      %dma_wait3A_623 = arith.constant 0 : i32
      %dma_wait3A_624 = arith.constant 0 : i32
      %dma_wait3A_625 = tpu.memref_slice %arg3[%dma_wait3A_623, %dma_wait3A_624] : memref<1000000x64xf32, #tpu.memory_space<hbm>> -> memref<1000000x64xf32, #tpu.memory_space<hbm>>
      %dma_wait3A_626 = tpu.memref_slice %arg7[%dma_wait3A_616] : memref<4x!tpu.dma_semaphore, #tpu.memory_space<semaphore_mem>> -> memref<1x!tpu.dma_semaphore, #tpu.memory_space<semaphore_mem>>
      %dma_wait3A_627 = tpu.memref_squeeze %dma_wait3A_626 : memref<1x!tpu.dma_semaphore, #tpu.memory_space<semaphore_mem>> -> memref<!tpu.dma_semaphore, #tpu.memory_space<semaphore_mem>>
      tpu.wait_indirect_dma semaphore(%dma_wait3A_627 : memref<!tpu.dma_semaphore, #tpu.memory_space<semaphore_mem>>) src(%dma_wait3A_625 : memref<1000000x64xf32, #tpu.memory_space<hbm>>) dst(%dma_wait3A_619 : memref<128x64xf32, #tpu.memory_space<vmem>>)
      %dma_wait3A_628 = arith.constant 1 : i32
      %dma_wait3A_629 = arith.constant 0 : i32
      %dma_wait3A_630 = arith.constant 128 : i32
      %dma_wait3A_631 = arith.constant 0 : i32
      %dma_wait3A_632 = tpu.memref_slice %arg6[%dma_wait3A_630, %dma_wait3A_631] : memref<1024x64xf32, #tpu.memory_space<vmem>> -> memref<128x64xf32, #tpu.memory_space<vmem>>
      %dma_wait3A_633 = arith.constant 0 : i32
      %dma_wait3A_634 = tpu.memref_slice %arg5[%dma_wait3A_628, %dma_wait3A_633] : memref<200x128xi32, #tpu.memory_space<vmem>> -> memref<1x128xi32, #tpu.memory_space<vmem>>
      %dma_wait3A_635 = tpu.memref_squeeze %dma_wait3A_634 : memref<1x128xi32, #tpu.memory_space<vmem>> -> memref<128xi32, #tpu.memory_space<vmem>>
      %dma_wait3A_636 = arith.constant 0 : i32
      %dma_wait3A_637 = arith.constant 0 : i32
      %dma_wait3A_638 = tpu.memref_slice %arg3[%dma_wait3A_636, %dma_wait3A_637] : memref<1000000x64xf32, #tpu.memory_space<hbm>> -> memref<1000000x64xf32, #tpu.memory_space<hbm>>
      %dma_wait3A_639 = tpu.memref_slice %arg7[%dma_wait3A_629] : memref<4x!tpu.dma_semaphore, #tpu.memory_space<semaphore_mem>> -> memref<1x!tpu.dma_semaphore, #tpu.memory_space<semaphore_mem>>
      %dma_wait3A_640 = tpu.memref_squeeze %dma_wait3A_639 : memref<1x!tpu.dma_semaphore, #tpu.memory_space<semaphore_mem>> -> memref<!tpu.dma_semaphore, #tpu.memory_space<semaphore_mem>>
      tpu.wait_indirect_dma semaphore(%dma_wait3A_640 : memref<!tpu.dma_semaphore, #tpu.memory_space<semaphore_mem>>) src(%dma_wait3A_638 : memref<1000000x64xf32, #tpu.memory_space<hbm>>) dst(%dma_wait3A_632 : memref<128x64xf32, #tpu.memory_space<vmem>>)
      %scan3A_641 = arith.constant 0 : i32
      %scan3A_642 = arith.constant 0 : i32
      %scan3A_643 = arith.constant 64 : i32
      %scan3A_644 = arith.addi %scan3A_642, %scan3A_643 : i32
      %scan3A_645 = arith.constant 1 : i32
      scf.for %scan3A_763 = %scan3A_642 to %scan3A_644 step %scan3A_645  : i32 {
        %mul3A_764 = arith.constant 4 : i32
        %mul3A_765 = arith.muli %scan3A_763, %mul3A_764 : i32
        %add3A_766 = arith.constant 0 : i32
        %add3A_767 = arith.addi %add3A_766, %mul3A_765 : i32
        %add3A_768 = arith.constant 0 : i32
        %add3A_769 = arith.addi %add3A_767, %add3A_768 : i32
        %get3A = arith.index_cast %add3A_769 : i32 to index
        %get3A_770 = arith.constant 0 : index
        %get3A_771 = tpu.vector_load %arg6[%get3A, %get3A_770] {strides = array<i32>} : memref<1024x64xf32, #tpu.memory_space<vmem>>, vector<1x16xf32>,
        %get3A_772 = vector.shape_cast %get3A_771 : vector<1x16xf32> to vector<16xf32>
        %mul3A_773 = arith.constant 8.000000e+00 : f32
        %mul3A_774 = vector.broadcast %mul3A_773 : f32 to vector<16xf32>
        %mul3A_775 = arith.mulf %get3A_772, %mul3A_774 : vector<16xf32>
        %add3A_776 = arith.constant 0 : i32
        %add3A_777 = arith.addi %add3A_767, %add3A_776 : i32
        %swap3A = arith.index_cast %add3A_777 : i32 to index
        %swap3A_778 = arith.constant 0 : index
        %swap3A_779 = tpu.vector_load %arg6[%swap3A, %swap3A_778] {strides = array<i32>} : memref<1024x64xf32, #tpu.memory_space<vmem>>, vector<1x16xf32>,
        %swap3A_780 = vector.shape_cast %swap3A_779 : vector<1x16xf32> to vector<16xf32>
        %swap3A_781 = vector.shape_cast %mul3A_775 : vector<16xf32> to vector<1x16xf32>
        tpu.vector_store %arg6[%swap3A, %swap3A_778], %swap3A_781 {strides = array<i32>} : memref<1024x64xf32, #tpu.memory_space<vmem>>, vector<1x16xf32>,
        %add3A_782 = arith.constant 0 : i32
        %add3A_783 = arith.addi %add3A_767, %add3A_782 : i32
        %get3A_784 = arith.index_cast %add3A_783 : i32 to index
        %get3A_785 = arith.constant 16 : index
        %get3A_786 = tpu.vector_load %arg6[%get3A_784, %get3A_785] {strides = array<i32>} : memref<1024x64xf32, #tpu.memory_space<vmem>>, vector<1x16xf32>,
        %get3A_787 = vector.shape_cast %get3A_786 : vector<1x16xf32> to vector<16xf32>
        %mul3A_788 = arith.constant 8.000000e+00 : f32
        %mul3A_789 = vector.broadcast %mul3A_788 : f32 to vector<16xf32>
        %mul3A_790 = arith.mulf %get3A_787, %mul3A_789 : vector<16xf32>
        %add3A_791 = arith.constant 0 : i32
        %add3A_792 = arith.addi %add3A_767, %add3A_791 : i32
        %swap3A_793 = arith.index_cast %add3A_792 : i32 to index
        %swap3A_794 = arith.constant 16 : index
        %swap3A_795 = tpu.vector_load %arg6[%swap3A_793, %swap3A_794] {strides = array<i32>} : memref<1024x64xf32, #tpu.memory_space<vmem>>, vector<1x16xf32>,
        %swap3A_796 = vector.shape_cast %swap3A_795 : vector<1x16xf32> to vector<16xf32>
        %swap3A_797 = vector.shape_cast %mul3A_790 : vector<16xf32> to vector<1x16xf32>
        tpu.vector_store %arg6[%swap3A_793, %swap3A_794], %swap3A_797 {strides = array<i32>} : memref<1024x64xf32, #tpu.memory_space<vmem>>, vector<1x16xf32>,
        %add3A_798 = arith.constant 0 : i32
        %add3A_799 = arith.addi %add3A_767, %add3A_798 : i32
        %get3A_800 = arith.index_cast %add3A_799 : i32 to index
        %get3A_801 = arith.constant 32 : index
        %get3A_802 = tpu.vector_load %arg6[%get3A_800, %get3A_801] {strides = array<i32>} : memref<1024x64xf32, #tpu.memory_space<vmem>>, vector<1x16xf32>,
        %get3A_803 = vector.shape_cast %get3A_802 : vector<1x16xf32> to vector<16xf32>
        %mul3A_804 = arith.constant 8.000000e+00 : f32
        %mul3A_805 = vector.broadcast %mul3A_804 : f32 to vector<16xf32>
        %mul3A_806 = arith.mulf %get3A_803, %mul3A_805 : vector<16xf32>
        %add3A_807 = arith.constant 0 : i32
        %add3A_808 = arith.addi %add3A_767, %add3A_807 : i32
        %swap3A_809 = arith.index_cast %add3A_808 : i32 to index
        %swap3A_810 = arith.constant 32 : index
        %swap3A_811 = tpu.vector_load %arg6[%swap3A_809, %swap3A_810] {strides = array<i32>} : memref<1024x64xf32, #tpu.memory_space<vmem>>, vector<1x16xf32>,
        %swap3A_812 = vector.shape_cast %swap3A_811 : vector<1x16xf32> to vector<16xf32>
        %swap3A_813 = vector.shape_cast %mul3A_806 : vector<16xf32> to vector<1x16xf32>
        tpu.vector_store %arg6[%swap3A_809, %swap3A_810], %swap3A_813 {strides = array<i32>} : memref<1024x64xf32, #tpu.memory_space<vmem>>, vector<1x16xf32>,
        %add3A_814 = arith.constant 0 : i32
        %add3A_815 = arith.addi %add3A_767, %add3A_814 : i32
        %get3A_816 = arith.index_cast %add3A_815 : i32 to index
        %get3A_817 = arith.constant 48 : index
        %get3A_818 = tpu.vector_load %arg6[%get3A_816, %get3A_817] {strides = array<i32>} : memref<1024x64xf32, #tpu.memory_space<vmem>>, vector<1x16xf32>,
        %get3A_819 = vector.shape_cast %get3A_818 : vector<1x16xf32> to vector<16xf32>
        %mul3A_820 = arith.constant 8.000000e+00 : f32
        %mul3A_821 = vector.broadcast %mul3A_820 : f32 to vector<16xf32>
        %mul3A_822 = arith.mulf %get3A_819, %mul3A_821 : vector<16xf32>
        %add3A_823 = arith.constant 0 : i32
        %add3A_824 = arith.addi %add3A_767, %add3A_823 : i32
        %swap3A_825 = arith.index_cast %add3A_824 : i32 to index
        %swap3A_826 = arith.constant 48 : index
        %swap3A_827 = tpu.vector_load %arg6[%swap3A_825, %swap3A_826] {strides = array<i32>} : memref<1024x64xf32, #tpu.memory_space<vmem>>, vector<1x16xf32>,
        %swap3A_828 = vector.shape_cast %swap3A_827 : vector<1x16xf32> to vector<16xf32>
        %swap3A_829 = vector.shape_cast %mul3A_822 : vector<16xf32> to vector<1x16xf32>
        tpu.vector_store %arg6[%swap3A_825, %swap3A_826], %swap3A_829 {strides = array<i32>} : memref<1024x64xf32, #tpu.memory_space<vmem>>, vector<1x16xf32>,
        %add3A_830 = arith.constant 1 : i32
        %add3A_831 = arith.addi %add3A_767, %add3A_830 : i32
        %get3A_832 = arith.index_cast %add3A_831 : i32 to index
        %get3A_833 = arith.constant 0 : index
        %get3A_834 = tpu.vector_load %arg6[%get3A_832, %get3A_833] {strides = array<i32>} : memref<1024x64xf32, #tpu.memory_space<vmem>>, vector<1x16xf32>,
        %get3A_835 = vector.shape_cast %get3A_834 : vector<1x16xf32> to vector<16xf32>
        %mul3A_836 = arith.constant 8.000000e+00 : f32
        %mul3A_837 = vector.broadcast %mul3A_836 : f32 to vector<16xf32>
        %mul3A_838 = arith.mulf %get3A_835, %mul3A_837 : vector<16xf32>
        %add3A_839 = arith.constant 1 : i32
        %add3A_840 = arith.addi %add3A_767, %add3A_839 : i32
        %swap3A_841 = arith.index_cast %add3A_840 : i32 to index
        %swap3A_842 = arith.constant 0 : index
        %swap3A_843 = tpu.vector_load %arg6[%swap3A_841, %swap3A_842] {strides = array<i32>} : memref<1024x64xf32, #tpu.memory_space<vmem>>, vector<1x16xf32>,
        %swap3A_844 = vector.shape_cast %swap3A_843 : vector<1x16xf32> to vector<16xf32>
        %swap3A_845 = vector.shape_cast %mul3A_838 : vector<16xf32> to vector<1x16xf32>
        tpu.vector_store %arg6[%swap3A_841, %swap3A_842], %swap3A_845 {strides = array<i32>} : memref<1024x64xf32, #tpu.memory_space<vmem>>, vector<1x16xf32>,
        %add3A_846 = arith.constant 1 : i32
        %add3A_847 = arith.addi %add3A_767, %add3A_846 : i32
        %get3A_848 = arith.index_cast %add3A_847 : i32 to index
        %get3A_849 = arith.constant 16 : index
        %get3A_850 = tpu.vector_load %arg6[%get3A_848, %get3A_849] {strides = array<i32>} : memref<1024x64xf32, #tpu.memory_space<vmem>>, vector<1x16xf32>,
        %get3A_851 = vector.shape_cast %get3A_850 : vector<1x16xf32> to vector<16xf32>
        %mul3A_852 = arith.constant 8.000000e+00 : f32
        %mul3A_853 = vector.broadcast %mul3A_852 : f32 to vector<16xf32>
        %mul3A_854 = arith.mulf %get3A_851, %mul3A_853 : vector<16xf32>
        %add3A_855 = arith.constant 1 : i32
        %add3A_856 = arith.addi %add3A_767, %add3A_855 : i32
        %swap3A_857 = arith.index_cast %add3A_856 : i32 to index
        %swap3A_858 = arith.constant 16 : index
        %swap3A_859 = tpu.vector_load %arg6[%swap3A_857, %swap3A_858] {strides = array<i32>} : memref<1024x64xf32, #tpu.memory_space<vmem>>, vector<1x16xf32>,
        %swap3A_860 = vector.shape_cast %swap3A_859 : vector<1x16xf32> to vector<16xf32>
        %swap3A_861 = vector.shape_cast %mul3A_854 : vector<16xf32> to vector<1x16xf32>
        tpu.vector_store %arg6[%swap3A_857, %swap3A_858], %swap3A_861 {strides = array<i32>} : memref<1024x64xf32, #tpu.memory_space<vmem>>, vector<1x16xf32>,
        %add3A_862 = arith.constant 1 : i32
        %add3A_863 = arith.addi %add3A_767, %add3A_862 : i32
        %get3A_864 = arith.index_cast %add3A_863 : i32 to index
        %get3A_865 = arith.constant 32 : index
        %get3A_866 = tpu.vector_load %arg6[%get3A_864, %get3A_865] {strides = array<i32>} : memref<1024x64xf32, #tpu.memory_space<vmem>>, vector<1x16xf32>,
        %get3A_867 = vector.shape_cast %get3A_866 : vector<1x16xf32> to vector<16xf32>
        %mul3A_868 = arith.constant 8.000000e+00 : f32
        %mul3A_869 = vector.broadcast %mul3A_868 : f32 to vector<16xf32>
        %mul3A_870 = arith.mulf %get3A_867, %mul3A_869 : vector<16xf32>
        %add3A_871 = arith.constant 1 : i32
        %add3A_872 = arith.addi %add3A_767, %add3A_871 : i32
        %swap3A_873 = arith.index_cast %add3A_872 : i32 to index
        %swap3A_874 = arith.constant 32 : index
        %swap3A_875 = tpu.vector_load %arg6[%swap3A_873, %swap3A_874] {strides = array<i32>} : memref<1024x64xf32, #tpu.memory_space<vmem>>, vector<1x16xf32>,
        %swap3A_876 = vector.shape_cast %swap3A_875 : vector<1x16xf32> to vector<16xf32>
        %swap3A_877 = vector.shape_cast %mul3A_870 : vector<16xf32> to vector<1x16xf32>
        tpu.vector_store %arg6[%swap3A_873, %swap3A_874], %swap3A_877 {strides = array<i32>} : memref<1024x64xf32, #tpu.memory_space<vmem>>, vector<1x16xf32>,
        %add3A_878 = arith.constant 1 : i32
        %add3A_879 = arith.addi %add3A_767, %add3A_878 : i32
        %get3A_880 = arith.index_cast %add3A_879 : i32 to index
        %get3A_881 = arith.constant 48 : index
        %get3A_882 = tpu.vector_load %arg6[%get3A_880, %get3A_881] {strides = array<i32>} : memref<1024x64xf32, #tpu.memory_space<vmem>>, vector<1x16xf32>,
        %get3A_883 = vector.shape_cast %get3A_882 : vector<1x16xf32> to vector<16xf32>
        %mul3A_884 = arith.constant 8.000000e+00 : f32
        %mul3A_885 = vector.broadcast %mul3A_884 : f32 to vector<16xf32>
        %mul3A_886 = arith.mulf %get3A_883, %mul3A_885 : vector<16xf32>
        %add3A_887 = arith.constant 1 : i32
        %add3A_888 = arith.addi %add3A_767, %add3A_887 : i32
        %swap3A_889 = arith.index_cast %add3A_888 : i32 to index
        %swap3A_890 = arith.constant 48 : index
        %swap3A_891 = tpu.vector_load %arg6[%swap3A_889, %swap3A_890] {strides = array<i32>} : memref<1024x64xf32, #tpu.memory_space<vmem>>, vector<1x16xf32>,
        %swap3A_892 = vector.shape_cast %swap3A_891 : vector<1x16xf32> to vector<16xf32>
        %swap3A_893 = vector.shape_cast %mul3A_886 : vector<16xf32> to vector<1x16xf32>
        tpu.vector_store %arg6[%swap3A_889, %swap3A_890], %swap3A_893 {strides = array<i32>} : memref<1024x64xf32, #tpu.memory_space<vmem>>, vector<1x16xf32>,
        %add3A_894 = arith.constant 2 : i32
        %add3A_895 = arith.addi %add3A_767, %add3A_894 : i32
        %get3A_896 = arith.index_cast %add3A_895 : i32 to index
        %get3A_897 = arith.constant 0 : index
        %get3A_898 = tpu.vector_load %arg6[%get3A_896, %get3A_897] {strides = array<i32>} : memref<1024x64xf32, #tpu.memory_space<vmem>>, vector<1x16xf32>,
        %get3A_899 = vector.shape_cast %get3A_898 : vector<1x16xf32> to vector<16xf32>
        %mul3A_900 = arith.constant 8.000000e+00 : f32
        %mul3A_901 = vector.broadcast %mul3A_900 : f32 to vector<16xf32>
        %mul3A_902 = arith.mulf %get3A_899, %mul3A_901 : vector<16xf32>
        %add3A_903 = arith.constant 2 : i32
        %add3A_904 = arith.addi %add3A_767, %add3A_903 : i32
        %swap3A_905 = arith.index_cast %add3A_904 : i32 to index
        %swap3A_906 = arith.constant 0 : index
        %swap3A_907 = tpu.vector_load %arg6[%swap3A_905, %swap3A_906] {strides = array<i32>} : memref<1024x64xf32, #tpu.memory_space<vmem>>, vector<1x16xf32>,
        %swap3A_908 = vector.shape_cast %swap3A_907 : vector<1x16xf32> to vector<16xf32>
        %swap3A_909 = vector.shape_cast %mul3A_902 : vector<16xf32> to vector<1x16xf32>
        tpu.vector_store %arg6[%swap3A_905, %swap3A_906], %swap3A_909 {strides = array<i32>} : memref<1024x64xf32, #tpu.memory_space<vmem>>, vector<1x16xf32>,
        %add3A_910 = arith.constant 2 : i32
        %add3A_911 = arith.addi %add3A_767, %add3A_910 : i32
        %get3A_912 = arith.index_cast %add3A_911 : i32 to index
        %get3A_913 = arith.constant 16 : index
        %get3A_914 = tpu.vector_load %arg6[%get3A_912, %get3A_913] {strides = array<i32>} : memref<1024x64xf32, #tpu.memory_space<vmem>>, vector<1x16xf32>,
        %get3A_915 = vector.shape_cast %get3A_914 : vector<1x16xf32> to vector<16xf32>
        %mul3A_916 = arith.constant 8.000000e+00 : f32
        %mul3A_917 = vector.broadcast %mul3A_916 : f32 to vector<16xf32>
        %mul3A_918 = arith.mulf %get3A_915, %mul3A_917 : vector<16xf32>
        %add3A_919 = arith.constant 2 : i32
        %add3A_920 = arith.addi %add3A_767, %add3A_919 : i32
        %swap3A_921 = arith.index_cast %add3A_920 : i32 to index
        %swap3A_922 = arith.constant 16 : index
        %swap3A_923 = tpu.vector_load %arg6[%swap3A_921, %swap3A_922] {strides = array<i32>} : memref<1024x64xf32, #tpu.memory_space<vmem>>, vector<1x16xf32>,
        %swap3A_924 = vector.shape_cast %swap3A_923 : vector<1x16xf32> to vector<16xf32>
        %swap3A_925 = vector.shape_cast %mul3A_918 : vector<16xf32> to vector<1x16xf32>
        tpu.vector_store %arg6[%swap3A_921, %swap3A_922], %swap3A_925 {strides = array<i32>} : memref<1024x64xf32, #tpu.memory_space<vmem>>, vector<1x16xf32>,
        %add3A_926 = arith.constant 2 : i32
        %add3A_927 = arith.addi %add3A_767, %add3A_926 : i32
        %get3A_928 = arith.index_cast %add3A_927 : i32 to index
        %get3A_929 = arith.constant 32 : index
        %get3A_930 = tpu.vector_load %arg6[%get3A_928, %get3A_929] {strides = array<i32>} : memref<1024x64xf32, #tpu.memory_space<vmem>>, vector<1x16xf32>,
        %get3A_931 = vector.shape_cast %get3A_930 : vector<1x16xf32> to vector<16xf32>
        %mul3A_932 = arith.constant 8.000000e+00 : f32
        %mul3A_933 = vector.broadcast %mul3A_932 : f32 to vector<16xf32>
        %mul3A_934 = arith.mulf %get3A_931, %mul3A_933 : vector<16xf32>
        %add3A_935 = arith.constant 2 : i32
        %add3A_936 = arith.addi %add3A_767, %add3A_935 : i32
        %swap3A_937 = arith.index_cast %add3A_936 : i32 to index
        %swap3A_938 = arith.constant 32 : index
        %swap3A_939 = tpu.vector_load %arg6[%swap3A_937, %swap3A_938] {strides = array<i32>} : memref<1024x64xf32, #tpu.memory_space<vmem>>, vector<1x16xf32>,
        %swap3A_940 = vector.shape_cast %swap3A_939 : vector<1x16xf32> to vector<16xf32>
        %swap3A_941 = vector.shape_cast %mul3A_934 : vector<16xf32> to vector<1x16xf32>
        tpu.vector_store %arg6[%swap3A_937, %swap3A_938], %swap3A_941 {strides = array<i32>} : memref<1024x64xf32, #tpu.memory_space<vmem>>, vector<1x16xf32>,
        %add3A_942 = arith.constant 2 : i32
        %add3A_943 = arith.addi %add3A_767, %add3A_942 : i32
        %get3A_944 = arith.index_cast %add3A_943 : i32 to index
        %get3A_945 = arith.constant 48 : index
        %get3A_946 = tpu.vector_load %arg6[%get3A_944, %get3A_945] {strides = array<i32>} : memref<1024x64xf32, #tpu.memory_space<vmem>>, vector<1x16xf32>,
        %get3A_947 = vector.shape_cast %get3A_946 : vector<1x16xf32> to vector<16xf32>
        %mul3A_948 = arith.constant 8.000000e+00 : f32
        %mul3A_949 = vector.broadcast %mul3A_948 : f32 to vector<16xf32>
        %mul3A_950 = arith.mulf %get3A_947, %mul3A_949 : vector<16xf32>
        %add3A_951 = arith.constant 2 : i32
        %add3A_952 = arith.addi %add3A_767, %add3A_951 : i32
        %swap3A_953 = arith.index_cast %add3A_952 : i32 to index
        %swap3A_954 = arith.constant 48 : index
        %swap3A_955 = tpu.vector_load %arg6[%swap3A_953, %swap3A_954] {strides = array<i32>} : memref<1024x64xf32, #tpu.memory_space<vmem>>, vector<1x16xf32>,
        %swap3A_956 = vector.shape_cast %swap3A_955 : vector<1x16xf32> to vector<16xf32>
        %swap3A_957 = vector.shape_cast %mul3A_950 : vector<16xf32> to vector<1x16xf32>
        tpu.vector_store %arg6[%swap3A_953, %swap3A_954], %swap3A_957 {strides = array<i32>} : memref<1024x64xf32, #tpu.memory_space<vmem>>, vector<1x16xf32>,
        %add3A_958 = arith.constant 3 : i32
        %add3A_959 = arith.addi %add3A_767, %add3A_958 : i32
        %get3A_960 = arith.index_cast %add3A_959 : i32 to index
        %get3A_961 = arith.constant 0 : index
        %get3A_962 = tpu.vector_load %arg6[%get3A_960, %get3A_961] {strides = array<i32>} : memref<1024x64xf32, #tpu.memory_space<vmem>>, vector<1x16xf32>,
        %get3A_963 = vector.shape_cast %get3A_962 : vector<1x16xf32> to vector<16xf32>
        %mul3A_964 = arith.constant 8.000000e+00 : f32
        %mul3A_965 = vector.broadcast %mul3A_964 : f32 to vector<16xf32>
        %mul3A_966 = arith.mulf %get3A_963, %mul3A_965 : vector<16xf32>
        %add3A_967 = arith.constant 3 : i32
        %add3A_968 = arith.addi %add3A_767, %add3A_967 : i32
        %swap3A_969 = arith.index_cast %add3A_968 : i32 to index
        %swap3A_970 = arith.constant 0 : index
        %swap3A_971 = tpu.vector_load %arg6[%swap3A_969, %swap3A_970] {strides = array<i32>} : memref<1024x64xf32, #tpu.memory_space<vmem>>, vector<1x16xf32>,
        %swap3A_972 = vector.shape_cast %swap3A_971 : vector<1x16xf32> to vector<16xf32>
        %swap3A_973 = vector.shape_cast %mul3A_966 : vector<16xf32> to vector<1x16xf32>
        tpu.vector_store %arg6[%swap3A_969, %swap3A_970], %swap3A_973 {strides = array<i32>} : memref<1024x64xf32, #tpu.memory_space<vmem>>, vector<1x16xf32>,
        %add3A_974 = arith.constant 3 : i32
        %add3A_975 = arith.addi %add3A_767, %add3A_974 : i32
        %get3A_976 = arith.index_cast %add3A_975 : i32 to index
        %get3A_977 = arith.constant 16 : index
        %get3A_978 = tpu.vector_load %arg6[%get3A_976, %get3A_977] {strides = array<i32>} : memref<1024x64xf32, #tpu.memory_space<vmem>>, vector<1x16xf32>,
        %get3A_979 = vector.shape_cast %get3A_978 : vector<1x16xf32> to vector<16xf32>
        %mul3A_980 = arith.constant 8.000000e+00 : f32
        %mul3A_981 = vector.broadcast %mul3A_980 : f32 to vector<16xf32>
        %mul3A_982 = arith.mulf %get3A_979, %mul3A_981 : vector<16xf32>
        %add3A_983 = arith.constant 3 : i32
        %add3A_984 = arith.addi %add3A_767, %add3A_983 : i32
        %swap3A_985 = arith.index_cast %add3A_984 : i32 to index
        %swap3A_986 = arith.constant 16 : index
        %swap3A_987 = tpu.vector_load %arg6[%swap3A_985, %swap3A_986] {strides = array<i32>} : memref<1024x64xf32, #tpu.memory_space<vmem>>, vector<1x16xf32>,
        %swap3A_988 = vector.shape_cast %swap3A_987 : vector<1x16xf32> to vector<16xf32>
        %swap3A_989 = vector.shape_cast %mul3A_982 : vector<16xf32> to vector<1x16xf32>
        tpu.vector_store %arg6[%swap3A_985, %swap3A_986], %swap3A_989 {strides = array<i32>} : memref<1024x64xf32, #tpu.memory_space<vmem>>, vector<1x16xf32>,
        %add3A_990 = arith.constant 3 : i32
        %add3A_991 = arith.addi %add3A_767, %add3A_990 : i32
        %get3A_992 = arith.index_cast %add3A_991 : i32 to index
        %get3A_993 = arith.constant 32 : index
        %get3A_994 = tpu.vector_load %arg6[%get3A_992, %get3A_993] {strides = array<i32>} : memref<1024x64xf32, #tpu.memory_space<vmem>>, vector<1x16xf32>,
        %get3A_995 = vector.shape_cast %get3A_994 : vector<1x16xf32> to vector<16xf32>
        %mul3A_996 = arith.constant 8.000000e+00 : f32
        %mul3A_997 = vector.broadcast %mul3A_996 : f32 to vector<16xf32>
        %mul3A_998 = arith.mulf %get3A_995, %mul3A_997 : vector<16xf32>
        %add3A_999 = arith.constant 3 : i32
        %add3A_1000 = arith.addi %add3A_767, %add3A_999 : i32
        %swap3A_1001 = arith.index_cast %add3A_1000 : i32 to index
        %swap3A_1002 = arith.constant 32 : index
        %swap3A_1003 = tpu.vector_load %arg6[%swap3A_1001, %swap3A_1002] {strides = array<i32>} : memref<1024x64xf32, #tpu.memory_space<vmem>>, vector<1x16xf32>,
        %swap3A_1004 = vector.shape_cast %swap3A_1003 : vector<1x16xf32> to vector<16xf32>
        %swap3A_1005 = vector.shape_cast %mul3A_998 : vector<16xf32> to vector<1x16xf32>
        tpu.vector_store %arg6[%swap3A_1001, %swap3A_1002], %swap3A_1005 {strides = array<i32>} : memref<1024x64xf32, #tpu.memory_space<vmem>>, vector<1x16xf32>,
        %add3A_1006 = arith.constant 3 : i32
        %add3A_1007 = arith.addi %add3A_767, %add3A_1006 : i32
        %get3A_1008 = arith.index_cast %add3A_1007 : i32 to index
        %get3A_1009 = arith.constant 48 : index
        %get3A_1010 = tpu.vector_load %arg6[%get3A_1008, %get3A_1009] {strides = array<i32>} : memref<1024x64xf32, #tpu.memory_space<vmem>>, vector<1x16xf32>,
        %get3A_1011 = vector.shape_cast %get3A_1010 : vector<1x16xf32> to vector<16xf32>
        %mul3A_1012 = arith.constant 8.000000e+00 : f32
        %mul3A_1013 = vector.broadcast %mul3A_1012 : f32 to vector<16xf32>
        %mul3A_1014 = arith.mulf %get3A_1011, %mul3A_1013 : vector<16xf32>
        %add3A_1015 = arith.constant 3 : i32
        %add3A_1016 = arith.addi %add3A_767, %add3A_1015 : i32
        %swap3A_1017 = arith.index_cast %add3A_1016 : i32 to index
        %swap3A_1018 = arith.constant 48 : index
        %swap3A_1019 = tpu.vector_load %arg6[%swap3A_1017, %swap3A_1018] {strides = array<i32>} : memref<1024x64xf32, #tpu.memory_space<vmem>>, vector<1x16xf32>,
        %swap3A_1020 = vector.shape_cast %swap3A_1019 : vector<1x16xf32> to vector<16xf32>
        %swap3A_1021 = vector.shape_cast %mul3A_1014 : vector<16xf32> to vector<1x16xf32>
        tpu.vector_store %arg6[%swap3A_1017, %swap3A_1018], %swap3A_1021 {strides = array<i32>} : memref<1024x64xf32, #tpu.memory_space<vmem>>, vector<1x16xf32>,
      }
      %scan3A_646 = arith.constant 64 : i32
      %mul3A_647 = arith.constant 256 : i32
      %mul3A_648 = arith.muli %add3A_564, %mul3A_647 : i32
      %add3A_649 = arith.addi %mul3A_2, %mul3A_648 : i32
      %dma_start3A_650 = arith.constant 0 : i32
      %dma_start3A_651 = arith.constant 0 : i32
      %dma_start3A_652 = arith.constant 0 : i32
      %dma_start3A_653 = tpu.memref_slice %arg6[%dma_start3A_651, %dma_start3A_652] : memref<1024x64xf32, #tpu.memory_space<vmem>> -> memref<256x64xf32, #tpu.memory_space<vmem>>
      %dma_start3A_654 = arith.constant 0 : i32
      %dma_start3A_655 = tpu.memref_slice %arg4[%add3A_649, %dma_start3A_654] : memref<819200x64xf32, #tpu.memory_space<hbm>> -> memref<256x64xf32, #tpu.memory_space<hbm>>
      %dma_start3A_656 = tpu.memref_slice %arg8[%dma_start3A_650] : memref<4x!tpu.dma_semaphore, #tpu.memory_space<semaphore_mem>> -> memref<1x!tpu.dma_semaphore, #tpu.memory_space<semaphore_mem>>
      %dma_start3A_657 = tpu.memref_squeeze %dma_start3A_656 : memref<1x!tpu.dma_semaphore, #tpu.memory_space<semaphore_mem>> -> memref<!tpu.dma_semaphore, #tpu.memory_space<semaphore_mem>>
      %dma_start3A_658 = arith.constant 0 : i32
      %dma_start3A_659 = tpu.memref_slice %arg4[%add3A_649, %dma_start3A_658] : memref<819200x64xf32, #tpu.memory_space<hbm>> -> memref<256x64xf32, #tpu.memory_space<hbm>>
      %dma_start3A_660 = arith.constant 0 : i32
      %dma_start3A_661 = arith.constant 0 : i32
      %dma_start3A_662 = tpu.memref_slice %arg6[%dma_start3A_660, %dma_start3A_661] : memref<1024x64xf32, #tpu.memory_space<vmem>> -> memref<256x64xf32, #tpu.memory_space<vmem>>
      tpu.enqueue_dma source(%dma_start3A_662 : memref<256x64xf32, #tpu.memory_space<vmem>>) target(%dma_start3A_659 : memref<256x64xf32, #tpu.memory_space<hbm>>) target_semaphore(%dma_start3A_657 : memref<!tpu.dma_semaphore, #tpu.memory_space<semaphore_mem>>)
      %add3A_663 = arith.constant 3 : i32
      %add3A_664 = arith.addi %add3A_362, %add3A_663 : i32
      %mul3A_665 = arith.constant 256 : i32
      %mul3A_666 = arith.muli %add3A_664, %mul3A_665 : i32
      %add3A_667 = arith.addi %mul3A_2, %mul3A_666 : i32
      %dma_wait3A_668 = arith.constant 3 : i32
      %dma_wait3A_669 = arith.constant 768 : i32
      %dma_wait3A_670 = arith.constant 0 : i32
      %dma_wait3A_671 = tpu.memref_slice %arg6[%dma_wait3A_669, %dma_wait3A_670] : memref<1024x64xf32, #tpu.memory_space<vmem>> -> memref<256x64xf32, #tpu.memory_space<vmem>>
      %dma_wait3A_672 = arith.constant 0 : i32
      %dma_wait3A_673 = tpu.memref_slice %arg4[%add3A_667, %dma_wait3A_672] : memref<819200x64xf32, #tpu.memory_space<hbm>> -> memref<256x64xf32, #tpu.memory_space<hbm>>
      %dma_wait3A_674 = tpu.memref_slice %arg8[%dma_wait3A_668] : memref<4x!tpu.dma_semaphore, #tpu.memory_space<semaphore_mem>> -> memref<1x!tpu.dma_semaphore, #tpu.memory_space<semaphore_mem>>
      %dma_wait3A_675 = tpu.memref_squeeze %dma_wait3A_674 : memref<1x!tpu.dma_semaphore, #tpu.memory_space<semaphore_mem>> -> memref<!tpu.dma_semaphore, #tpu.memory_space<semaphore_mem>>
      %dma_wait3A_676 = arith.constant 0 : i32
      %dma_wait3A_677 = tpu.memref_slice %arg4[%add3A_667, %dma_wait3A_676] : memref<819200x64xf32, #tpu.memory_space<hbm>> -> memref<256x64xf32, #tpu.memory_space<hbm>>
      %dma_wait3A_678 = arith.constant 768 : i32
      %dma_wait3A_679 = arith.constant 0 : i32
      %dma_wait3A_680 = tpu.memref_slice %arg6[%dma_wait3A_678, %dma_wait3A_679] : memref<1024x64xf32, #tpu.memory_space<vmem>> -> memref<256x64xf32, #tpu.memory_space<vmem>>
      tpu.wait_dma2 semaphore(%dma_wait3A_675 : memref<!tpu.dma_semaphore, #tpu.memory_space<semaphore_mem>>) src(%dma_wait3A_680 : memref<256x64xf32, #tpu.memory_space<vmem>>) dst(%dma_wait3A_677 : memref<256x64xf32, #tpu.memory_space<hbm>>)
      %add3A_681 = arith.constant 2 : i32
      %add3A_682 = arith.addi %add3A_664, %add3A_681 : i32
      %mul3A_683 = arith.constant 2 : i32
      %mul3A_684 = arith.muli %mul3A_683, %add3A_682 : i32
      %add3A_685 = arith.constant 0 : i32
      %add3A_686 = arith.addi %mul3A_684, %add3A_685 : i32
      %dma_start3A_687 = arith.constant 3 : i32
      %dma_start3A_688 = arith.constant 768 : i32
      %dma_start3A_689 = arith.constant 0 : i32
      %dma_start3A_690 = tpu.memref_slice %arg6[%dma_start3A_688, %dma_start3A_689] : memref<1024x64xf32, #tpu.memory_space<vmem>> -> memref<128x64xf32, #tpu.memory_space<vmem>>
      %dma_start3A_691 = arith.constant 0 : i32
      %dma_start3A_692 = tpu.memref_slice %arg5[%add3A_686, %dma_start3A_691] : memref<200x128xi32, #tpu.memory_space<vmem>> -> memref<1x128xi32, #tpu.memory_space<vmem>>
      %dma_start3A_693 = tpu.memref_squeeze %dma_start3A_692 : memref<1x128xi32, #tpu.memory_space<vmem>> -> memref<128xi32, #tpu.memory_space<vmem>>
      %dma_start3A_694 = arith.constant 0 : i32
      %dma_start3A_695 = arith.constant 0 : i32
      %dma_start3A_696 = tpu.memref_slice %arg3[%dma_start3A_694, %dma_start3A_695] : memref<1000000x64xf32, #tpu.memory_space<hbm>> -> memref<1000000x64xf32, #tpu.memory_space<hbm>>
      %dma_start3A_697 = tpu.memref_slice %arg7[%dma_start3A_687] : memref<4x!tpu.dma_semaphore, #tpu.memory_space<semaphore_mem>> -> memref<1x!tpu.dma_semaphore, #tpu.memory_space<semaphore_mem>>
      %dma_start3A_698 = tpu.memref_squeeze %dma_start3A_697 : memref<1x!tpu.dma_semaphore, #tpu.memory_space<semaphore_mem>> -> memref<!tpu.dma_semaphore, #tpu.memory_space<semaphore_mem>>
      tpu.enqueue_indirect_dma source(%dma_start3A_696 : memref<1000000x64xf32, #tpu.memory_space<hbm>>) target(%dma_start3A_690 : memref<128x64xf32, #tpu.memory_space<vmem>>) offsets(%dma_start3A_693 : memref<128xi32, #tpu.memory_space<vmem>>) semaphore(%dma_start3A_698 : memref<!tpu.dma_semaphore, #tpu.memory_space<semaphore_mem>>)
      %mul3A_699 = arith.constant 2 : i32
      %mul3A_700 = arith.muli %mul3A_699, %add3A_682 : i32
      %add3A_701 = arith.constant 1 : i32
      %add3A_702 = arith.addi %mul3A_700, %add3A_701 : i32
      %dma_start3A_703 = arith.constant 3 : i32
      %dma_start3A_704 = arith.constant 896 : i32
      %dma_start3A_705 = arith.constant 0 : i32
      %dma_start3A_706 = tpu.memref_slice %arg6[%dma_start3A_704, %dma_start3A_705] : memref<1024x64xf32, #tpu.memory_space<vmem>> -> memref<128x64xf32, #tpu.memory_space<vmem>>
      %dma_start3A_707 = arith.constant 0 : i32
      %dma_start3A_708 = tpu.memref_slice %arg5[%add3A_702, %dma_start3A_707] : memref<200x128xi32, #tpu.memory_space<vmem>> -> memref<1x128xi32, #tpu.memory_space<vmem>>
      %dma_start3A_709 = tpu.memref_squeeze %dma_start3A_708 : memref<1x128xi32, #tpu.memory_space<vmem>> -> memref<128xi32, #tpu.memory_space<vmem>>
      %dma_start3A_710 = arith.constant 0 : i32
      %dma_start3A_711 = arith.constant 0 : i32
      %dma_start3A_712 = tpu.memref_slice %arg3[%dma_start3A_710, %dma_start3A_711] : memref<1000000x64xf32, #tpu.memory_space<hbm>> -> memref<1000000x64xf32, #tpu.memory_space<hbm>>
      %dma_start3A_713 = tpu.memref_slice %arg7[%dma_start3A_703] : memref<4x!tpu.dma_semaphore, #tpu.memory_space<semaphore_mem>> -> memref<1x!tpu.dma_semaphore, #tpu.memory_space<semaphore_mem>>
      %dma_start3A_714 = tpu.memref_squeeze %dma_start3A_713 : memref<1x!tpu.dma_semaphore, #tpu.memory_space<semaphore_mem>> -> memref<!tpu.dma_semaphore, #tpu.memory_space<semaphore_mem>>
      tpu.enqueue_indirect_dma source(%dma_start3A_712 : memref<1000000x64xf32, #tpu.memory_space<hbm>>) target(%dma_start3A_706 : memref<128x64xf32, #tpu.memory_space<vmem>>) offsets(%dma_start3A_709 : memref<128xi32, #tpu.memory_space<vmem>>) semaphore(%dma_start3A_714 : memref<!tpu.dma_semaphore, #tpu.memory_space<semaphore_mem>>)
      %dma_wait3A_715 = arith.constant 0 : i32
      %dma_wait3A_716 = arith.constant 1 : i32
      %dma_wait3A_717 = arith.constant 256 : i32
      %dma_wait3A_718 = arith.constant 0 : i32
      %dma_wait3A_719 = tpu.memref_slice %arg6[%dma_wait3A_717, %dma_wait3A_718] : memref<1024x64xf32, #tpu.memory_space<vmem>> -> memref<128x64xf32, #tpu.memory_space<vmem>>
      %dma_wait3A_720 = arith.constant 0 : i32
      %dma_wait3A_721 = tpu.memref_slice %arg5[%dma_wait3A_715, %dma_wait3A_720] : memref<200x128xi32, #tpu.memory_space<vmem>> -> memref<1x128xi32, #tpu.memory_space<vmem>>
      %dma_wait3A_722 = tpu.memref_squeeze %dma_wait3A_721 : memref<1x128xi32, #tpu.memory_space<vmem>> -> memref<128xi32, #tpu.memory_space<vmem>>
      %dma_wait3A_723 = arith.constant 0 : i32
      %dma_wait3A_724 = arith.constant 0 : i32
      %dma_wait3A_725 = tpu.memref_slice %arg3[%dma_wait3A_723, %dma_wait3A_724] : memref<1000000x64xf32, #tpu.memory_space<hbm>> -> memref<1000000x64xf32, #tpu.memory_space<hbm>>
      %dma_wait3A_726 = tpu.memref_slice %arg7[%dma_wait3A_716] : memref<4x!tpu.dma_semaphore, #tpu.memory_space<semaphore_mem>> -> memref<1x!tpu.dma_semaphore, #tpu.memory_space<semaphore_mem>>
      %dma_wait3A_727 = tpu.memref_squeeze %dma_wait3A_726 : memref<1x!tpu.dma_semaphore, #tpu.memory_space<semaphore_mem>> -> memref<!tpu.dma_semaphore, #tpu.memory_space<semaphore_mem>>
      tpu.wait_indirect_dma semaphore(%dma_wait3A_727 : memref<!tpu.dma_semaphore, #tpu.memory_space<semaphore_mem>>) src(%dma_wait3A_725 : memref<1000000x64xf32, #tpu.memory_space<hbm>>) dst(%dma_wait3A_719 : memref<128x64xf32, #tpu.memory_space<vmem>>)
      %dma_wait3A_728 = arith.constant 1 : i32
      %dma_wait3A_729 = arith.constant 1 : i32
      %dma_wait3A_730 = arith.constant 384 : i32
      %dma_wait3A_731 = arith.constant 0 : i32
      %dma_wait3A_732 = tpu.memref_slice %arg6[%dma_wait3A_730, %dma_wait3A_731] : memref<1024x64xf32, #tpu.memory_space<vmem>> -> memref<128x64xf32, #tpu.memory_space<vmem>>
      %dma_wait3A_733 = arith.constant 0 : i32
      %dma_wait3A_734 = tpu.memref_slice %arg5[%dma_wait3A_728, %dma_wait3A_733] : memref<200x128xi32, #tpu.memory_space<vmem>> -> memref<1x128xi32, #tpu.memory_space<vmem>>
      %dma_wait3A_735 = tpu.memref_squeeze %dma_wait3A_734 : memref<1x128xi32, #tpu.memory_space<vmem>> -> memref<128xi32, #tpu.memory_space<vmem>>
      %dma_wait3A_736 = arith.constant 0 : i32
      %dma_wait3A_737 = arith.constant 0 : i32
      %dma_wait3A_738 = tpu.memref_slice %arg3[%dma_wait3A_736, %dma_wait3A_737] : memref<1000000x64xf32, #tpu.memory_space<hbm>> -> memref<1000000x64xf32, #tpu.memory_space<hbm>>
      %dma_wait3A_739 = tpu.memref_slice %arg7[%dma_wait3A_729] : memref<4x!tpu.dma_semaphore, #tpu.memory_space<semaphore_mem>> -> memref<1x!tpu.dma_semaphore, #tpu.memory_space<semaphore_mem>>
      %dma_wait3A_740 = tpu.memref_squeeze %dma_wait3A_739 : memref<1x!tpu.dma_semaphore, #tpu.memory_space<semaphore_mem>> -> memref<!tpu.dma_semaphore, #tpu.memory_space<semaphore_mem>>
      tpu.wait_indirect_dma semaphore(%dma_wait3A_740 : memref<!tpu.dma_semaphore, #tpu.memory_space<semaphore_mem>>) src(%dma_wait3A_738 : memref<1000000x64xf32, #tpu.memory_space<hbm>>) dst(%dma_wait3A_732 : memref<128x64xf32, #tpu.memory_space<vmem>>)
      %scan3A_741 = arith.constant 0 : i32
      %scan3A_742 = arith.constant 0 : i32
      %scan3A_743 = arith.constant 64 : i32
      %scan3A_744 = arith.addi %scan3A_742, %scan3A_743 : i32
      %scan3A_745 = arith.constant 1 : i32
      scf.for %scan3A_763 = %scan3A_742 to %scan3A_744 step %scan3A_745  : i32 {
        %mul3A_764 = arith.constant 4 : i32
        %mul3A_765 = arith.muli %scan3A_763, %mul3A_764 : i32
        %add3A_766 = arith.constant 256 : i32
        %add3A_767 = arith.addi %add3A_766, %mul3A_765 : i32
        %add3A_768 = arith.constant 0 : i32
        %add3A_769 = arith.addi %add3A_767, %add3A_768 : i32
        %get3A = arith.index_cast %add3A_769 : i32 to index
        %get3A_770 = arith.constant 0 : index
        %get3A_771 = tpu.vector_load %arg6[%get3A, %get3A_770] {strides = array<i32>} : memref<1024x64xf32, #tpu.memory_space<vmem>>, vector<1x16xf32>,
        %get3A_772 = vector.shape_cast %get3A_771 : vector<1x16xf32> to vector<16xf32>
        %mul3A_773 = arith.constant 8.000000e+00 : f32
        %mul3A_774 = vector.broadcast %mul3A_773 : f32 to vector<16xf32>
        %mul3A_775 = arith.mulf %get3A_772, %mul3A_774 : vector<16xf32>
        %add3A_776 = arith.constant 0 : i32
        %add3A_777 = arith.addi %add3A_767, %add3A_776 : i32
        %swap3A = arith.index_cast %add3A_777 : i32 to index
        %swap3A_778 = arith.constant 0 : index
        %swap3A_779 = tpu.vector_load %arg6[%swap3A, %swap3A_778] {strides = array<i32>} : memref<1024x64xf32, #tpu.memory_space<vmem>>, vector<1x16xf32>,
        %swap3A_780 = vector.shape_cast %swap3A_779 : vector<1x16xf32> to vector<16xf32>
        %swap3A_781 = vector.shape_cast %mul3A_775 : vector<16xf32> to vector<1x16xf32>
        tpu.vector_store %arg6[%swap3A, %swap3A_778], %swap3A_781 {strides = array<i32>} : memref<1024x64xf32, #tpu.memory_space<vmem>>, vector<1x16xf32>,
        %add3A_782 = arith.constant 0 : i32
        %add3A_783 = arith.addi %add3A_767, %add3A_782 : i32
        %get3A_784 = arith.index_cast %add3A_783 : i32 to index
        %get3A_785 = arith.constant 16 : index
        %get3A_786 = tpu.vector_load %arg6[%get3A_784, %get3A_785] {strides = array<i32>} : memref<1024x64xf32, #tpu.memory_space<vmem>>, vector<1x16xf32>,
        %get3A_787 = vector.shape_cast %get3A_786 : vector<1x16xf32> to vector<16xf32>
        %mul3A_788 = arith.constant 8.000000e+00 : f32
        %mul3A_789 = vector.broadcast %mul3A_788 : f32 to vector<16xf32>
        %mul3A_790 = arith.mulf %get3A_787, %mul3A_789 : vector<16xf32>
        %add3A_791 = arith.constant 0 : i32
        %add3A_792 = arith.addi %add3A_767, %add3A_791 : i32
        %swap3A_793 = arith.index_cast %add3A_792 : i32 to index
        %swap3A_794 = arith.constant 16 : index
        %swap3A_795 = tpu.vector_load %arg6[%swap3A_793, %swap3A_794] {strides = array<i32>} : memref<1024x64xf32, #tpu.memory_space<vmem>>, vector<1x16xf32>,
        %swap3A_796 = vector.shape_cast %swap3A_795 : vector<1x16xf32> to vector<16xf32>
        %swap3A_797 = vector.shape_cast %mul3A_790 : vector<16xf32> to vector<1x16xf32>
        tpu.vector_store %arg6[%swap3A_793, %swap3A_794], %swap3A_797 {strides = array<i32>} : memref<1024x64xf32, #tpu.memory_space<vmem>>, vector<1x16xf32>,
        %add3A_798 = arith.constant 0 : i32
        %add3A_799 = arith.addi %add3A_767, %add3A_798 : i32
        %get3A_800 = arith.index_cast %add3A_799 : i32 to index
        %get3A_801 = arith.constant 32 : index
        %get3A_802 = tpu.vector_load %arg6[%get3A_800, %get3A_801] {strides = array<i32>} : memref<1024x64xf32, #tpu.memory_space<vmem>>, vector<1x16xf32>,
        %get3A_803 = vector.shape_cast %get3A_802 : vector<1x16xf32> to vector<16xf32>
        %mul3A_804 = arith.constant 8.000000e+00 : f32
        %mul3A_805 = vector.broadcast %mul3A_804 : f32 to vector<16xf32>
        %mul3A_806 = arith.mulf %get3A_803, %mul3A_805 : vector<16xf32>
        %add3A_807 = arith.constant 0 : i32
        %add3A_808 = arith.addi %add3A_767, %add3A_807 : i32
        %swap3A_809 = arith.index_cast %add3A_808 : i32 to index
        %swap3A_810 = arith.constant 32 : index
        %swap3A_811 = tpu.vector_load %arg6[%swap3A_809, %swap3A_810] {strides = array<i32>} : memref<1024x64xf32, #tpu.memory_space<vmem>>, vector<1x16xf32>,
        %swap3A_812 = vector.shape_cast %swap3A_811 : vector<1x16xf32> to vector<16xf32>
        %swap3A_813 = vector.shape_cast %mul3A_806 : vector<16xf32> to vector<1x16xf32>
        tpu.vector_store %arg6[%swap3A_809, %swap3A_810], %swap3A_813 {strides = array<i32>} : memref<1024x64xf32, #tpu.memory_space<vmem>>, vector<1x16xf32>,
        %add3A_814 = arith.constant 0 : i32
        %add3A_815 = arith.addi %add3A_767, %add3A_814 : i32
        %get3A_816 = arith.index_cast %add3A_815 : i32 to index
        %get3A_817 = arith.constant 48 : index
        %get3A_818 = tpu.vector_load %arg6[%get3A_816, %get3A_817] {strides = array<i32>} : memref<1024x64xf32, #tpu.memory_space<vmem>>, vector<1x16xf32>,
        %get3A_819 = vector.shape_cast %get3A_818 : vector<1x16xf32> to vector<16xf32>
        %mul3A_820 = arith.constant 8.000000e+00 : f32
        %mul3A_821 = vector.broadcast %mul3A_820 : f32 to vector<16xf32>
        %mul3A_822 = arith.mulf %get3A_819, %mul3A_821 : vector<16xf32>
        %add3A_823 = arith.constant 0 : i32
        %add3A_824 = arith.addi %add3A_767, %add3A_823 : i32
        %swap3A_825 = arith.index_cast %add3A_824 : i32 to index
        %swap3A_826 = arith.constant 48 : index
        %swap3A_827 = tpu.vector_load %arg6[%swap3A_825, %swap3A_826] {strides = array<i32>} : memref<1024x64xf32, #tpu.memory_space<vmem>>, vector<1x16xf32>,
        %swap3A_828 = vector.shape_cast %swap3A_827 : vector<1x16xf32> to vector<16xf32>
        %swap3A_829 = vector.shape_cast %mul3A_822 : vector<16xf32> to vector<1x16xf32>
        tpu.vector_store %arg6[%swap3A_825, %swap3A_826], %swap3A_829 {strides = array<i32>} : memref<1024x64xf32, #tpu.memory_space<vmem>>, vector<1x16xf32>,
        %add3A_830 = arith.constant 1 : i32
        %add3A_831 = arith.addi %add3A_767, %add3A_830 : i32
        %get3A_832 = arith.index_cast %add3A_831 : i32 to index
        %get3A_833 = arith.constant 0 : index
        %get3A_834 = tpu.vector_load %arg6[%get3A_832, %get3A_833] {strides = array<i32>} : memref<1024x64xf32, #tpu.memory_space<vmem>>, vector<1x16xf32>,
        %get3A_835 = vector.shape_cast %get3A_834 : vector<1x16xf32> to vector<16xf32>
        %mul3A_836 = arith.constant 8.000000e+00 : f32
        %mul3A_837 = vector.broadcast %mul3A_836 : f32 to vector<16xf32>
        %mul3A_838 = arith.mulf %get3A_835, %mul3A_837 : vector<16xf32>
        %add3A_839 = arith.constant 1 : i32
        %add3A_840 = arith.addi %add3A_767, %add3A_839 : i32
        %swap3A_841 = arith.index_cast %add3A_840 : i32 to index
        %swap3A_842 = arith.constant 0 : index
        %swap3A_843 = tpu.vector_load %arg6[%swap3A_841, %swap3A_842] {strides = array<i32>} : memref<1024x64xf32, #tpu.memory_space<vmem>>, vector<1x16xf32>,
        %swap3A_844 = vector.shape_cast %swap3A_843 : vector<1x16xf32> to vector<16xf32>
        %swap3A_845 = vector.shape_cast %mul3A_838 : vector<16xf32> to vector<1x16xf32>
        tpu.vector_store %arg6[%swap3A_841, %swap3A_842], %swap3A_845 {strides = array<i32>} : memref<1024x64xf32, #tpu.memory_space<vmem>>, vector<1x16xf32>,
        %add3A_846 = arith.constant 1 : i32
        %add3A_847 = arith.addi %add3A_767, %add3A_846 : i32
        %get3A_848 = arith.index_cast %add3A_847 : i32 to index
        %get3A_849 = arith.constant 16 : index
        %get3A_850 = tpu.vector_load %arg6[%get3A_848, %get3A_849] {strides = array<i32>} : memref<1024x64xf32, #tpu.memory_space<vmem>>, vector<1x16xf32>,
        %get3A_851 = vector.shape_cast %get3A_850 : vector<1x16xf32> to vector<16xf32>
        %mul3A_852 = arith.constant 8.000000e+00 : f32
        %mul3A_853 = vector.broadcast %mul3A_852 : f32 to vector<16xf32>
        %mul3A_854 = arith.mulf %get3A_851, %mul3A_853 : vector<16xf32>
        %add3A_855 = arith.constant 1 : i32
        %add3A_856 = arith.addi %add3A_767, %add3A_855 : i32
        %swap3A_857 = arith.index_cast %add3A_856 : i32 to index
        %swap3A_858 = arith.constant 16 : index
        %swap3A_859 = tpu.vector_load %arg6[%swap3A_857, %swap3A_858] {strides = array<i32>} : memref<1024x64xf32, #tpu.memory_space<vmem>>, vector<1x16xf32>,
        %swap3A_860 = vector.shape_cast %swap3A_859 : vector<1x16xf32> to vector<16xf32>
        %swap3A_861 = vector.shape_cast %mul3A_854 : vector<16xf32> to vector<1x16xf32>
        tpu.vector_store %arg6[%swap3A_857, %swap3A_858], %swap3A_861 {strides = array<i32>} : memref<1024x64xf32, #tpu.memory_space<vmem>>, vector<1x16xf32>,
        %add3A_862 = arith.constant 1 : i32
        %add3A_863 = arith.addi %add3A_767, %add3A_862 : i32
        %get3A_864 = arith.index_cast %add3A_863 : i32 to index
        %get3A_865 = arith.constant 32 : index
        %get3A_866 = tpu.vector_load %arg6[%get3A_864, %get3A_865] {strides = array<i32>} : memref<1024x64xf32, #tpu.memory_space<vmem>>, vector<1x16xf32>,
        %get3A_867 = vector.shape_cast %get3A_866 : vector<1x16xf32> to vector<16xf32>
        %mul3A_868 = arith.constant 8.000000e+00 : f32
        %mul3A_869 = vector.broadcast %mul3A_868 : f32 to vector<16xf32>
        %mul3A_870 = arith.mulf %get3A_867, %mul3A_869 : vector<16xf32>
        %add3A_871 = arith.constant 1 : i32
        %add3A_872 = arith.addi %add3A_767, %add3A_871 : i32
        %swap3A_873 = arith.index_cast %add3A_872 : i32 to index
        %swap3A_874 = arith.constant 32 : index
        %swap3A_875 = tpu.vector_load %arg6[%swap3A_873, %swap3A_874] {strides = array<i32>} : memref<1024x64xf32, #tpu.memory_space<vmem>>, vector<1x16xf32>,
        %swap3A_876 = vector.shape_cast %swap3A_875 : vector<1x16xf32> to vector<16xf32>
        %swap3A_877 = vector.shape_cast %mul3A_870 : vector<16xf32> to vector<1x16xf32>
        tpu.vector_store %arg6[%swap3A_873, %swap3A_874], %swap3A_877 {strides = array<i32>} : memref<1024x64xf32, #tpu.memory_space<vmem>>, vector<1x16xf32>,
        %add3A_878 = arith.constant 1 : i32
        %add3A_879 = arith.addi %add3A_767, %add3A_878 : i32
        %get3A_880 = arith.index_cast %add3A_879 : i32 to index
        %get3A_881 = arith.constant 48 : index
        %get3A_882 = tpu.vector_load %arg6[%get3A_880, %get3A_881] {strides = array<i32>} : memref<1024x64xf32, #tpu.memory_space<vmem>>, vector<1x16xf32>,
        %get3A_883 = vector.shape_cast %get3A_882 : vector<1x16xf32> to vector<16xf32>
        %mul3A_884 = arith.constant 8.000000e+00 : f32
        %mul3A_885 = vector.broadcast %mul3A_884 : f32 to vector<16xf32>
        %mul3A_886 = arith.mulf %get3A_883, %mul3A_885 : vector<16xf32>
        %add3A_887 = arith.constant 1 : i32
        %add3A_888 = arith.addi %add3A_767, %add3A_887 : i32
        %swap3A_889 = arith.index_cast %add3A_888 : i32 to index
        %swap3A_890 = arith.constant 48 : index
        %swap3A_891 = tpu.vector_load %arg6[%swap3A_889, %swap3A_890] {strides = array<i32>} : memref<1024x64xf32, #tpu.memory_space<vmem>>, vector<1x16xf32>,
        %swap3A_892 = vector.shape_cast %swap3A_891 : vector<1x16xf32> to vector<16xf32>
        %swap3A_893 = vector.shape_cast %mul3A_886 : vector<16xf32> to vector<1x16xf32>
        tpu.vector_store %arg6[%swap3A_889, %swap3A_890], %swap3A_893 {strides = array<i32>} : memref<1024x64xf32, #tpu.memory_space<vmem>>, vector<1x16xf32>,
        %add3A_894 = arith.constant 2 : i32
        %add3A_895 = arith.addi %add3A_767, %add3A_894 : i32
        %get3A_896 = arith.index_cast %add3A_895 : i32 to index
        %get3A_897 = arith.constant 0 : index
        %get3A_898 = tpu.vector_load %arg6[%get3A_896, %get3A_897] {strides = array<i32>} : memref<1024x64xf32, #tpu.memory_space<vmem>>, vector<1x16xf32>,
        %get3A_899 = vector.shape_cast %get3A_898 : vector<1x16xf32> to vector<16xf32>
        %mul3A_900 = arith.constant 8.000000e+00 : f32
        %mul3A_901 = vector.broadcast %mul3A_900 : f32 to vector<16xf32>
        %mul3A_902 = arith.mulf %get3A_899, %mul3A_901 : vector<16xf32>
        %add3A_903 = arith.constant 2 : i32
        %add3A_904 = arith.addi %add3A_767, %add3A_903 : i32
        %swap3A_905 = arith.index_cast %add3A_904 : i32 to index
        %swap3A_906 = arith.constant 0 : index
        %swap3A_907 = tpu.vector_load %arg6[%swap3A_905, %swap3A_906] {strides = array<i32>} : memref<1024x64xf32, #tpu.memory_space<vmem>>, vector<1x16xf32>,
        %swap3A_908 = vector.shape_cast %swap3A_907 : vector<1x16xf32> to vector<16xf32>
        %swap3A_909 = vector.shape_cast %mul3A_902 : vector<16xf32> to vector<1x16xf32>
        tpu.vector_store %arg6[%swap3A_905, %swap3A_906], %swap3A_909 {strides = array<i32>} : memref<1024x64xf32, #tpu.memory_space<vmem>>, vector<1x16xf32>,
        %add3A_910 = arith.constant 2 : i32
        %add3A_911 = arith.addi %add3A_767, %add3A_910 : i32
        %get3A_912 = arith.index_cast %add3A_911 : i32 to index
        %get3A_913 = arith.constant 16 : index
        %get3A_914 = tpu.vector_load %arg6[%get3A_912, %get3A_913] {strides = array<i32>} : memref<1024x64xf32, #tpu.memory_space<vmem>>, vector<1x16xf32>,
        %get3A_915 = vector.shape_cast %get3A_914 : vector<1x16xf32> to vector<16xf32>
        %mul3A_916 = arith.constant 8.000000e+00 : f32
        %mul3A_917 = vector.broadcast %mul3A_916 : f32 to vector<16xf32>
        %mul3A_918 = arith.mulf %get3A_915, %mul3A_917 : vector<16xf32>
        %add3A_919 = arith.constant 2 : i32
        %add3A_920 = arith.addi %add3A_767, %add3A_919 : i32
        %swap3A_921 = arith.index_cast %add3A_920 : i32 to index
        %swap3A_922 = arith.constant 16 : index
        %swap3A_923 = tpu.vector_load %arg6[%swap3A_921, %swap3A_922] {strides = array<i32>} : memref<1024x64xf32, #tpu.memory_space<vmem>>, vector<1x16xf32>,
        %swap3A_924 = vector.shape_cast %swap3A_923 : vector<1x16xf32> to vector<16xf32>
        %swap3A_925 = vector.shape_cast %mul3A_918 : vector<16xf32> to vector<1x16xf32>
        tpu.vector_store %arg6[%swap3A_921, %swap3A_922], %swap3A_925 {strides = array<i32>} : memref<1024x64xf32, #tpu.memory_space<vmem>>, vector<1x16xf32>,
        %add3A_926 = arith.constant 2 : i32
        %add3A_927 = arith.addi %add3A_767, %add3A_926 : i32
        %get3A_928 = arith.index_cast %add3A_927 : i32 to index
        %get3A_929 = arith.constant 32 : index
        %get3A_930 = tpu.vector_load %arg6[%get3A_928, %get3A_929] {strides = array<i32>} : memref<1024x64xf32, #tpu.memory_space<vmem>>, vector<1x16xf32>,
        %get3A_931 = vector.shape_cast %get3A_930 : vector<1x16xf32> to vector<16xf32>
        %mul3A_932 = arith.constant 8.000000e+00 : f32
        %mul3A_933 = vector.broadcast %mul3A_932 : f32 to vector<16xf32>
        %mul3A_934 = arith.mulf %get3A_931, %mul3A_933 : vector<16xf32>
        %add3A_935 = arith.constant 2 : i32
        %add3A_936 = arith.addi %add3A_767, %add3A_935 : i32
        %swap3A_937 = arith.index_cast %add3A_936 : i32 to index
        %swap3A_938 = arith.constant 32 : index
        %swap3A_939 = tpu.vector_load %arg6[%swap3A_937, %swap3A_938] {strides = array<i32>} : memref<1024x64xf32, #tpu.memory_space<vmem>>, vector<1x16xf32>,
        %swap3A_940 = vector.shape_cast %swap3A_939 : vector<1x16xf32> to vector<16xf32>
        %swap3A_941 = vector.shape_cast %mul3A_934 : vector<16xf32> to vector<1x16xf32>
        tpu.vector_store %arg6[%swap3A_937, %swap3A_938], %swap3A_941 {strides = array<i32>} : memref<1024x64xf32, #tpu.memory_space<vmem>>, vector<1x16xf32>,
        %add3A_942 = arith.constant 2 : i32
        %add3A_943 = arith.addi %add3A_767, %add3A_942 : i32
        %get3A_944 = arith.index_cast %add3A_943 : i32 to index
        %get3A_945 = arith.constant 48 : index
        %get3A_946 = tpu.vector_load %arg6[%get3A_944, %get3A_945] {strides = array<i32>} : memref<1024x64xf32, #tpu.memory_space<vmem>>, vector<1x16xf32>,
        %get3A_947 = vector.shape_cast %get3A_946 : vector<1x16xf32> to vector<16xf32>
        %mul3A_948 = arith.constant 8.000000e+00 : f32
        %mul3A_949 = vector.broadcast %mul3A_948 : f32 to vector<16xf32>
        %mul3A_950 = arith.mulf %get3A_947, %mul3A_949 : vector<16xf32>
        %add3A_951 = arith.constant 2 : i32
        %add3A_952 = arith.addi %add3A_767, %add3A_951 : i32
        %swap3A_953 = arith.index_cast %add3A_952 : i32 to index
        %swap3A_954 = arith.constant 48 : index
        %swap3A_955 = tpu.vector_load %arg6[%swap3A_953, %swap3A_954] {strides = array<i32>} : memref<1024x64xf32, #tpu.memory_space<vmem>>, vector<1x16xf32>,
        %swap3A_956 = vector.shape_cast %swap3A_955 : vector<1x16xf32> to vector<16xf32>
        %swap3A_957 = vector.shape_cast %mul3A_950 : vector<16xf32> to vector<1x16xf32>
        tpu.vector_store %arg6[%swap3A_953, %swap3A_954], %swap3A_957 {strides = array<i32>} : memref<1024x64xf32, #tpu.memory_space<vmem>>, vector<1x16xf32>,
        %add3A_958 = arith.constant 3 : i32
        %add3A_959 = arith.addi %add3A_767, %add3A_958 : i32
        %get3A_960 = arith.index_cast %add3A_959 : i32 to index
        %get3A_961 = arith.constant 0 : index
        %get3A_962 = tpu.vector_load %arg6[%get3A_960, %get3A_961] {strides = array<i32>} : memref<1024x64xf32, #tpu.memory_space<vmem>>, vector<1x16xf32>,
        %get3A_963 = vector.shape_cast %get3A_962 : vector<1x16xf32> to vector<16xf32>
        %mul3A_964 = arith.constant 8.000000e+00 : f32
        %mul3A_965 = vector.broadcast %mul3A_964 : f32 to vector<16xf32>
        %mul3A_966 = arith.mulf %get3A_963, %mul3A_965 : vector<16xf32>
        %add3A_967 = arith.constant 3 : i32
        %add3A_968 = arith.addi %add3A_767, %add3A_967 : i32
        %swap3A_969 = arith.index_cast %add3A_968 : i32 to index
        %swap3A_970 = arith.constant 0 : index
        %swap3A_971 = tpu.vector_load %arg6[%swap3A_969, %swap3A_970] {strides = array<i32>} : memref<1024x64xf32, #tpu.memory_space<vmem>>, vector<1x16xf32>,
        %swap3A_972 = vector.shape_cast %swap3A_971 : vector<1x16xf32> to vector<16xf32>
        %swap3A_973 = vector.shape_cast %mul3A_966 : vector<16xf32> to vector<1x16xf32>
        tpu.vector_store %arg6[%swap3A_969, %swap3A_970], %swap3A_973 {strides = array<i32>} : memref<1024x64xf32, #tpu.memory_space<vmem>>, vector<1x16xf32>,
        %add3A_974 = arith.constant 3 : i32
        %add3A_975 = arith.addi %add3A_767, %add3A_974 : i32
        %get3A_976 = arith.index_cast %add3A_975 : i32 to index
        %get3A_977 = arith.constant 16 : index
        %get3A_978 = tpu.vector_load %arg6[%get3A_976, %get3A_977] {strides = array<i32>} : memref<1024x64xf32, #tpu.memory_space<vmem>>, vector<1x16xf32>,
        %get3A_979 = vector.shape_cast %get3A_978 : vector<1x16xf32> to vector<16xf32>
        %mul3A_980 = arith.constant 8.000000e+00 : f32
        %mul3A_981 = vector.broadcast %mul3A_980 : f32 to vector<16xf32>
        %mul3A_982 = arith.mulf %get3A_979, %mul3A_981 : vector<16xf32>
        %add3A_983 = arith.constant 3 : i32
        %add3A_984 = arith.addi %add3A_767, %add3A_983 : i32
        %swap3A_985 = arith.index_cast %add3A_984 : i32 to index
        %swap3A_986 = arith.constant 16 : index
        %swap3A_987 = tpu.vector_load %arg6[%swap3A_985, %swap3A_986] {strides = array<i32>} : memref<1024x64xf32, #tpu.memory_space<vmem>>, vector<1x16xf32>,
        %swap3A_988 = vector.shape_cast %swap3A_987 : vector<1x16xf32> to vector<16xf32>
        %swap3A_989 = vector.shape_cast %mul3A_982 : vector<16xf32> to vector<1x16xf32>
        tpu.vector_store %arg6[%swap3A_985, %swap3A_986], %swap3A_989 {strides = array<i32>} : memref<1024x64xf32, #tpu.memory_space<vmem>>, vector<1x16xf32>,
        %add3A_990 = arith.constant 3 : i32
        %add3A_991 = arith.addi %add3A_767, %add3A_990 : i32
        %get3A_992 = arith.index_cast %add3A_991 : i32 to index
        %get3A_993 = arith.constant 32 : index
        %get3A_994 = tpu.vector_load %arg6[%get3A_992, %get3A_993] {strides = array<i32>} : memref<1024x64xf32, #tpu.memory_space<vmem>>, vector<1x16xf32>,
        %get3A_995 = vector.shape_cast %get3A_994 : vector<1x16xf32> to vector<16xf32>
        %mul3A_996 = arith.constant 8.000000e+00 : f32
        %mul3A_997 = vector.broadcast %mul3A_996 : f32 to vector<16xf32>
        %mul3A_998 = arith.mulf %get3A_995, %mul3A_997 : vector<16xf32>
        %add3A_999 = arith.constant 3 : i32
        %add3A_1000 = arith.addi %add3A_767, %add3A_999 : i32
        %swap3A_1001 = arith.index_cast %add3A_1000 : i32 to index
        %swap3A_1002 = arith.constant 32 : index
        %swap3A_1003 = tpu.vector_load %arg6[%swap3A_1001, %swap3A_1002] {strides = array<i32>} : memref<1024x64xf32, #tpu.memory_space<vmem>>, vector<1x16xf32>,
        %swap3A_1004 = vector.shape_cast %swap3A_1003 : vector<1x16xf32> to vector<16xf32>
        %swap3A_1005 = vector.shape_cast %mul3A_998 : vector<16xf32> to vector<1x16xf32>
        tpu.vector_store %arg6[%swap3A_1001, %swap3A_1002], %swap3A_1005 {strides = array<i32>} : memref<1024x64xf32, #tpu.memory_space<vmem>>, vector<1x16xf32>,
        %add3A_1006 = arith.constant 3 : i32
        %add3A_1007 = arith.addi %add3A_767, %add3A_1006 : i32
        %get3A_1008 = arith.index_cast %add3A_1007 : i32 to index
        %get3A_1009 = arith.constant 48 : index
        %get3A_1010 = tpu.vector_load %arg6[%get3A_1008, %get3A_1009] {strides = array<i32>} : memref<1024x64xf32, #tpu.memory_space<vmem>>, vector<1x16xf32>,
        %get3A_1011 = vector.shape_cast %get3A_1010 : vector<1x16xf32> to vector<16xf32>
        %mul3A_1012 = arith.constant 8.000000e+00 : f32
        %mul3A_1013 = vector.broadcast %mul3A_1012 : f32 to vector<16xf32>
        %mul3A_1014 = arith.mulf %get3A_1011, %mul3A_1013 : vector<16xf32>
        %add3A_1015 = arith.constant 3 : i32
        %add3A_1016 = arith.addi %add3A_767, %add3A_1015 : i32
        %swap3A_1017 = arith.index_cast %add3A_1016 : i32 to index
        %swap3A_1018 = arith.constant 48 : index
        %swap3A_1019 = tpu.vector_load %arg6[%swap3A_1017, %swap3A_1018] {strides = array<i32>} : memref<1024x64xf32, #tpu.memory_space<vmem>>, vector<1x16xf32>,
        %swap3A_1020 = vector.shape_cast %swap3A_1019 : vector<1x16xf32> to vector<16xf32>
        %swap3A_1021 = vector.shape_cast %mul3A_1014 : vector<16xf32> to vector<1x16xf32>
        tpu.vector_store %arg6[%swap3A_1017, %swap3A_1018], %swap3A_1021 {strides = array<i32>} : memref<1024x64xf32, #tpu.memory_space<vmem>>, vector<1x16xf32>,
      }
      %scan3A_746 = arith.constant 64 : i32
      %mul3A_747 = arith.constant 256 : i32
      %mul3A_748 = arith.muli %add3A_664, %mul3A_747 : i32
      %add3A_749 = arith.addi %mul3A_2, %mul3A_748 : i32
      %dma_start3A_750 = arith.constant 1 : i32
      %dma_start3A_751 = arith.constant 256 : i32
      %dma_start3A_752 = arith.constant 0 : i32
      %dma_start3A_753 = tpu.memref_slice %arg6[%dma_start3A_751, %dma_start3A_752] : memref<1024x64xf32, #tpu.memory_space<vmem>> -> memref<256x64xf32, #tpu.memory_space<vmem>>
      %dma_start3A_754 = arith.constant 0 : i32
      %dma_start3A_755 = tpu.memref_slice %arg4[%add3A_749, %dma_start3A_754] : memref<819200x64xf32, #tpu.memory_space<hbm>> -> memref<256x64xf32, #tpu.memory_space<hbm>>
      %dma_start3A_756 = tpu.memref_slice %arg8[%dma_start3A_750] : memref<4x!tpu.dma_semaphore, #tpu.memory_space<semaphore_mem>> -> memref<1x!tpu.dma_semaphore, #tpu.memory_space<semaphore_mem>>
      %dma_start3A_757 = tpu.memref_squeeze %dma_start3A_756 : memref<1x!tpu.dma_semaphore, #tpu.memory_space<semaphore_mem>> -> memref<!tpu.dma_semaphore, #tpu.memory_space<semaphore_mem>>
      %dma_start3A_758 = arith.constant 0 : i32
      %dma_start3A_759 = tpu.memref_slice %arg4[%add3A_749, %dma_start3A_758] : memref<819200x64xf32, #tpu.memory_space<hbm>> -> memref<256x64xf32, #tpu.memory_space<hbm>>
      %dma_start3A_760 = arith.constant 256 : i32
      %dma_start3A_761 = arith.constant 0 : i32
      %dma_start3A_762 = tpu.memref_slice %arg6[%dma_start3A_760, %dma_start3A_761] : memref<1024x64xf32, #tpu.memory_space<vmem>> -> memref<256x64xf32, #tpu.memory_space<vmem>>
      tpu.enqueue_dma source(%dma_start3A_762 : memref<256x64xf32, #tpu.memory_space<vmem>>) target(%dma_start3A_759 : memref<256x64xf32, #tpu.memory_space<hbm>>) target_semaphore(%dma_start3A_757 : memref<!tpu.dma_semaphore, #tpu.memory_space<semaphore_mem>>)
    }
    %scan3A_203 = arith.constant 24 : i32
    %dma_wait3A_204 = arith.constant 0 : i32
    %dma_wait3A_205 = arith.constant 2 : i32
    %dma_wait3A_206 = arith.constant 512 : i32
    %dma_wait3A_207 = arith.constant 0 : i32
    %dma_wait3A_208 = tpu.memref_slice %arg6[%dma_wait3A_206, %dma_wait3A_207] : memref<1024x64xf32, #tpu.memory_space<vmem>> -> memref<128x64xf32, #tpu.memory_space<vmem>>
    %dma_wait3A_209 = arith.constant 0 : i32
    %dma_wait3A_210 = tpu.memref_slice %arg5[%dma_wait3A_204, %dma_wait3A_209] : memref<200x128xi32, #tpu.memory_space<vmem>> -> memref<1x128xi32, #tpu.memory_space<vmem>>
    %dma_wait3A_211 = tpu.memref_squeeze %dma_wait3A_210 : memref<1x128xi32, #tpu.memory_space<vmem>> -> memref<128xi32, #tpu.memory_space<vmem>>
    %dma_wait3A_212 = arith.constant 0 : i32
    %dma_wait3A_213 = arith.constant 0 : i32
    %dma_wait3A_214 = tpu.memref_slice %arg3[%dma_wait3A_212, %dma_wait3A_213] : memref<1000000x64xf32, #tpu.memory_space<hbm>> -> memref<1000000x64xf32, #tpu.memory_space<hbm>>
    %dma_wait3A_215 = tpu.memref_slice %arg7[%dma_wait3A_205] : memref<4x!tpu.dma_semaphore, #tpu.memory_space<semaphore_mem>> -> memref<1x!tpu.dma_semaphore, #tpu.memory_space<semaphore_mem>>
    %dma_wait3A_216 = tpu.memref_squeeze %dma_wait3A_215 : memref<1x!tpu.dma_semaphore, #tpu.memory_space<semaphore_mem>> -> memref<!tpu.dma_semaphore, #tpu.memory_space<semaphore_mem>>
    tpu.wait_indirect_dma semaphore(%dma_wait3A_216 : memref<!tpu.dma_semaphore, #tpu.memory_space<semaphore_mem>>) src(%dma_wait3A_214 : memref<1000000x64xf32, #tpu.memory_space<hbm>>) dst(%dma_wait3A_208 : memref<128x64xf32, #tpu.memory_space<vmem>>)
    %dma_wait3A_217 = arith.constant 1 : i32
    %dma_wait3A_218 = arith.constant 2 : i32
    %dma_wait3A_219 = arith.constant 640 : i32
    %dma_wait3A_220 = arith.constant 0 : i32
    %dma_wait3A_221 = tpu.memref_slice %arg6[%dma_wait3A_219, %dma_wait3A_220] : memref<1024x64xf32, #tpu.memory_space<vmem>> -> memref<128x64xf32, #tpu.memory_space<vmem>>
    %dma_wait3A_222 = arith.constant 0 : i32
    %dma_wait3A_223 = tpu.memref_slice %arg5[%dma_wait3A_217, %dma_wait3A_222] : memref<200x128xi32, #tpu.memory_space<vmem>> -> memref<1x128xi32, #tpu.memory_space<vmem>>
    %dma_wait3A_224 = tpu.memref_squeeze %dma_wait3A_223 : memref<1x128xi32, #tpu.memory_space<vmem>> -> memref<128xi32, #tpu.memory_space<vmem>>
    %dma_wait3A_225 = arith.constant 0 : i32
    %dma_wait3A_226 = arith.constant 0 : i32
    %dma_wait3A_227 = tpu.memref_slice %arg3[%dma_wait3A_225, %dma_wait3A_226] : memref<1000000x64xf32, #tpu.memory_space<hbm>> -> memref<1000000x64xf32, #tpu.memory_space<hbm>>
    %dma_wait3A_228 = tpu.memref_slice %arg7[%dma_wait3A_218] : memref<4x!tpu.dma_semaphore, #tpu.memory_space<semaphore_mem>> -> memref<1x!tpu.dma_semaphore, #tpu.memory_space<semaphore_mem>>
    %dma_wait3A_229 = tpu.memref_squeeze %dma_wait3A_228 : memref<1x!tpu.dma_semaphore, #tpu.memory_space<semaphore_mem>> -> memref<!tpu.dma_semaphore, #tpu.memory_space<semaphore_mem>>
    tpu.wait_indirect_dma semaphore(%dma_wait3A_229 : memref<!tpu.dma_semaphore, #tpu.memory_space<semaphore_mem>>) src(%dma_wait3A_227 : memref<1000000x64xf32, #tpu.memory_space<hbm>>) dst(%dma_wait3A_221 : memref<128x64xf32, #tpu.memory_space<vmem>>)
    %scan3A_230 = arith.constant 0 : i32
    %scan3A_231 = arith.constant 0 : i32
    %scan3A_232 = arith.constant 64 : i32
    %scan3A_233 = arith.addi %scan3A_231, %scan3A_232 : i32
    %scan3A_234 = arith.constant 1 : i32
    scf.for %scan3A_358 = %scan3A_231 to %scan3A_233 step %scan3A_234  : i32 {
      %mul3A_359 = arith.constant 4 : i32
      %mul3A_360 = arith.muli %scan3A_358, %mul3A_359 : i32
      %add3A_361 = arith.constant 512 : i32
      %add3A_362 = arith.addi %add3A_361, %mul3A_360 : i32
      %add3A_363 = arith.constant 0 : i32
      %add3A_364 = arith.addi %add3A_362, %add3A_363 : i32
      %get3A = arith.index_cast %add3A_364 : i32 to index
      %get3A_365 = arith.constant 0 : index
      %get3A_366 = tpu.vector_load %arg6[%get3A, %get3A_365] {strides = array<i32>} : memref<1024x64xf32, #tpu.memory_space<vmem>>, vector<1x16xf32>,
      %get3A_367 = vector.shape_cast %get3A_366 : vector<1x16xf32> to vector<16xf32>
      %mul3A_368 = arith.constant 8.000000e+00 : f32
      %mul3A_369 = vector.broadcast %mul3A_368 : f32 to vector<16xf32>
      %mul3A_370 = arith.mulf %get3A_367, %mul3A_369 : vector<16xf32>
      %add3A_371 = arith.constant 0 : i32
      %add3A_372 = arith.addi %add3A_362, %add3A_371 : i32
      %swap3A = arith.index_cast %add3A_372 : i32 to index
      %swap3A_373 = arith.constant 0 : index
      %swap3A_374 = tpu.vector_load %arg6[%swap3A, %swap3A_373] {strides = array<i32>} : memref<1024x64xf32, #tpu.memory_space<vmem>>, vector<1x16xf32>,
      %swap3A_375 = vector.shape_cast %swap3A_374 : vector<1x16xf32> to vector<16xf32>
      %swap3A_376 = vector.shape_cast %mul3A_370 : vector<16xf32> to vector<1x16xf32>
      tpu.vector_store %arg6[%swap3A, %swap3A_373], %swap3A_376 {strides = array<i32>} : memref<1024x64xf32, #tpu.memory_space<vmem>>, vector<1x16xf32>,
      %add3A_377 = arith.constant 0 : i32
      %add3A_378 = arith.addi %add3A_362, %add3A_377 : i32
      %get3A_379 = arith.index_cast %add3A_378 : i32 to index
      %get3A_380 = arith.constant 16 : index
      %get3A_381 = tpu.vector_load %arg6[%get3A_379, %get3A_380] {strides = array<i32>} : memref<1024x64xf32, #tpu.memory_space<vmem>>, vector<1x16xf32>,
      %get3A_382 = vector.shape_cast %get3A_381 : vector<1x16xf32> to vector<16xf32>
      %mul3A_383 = arith.constant 8.000000e+00 : f32
      %mul3A_384 = vector.broadcast %mul3A_383 : f32 to vector<16xf32>
      %mul3A_385 = arith.mulf %get3A_382, %mul3A_384 : vector<16xf32>
      %add3A_386 = arith.constant 0 : i32
      %add3A_387 = arith.addi %add3A_362, %add3A_386 : i32
      %swap3A_388 = arith.index_cast %add3A_387 : i32 to index
      %swap3A_389 = arith.constant 16 : index
      %swap3A_390 = tpu.vector_load %arg6[%swap3A_388, %swap3A_389] {strides = array<i32>} : memref<1024x64xf32, #tpu.memory_space<vmem>>, vector<1x16xf32>,
      %swap3A_391 = vector.shape_cast %swap3A_390 : vector<1x16xf32> to vector<16xf32>
      %swap3A_392 = vector.shape_cast %mul3A_385 : vector<16xf32> to vector<1x16xf32>
      tpu.vector_store %arg6[%swap3A_388, %swap3A_389], %swap3A_392 {strides = array<i32>} : memref<1024x64xf32, #tpu.memory_space<vmem>>, vector<1x16xf32>,
      %add3A_393 = arith.constant 0 : i32
      %add3A_394 = arith.addi %add3A_362, %add3A_393 : i32
      %get3A_395 = arith.index_cast %add3A_394 : i32 to index
      %get3A_396 = arith.constant 32 : index
      %get3A_397 = tpu.vector_load %arg6[%get3A_395, %get3A_396] {strides = array<i32>} : memref<1024x64xf32, #tpu.memory_space<vmem>>, vector<1x16xf32>,
      %get3A_398 = vector.shape_cast %get3A_397 : vector<1x16xf32> to vector<16xf32>
      %mul3A_399 = arith.constant 8.000000e+00 : f32
      %mul3A_400 = vector.broadcast %mul3A_399 : f32 to vector<16xf32>
      %mul3A_401 = arith.mulf %get3A_398, %mul3A_400 : vector<16xf32>
      %add3A_402 = arith.constant 0 : i32
      %add3A_403 = arith.addi %add3A_362, %add3A_402 : i32
      %swap3A_404 = arith.index_cast %add3A_403 : i32 to index
      %swap3A_405 = arith.constant 32 : index
      %swap3A_406 = tpu.vector_load %arg6[%swap3A_404, %swap3A_405] {strides = array<i32>} : memref<1024x64xf32, #tpu.memory_space<vmem>>, vector<1x16xf32>,
      %swap3A_407 = vector.shape_cast %swap3A_406 : vector<1x16xf32> to vector<16xf32>
      %swap3A_408 = vector.shape_cast %mul3A_401 : vector<16xf32> to vector<1x16xf32>
      tpu.vector_store %arg6[%swap3A_404, %swap3A_405], %swap3A_408 {strides = array<i32>} : memref<1024x64xf32, #tpu.memory_space<vmem>>, vector<1x16xf32>,
      %add3A_409 = arith.constant 0 : i32
      %add3A_410 = arith.addi %add3A_362, %add3A_409 : i32
      %get3A_411 = arith.index_cast %add3A_410 : i32 to index
      %get3A_412 = arith.constant 48 : index
      %get3A_413 = tpu.vector_load %arg6[%get3A_411, %get3A_412] {strides = array<i32>} : memref<1024x64xf32, #tpu.memory_space<vmem>>, vector<1x16xf32>,
      %get3A_414 = vector.shape_cast %get3A_413 : vector<1x16xf32> to vector<16xf32>
      %mul3A_415 = arith.constant 8.000000e+00 : f32
      %mul3A_416 = vector.broadcast %mul3A_415 : f32 to vector<16xf32>
      %mul3A_417 = arith.mulf %get3A_414, %mul3A_416 : vector<16xf32>
      %add3A_418 = arith.constant 0 : i32
      %add3A_419 = arith.addi %add3A_362, %add3A_418 : i32
      %swap3A_420 = arith.index_cast %add3A_419 : i32 to index
      %swap3A_421 = arith.constant 48 : index
      %swap3A_422 = tpu.vector_load %arg6[%swap3A_420, %swap3A_421] {strides = array<i32>} : memref<1024x64xf32, #tpu.memory_space<vmem>>, vector<1x16xf32>,
      %swap3A_423 = vector.shape_cast %swap3A_422 : vector<1x16xf32> to vector<16xf32>
      %swap3A_424 = vector.shape_cast %mul3A_417 : vector<16xf32> to vector<1x16xf32>
      tpu.vector_store %arg6[%swap3A_420, %swap3A_421], %swap3A_424 {strides = array<i32>} : memref<1024x64xf32, #tpu.memory_space<vmem>>, vector<1x16xf32>,
      %add3A_425 = arith.constant 1 : i32
      %add3A_426 = arith.addi %add3A_362, %add3A_425 : i32
      %get3A_427 = arith.index_cast %add3A_426 : i32 to index
      %get3A_428 = arith.constant 0 : index
      %get3A_429 = tpu.vector_load %arg6[%get3A_427, %get3A_428] {strides = array<i32>} : memref<1024x64xf32, #tpu.memory_space<vmem>>, vector<1x16xf32>,
      %get3A_430 = vector.shape_cast %get3A_429 : vector<1x16xf32> to vector<16xf32>
      %mul3A_431 = arith.constant 8.000000e+00 : f32
      %mul3A_432 = vector.broadcast %mul3A_431 : f32 to vector<16xf32>
      %mul3A_433 = arith.mulf %get3A_430, %mul3A_432 : vector<16xf32>
      %add3A_434 = arith.constant 1 : i32
      %add3A_435 = arith.addi %add3A_362, %add3A_434 : i32
      %swap3A_436 = arith.index_cast %add3A_435 : i32 to index
      %swap3A_437 = arith.constant 0 : index
      %swap3A_438 = tpu.vector_load %arg6[%swap3A_436, %swap3A_437] {strides = array<i32>} : memref<1024x64xf32, #tpu.memory_space<vmem>>, vector<1x16xf32>,
      %swap3A_439 = vector.shape_cast %swap3A_438 : vector<1x16xf32> to vector<16xf32>
      %swap3A_440 = vector.shape_cast %mul3A_433 : vector<16xf32> to vector<1x16xf32>
      tpu.vector_store %arg6[%swap3A_436, %swap3A_437], %swap3A_440 {strides = array<i32>} : memref<1024x64xf32, #tpu.memory_space<vmem>>, vector<1x16xf32>,
      %add3A_441 = arith.constant 1 : i32
      %add3A_442 = arith.addi %add3A_362, %add3A_441 : i32
      %get3A_443 = arith.index_cast %add3A_442 : i32 to index
      %get3A_444 = arith.constant 16 : index
      %get3A_445 = tpu.vector_load %arg6[%get3A_443, %get3A_444] {strides = array<i32>} : memref<1024x64xf32, #tpu.memory_space<vmem>>, vector<1x16xf32>,
      %get3A_446 = vector.shape_cast %get3A_445 : vector<1x16xf32> to vector<16xf32>
      %mul3A_447 = arith.constant 8.000000e+00 : f32
      %mul3A_448 = vector.broadcast %mul3A_447 : f32 to vector<16xf32>
      %mul3A_449 = arith.mulf %get3A_446, %mul3A_448 : vector<16xf32>
      %add3A_450 = arith.constant 1 : i32
      %add3A_451 = arith.addi %add3A_362, %add3A_450 : i32
      %swap3A_452 = arith.index_cast %add3A_451 : i32 to index
      %swap3A_453 = arith.constant 16 : index
      %swap3A_454 = tpu.vector_load %arg6[%swap3A_452, %swap3A_453] {strides = array<i32>} : memref<1024x64xf32, #tpu.memory_space<vmem>>, vector<1x16xf32>,
      %swap3A_455 = vector.shape_cast %swap3A_454 : vector<1x16xf32> to vector<16xf32>
      %swap3A_456 = vector.shape_cast %mul3A_449 : vector<16xf32> to vector<1x16xf32>
      tpu.vector_store %arg6[%swap3A_452, %swap3A_453], %swap3A_456 {strides = array<i32>} : memref<1024x64xf32, #tpu.memory_space<vmem>>, vector<1x16xf32>,
      %add3A_457 = arith.constant 1 : i32
      %add3A_458 = arith.addi %add3A_362, %add3A_457 : i32
      %get3A_459 = arith.index_cast %add3A_458 : i32 to index
      %get3A_460 = arith.constant 32 : index
      %get3A_461 = tpu.vector_load %arg6[%get3A_459, %get3A_460] {strides = array<i32>} : memref<1024x64xf32, #tpu.memory_space<vmem>>, vector<1x16xf32>,
      %get3A_462 = vector.shape_cast %get3A_461 : vector<1x16xf32> to vector<16xf32>
      %mul3A_463 = arith.constant 8.000000e+00 : f32
      %mul3A_464 = vector.broadcast %mul3A_463 : f32 to vector<16xf32>
      %mul3A_465 = arith.mulf %get3A_462, %mul3A_464 : vector<16xf32>
      %add3A_466 = arith.constant 1 : i32
      %add3A_467 = arith.addi %add3A_362, %add3A_466 : i32
      %swap3A_468 = arith.index_cast %add3A_467 : i32 to index
      %swap3A_469 = arith.constant 32 : index
      %swap3A_470 = tpu.vector_load %arg6[%swap3A_468, %swap3A_469] {strides = array<i32>} : memref<1024x64xf32, #tpu.memory_space<vmem>>, vector<1x16xf32>,
      %swap3A_471 = vector.shape_cast %swap3A_470 : vector<1x16xf32> to vector<16xf32>
      %swap3A_472 = vector.shape_cast %mul3A_465 : vector<16xf32> to vector<1x16xf32>
      tpu.vector_store %arg6[%swap3A_468, %swap3A_469], %swap3A_472 {strides = array<i32>} : memref<1024x64xf32, #tpu.memory_space<vmem>>, vector<1x16xf32>,
      %add3A_473 = arith.constant 1 : i32
      %add3A_474 = arith.addi %add3A_362, %add3A_473 : i32
      %get3A_475 = arith.index_cast %add3A_474 : i32 to index
      %get3A_476 = arith.constant 48 : index
      %get3A_477 = tpu.vector_load %arg6[%get3A_475, %get3A_476] {strides = array<i32>} : memref<1024x64xf32, #tpu.memory_space<vmem>>, vector<1x16xf32>,
      %get3A_478 = vector.shape_cast %get3A_477 : vector<1x16xf32> to vector<16xf32>
      %mul3A_479 = arith.constant 8.000000e+00 : f32
      %mul3A_480 = vector.broadcast %mul3A_479 : f32 to vector<16xf32>
      %mul3A_481 = arith.mulf %get3A_478, %mul3A_480 : vector<16xf32>
      %add3A_482 = arith.constant 1 : i32
      %add3A_483 = arith.addi %add3A_362, %add3A_482 : i32
      %swap3A_484 = arith.index_cast %add3A_483 : i32 to index
      %swap3A_485 = arith.constant 48 : index
      %swap3A_486 = tpu.vector_load %arg6[%swap3A_484, %swap3A_485] {strides = array<i32>} : memref<1024x64xf32, #tpu.memory_space<vmem>>, vector<1x16xf32>,
      %swap3A_487 = vector.shape_cast %swap3A_486 : vector<1x16xf32> to vector<16xf32>
      %swap3A_488 = vector.shape_cast %mul3A_481 : vector<16xf32> to vector<1x16xf32>
      tpu.vector_store %arg6[%swap3A_484, %swap3A_485], %swap3A_488 {strides = array<i32>} : memref<1024x64xf32, #tpu.memory_space<vmem>>, vector<1x16xf32>,
      %add3A_489 = arith.constant 2 : i32
      %add3A_490 = arith.addi %add3A_362, %add3A_489 : i32
      %get3A_491 = arith.index_cast %add3A_490 : i32 to index
      %get3A_492 = arith.constant 0 : index
      %get3A_493 = tpu.vector_load %arg6[%get3A_491, %get3A_492] {strides = array<i32>} : memref<1024x64xf32, #tpu.memory_space<vmem>>, vector<1x16xf32>,
      %get3A_494 = vector.shape_cast %get3A_493 : vector<1x16xf32> to vector<16xf32>
      %mul3A_495 = arith.constant 8.000000e+00 : f32
      %mul3A_496 = vector.broadcast %mul3A_495 : f32 to vector<16xf32>
      %mul3A_497 = arith.mulf %get3A_494, %mul3A_496 : vector<16xf32>
      %add3A_498 = arith.constant 2 : i32
      %add3A_499 = arith.addi %add3A_362, %add3A_498 : i32
      %swap3A_500 = arith.index_cast %add3A_499 : i32 to index
      %swap3A_501 = arith.constant 0 : index
      %swap3A_502 = tpu.vector_load %arg6[%swap3A_500, %swap3A_501] {strides = array<i32>} : memref<1024x64xf32, #tpu.memory_space<vmem>>, vector<1x16xf32>,
      %swap3A_503 = vector.shape_cast %swap3A_502 : vector<1x16xf32> to vector<16xf32>
      %swap3A_504 = vector.shape_cast %mul3A_497 : vector<16xf32> to vector<1x16xf32>
      tpu.vector_store %arg6[%swap3A_500, %swap3A_501], %swap3A_504 {strides = array<i32>} : memref<1024x64xf32, #tpu.memory_space<vmem>>, vector<1x16xf32>,
      %add3A_505 = arith.constant 2 : i32
      %add3A_506 = arith.addi %add3A_362, %add3A_505 : i32
      %get3A_507 = arith.index_cast %add3A_506 : i32 to index
      %get3A_508 = arith.constant 16 : index
      %get3A_509 = tpu.vector_load %arg6[%get3A_507, %get3A_508] {strides = array<i32>} : memref<1024x64xf32, #tpu.memory_space<vmem>>, vector<1x16xf32>,
      %get3A_510 = vector.shape_cast %get3A_509 : vector<1x16xf32> to vector<16xf32>
      %mul3A_511 = arith.constant 8.000000e+00 : f32
      %mul3A_512 = vector.broadcast %mul3A_511 : f32 to vector<16xf32>
      %mul3A_513 = arith.mulf %get3A_510, %mul3A_512 : vector<16xf32>
      %add3A_514 = arith.constant 2 : i32
      %add3A_515 = arith.addi %add3A_362, %add3A_514 : i32
      %swap3A_516 = arith.index_cast %add3A_515 : i32 to index
      %swap3A_517 = arith.constant 16 : index
      %swap3A_518 = tpu.vector_load %arg6[%swap3A_516, %swap3A_517] {strides = array<i32>} : memref<1024x64xf32, #tpu.memory_space<vmem>>, vector<1x16xf32>,
      %swap3A_519 = vector.shape_cast %swap3A_518 : vector<1x16xf32> to vector<16xf32>
      %swap3A_520 = vector.shape_cast %mul3A_513 : vector<16xf32> to vector<1x16xf32>
      tpu.vector_store %arg6[%swap3A_516, %swap3A_517], %swap3A_520 {strides = array<i32>} : memref<1024x64xf32, #tpu.memory_space<vmem>>, vector<1x16xf32>,
      %add3A_521 = arith.constant 2 : i32
      %add3A_522 = arith.addi %add3A_362, %add3A_521 : i32
      %get3A_523 = arith.index_cast %add3A_522 : i32 to index
      %get3A_524 = arith.constant 32 : index
      %get3A_525 = tpu.vector_load %arg6[%get3A_523, %get3A_524] {strides = array<i32>} : memref<1024x64xf32, #tpu.memory_space<vmem>>, vector<1x16xf32>,
      %get3A_526 = vector.shape_cast %get3A_525 : vector<1x16xf32> to vector<16xf32>
      %mul3A_527 = arith.constant 8.000000e+00 : f32
      %mul3A_528 = vector.broadcast %mul3A_527 : f32 to vector<16xf32>
      %mul3A_529 = arith.mulf %get3A_526, %mul3A_528 : vector<16xf32>
      %add3A_530 = arith.constant 2 : i32
      %add3A_531 = arith.addi %add3A_362, %add3A_530 : i32
      %swap3A_532 = arith.index_cast %add3A_531 : i32 to index
      %swap3A_533 = arith.constant 32 : index
      %swap3A_534 = tpu.vector_load %arg6[%swap3A_532, %swap3A_533] {strides = array<i32>} : memref<1024x64xf32, #tpu.memory_space<vmem>>, vector<1x16xf32>,
      %swap3A_535 = vector.shape_cast %swap3A_534 : vector<1x16xf32> to vector<16xf32>
      %swap3A_536 = vector.shape_cast %mul3A_529 : vector<16xf32> to vector<1x16xf32>
      tpu.vector_store %arg6[%swap3A_532, %swap3A_533], %swap3A_536 {strides = array<i32>} : memref<1024x64xf32, #tpu.memory_space<vmem>>, vector<1x16xf32>,
      %add3A_537 = arith.constant 2 : i32
      %add3A_538 = arith.addi %add3A_362, %add3A_537 : i32
      %get3A_539 = arith.index_cast %add3A_538 : i32 to index
      %get3A_540 = arith.constant 48 : index
      %get3A_541 = tpu.vector_load %arg6[%get3A_539, %get3A_540] {strides = array<i32>} : memref<1024x64xf32, #tpu.memory_space<vmem>>, vector<1x16xf32>,
      %get3A_542 = vector.shape_cast %get3A_541 : vector<1x16xf32> to vector<16xf32>
      %mul3A_543 = arith.constant 8.000000e+00 : f32
      %mul3A_544 = vector.broadcast %mul3A_543 : f32 to vector<16xf32>
      %mul3A_545 = arith.mulf %get3A_542, %mul3A_544 : vector<16xf32>
      %add3A_546 = arith.constant 2 : i32
      %add3A_547 = arith.addi %add3A_362, %add3A_546 : i32
      %swap3A_548 = arith.index_cast %add3A_547 : i32 to index
      %swap3A_549 = arith.constant 48 : index
      %swap3A_550 = tpu.vector_load %arg6[%swap3A_548, %swap3A_549] {strides = array<i32>} : memref<1024x64xf32, #tpu.memory_space<vmem>>, vector<1x16xf32>,
      %swap3A_551 = vector.shape_cast %swap3A_550 : vector<1x16xf32> to vector<16xf32>
      %swap3A_552 = vector.shape_cast %mul3A_545 : vector<16xf32> to vector<1x16xf32>
      tpu.vector_store %arg6[%swap3A_548, %swap3A_549], %swap3A_552 {strides = array<i32>} : memref<1024x64xf32, #tpu.memory_space<vmem>>, vector<1x16xf32>,
      %add3A_553 = arith.constant 3 : i32
      %add3A_554 = arith.addi %add3A_362, %add3A_553 : i32
      %get3A_555 = arith.index_cast %add3A_554 : i32 to index
      %get3A_556 = arith.constant 0 : index
      %get3A_557 = tpu.vector_load %arg6[%get3A_555, %get3A_556] {strides = array<i32>} : memref<1024x64xf32, #tpu.memory_space<vmem>>, vector<1x16xf32>,
      %get3A_558 = vector.shape_cast %get3A_557 : vector<1x16xf32> to vector<16xf32>
      %mul3A_559 = arith.constant 8.000000e+00 : f32
      %mul3A_560 = vector.broadcast %mul3A_559 : f32 to vector<16xf32>
      %mul3A_561 = arith.mulf %get3A_558, %mul3A_560 : vector<16xf32>
      %add3A_562 = arith.constant 3 : i32
      %add3A_563 = arith.addi %add3A_362, %add3A_562 : i32
      %swap3A_564 = arith.index_cast %add3A_563 : i32 to index
      %swap3A_565 = arith.constant 0 : index
      %swap3A_566 = tpu.vector_load %arg6[%swap3A_564, %swap3A_565] {strides = array<i32>} : memref<1024x64xf32, #tpu.memory_space<vmem>>, vector<1x16xf32>,
      %swap3A_567 = vector.shape_cast %swap3A_566 : vector<1x16xf32> to vector<16xf32>
      %swap3A_568 = vector.shape_cast %mul3A_561 : vector<16xf32> to vector<1x16xf32>
      tpu.vector_store %arg6[%swap3A_564, %swap3A_565], %swap3A_568 {strides = array<i32>} : memref<1024x64xf32, #tpu.memory_space<vmem>>, vector<1x16xf32>,
      %add3A_569 = arith.constant 3 : i32
      %add3A_570 = arith.addi %add3A_362, %add3A_569 : i32
      %get3A_571 = arith.index_cast %add3A_570 : i32 to index
      %get3A_572 = arith.constant 16 : index
      %get3A_573 = tpu.vector_load %arg6[%get3A_571, %get3A_572] {strides = array<i32>} : memref<1024x64xf32, #tpu.memory_space<vmem>>, vector<1x16xf32>,
      %get3A_574 = vector.shape_cast %get3A_573 : vector<1x16xf32> to vector<16xf32>
      %mul3A_575 = arith.constant 8.000000e+00 : f32
      %mul3A_576 = vector.broadcast %mul3A_575 : f32 to vector<16xf32>
      %mul3A_577 = arith.mulf %get3A_574, %mul3A_576 : vector<16xf32>
      %add3A_578 = arith.constant 3 : i32
      %add3A_579 = arith.addi %add3A_362, %add3A_578 : i32
      %swap3A_580 = arith.index_cast %add3A_579 : i32 to index
      %swap3A_581 = arith.constant 16 : index
      %swap3A_582 = tpu.vector_load %arg6[%swap3A_580, %swap3A_581] {strides = array<i32>} : memref<1024x64xf32, #tpu.memory_space<vmem>>, vector<1x16xf32>,
      %swap3A_583 = vector.shape_cast %swap3A_582 : vector<1x16xf32> to vector<16xf32>
      %swap3A_584 = vector.shape_cast %mul3A_577 : vector<16xf32> to vector<1x16xf32>
      tpu.vector_store %arg6[%swap3A_580, %swap3A_581], %swap3A_584 {strides = array<i32>} : memref<1024x64xf32, #tpu.memory_space<vmem>>, vector<1x16xf32>,
      %add3A_585 = arith.constant 3 : i32
      %add3A_586 = arith.addi %add3A_362, %add3A_585 : i32
      %get3A_587 = arith.index_cast %add3A_586 : i32 to index
      %get3A_588 = arith.constant 32 : index
      %get3A_589 = tpu.vector_load %arg6[%get3A_587, %get3A_588] {strides = array<i32>} : memref<1024x64xf32, #tpu.memory_space<vmem>>, vector<1x16xf32>,
      %get3A_590 = vector.shape_cast %get3A_589 : vector<1x16xf32> to vector<16xf32>
      %mul3A_591 = arith.constant 8.000000e+00 : f32
      %mul3A_592 = vector.broadcast %mul3A_591 : f32 to vector<16xf32>
      %mul3A_593 = arith.mulf %get3A_590, %mul3A_592 : vector<16xf32>
      %add3A_594 = arith.constant 3 : i32
      %add3A_595 = arith.addi %add3A_362, %add3A_594 : i32
      %swap3A_596 = arith.index_cast %add3A_595 : i32 to index
      %swap3A_597 = arith.constant 32 : index
      %swap3A_598 = tpu.vector_load %arg6[%swap3A_596, %swap3A_597] {strides = array<i32>} : memref<1024x64xf32, #tpu.memory_space<vmem>>, vector<1x16xf32>,
      %swap3A_599 = vector.shape_cast %swap3A_598 : vector<1x16xf32> to vector<16xf32>
      %swap3A_600 = vector.shape_cast %mul3A_593 : vector<16xf32> to vector<1x16xf32>
      tpu.vector_store %arg6[%swap3A_596, %swap3A_597], %swap3A_600 {strides = array<i32>} : memref<1024x64xf32, #tpu.memory_space<vmem>>, vector<1x16xf32>,
      %add3A_601 = arith.constant 3 : i32
      %add3A_602 = arith.addi %add3A_362, %add3A_601 : i32
      %get3A_603 = arith.index_cast %add3A_602 : i32 to index
      %get3A_604 = arith.constant 48 : index
      %get3A_605 = tpu.vector_load %arg6[%get3A_603, %get3A_604] {strides = array<i32>} : memref<1024x64xf32, #tpu.memory_space<vmem>>, vector<1x16xf32>,
      %get3A_606 = vector.shape_cast %get3A_605 : vector<1x16xf32> to vector<16xf32>
      %mul3A_607 = arith.constant 8.000000e+00 : f32
      %mul3A_608 = vector.broadcast %mul3A_607 : f32 to vector<16xf32>
      %mul3A_609 = arith.mulf %get3A_606, %mul3A_608 : vector<16xf32>
      %add3A_610 = arith.constant 3 : i32
      %add3A_611 = arith.addi %add3A_362, %add3A_610 : i32
      %swap3A_612 = arith.index_cast %add3A_611 : i32 to index
      %swap3A_613 = arith.constant 48 : index
      %swap3A_614 = tpu.vector_load %arg6[%swap3A_612, %swap3A_613] {strides = array<i32>} : memref<1024x64xf32, #tpu.memory_space<vmem>>, vector<1x16xf32>,
      %swap3A_615 = vector.shape_cast %swap3A_614 : vector<1x16xf32> to vector<16xf32>
      %swap3A_616 = vector.shape_cast %mul3A_609 : vector<16xf32> to vector<1x16xf32>
      tpu.vector_store %arg6[%swap3A_612, %swap3A_613], %swap3A_616 {strides = array<i32>} : memref<1024x64xf32, #tpu.memory_space<vmem>>, vector<1x16xf32>,
    }
    %scan3A_235 = arith.constant 64 : i32
    %add3A_236 = arith.constant 25088 : i32
    %add3A_237 = arith.addi %mul3A_2, %add3A_236 : i32
    %dma_start3A_238 = arith.constant 2 : i32
    %dma_start3A_239 = arith.constant 512 : i32
    %dma_start3A_240 = arith.constant 0 : i32
    %dma_start3A_241 = tpu.memref_slice %arg6[%dma_start3A_239, %dma_start3A_240] : memref<1024x64xf32, #tpu.memory_space<vmem>> -> memref<256x64xf32, #tpu.memory_space<vmem>>
    %dma_start3A_242 = arith.constant 0 : i32
    %dma_start3A_243 = tpu.memref_slice %arg4[%add3A_237, %dma_start3A_242] : memref<819200x64xf32, #tpu.memory_space<hbm>> -> memref<256x64xf32, #tpu.memory_space<hbm>>
    %dma_start3A_244 = tpu.memref_slice %arg8[%dma_start3A_238] : memref<4x!tpu.dma_semaphore, #tpu.memory_space<semaphore_mem>> -> memref<1x!tpu.dma_semaphore, #tpu.memory_space<semaphore_mem>>
    %dma_start3A_245 = tpu.memref_squeeze %dma_start3A_244 : memref<1x!tpu.dma_semaphore, #tpu.memory_space<semaphore_mem>> -> memref<!tpu.dma_semaphore, #tpu.memory_space<semaphore_mem>>
    %dma_start3A_246 = arith.constant 0 : i32
    %dma_start3A_247 = tpu.memref_slice %arg4[%add3A_237, %dma_start3A_246] : memref<819200x64xf32, #tpu.memory_space<hbm>> -> memref<256x64xf32, #tpu.memory_space<hbm>>
    %dma_start3A_248 = arith.constant 512 : i32
    %dma_start3A_249 = arith.constant 0 : i32
    %dma_start3A_250 = tpu.memref_slice %arg6[%dma_start3A_248, %dma_start3A_249] : memref<1024x64xf32, #tpu.memory_space<vmem>> -> memref<256x64xf32, #tpu.memory_space<vmem>>
    tpu.enqueue_dma source(%dma_start3A_250 : memref<256x64xf32, #tpu.memory_space<vmem>>) target(%dma_start3A_247 : memref<256x64xf32, #tpu.memory_space<hbm>>) target_semaphore(%dma_start3A_245 : memref<!tpu.dma_semaphore, #tpu.memory_space<semaphore_mem>>)
    %dma_wait3A_251 = arith.constant 0 : i32
    %dma_wait3A_252 = arith.constant 3 : i32
    %dma_wait3A_253 = arith.constant 768 : i32
    %dma_wait3A_254 = arith.constant 0 : i32
    %dma_wait3A_255 = tpu.memref_slice %arg6[%dma_wait3A_253, %dma_wait3A_254] : memref<1024x64xf32, #tpu.memory_space<vmem>> -> memref<128x64xf32, #tpu.memory_space<vmem>>
    %dma_wait3A_256 = arith.constant 0 : i32
    %dma_wait3A_257 = tpu.memref_slice %arg5[%dma_wait3A_251, %dma_wait3A_256] : memref<200x128xi32, #tpu.memory_space<vmem>> -> memref<1x128xi32, #tpu.memory_space<vmem>>
    %dma_wait3A_258 = tpu.memref_squeeze %dma_wait3A_257 : memref<1x128xi32, #tpu.memory_space<vmem>> -> memref<128xi32, #tpu.memory_space<vmem>>
    %dma_wait3A_259 = arith.constant 0 : i32
    %dma_wait3A_260 = arith.constant 0 : i32
    %dma_wait3A_261 = tpu.memref_slice %arg3[%dma_wait3A_259, %dma_wait3A_260] : memref<1000000x64xf32, #tpu.memory_space<hbm>> -> memref<1000000x64xf32, #tpu.memory_space<hbm>>
    %dma_wait3A_262 = tpu.memref_slice %arg7[%dma_wait3A_252] : memref<4x!tpu.dma_semaphore, #tpu.memory_space<semaphore_mem>> -> memref<1x!tpu.dma_semaphore, #tpu.memory_space<semaphore_mem>>
    %dma_wait3A_263 = tpu.memref_squeeze %dma_wait3A_262 : memref<1x!tpu.dma_semaphore, #tpu.memory_space<semaphore_mem>> -> memref<!tpu.dma_semaphore, #tpu.memory_space<semaphore_mem>>
    tpu.wait_indirect_dma semaphore(%dma_wait3A_263 : memref<!tpu.dma_semaphore, #tpu.memory_space<semaphore_mem>>) src(%dma_wait3A_261 : memref<1000000x64xf32, #tpu.memory_space<hbm>>) dst(%dma_wait3A_255 : memref<128x64xf32, #tpu.memory_space<vmem>>)
    %dma_wait3A_264 = arith.constant 1 : i32
    %dma_wait3A_265 = arith.constant 3 : i32
    %dma_wait3A_266 = arith.constant 896 : i32
    %dma_wait3A_267 = arith.constant 0 : i32
    %dma_wait3A_268 = tpu.memref_slice %arg6[%dma_wait3A_266, %dma_wait3A_267] : memref<1024x64xf32, #tpu.memory_space<vmem>> -> memref<128x64xf32, #tpu.memory_space<vmem>>
    %dma_wait3A_269 = arith.constant 0 : i32
    %dma_wait3A_270 = tpu.memref_slice %arg5[%dma_wait3A_264, %dma_wait3A_269] : memref<200x128xi32, #tpu.memory_space<vmem>> -> memref<1x128xi32, #tpu.memory_space<vmem>>
    %dma_wait3A_271 = tpu.memref_squeeze %dma_wait3A_270 : memref<1x128xi32, #tpu.memory_space<vmem>> -> memref<128xi32, #tpu.memory_space<vmem>>
    %dma_wait3A_272 = arith.constant 0 : i32
    %dma_wait3A_273 = arith.constant 0 : i32
    %dma_wait3A_274 = tpu.memref_slice %arg3[%dma_wait3A_272, %dma_wait3A_273] : memref<1000000x64xf32, #tpu.memory_space<hbm>> -> memref<1000000x64xf32, #tpu.memory_space<hbm>>
    %dma_wait3A_275 = tpu.memref_slice %arg7[%dma_wait3A_265] : memref<4x!tpu.dma_semaphore, #tpu.memory_space<semaphore_mem>> -> memref<1x!tpu.dma_semaphore, #tpu.memory_space<semaphore_mem>>
    %dma_wait3A_276 = tpu.memref_squeeze %dma_wait3A_275 : memref<1x!tpu.dma_semaphore, #tpu.memory_space<semaphore_mem>> -> memref<!tpu.dma_semaphore, #tpu.memory_space<semaphore_mem>>
    tpu.wait_indirect_dma semaphore(%dma_wait3A_276 : memref<!tpu.dma_semaphore, #tpu.memory_space<semaphore_mem>>) src(%dma_wait3A_274 : memref<1000000x64xf32, #tpu.memory_space<hbm>>) dst(%dma_wait3A_268 : memref<128x64xf32, #tpu.memory_space<vmem>>)
    %scan3A_277 = arith.constant 0 : i32
    %scan3A_278 = arith.constant 0 : i32
    %scan3A_279 = arith.constant 64 : i32
    %scan3A_280 = arith.addi %scan3A_278, %scan3A_279 : i32
    %scan3A_281 = arith.constant 1 : i32
    scf.for %scan3A_358 = %scan3A_278 to %scan3A_280 step %scan3A_281  : i32 {
      %mul3A_359 = arith.constant 4 : i32
      %mul3A_360 = arith.muli %scan3A_358, %mul3A_359 : i32
      %add3A_361 = arith.constant 768 : i32
      %add3A_362 = arith.addi %add3A_361, %mul3A_360 : i32
      %add3A_363 = arith.constant 0 : i32
      %add3A_364 = arith.addi %add3A_362, %add3A_363 : i32
      %get3A = arith.index_cast %add3A_364 : i32 to index
      %get3A_365 = arith.constant 0 : index
      %get3A_366 = tpu.vector_load %arg6[%get3A, %get3A_365] {strides = array<i32>} : memref<1024x64xf32, #tpu.memory_space<vmem>>, vector<1x16xf32>,
      %get3A_367 = vector.shape_cast %get3A_366 : vector<1x16xf32> to vector<16xf32>
      %mul3A_368 = arith.constant 8.000000e+00 : f32
      %mul3A_369 = vector.broadcast %mul3A_368 : f32 to vector<16xf32>
      %mul3A_370 = arith.mulf %get3A_367, %mul3A_369 : vector<16xf32>
      %add3A_371 = arith.constant 0 : i32
      %add3A_372 = arith.addi %add3A_362, %add3A_371 : i32
      %swap3A = arith.index_cast %add3A_372 : i32 to index
      %swap3A_373 = arith.constant 0 : index
      %swap3A_374 = tpu.vector_load %arg6[%swap3A, %swap3A_373] {strides = array<i32>} : memref<1024x64xf32, #tpu.memory_space<vmem>>, vector<1x16xf32>,
      %swap3A_375 = vector.shape_cast %swap3A_374 : vector<1x16xf32> to vector<16xf32>
      %swap3A_376 = vector.shape_cast %mul3A_370 : vector<16xf32> to vector<1x16xf32>
      tpu.vector_store %arg6[%swap3A, %swap3A_373], %swap3A_376 {strides = array<i32>} : memref<1024x64xf32, #tpu.memory_space<vmem>>, vector<1x16xf32>,
      %add3A_377 = arith.constant 0 : i32
      %add3A_378 = arith.addi %add3A_362, %add3A_377 : i32
      %get3A_379 = arith.index_cast %add3A_378 : i32 to index
      %get3A_380 = arith.constant 16 : index
      %get3A_381 = tpu.vector_load %arg6[%get3A_379, %get3A_380] {strides = array<i32>} : memref<1024x64xf32, #tpu.memory_space<vmem>>, vector<1x16xf32>,
      %get3A_382 = vector.shape_cast %get3A_381 : vector<1x16xf32> to vector<16xf32>
      %mul3A_383 = arith.constant 8.000000e+00 : f32
      %mul3A_384 = vector.broadcast %mul3A_383 : f32 to vector<16xf32>
      %mul3A_385 = arith.mulf %get3A_382, %mul3A_384 : vector<16xf32>
      %add3A_386 = arith.constant 0 : i32
      %add3A_387 = arith.addi %add3A_362, %add3A_386 : i32
      %swap3A_388 = arith.index_cast %add3A_387 : i32 to index
      %swap3A_389 = arith.constant 16 : index
      %swap3A_390 = tpu.vector_load %arg6[%swap3A_388, %swap3A_389] {strides = array<i32>} : memref<1024x64xf32, #tpu.memory_space<vmem>>, vector<1x16xf32>,
      %swap3A_391 = vector.shape_cast %swap3A_390 : vector<1x16xf32> to vector<16xf32>
      %swap3A_392 = vector.shape_cast %mul3A_385 : vector<16xf32> to vector<1x16xf32>
      tpu.vector_store %arg6[%swap3A_388, %swap3A_389], %swap3A_392 {strides = array<i32>} : memref<1024x64xf32, #tpu.memory_space<vmem>>, vector<1x16xf32>,
      %add3A_393 = arith.constant 0 : i32
      %add3A_394 = arith.addi %add3A_362, %add3A_393 : i32
      %get3A_395 = arith.index_cast %add3A_394 : i32 to index
      %get3A_396 = arith.constant 32 : index
      %get3A_397 = tpu.vector_load %arg6[%get3A_395, %get3A_396] {strides = array<i32>} : memref<1024x64xf32, #tpu.memory_space<vmem>>, vector<1x16xf32>,
      %get3A_398 = vector.shape_cast %get3A_397 : vector<1x16xf32> to vector<16xf32>
      %mul3A_399 = arith.constant 8.000000e+00 : f32
      %mul3A_400 = vector.broadcast %mul3A_399 : f32 to vector<16xf32>
      %mul3A_401 = arith.mulf %get3A_398, %mul3A_400 : vector<16xf32>
      %add3A_402 = arith.constant 0 : i32
      %add3A_403 = arith.addi %add3A_362, %add3A_402 : i32
      %swap3A_404 = arith.index_cast %add3A_403 : i32 to index
      %swap3A_405 = arith.constant 32 : index
      %swap3A_406 = tpu.vector_load %arg6[%swap3A_404, %swap3A_405] {strides = array<i32>} : memref<1024x64xf32, #tpu.memory_space<vmem>>, vector<1x16xf32>,
      %swap3A_407 = vector.shape_cast %swap3A_406 : vector<1x16xf32> to vector<16xf32>
      %swap3A_408 = vector.shape_cast %mul3A_401 : vector<16xf32> to vector<1x16xf32>
      tpu.vector_store %arg6[%swap3A_404, %swap3A_405], %swap3A_408 {strides = array<i32>} : memref<1024x64xf32, #tpu.memory_space<vmem>>, vector<1x16xf32>,
      %add3A_409 = arith.constant 0 : i32
      %add3A_410 = arith.addi %add3A_362, %add3A_409 : i32
      %get3A_411 = arith.index_cast %add3A_410 : i32 to index
      %get3A_412 = arith.constant 48 : index
      %get3A_413 = tpu.vector_load %arg6[%get3A_411, %get3A_412] {strides = array<i32>} : memref<1024x64xf32, #tpu.memory_space<vmem>>, vector<1x16xf32>,
      %get3A_414 = vector.shape_cast %get3A_413 : vector<1x16xf32> to vector<16xf32>
      %mul3A_415 = arith.constant 8.000000e+00 : f32
      %mul3A_416 = vector.broadcast %mul3A_415 : f32 to vector<16xf32>
      %mul3A_417 = arith.mulf %get3A_414, %mul3A_416 : vector<16xf32>
      %add3A_418 = arith.constant 0 : i32
      %add3A_419 = arith.addi %add3A_362, %add3A_418 : i32
      %swap3A_420 = arith.index_cast %add3A_419 : i32 to index
      %swap3A_421 = arith.constant 48 : index
      %swap3A_422 = tpu.vector_load %arg6[%swap3A_420, %swap3A_421] {strides = array<i32>} : memref<1024x64xf32, #tpu.memory_space<vmem>>, vector<1x16xf32>,
      %swap3A_423 = vector.shape_cast %swap3A_422 : vector<1x16xf32> to vector<16xf32>
      %swap3A_424 = vector.shape_cast %mul3A_417 : vector<16xf32> to vector<1x16xf32>
      tpu.vector_store %arg6[%swap3A_420, %swap3A_421], %swap3A_424 {strides = array<i32>} : memref<1024x64xf32, #tpu.memory_space<vmem>>, vector<1x16xf32>,
      %add3A_425 = arith.constant 1 : i32
      %add3A_426 = arith.addi %add3A_362, %add3A_425 : i32
      %get3A_427 = arith.index_cast %add3A_426 : i32 to index
      %get3A_428 = arith.constant 0 : index
      %get3A_429 = tpu.vector_load %arg6[%get3A_427, %get3A_428] {strides = array<i32>} : memref<1024x64xf32, #tpu.memory_space<vmem>>, vector<1x16xf32>,
      %get3A_430 = vector.shape_cast %get3A_429 : vector<1x16xf32> to vector<16xf32>
      %mul3A_431 = arith.constant 8.000000e+00 : f32
      %mul3A_432 = vector.broadcast %mul3A_431 : f32 to vector<16xf32>
      %mul3A_433 = arith.mulf %get3A_430, %mul3A_432 : vector<16xf32>
      %add3A_434 = arith.constant 1 : i32
      %add3A_435 = arith.addi %add3A_362, %add3A_434 : i32
      %swap3A_436 = arith.index_cast %add3A_435 : i32 to index
      %swap3A_437 = arith.constant 0 : index
      %swap3A_438 = tpu.vector_load %arg6[%swap3A_436, %swap3A_437] {strides = array<i32>} : memref<1024x64xf32, #tpu.memory_space<vmem>>, vector<1x16xf32>,
      %swap3A_439 = vector.shape_cast %swap3A_438 : vector<1x16xf32> to vector<16xf32>
      %swap3A_440 = vector.shape_cast %mul3A_433 : vector<16xf32> to vector<1x16xf32>
      tpu.vector_store %arg6[%swap3A_436, %swap3A_437], %swap3A_440 {strides = array<i32>} : memref<1024x64xf32, #tpu.memory_space<vmem>>, vector<1x16xf32>,
      %add3A_441 = arith.constant 1 : i32
      %add3A_442 = arith.addi %add3A_362, %add3A_441 : i32
      %get3A_443 = arith.index_cast %add3A_442 : i32 to index
      %get3A_444 = arith.constant 16 : index
      %get3A_445 = tpu.vector_load %arg6[%get3A_443, %get3A_444] {strides = array<i32>} : memref<1024x64xf32, #tpu.memory_space<vmem>>, vector<1x16xf32>,
      %get3A_446 = vector.shape_cast %get3A_445 : vector<1x16xf32> to vector<16xf32>
      %mul3A_447 = arith.constant 8.000000e+00 : f32
      %mul3A_448 = vector.broadcast %mul3A_447 : f32 to vector<16xf32>
      %mul3A_449 = arith.mulf %get3A_446, %mul3A_448 : vector<16xf32>
      %add3A_450 = arith.constant 1 : i32
      %add3A_451 = arith.addi %add3A_362, %add3A_450 : i32
      %swap3A_452 = arith.index_cast %add3A_451 : i32 to index
      %swap3A_453 = arith.constant 16 : index
      %swap3A_454 = tpu.vector_load %arg6[%swap3A_452, %swap3A_453] {strides = array<i32>} : memref<1024x64xf32, #tpu.memory_space<vmem>>, vector<1x16xf32>,
      %swap3A_455 = vector.shape_cast %swap3A_454 : vector<1x16xf32> to vector<16xf32>
      %swap3A_456 = vector.shape_cast %mul3A_449 : vector<16xf32> to vector<1x16xf32>
      tpu.vector_store %arg6[%swap3A_452, %swap3A_453], %swap3A_456 {strides = array<i32>} : memref<1024x64xf32, #tpu.memory_space<vmem>>, vector<1x16xf32>,
      %add3A_457 = arith.constant 1 : i32
      %add3A_458 = arith.addi %add3A_362, %add3A_457 : i32
      %get3A_459 = arith.index_cast %add3A_458 : i32 to index
      %get3A_460 = arith.constant 32 : index
      %get3A_461 = tpu.vector_load %arg6[%get3A_459, %get3A_460] {strides = array<i32>} : memref<1024x64xf32, #tpu.memory_space<vmem>>, vector<1x16xf32>,
      %get3A_462 = vector.shape_cast %get3A_461 : vector<1x16xf32> to vector<16xf32>
      %mul3A_463 = arith.constant 8.000000e+00 : f32
      %mul3A_464 = vector.broadcast %mul3A_463 : f32 to vector<16xf32>
      %mul3A_465 = arith.mulf %get3A_462, %mul3A_464 : vector<16xf32>
      %add3A_466 = arith.constant 1 : i32
      %add3A_467 = arith.addi %add3A_362, %add3A_466 : i32
      %swap3A_468 = arith.index_cast %add3A_467 : i32 to index
      %swap3A_469 = arith.constant 32 : index
      %swap3A_470 = tpu.vector_load %arg6[%swap3A_468, %swap3A_469] {strides = array<i32>} : memref<1024x64xf32, #tpu.memory_space<vmem>>, vector<1x16xf32>,
      %swap3A_471 = vector.shape_cast %swap3A_470 : vector<1x16xf32> to vector<16xf32>
      %swap3A_472 = vector.shape_cast %mul3A_465 : vector<16xf32> to vector<1x16xf32>
      tpu.vector_store %arg6[%swap3A_468, %swap3A_469], %swap3A_472 {strides = array<i32>} : memref<1024x64xf32, #tpu.memory_space<vmem>>, vector<1x16xf32>,
      %add3A_473 = arith.constant 1 : i32
      %add3A_474 = arith.addi %add3A_362, %add3A_473 : i32
      %get3A_475 = arith.index_cast %add3A_474 : i32 to index
      %get3A_476 = arith.constant 48 : index
      %get3A_477 = tpu.vector_load %arg6[%get3A_475, %get3A_476] {strides = array<i32>} : memref<1024x64xf32, #tpu.memory_space<vmem>>, vector<1x16xf32>,
      %get3A_478 = vector.shape_cast %get3A_477 : vector<1x16xf32> to vector<16xf32>
      %mul3A_479 = arith.constant 8.000000e+00 : f32
      %mul3A_480 = vector.broadcast %mul3A_479 : f32 to vector<16xf32>
      %mul3A_481 = arith.mulf %get3A_478, %mul3A_480 : vector<16xf32>
      %add3A_482 = arith.constant 1 : i32
      %add3A_483 = arith.addi %add3A_362, %add3A_482 : i32
      %swap3A_484 = arith.index_cast %add3A_483 : i32 to index
      %swap3A_485 = arith.constant 48 : index
      %swap3A_486 = tpu.vector_load %arg6[%swap3A_484, %swap3A_485] {strides = array<i32>} : memref<1024x64xf32, #tpu.memory_space<vmem>>, vector<1x16xf32>,
      %swap3A_487 = vector.shape_cast %swap3A_486 : vector<1x16xf32> to vector<16xf32>
      %swap3A_488 = vector.shape_cast %mul3A_481 : vector<16xf32> to vector<1x16xf32>
      tpu.vector_store %arg6[%swap3A_484, %swap3A_485], %swap3A_488 {strides = array<i32>} : memref<1024x64xf32, #tpu.memory_space<vmem>>, vector<1x16xf32>,
      %add3A_489 = arith.constant 2 : i32
      %add3A_490 = arith.addi %add3A_362, %add3A_489 : i32
      %get3A_491 = arith.index_cast %add3A_490 : i32 to index
      %get3A_492 = arith.constant 0 : index
      %get3A_493 = tpu.vector_load %arg6[%get3A_491, %get3A_492] {strides = array<i32>} : memref<1024x64xf32, #tpu.memory_space<vmem>>, vector<1x16xf32>,
      %get3A_494 = vector.shape_cast %get3A_493 : vector<1x16xf32> to vector<16xf32>
      %mul3A_495 = arith.constant 8.000000e+00 : f32
      %mul3A_496 = vector.broadcast %mul3A_495 : f32 to vector<16xf32>
      %mul3A_497 = arith.mulf %get3A_494, %mul3A_496 : vector<16xf32>
      %add3A_498 = arith.constant 2 : i32
      %add3A_499 = arith.addi %add3A_362, %add3A_498 : i32
      %swap3A_500 = arith.index_cast %add3A_499 : i32 to index
      %swap3A_501 = arith.constant 0 : index
      %swap3A_502 = tpu.vector_load %arg6[%swap3A_500, %swap3A_501] {strides = array<i32>} : memref<1024x64xf32, #tpu.memory_space<vmem>>, vector<1x16xf32>,
      %swap3A_503 = vector.shape_cast %swap3A_502 : vector<1x16xf32> to vector<16xf32>
      %swap3A_504 = vector.shape_cast %mul3A_497 : vector<16xf32> to vector<1x16xf32>
      tpu.vector_store %arg6[%swap3A_500, %swap3A_501], %swap3A_504 {strides = array<i32>} : memref<1024x64xf32, #tpu.memory_space<vmem>>, vector<1x16xf32>,
      %add3A_505 = arith.constant 2 : i32
      %add3A_506 = arith.addi %add3A_362, %add3A_505 : i32
      %get3A_507 = arith.index_cast %add3A_506 : i32 to index
      %get3A_508 = arith.constant 16 : index
      %get3A_509 = tpu.vector_load %arg6[%get3A_507, %get3A_508] {strides = array<i32>} : memref<1024x64xf32, #tpu.memory_space<vmem>>, vector<1x16xf32>,
      %get3A_510 = vector.shape_cast %get3A_509 : vector<1x16xf32> to vector<16xf32>
      %mul3A_511 = arith.constant 8.000000e+00 : f32
      %mul3A_512 = vector.broadcast %mul3A_511 : f32 to vector<16xf32>
      %mul3A_513 = arith.mulf %get3A_510, %mul3A_512 : vector<16xf32>
      %add3A_514 = arith.constant 2 : i32
      %add3A_515 = arith.addi %add3A_362, %add3A_514 : i32
      %swap3A_516 = arith.index_cast %add3A_515 : i32 to index
      %swap3A_517 = arith.constant 16 : index
      %swap3A_518 = tpu.vector_load %arg6[%swap3A_516, %swap3A_517] {strides = array<i32>} : memref<1024x64xf32, #tpu.memory_space<vmem>>, vector<1x16xf32>,
      %swap3A_519 = vector.shape_cast %swap3A_518 : vector<1x16xf32> to vector<16xf32>
      %swap3A_520 = vector.shape_cast %mul3A_513 : vector<16xf32> to vector<1x16xf32>
      tpu.vector_store %arg6[%swap3A_516, %swap3A_517], %swap3A_520 {strides = array<i32>} : memref<1024x64xf32, #tpu.memory_space<vmem>>, vector<1x16xf32>,
      %add3A_521 = arith.constant 2 : i32
      %add3A_522 = arith.addi %add3A_362, %add3A_521 : i32
      %get3A_523 = arith.index_cast %add3A_522 : i32 to index
      %get3A_524 = arith.constant 32 : index
      %get3A_525 = tpu.vector_load %arg6[%get3A_523, %get3A_524] {strides = array<i32>} : memref<1024x64xf32, #tpu.memory_space<vmem>>, vector<1x16xf32>,
      %get3A_526 = vector.shape_cast %get3A_525 : vector<1x16xf32> to vector<16xf32>
      %mul3A_527 = arith.constant 8.000000e+00 : f32
      %mul3A_528 = vector.broadcast %mul3A_527 : f32 to vector<16xf32>
      %mul3A_529 = arith.mulf %get3A_526, %mul3A_528 : vector<16xf32>
      %add3A_530 = arith.constant 2 : i32
      %add3A_531 = arith.addi %add3A_362, %add3A_530 : i32
      %swap3A_532 = arith.index_cast %add3A_531 : i32 to index
      %swap3A_533 = arith.constant 32 : index
      %swap3A_534 = tpu.vector_load %arg6[%swap3A_532, %swap3A_533] {strides = array<i32>} : memref<1024x64xf32, #tpu.memory_space<vmem>>, vector<1x16xf32>,
      %swap3A_535 = vector.shape_cast %swap3A_534 : vector<1x16xf32> to vector<16xf32>
      %swap3A_536 = vector.shape_cast %mul3A_529 : vector<16xf32> to vector<1x16xf32>
      tpu.vector_store %arg6[%swap3A_532, %swap3A_533], %swap3A_536 {strides = array<i32>} : memref<1024x64xf32, #tpu.memory_space<vmem>>, vector<1x16xf32>,
      %add3A_537 = arith.constant 2 : i32
      %add3A_538 = arith.addi %add3A_362, %add3A_537 : i32
      %get3A_539 = arith.index_cast %add3A_538 : i32 to index
      %get3A_540 = arith.constant 48 : index
      %get3A_541 = tpu.vector_load %arg6[%get3A_539, %get3A_540] {strides = array<i32>} : memref<1024x64xf32, #tpu.memory_space<vmem>>, vector<1x16xf32>,
      %get3A_542 = vector.shape_cast %get3A_541 : vector<1x16xf32> to vector<16xf32>
      %mul3A_543 = arith.constant 8.000000e+00 : f32
      %mul3A_544 = vector.broadcast %mul3A_543 : f32 to vector<16xf32>
      %mul3A_545 = arith.mulf %get3A_542, %mul3A_544 : vector<16xf32>
      %add3A_546 = arith.constant 2 : i32
      %add3A_547 = arith.addi %add3A_362, %add3A_546 : i32
      %swap3A_548 = arith.index_cast %add3A_547 : i32 to index
      %swap3A_549 = arith.constant 48 : index
      %swap3A_550 = tpu.vector_load %arg6[%swap3A_548, %swap3A_549] {strides = array<i32>} : memref<1024x64xf32, #tpu.memory_space<vmem>>, vector<1x16xf32>,
      %swap3A_551 = vector.shape_cast %swap3A_550 : vector<1x16xf32> to vector<16xf32>
      %swap3A_552 = vector.shape_cast %mul3A_545 : vector<16xf32> to vector<1x16xf32>
      tpu.vector_store %arg6[%swap3A_548, %swap3A_549], %swap3A_552 {strides = array<i32>} : memref<1024x64xf32, #tpu.memory_space<vmem>>, vector<1x16xf32>,
      %add3A_553 = arith.constant 3 : i32
      %add3A_554 = arith.addi %add3A_362, %add3A_553 : i32
      %get3A_555 = arith.index_cast %add3A_554 : i32 to index
      %get3A_556 = arith.constant 0 : index
      %get3A_557 = tpu.vector_load %arg6[%get3A_555, %get3A_556] {strides = array<i32>} : memref<1024x64xf32, #tpu.memory_space<vmem>>, vector<1x16xf32>,
      %get3A_558 = vector.shape_cast %get3A_557 : vector<1x16xf32> to vector<16xf32>
      %mul3A_559 = arith.constant 8.000000e+00 : f32
      %mul3A_560 = vector.broadcast %mul3A_559 : f32 to vector<16xf32>
      %mul3A_561 = arith.mulf %get3A_558, %mul3A_560 : vector<16xf32>
      %add3A_562 = arith.constant 3 : i32
      %add3A_563 = arith.addi %add3A_362, %add3A_562 : i32
      %swap3A_564 = arith.index_cast %add3A_563 : i32 to index
      %swap3A_565 = arith.constant 0 : index
      %swap3A_566 = tpu.vector_load %arg6[%swap3A_564, %swap3A_565] {strides = array<i32>} : memref<1024x64xf32, #tpu.memory_space<vmem>>, vector<1x16xf32>,
      %swap3A_567 = vector.shape_cast %swap3A_566 : vector<1x16xf32> to vector<16xf32>
      %swap3A_568 = vector.shape_cast %mul3A_561 : vector<16xf32> to vector<1x16xf32>
      tpu.vector_store %arg6[%swap3A_564, %swap3A_565], %swap3A_568 {strides = array<i32>} : memref<1024x64xf32, #tpu.memory_space<vmem>>, vector<1x16xf32>,
      %add3A_569 = arith.constant 3 : i32
      %add3A_570 = arith.addi %add3A_362, %add3A_569 : i32
      %get3A_571 = arith.index_cast %add3A_570 : i32 to index
      %get3A_572 = arith.constant 16 : index
      %get3A_573 = tpu.vector_load %arg6[%get3A_571, %get3A_572] {strides = array<i32>} : memref<1024x64xf32, #tpu.memory_space<vmem>>, vector<1x16xf32>,
      %get3A_574 = vector.shape_cast %get3A_573 : vector<1x16xf32> to vector<16xf32>
      %mul3A_575 = arith.constant 8.000000e+00 : f32
      %mul3A_576 = vector.broadcast %mul3A_575 : f32 to vector<16xf32>
      %mul3A_577 = arith.mulf %get3A_574, %mul3A_576 : vector<16xf32>
      %add3A_578 = arith.constant 3 : i32
      %add3A_579 = arith.addi %add3A_362, %add3A_578 : i32
      %swap3A_580 = arith.index_cast %add3A_579 : i32 to index
      %swap3A_581 = arith.constant 16 : index
      %swap3A_582 = tpu.vector_load %arg6[%swap3A_580, %swap3A_581] {strides = array<i32>} : memref<1024x64xf32, #tpu.memory_space<vmem>>, vector<1x16xf32>,
      %swap3A_583 = vector.shape_cast %swap3A_582 : vector<1x16xf32> to vector<16xf32>
      %swap3A_584 = vector.shape_cast %mul3A_577 : vector<16xf32> to vector<1x16xf32>
      tpu.vector_store %arg6[%swap3A_580, %swap3A_581], %swap3A_584 {strides = array<i32>} : memref<1024x64xf32, #tpu.memory_space<vmem>>, vector<1x16xf32>,
      %add3A_585 = arith.constant 3 : i32
      %add3A_586 = arith.addi %add3A_362, %add3A_585 : i32
      %get3A_587 = arith.index_cast %add3A_586 : i32 to index
      %get3A_588 = arith.constant 32 : index
      %get3A_589 = tpu.vector_load %arg6[%get3A_587, %get3A_588] {strides = array<i32>} : memref<1024x64xf32, #tpu.memory_space<vmem>>, vector<1x16xf32>,
      %get3A_590 = vector.shape_cast %get3A_589 : vector<1x16xf32> to vector<16xf32>
      %mul3A_591 = arith.constant 8.000000e+00 : f32
      %mul3A_592 = vector.broadcast %mul3A_591 : f32 to vector<16xf32>
      %mul3A_593 = arith.mulf %get3A_590, %mul3A_592 : vector<16xf32>
      %add3A_594 = arith.constant 3 : i32
      %add3A_595 = arith.addi %add3A_362, %add3A_594 : i32
      %swap3A_596 = arith.index_cast %add3A_595 : i32 to index
      %swap3A_597 = arith.constant 32 : index
      %swap3A_598 = tpu.vector_load %arg6[%swap3A_596, %swap3A_597] {strides = array<i32>} : memref<1024x64xf32, #tpu.memory_space<vmem>>, vector<1x16xf32>,
      %swap3A_599 = vector.shape_cast %swap3A_598 : vector<1x16xf32> to vector<16xf32>
      %swap3A_600 = vector.shape_cast %mul3A_593 : vector<16xf32> to vector<1x16xf32>
      tpu.vector_store %arg6[%swap3A_596, %swap3A_597], %swap3A_600 {strides = array<i32>} : memref<1024x64xf32, #tpu.memory_space<vmem>>, vector<1x16xf32>,
      %add3A_601 = arith.constant 3 : i32
      %add3A_602 = arith.addi %add3A_362, %add3A_601 : i32
      %get3A_603 = arith.index_cast %add3A_602 : i32 to index
      %get3A_604 = arith.constant 48 : index
      %get3A_605 = tpu.vector_load %arg6[%get3A_603, %get3A_604] {strides = array<i32>} : memref<1024x64xf32, #tpu.memory_space<vmem>>, vector<1x16xf32>,
      %get3A_606 = vector.shape_cast %get3A_605 : vector<1x16xf32> to vector<16xf32>
      %mul3A_607 = arith.constant 8.000000e+00 : f32
      %mul3A_608 = vector.broadcast %mul3A_607 : f32 to vector<16xf32>
      %mul3A_609 = arith.mulf %get3A_606, %mul3A_608 : vector<16xf32>
      %add3A_610 = arith.constant 3 : i32
      %add3A_611 = arith.addi %add3A_362, %add3A_610 : i32
      %swap3A_612 = arith.index_cast %add3A_611 : i32 to index
      %swap3A_613 = arith.constant 48 : index
      %swap3A_614 = tpu.vector_load %arg6[%swap3A_612, %swap3A_613] {strides = array<i32>} : memref<1024x64xf32, #tpu.memory_space<vmem>>, vector<1x16xf32>,
      %swap3A_615 = vector.shape_cast %swap3A_614 : vector<1x16xf32> to vector<16xf32>
      %swap3A_616 = vector.shape_cast %mul3A_609 : vector<16xf32> to vector<1x16xf32>
      tpu.vector_store %arg6[%swap3A_612, %swap3A_613], %swap3A_616 {strides = array<i32>} : memref<1024x64xf32, #tpu.memory_space<vmem>>, vector<1x16xf32>,
    }
    %scan3A_282 = arith.constant 64 : i32
    %add3A_283 = arith.constant 25344 : i32
    %add3A_284 = arith.addi %mul3A_2, %add3A_283 : i32
    %dma_start3A_285 = arith.constant 3 : i32
    %dma_start3A_286 = arith.constant 768 : i32
    %dma_start3A_287 = arith.constant 0 : i32
    %dma_start3A_288 = tpu.memref_slice %arg6[%dma_start3A_286, %dma_start3A_287] : memref<1024x64xf32, #tpu.memory_space<vmem>> -> memref<256x64xf32, #tpu.memory_space<vmem>>
    %dma_start3A_289 = arith.constant 0 : i32
    %dma_start3A_290 = tpu.memref_slice %arg4[%add3A_284, %dma_start3A_289] : memref<819200x64xf32, #tpu.memory_space<hbm>> -> memref<256x64xf32, #tpu.memory_space<hbm>>
    %dma_start3A_291 = tpu.memref_slice %arg8[%dma_start3A_285] : memref<4x!tpu.dma_semaphore, #tpu.memory_space<semaphore_mem>> -> memref<1x!tpu.dma_semaphore, #tpu.memory_space<semaphore_mem>>
    %dma_start3A_292 = tpu.memref_squeeze %dma_start3A_291 : memref<1x!tpu.dma_semaphore, #tpu.memory_space<semaphore_mem>> -> memref<!tpu.dma_semaphore, #tpu.memory_space<semaphore_mem>>
    %dma_start3A_293 = arith.constant 0 : i32
    %dma_start3A_294 = tpu.memref_slice %arg4[%add3A_284, %dma_start3A_293] : memref<819200x64xf32, #tpu.memory_space<hbm>> -> memref<256x64xf32, #tpu.memory_space<hbm>>
    %dma_start3A_295 = arith.constant 768 : i32
    %dma_start3A_296 = arith.constant 0 : i32
    %dma_start3A_297 = tpu.memref_slice %arg6[%dma_start3A_295, %dma_start3A_296] : memref<1024x64xf32, #tpu.memory_space<vmem>> -> memref<256x64xf32, #tpu.memory_space<vmem>>
    tpu.enqueue_dma source(%dma_start3A_297 : memref<256x64xf32, #tpu.memory_space<vmem>>) target(%dma_start3A_294 : memref<256x64xf32, #tpu.memory_space<hbm>>) target_semaphore(%dma_start3A_292 : memref<!tpu.dma_semaphore, #tpu.memory_space<semaphore_mem>>)
    %add3A_298 = arith.constant 0 : i32
    %add3A_299 = arith.addi %mul3A_2, %add3A_298 : i32
    %dma_wait3A_300 = arith.constant 0 : i32
    %dma_wait3A_301 = arith.constant 0 : i32
    %dma_wait3A_302 = arith.constant 0 : i32
    %dma_wait3A_303 = tpu.memref_slice %arg6[%dma_wait3A_301, %dma_wait3A_302] : memref<1024x64xf32, #tpu.memory_space<vmem>> -> memref<256x64xf32, #tpu.memory_space<vmem>>
    %dma_wait3A_304 = arith.constant 0 : i32
    %dma_wait3A_305 = tpu.memref_slice %arg4[%add3A_299, %dma_wait3A_304] : memref<819200x64xf32, #tpu.memory_space<hbm>> -> memref<256x64xf32, #tpu.memory_space<hbm>>
    %dma_wait3A_306 = tpu.memref_slice %arg8[%dma_wait3A_300] : memref<4x!tpu.dma_semaphore, #tpu.memory_space<semaphore_mem>> -> memref<1x!tpu.dma_semaphore, #tpu.memory_space<semaphore_mem>>
    %dma_wait3A_307 = tpu.memref_squeeze %dma_wait3A_306 : memref<1x!tpu.dma_semaphore, #tpu.memory_space<semaphore_mem>> -> memref<!tpu.dma_semaphore, #tpu.memory_space<semaphore_mem>>
    %dma_wait3A_308 = arith.constant 0 : i32
    %dma_wait3A_309 = tpu.memref_slice %arg4[%add3A_299, %dma_wait3A_308] : memref<819200x64xf32, #tpu.memory_space<hbm>> -> memref<256x64xf32, #tpu.memory_space<hbm>>
    %dma_wait3A_310 = arith.constant 0 : i32
    %dma_wait3A_311 = arith.constant 0 : i32
    %dma_wait3A_312 = tpu.memref_slice %arg6[%dma_wait3A_310, %dma_wait3A_311] : memref<1024x64xf32, #tpu.memory_space<vmem>> -> memref<256x64xf32, #tpu.memory_space<vmem>>
    tpu.wait_dma2 semaphore(%dma_wait3A_307 : memref<!tpu.dma_semaphore, #tpu.memory_space<semaphore_mem>>) src(%dma_wait3A_312 : memref<256x64xf32, #tpu.memory_space<vmem>>) dst(%dma_wait3A_309 : memref<256x64xf32, #tpu.memory_space<hbm>>)
    %add3A_313 = arith.constant 0 : i32
    %add3A_314 = arith.addi %mul3A_2, %add3A_313 : i32
    %dma_wait3A_315 = arith.constant 1 : i32
    %dma_wait3A_316 = arith.constant 256 : i32
    %dma_wait3A_317 = arith.constant 0 : i32
    %dma_wait3A_318 = tpu.memref_slice %arg6[%dma_wait3A_316, %dma_wait3A_317] : memref<1024x64xf32, #tpu.memory_space<vmem>> -> memref<256x64xf32, #tpu.memory_space<vmem>>
    %dma_wait3A_319 = arith.constant 0 : i32
    %dma_wait3A_320 = tpu.memref_slice %arg4[%add3A_314, %dma_wait3A_319] : memref<819200x64xf32, #tpu.memory_space<hbm>> -> memref<256x64xf32, #tpu.memory_space<hbm>>
    %dma_wait3A_321 = tpu.memref_slice %arg8[%dma_wait3A_315] : memref<4x!tpu.dma_semaphore, #tpu.memory_space<semaphore_mem>> -> memref<1x!tpu.dma_semaphore, #tpu.memory_space<semaphore_mem>>
    %dma_wait3A_322 = tpu.memref_squeeze %dma_wait3A_321 : memref<1x!tpu.dma_semaphore, #tpu.memory_space<semaphore_mem>> -> memref<!tpu.dma_semaphore, #tpu.memory_space<semaphore_mem>>
    %dma_wait3A_323 = arith.constant 0 : i32
    %dma_wait3A_324 = tpu.memref_slice %arg4[%add3A_314, %dma_wait3A_323] : memref<819200x64xf32, #tpu.memory_space<hbm>> -> memref<256x64xf32, #tpu.memory_space<hbm>>
    %dma_wait3A_325 = arith.constant 256 : i32
    %dma_wait3A_326 = arith.constant 0 : i32
    %dma_wait3A_327 = tpu.memref_slice %arg6[%dma_wait3A_325, %dma_wait3A_326] : memref<1024x64xf32, #tpu.memory_space<vmem>> -> memref<256x64xf32, #tpu.memory_space<vmem>>
    tpu.wait_dma2 semaphore(%dma_wait3A_322 : memref<!tpu.dma_semaphore, #tpu.memory_space<semaphore_mem>>) src(%dma_wait3A_327 : memref<256x64xf32, #tpu.memory_space<vmem>>) dst(%dma_wait3A_324 : memref<256x64xf32, #tpu.memory_space<hbm>>)
    %add3A_328 = arith.constant 0 : i32
    %add3A_329 = arith.addi %mul3A_2, %add3A_328 : i32
    %dma_wait3A_330 = arith.constant 2 : i32
    %dma_wait3A_331 = arith.constant 512 : i32
    %dma_wait3A_332 = arith.constant 0 : i32
    %dma_wait3A_333 = tpu.memref_slice %arg6[%dma_wait3A_331, %dma_wait3A_332] : memref<1024x64xf32, #tpu.memory_space<vmem>> -> memref<256x64xf32, #tpu.memory_space<vmem>>
    %dma_wait3A_334 = arith.constant 0 : i32
    %dma_wait3A_335 = tpu.memref_slice %arg4[%add3A_329, %dma_wait3A_334] : memref<819200x64xf32, #tpu.memory_space<hbm>> -> memref<256x64xf32, #tpu.memory_space<hbm>>
    %dma_wait3A_336 = tpu.memref_slice %arg8[%dma_wait3A_330] : memref<4x!tpu.dma_semaphore, #tpu.memory_space<semaphore_mem>> -> memref<1x!tpu.dma_semaphore, #tpu.memory_space<semaphore_mem>>
    %dma_wait3A_337 = tpu.memref_squeeze %dma_wait3A_336 : memref<1x!tpu.dma_semaphore, #tpu.memory_space<semaphore_mem>> -> memref<!tpu.dma_semaphore, #tpu.memory_space<semaphore_mem>>
    %dma_wait3A_338 = arith.constant 0 : i32
    %dma_wait3A_339 = tpu.memref_slice %arg4[%add3A_329, %dma_wait3A_338] : memref<819200x64xf32, #tpu.memory_space<hbm>> -> memref<256x64xf32, #tpu.memory_space<hbm>>
    %dma_wait3A_340 = arith.constant 512 : i32
    %dma_wait3A_341 = arith.constant 0 : i32
    %dma_wait3A_342 = tpu.memref_slice %arg6[%dma_wait3A_340, %dma_wait3A_341] : memref<1024x64xf32, #tpu.memory_space<vmem>> -> memref<256x64xf32, #tpu.memory_space<vmem>>
    tpu.wait_dma2 semaphore(%dma_wait3A_337 : memref<!tpu.dma_semaphore, #tpu.memory_space<semaphore_mem>>) src(%dma_wait3A_342 : memref<256x64xf32, #tpu.memory_space<vmem>>) dst(%dma_wait3A_339 : memref<256x64xf32, #tpu.memory_space<hbm>>)
    %add3A_343 = arith.constant 0 : i32
    %add3A_344 = arith.addi %mul3A_2, %add3A_343 : i32
    %dma_wait3A_345 = arith.constant 3 : i32
    %dma_wait3A_346 = arith.constant 768 : i32
    %dma_wait3A_347 = arith.constant 0 : i32
    %dma_wait3A_348 = tpu.memref_slice %arg6[%dma_wait3A_346, %dma_wait3A_347] : memref<1024x64xf32, #tpu.memory_space<vmem>> -> memref<256x64xf32, #tpu.memory_space<vmem>>
    %dma_wait3A_349 = arith.constant 0 : i32
    %dma_wait3A_350 = tpu.memref_slice %arg4[%add3A_344, %dma_wait3A_349] : memref<819200x64xf32, #tpu.memory_space<hbm>> -> memref<256x64xf32, #tpu.memory_space<hbm>>
    %dma_wait3A_351 = tpu.memref_slice %arg8[%dma_wait3A_345] : memref<4x!tpu.dma_semaphore, #tpu.memory_space<semaphore_mem>> -> memref<1x!tpu.dma_semaphore, #tpu.memory_space<semaphore_mem>>
    %dma_wait3A_352 = tpu.memref_squeeze %dma_wait3A_351 : memref<1x!tpu.dma_semaphore, #tpu.memory_space<semaphore_mem>> -> memref<!tpu.dma_semaphore, #tpu.memory_space<semaphore_mem>>
    %dma_wait3A_353 = arith.constant 0 : i32
    %dma_wait3A_354 = tpu.memref_slice %arg4[%add3A_344, %dma_wait3A_353] : memref<819200x64xf32, #tpu.memory_space<hbm>> -> memref<256x64xf32, #tpu.memory_space<hbm>>
    %dma_wait3A_355 = arith.constant 768 : i32
    %dma_wait3A_356 = arith.constant 0 : i32
    %dma_wait3A_357 = tpu.memref_slice %arg6[%dma_wait3A_355, %dma_wait3A_356] : memref<1024x64xf32, #tpu.memory_space<vmem>> -> memref<256x64xf32, #tpu.memory_space<vmem>>
    tpu.wait_dma2 semaphore(%dma_wait3A_352 : memref<!tpu.dma_semaphore, #tpu.memory_space<semaphore_mem>>) src(%dma_wait3A_357 : memref<256x64xf32, #tpu.memory_space<vmem>>) dst(%dma_wait3A_354 : memref<256x64xf32, #tpu.memory_space<hbm>>)
    return
  }
}

</mosaic_0001>

<sc_bundles>
// kernel: kernel.3.cloned.1.call-start
scs
__scs_entry_jumppad:
0x0: {  	(pc) =	sbr.rel $0x88, $3  }
0x1: {  	(tag) =	ssettag $0x0;
	lr =	simm.s32 $0x1  }
0x2: {  	[smem:$0x3F9F] =	sst lr;
	_ =	strace $0xD0000000  }
0x3: {  	_ = 	snop  }
0x4: {  	_ = 	snop  }
0x5: {  	_ = 	snop  }
0x6: {  	_ = 	snop  }
0x7: {  	_ = 	snop  }
__scs_overlays_trampoline_lowered:
0x8: {  	[smem:$0x3FAE] =	sst s0  }
0x9: {  	[smem:$0x3FAF] =	sst s1  }
0xa: {  	[smem:$0x3FB0] =	sst s2  }
0xb: {  	[smem:$0x3FB1] =	sst s3  }
0xc: {  	[smem:$0x3FB2] =	sst s4  }
0xd: {  	[smem:$0x3FB3] =	sst s5  }
0xe: {  	[smem:$0x3FB4] =	sst s6  }
0xf: {  	[smem:$0x3FB5] =	sst s7  }
0x10: {  	[smem:$0x3FB6] =	sst s8  }
0x11: {  	[smem:$0x3FB7] =	sst s9;
	s0 =	simm.s32 @!p0 $0x0  }
0x12: {  	s1 =	sld [smem:$0x3F9D];
	s0 =	simm.s32 @p0 $0x1  }
0x13: {  	[smem:$0x3FB8] =	sst s0;
	s0 =	simm.s32 @!p1 $0x0  }
0x14: {  	s2 =	sld [smem:$0x3F9C];
	s0 =	simm.s32 @p1 $0x1  }
0x15: {  	[smem:$0x3FB9] =	sst s0;
	s0 =	simm.s32 @!p2 $0x0  }
0x16: {  	s3 =	sld [smem:$0x3FDB];
	s0 =	simm.s32 @p2 $0x1  }
0x17: {  	s4 =	simm.s32 $0x1BF5;
	[smem:$0x3FBB] =	sst s0  }
0x18: {  	s0 =	sld [smem:$0x3F9E];
	_ =	swait.ge [sflag:s4], $0x0  }
0x19: {  	s7 =	sld [smem:$0x3F9F]  }
0x1a: {  	s8 =	sadd.s32 $0xFFFFE003, lr  }
0x1b: {  	s9 =	sadd.s32 $0xFFFFFEF7, lr;
	s5 =	simm.s32 $0xFFFFFFFF;
	p2 =	slt.u32 s8, $0xFFFFF086  }
0x1c: {  	p1 =	slt.u32 s9, $0xF7A;
	s5 =	simm.s32 @!p2 $0x0  }
0x1d: {  	s5 =	simm.s32 @p1 $0x1;
	p0 =	seq.s32 s7, s2  }
0x1e: {  	s7 =	smul.u32 @!p0 $0xF7A, s2;
	p2 =	seq.s32 @!p0 s5, $0x0  }
0x1f: {  	s9 =	smul.u32 $0xF7A, s1;
	s8 =	simm.s32 @!p0 $0x1BF5;
	p2 =	por !p2, p0  }
0x20: {  	[sflag:s8] =	ssyncset.s32 @!p0 $0xFFFFF086;
	s6 =	sadd.s32 @!p0 s3, s7;
	s7 =	simm.s32 @!p0 $0x108  }
0x21: {  	s3 =	sadd.s32 s3, s9;
	s6 =	sadd.s32 @!p0 $0x88, s6;
	s7 =	simm.s32 @p2 $0x1082  }
0x22: {  	[simem:s7], [sflag:s8] =	dma.local @!p0 [hbm:s6], $0xF7A  }
0x23: {  	s9 =	sor.u32 $0xD0000000, s2;
	s6 =	simm.s32 $0x108;
	_ =	swait.ge @!p0 [sflag:s8], $0x0  }
0x24: {  	s3 =	sadd.s32 $0x88, s3;
	s6 =	simm.s32 @!p1 $0x1082;
	[sflag:s4] =	ssyncset.s32 $0xFFFFF086  }
0x25: {  	[simem:s6], [sflag:s4] =	dma.local [hbm:s3], $0xF7A  }
0x26: {  	[smem:$0x3F9F] =	sst s1;
	(tag) =	ssettag s2;
	_ =	strace s9  }
0x27: {  	s1 =	sld [smem:$0x3FAF]  }
0x28: {  	s2 =	sld [smem:$0x3FB0]  }
0x29: {  	s4 =	sld [smem:$0x3FB2]  }
0x2a: {  	p0 =	seq.s32 s5, $0x0;
	s5 =	sld [smem:$0x3FB3]  }
0x2b: {  	s6 =	sld [smem:$0x3FB4]  }
0x2c: {  	s7 =	sld [smem:$0x3FB5]  }
0x2d: {  	s3 =	simm.s32 $0x108;
	s8 =	sld [smem:$0x3FB6]  }
0x2e: {  	s3 =	simm.s32 @!p0 $0x1082;
	s9 =	sld [smem:$0x3FB7]  }
0x2f: {  	lr =	sadd.s32 s0, s3;
	s0 =	sld [smem:$0x3FAE]  }
0x30: {  	s3 =	sld [smem:$0x3FB1]  }
0x31: {  	[smem:$0x3FBA] =	sst s10  }
0x32: {  	s10 =	sld [smem:$0x3FB8];
	_ =	sdelay $0x3  }
0x33: {  	p0 =	seq.s32 s10, $0x1;
	s10 =	sld [smem:$0x3FBA];
	_ =	sdelay $0x3  }
0x34: {  	[smem:$0x3FBA] =	sst s10  }
0x35: {  	s10 =	sld [smem:$0x3FB9];
	_ =	sdelay $0x3  }
0x36: {  	p1 =	seq.s32 s10, $0x1;
	s10 =	sld [smem:$0x3FBA];
	_ =	sdelay $0x3  }
0x37: {  	[smem:$0x3FBA] =	sst s10  }
0x38: {  	s10 =	sld [smem:$0x3FBB]  }
0x39: {  	_ = 	snop;
	(pc) =	sbr.ind lr, $3  }
0x3a: {  	_ = 	snop  }
0x3b: {  	_ = 	snop  }
0x3c: {  	p2 =	seq.s32 s10, $0x1;
	s10 =	sld [smem:$0x3FBA]  }
0x3d: {  	_ =	shalt  }
0x3e: {  	_ =	shalt  }
0x3f: {  	_ =	shalt  }
0x40: {  	_ =	shalt  }
0x41: {  	_ =	shalt  }
0x42: {  	_ =	shalt  }
0x43: {  	_ =	shalt  }
0x44: {  	_ =	shalt  }
0x45: {  	_ =	shalt  }
0x46: {  	_ =	shalt  }
0x47: {  	_ =	shalt  }
0x48: {  	_ =	shalt  }
0x49: {  	_ =	shalt  }
0x4a: {  	_ =	shalt  }
0x4b: {  	_ =	shalt  }
0x4c: {  	_ =	shalt  }
0x4d: {  	_ =	shalt  }
0x4e: {  	_ =	shalt  }
0x4f: {  	_ =	shalt  }
0x50: {  	_ =	shalt  }
0x51: {  	_ =	shalt  }
0x52: {  	_ =	shalt  }
0x53: {  	_ =	shalt  }
0x54: {  	_ =	shalt  }
0x55: {  	_ =	shalt  }
0x56: {  	_ =	shalt  }
0x57: {  	_ =	shalt  }
0x58: {  	_ =	shalt  }
0x59: {  	_ =	shalt  }
0x5a: {  	_ =	shalt  }
0x5b: {  	_ =	shalt  }
0x5c: {  	_ =	shalt  }
0x5d: {  	_ =	shalt  }
0x5e: {  	_ =	shalt  }
0x5f: {  	_ =	shalt  }
0x60: {  	_ =	shalt  }
0x61: {  	_ =	shalt  }
0x62: {  	_ =	shalt  }
0x63: {  	_ =	shalt  }
0x64: {  	_ =	shalt  }
0x65: {  	_ =	shalt  }
0x66: {  	_ =	shalt  }
0x67: {  	_ =	shalt  }
0x68: {  	_ =	shalt  }
0x69: {  	_ =	shalt  }
0x6a: {  	_ =	shalt  }
0x6b: {  	_ =	shalt  }
0x6c: {  	_ =	shalt  }
0x6d: {  	_ =	shalt  }
0x6e: {  	_ =	shalt  }
0x6f: {  	_ =	shalt  }
0x70: {  	_ =	shalt  }
0x71: {  	_ =	shalt  }
0x72: {  	_ =	shalt  }
0x73: {  	_ =	shalt  }
0x74: {  	_ =	shalt  }
0x75: {  	_ =	shalt  }
0x76: {  	_ =	shalt  }
0x77: {  	_ =	shalt  }
0x78: {  	_ =	shalt  }
0x79: {  	_ =	shalt  }
0x7a: {  	_ =	shalt  }
0x7b: {  	_ =	shalt  }
0x7c: {  	_ =	shalt  }
0x7d: {  	_ =	shalt  }
0x7e: {  	_ =	shalt  }
0x7f: {  	_ =	shalt  }
0x80: {  	_ =	shalt  }
0x81: {  	_ =	shalt  }
0x82: {  	_ =	shalt  }
0x83: {  	_ =	shalt  }
0x84: {  	_ =	shalt  }
0x85: {  	_ =	shalt  }
0x86: {  	_ =	shalt  }
0x87: {  	_ =	shalt  }
.Lfunc_end0:
.L_simem_size_0:
called_computation.1_lowered:
.L_overlay_start_0:
0x88: {  	s2 =	sld [smem:$0x3FD9]  }
0x89: {  	s3 =	sld [smem:$0x3FFE];
	_ =	sdelay $0x1  }
0x8a: {  	s1 =	srdreg.scid  }
0x8b: {  	s0 =	sand.u32 $0x1, s1  }
0x8c: {  	s17 =	sshll.u32 s0, $0xA;
	s2 =	sadd.s32 s3, s2  }
0x8d: {  	s2 =	sadd.s32 s2, s17  }
0x8e: {  	[smem:$0x3FC6] =	sst s2  }
0x8f: {  	_ = 	snop  }
0x90: {  	s2 =	sld [smem:$0x3FD0];
	(tm) =	ssettm $0x1  }
0x91: {  	s18 =	sld [smem:$0x3FFB];
	_ =	sdelay $0x3  }
0x92: {  	_ =	strace s18  }
0x93: {  	s3 =	sld [smem:$0x3FFC];
	_ =	sdelay $0x3  }
0x94: {  	_ =	strace s3  }
0x95: {  	s3 =	sld [smem:$0x3FFD];
	_ =	sdelay $0x3  }
0x96: {  	_ =	strace s3  }
0x97: {  	_ =	strace $0x8FFFFFFF  }
0x98: {  	s19 =	sld [smem:$0x3FDB];
	_ =	sdelay $0x1  }
0x99: {  	s4 =	simm.s32 $_scs_section_size  }
0x9a: {  	s5 =	simm.s32 $_size__tile_overlayer_lowered;
	s6 =	simm.s32 $_tile_overlayer_lowered  }
0x9b: {  	s22 =	simm.s32 $0x1BFF;
	s21 =	sshll.u32 s6, $0x1;
	s3 =	sadd.s32 s4, s19  }
0x9c: {  	s7 =	simm.s32 $0x0;
	s20 =	sshll.u32 s5, $0x1;
	s5 =	sadd.s32 s21, s3  }
0x9d: {  	[timem:s7], [sflag:s22] =	dma.local [hbm:s5], s20  }
0x9e: {  	_ =	swait.ge [sflag:s22], s20  }
0x9f: {  	s4 =	ssub.s32 $0x0, s20;
	[sflag:s22] =	ssyncset.done $0x0  }
0xa0: {  	[sflag:s22] =	ssyncadd.s32 s4;
	_ =	sdelay $0x1  }
0xa1: {  	s23 =	simm.s32 $0x1B8B  }
0xa2: {  	_ =	swait.ge [sflag:s23], $0x1  }
0xa3: {  	[sflag:s23] =	ssyncset.done $0x0  }
0xa4: {  	s25 =	simm.s32 $0x1B8E;
	s24 =	sld [smem:$0x3FFE];
	[sflag:s23] =	ssyncadd.s32 $0xFFFFFFFF  }
0xa5: {  	s26 =	simm.s32 $execute0_lowered;
	[smem:$0x3FD2] =	sst s25  }
0xa6: {  	s5 =	sshll.u32 s26, $0x1;
	_ =	strace $0x80000046;
	[dreg:$0x1] =	wrdreg $0xFFFFFFFF  }
0xa7: {  	s28 =	simm.s32 $_size_execute0_lowered;
	s3 =	sadd.s32 s3, s5;
	[dreg:$0x0] =	wrdreg $0x0  }
0xa8: {  	s5 =	sshll.u32 s28, $0x1;
	[dreg:$0x2] =	wrdreg s3  }
0xa9: {  	[dreg:$0x3] =	wrdreg s5  }
0xaa: {  	[dreg:$0x4] =	wrdreg $0xC0  }
0xab: {  	_ =	task [dreg:s7], $0x5FFFF  }
0xac: {  	[dreg:$0x1] =	wrdreg $0xFFFFFFFF  }
0xad: {  	[dreg:$0x0] =	wrdreg $0x60  }
0xae: {  	[dreg:$0x2] =	wrdreg s24  }
0xaf: {  	[dreg:$0x3] =	wrdreg s2  }
0xb0: {  	[dreg:$0x4] =	wrdreg $0x9  }
0xb1: {  	_ =	task.clear_ibuf [dreg:s7], $0x5FFFF;
	_ =	strace $0x90000046  }
0xb2: {  	s29 =	simm.s32 $0x9;
	_ =	strace $0x80000048  }
0xb3: {  	_ =	swait.ge [sflag:s29], $0x1  }
0xb4: {  	[sflag:s29] =	ssyncadd.s32 $0xFFFFFFFF  }
0xb5: {  	_ =	strace $0x90000048  }
0xb6: {  	_ =	sfence  }
0xb7: {  	s30 =	sld [smem:$0x0];
	_ =	sdelay $0x2  }
0xb8: {  	s31 =	sshll.u32 s1, $0xD;
	s1 =	sshrl.u32 s1, $0x2  }
0xb9: {  	s3 =	sand.u32 $0x4000, s31;
	s1 =	sadd.s32 s1, s30  }
0xba: {  	s0 =	sor.u32 s3, s0;
	s1 =	sshll.u32 s1, $0x11  }
0xbb: {  	s0 =	sor.u32 s1, s0  }
0xbc: {  	s0 =	sadd.s32 $0x8F2B, s0  }
0xbd: {  	[sflag:s0] =	ssyncadd.remote.s32 $0x1  }
0xbe: {  	_ =	sfence.sel $0xFFFF  }
0xbf: {  	[dreg:$0x0] =	wrdreg $0xFFFFFFFF;
	(pc) =	sbr.abs _section_cstart, $3  }
0xc0: {  	[dreg:$0x1] =	wrdreg $0xFFFFFFFF  }
0xc1: {  	_ =	task.clear_ibuf [dreg:s7], $0x2FFFF;
	_ =	strace $0x9FFFFFFF  }
0xc2: {  	(tm) =	ssettm $0x7FFFFFFF  }
0xc3: {  	_ =	shalt  }
tec
execute0_lowered:
.L_overlay_start_1:
0x0: {  	(tag) =	ssettag $0x1  }
0x1: {  	s0 =	rddreg [dreg:$0x0];
	s1 =	srdreg.scid  }
0x2: {  	s3 =	stileid.u32;
	s2 =	rddreg [dreg:$0x1];
	s15 =	simm.s32 $0x80  }
0x3: {  	s16 =	simm.s32 $0x6400;
	s17 =	simm.s32 $0x8400;
	s19 =	simm.s32 $0xA400  }
0x4: {  	s21 =	simm.s32 $0xC400;
	s23 =	simm.s32 $0xE400;
	s29 =	simm.s32 $0x12400  }
0x5: {  	s31 =	simm.s32 $0x14400;
	s1 =	sand.u32 $0x1, s1;
	s4 =	sshll.u32 s3, $0x1  }
0x6: {  	s18 =	simm.s32 $0x3;
	s20 =	simm.s32 $0x6;
	s4 =	sor.u32 s1, s4  }
0x7: {  	s22 =	simm.s32 $0x4;
	s24 =	simm.s32 $0x7;
	s6 =	smul.u32 $0x6400, s4  }
0x8: {  	s28 =	simm.s32 $0x8;
	s3 =	simm.s32 $0x0;
	s7 =	smul.u32 $0x32000, s4  }
0x9: {  	[smem:$0x7FF] =	sst s3;
	s1 =	ssub.s32 $0x2, s1;
	s4 =	smul.u32 $0x190000, s4  }
0xa: {  	_ =	strace $0x80000047;
	s25 =	sshrl.u32 s1, $0x1;
	s5 =	sshrl.u32 s6, $0x3  }
0xb: {  	s7 =	sadd.s32 s2, s7;
	s26 =	sshrl.u32 s4, $0x3;
	s9 =	sor.u32 $0x200, s6  }
0xc: {  	s10 =	sor.u32 $0x300, s6;
	s8 =	sadd.s32 s5, s0;
	s5 =	sadd.s32 $0xF42E00, s0  }
0xd: {  	s0 =	ssub.s32 s1, s25;
	[dreg:$0x3] =	wrdreg s7;
	s7 =	sadd.s32 $0x800, s7  }
0xe: {  	s1 =	sadd.s32 s2, s26;
	s8 =	sadd.s32 $0xA00, s8;
	[dreg:$0x5] =	wrdreg s7  }
0xf: {  	s25 =	simm.s32 $0x10400;
	s30 =	sadd.s32 $0x31000, s1;
	[dreg:$0x4] =	wrdreg s8  }
0x10: {  	s26 =	simm.s32 $0x1;
	s1 =	sadd.s32 $0x31800, s1;
	[dreg:$0x6] =	wrdreg s30  }
0x11: {  	s0 =	smax.u32 s0, $0x1;
	s7 =	simm.s32 $0x0;
	[dreg:$0x7] =	wrdreg s1  }
0x12: {  	[dreg:$0x8] =	wrdreg s0;
	s1 =	simm.s32 $0x2;
	s0 =	simm.s32 $0x5  }
.LBB2_1:
0x13: {  	[dreg:$0x9] =	wrdreg s7  }
0x14: {  	s6 =	rddreg [dreg:$0x4];
	s11 =	simm.s32 $0x9  }
0x15: {  	[tilespmem:s3], [sflag:$0x9] =	stream.linear.gather [hbm4b:s6+s3], $0x6400, $0x38;
	[tilespmem:$0x16400] =	vst v63  }
0x16: {  	_ =	swait.ge [sflag:s11], $0x6400  }
0x17: {  	[sflag:s11] =	ssyncset.done $0x0  }
0x18: {  	[sflag:s11] =	ssyncadd.s32 $0xFFFF9C00  }
0x19: {  	[tilespmem:s16], [sflag:$0x1] =	stream.indirect.gather [hbm4b:s5+s15], $0x40, s3, s15, $0xb8;
	[tilespmem:$0x16400] =	vst v63  }
0x1a: {  	_ = 	snop  }
0x1b: {  	[tilespmem:s17], [sflag:$0x1] =	stream.indirect.gather [hbm4b:s5+s15], $0x40, s15, s15, $0xb8;
	[tilespmem:$0x16400] =	vst v63  }
0x1c: {  	s12 =	simm.s32 $0x100  }
0x1d: {  	[tilespmem:s19], [sflag:$0x2] =	stream.indirect.gather [hbm4b:s5+s15], $0x40, s12, s15, $0xb8;
	[tilespmem:$0x16400] =	vst v63  }
0x1e: {  	s13 =	simm.s32 $0x180  }
0x1f: {  	[tilespmem:s21], [sflag:$0x2] =	stream.indirect.gather [hbm4b:s5+s15], $0x40, s13, s15, $0xb8;
	[tilespmem:$0x16400] =	vst v63  }
0x20: {  	s14 =	simm.s32 $0x200  }
0x21: {  	[tilespmem:s23], [sflag:$0x3] =	stream.indirect.gather [hbm4b:s5+s15], $0x40, s14, s15, $0xb8;
	[tilespmem:$0x16400] =	vst v63  }
0x22: {  	s30 =	simm.s32 $0x280  }
0x23: {  	[tilespmem:s25], [sflag:$0x3] =	stream.indirect.gather [hbm4b:s5+s15], $0x40, s30, s15, $0xb8;
	[tilespmem:$0x16400] =	vst v63  }
0x24: {  	_ =	swait.ge [sflag:s26], $0x2000  }
0x25: {  	[sflag:s26] =	ssyncset.done $0x0  }
0x26: {  	[sflag:s26] =	ssyncadd.s32 $0xFFFFE000  }
0x27: {  	_ =	swait.ge [sflag:s26], $0x2000  }
0x28: {  	[sflag:s26] =	ssyncset.done $0x0  }
0x29: {  	s7 =	simm.s32 $0x0;
	[sflag:s26] =	ssyncadd.s32 $0xFFFFE000  }
0x2a: {  	v0 =	vld [tilespmem:s7+$0x6400]  }
0x2b: {  	v1 =	vld [tilespmem:s7+$0x6410]  }
0x2c: {  	v2 =	vld [tilespmem:s7+$0x6420]  }
0x2d: {  	v3 =	vld [tilespmem:s7+$0x6430]  }
0x2e: {  	v4 =	vld [tilespmem:s7+$0x6440]  }
0x2f: {  	v5 =	vld [tilespmem:s7+$0x6450];
	v0 =	vmul.f32 $8.000000000e+00, v0  }
0x30: {  	v6 =	vld [tilespmem:s7+$0x6460];
	v1 =	vmul.f32 $8.000000000e+00, v1  }
0x31: {  	v7 =	vld [tilespmem:s7+$0x6470];
	[tilespmem:s7+$0x6400] =	vst v0;
	v0 =	vmul.f32 $8.000000000e+00, v2  }
0x32: {  	v8 =	vld [tilespmem:s7+$0x6480];
	[tilespmem:s7+$0x6410] =	vst v1;
	v1 =	vmul.f32 $8.000000000e+00, v3  }
0x33: {  	v9 =	vld [tilespmem:s7+$0x6490];
	[tilespmem:s7+$0x6420] =	vst v0;
	v0 =	vmul.f32 $8.000000000e+00, v4  }
0x34: {  	v2 =	vmul.f32 $8.000000000e+00, v5;
	[tilespmem:s7+$0x6430] =	vst v1;
	v1 =	vld [tilespmem:s7+$0x64A0]  }
0x35: {  	v3 =	vmul.f32 $8.000000000e+00, v6;
	[tilespmem:s7+$0x6440] =	vst v0;
	v0 =	vld [tilespmem:s7+$0x64B0]  }
0x36: {  	[tilespmem:s7+$0x6450] =	vst v2;
	v2 =	vld [tilespmem:s7+$0x64C0];
	v4 =	vmul.f32 $8.000000000e+00, v7  }
0x37: {  	v6 =	vmul.f32 $8.000000000e+00, v8;
	[tilespmem:s7+$0x6460] =	vst v3;
	v3 =	vld [tilespmem:s7+$0x64D0]  }
0x38: {  	s6 =	simm.s32 $0x400;
	v5 =	vmul.f32 $8.000000000e+00, v9;
	[tilespmem:s7+$0x6470] =	vst v4;
	v4 =	vld [tilespmem:s7+$0x64E0]  }
.LBB2_2:
0x39: {  	s8 =	sshra.s32 s6, $0x2;
	p0 =	sne.s32 s6, $0xFC00;
	[tilespmem:s7+$0x6480] =	vst v6;
	v1 =	vmul.f32 $8.000000000e+00, v1;
	v6 =	vld [tilespmem:s7+$0x64F0]  }
0x3a: {  	v7 =	vld [tilespmem:s8+$0x6400];
	[tilespmem:s7+$0x6490] =	vst v5;
	v0 =	vmul.f32 $8.000000000e+00, v0  }
0x3b: {  	v5 =	vld [tilespmem:s8+$0x6410];
	[tilespmem:s7+$0x64A0] =	vst v1;
	v1 =	vmul.f32 $8.000000000e+00, v2  }
0x3c: {  	v2 =	vld [tilespmem:s8+$0x6420];
	[tilespmem:s7+$0x64B0] =	vst v0;
	v0 =	vmul.f32 $8.000000000e+00, v3  }
0x3d: {  	v3 =	vld [tilespmem:s8+$0x6430];
	[tilespmem:s7+$0x64C0] =	vst v1;
	v1 =	vmul.f32 $8.000000000e+00, v4  }
0x3e: {  	v4 =	vld [tilespmem:s8+$0x6440];
	[tilespmem:s7+$0x64D0] =	vst v0;
	v0 =	vmul.f32 $8.000000000e+00, v6  }
0x3f: {  	v6 =	vmul.f32 $8.000000000e+00, v7;
	v7 =	vld [tilespmem:s8+$0x6450];
	[tilespmem:s7+$0x64E0] =	vst v1  }
0x40: {  	v1 =	vmul.f32 $8.000000000e+00, v5;
	v5 =	vld [tilespmem:s8+$0x6460];
	[tilespmem:s7+$0x64F0] =	vst v0;
	s7 =	smov.u32 s8  }
0x41: {  	[tilespmem:s7+$0x6400] =	vst v6;
	v0 =	vmul.f32 $8.000000000e+00, v2;
	v2 =	vld [tilespmem:s7+$0x6470]  }
0x42: {  	[tilespmem:s7+$0x6410] =	vst v1;
	v1 =	vmul.f32 $8.000000000e+00, v3;
	v3 =	vld [tilespmem:s7+$0x6480]  }
0x43: {  	[tilespmem:s7+$0x6420] =	vst v0;
	v0 =	vmul.f32 $8.000000000e+00, v4;
	v4 =	vld [tilespmem:s7+$0x6490]  }
.Ltmp0:
0x44: {  	[tilespmem:s7+$0x6430] =	vst v1;
	v6 =	vmul.f32 $8.000000000e+00, v7;
	v1 =	vld [tilespmem:s7+$0x64A0];
	(pc) =	sbr.rel @p0 .LBB2_2-.Ltmp0, $4  }
0x45: {  	[tilespmem:s7+$0x6440] =	vst v0;
	v5 =	vmul.f32 $8.000000000e+00, v5;
	v0 =	vld [tilespmem:s7+$0x64B0]  }
0x46: {  	[tilespmem:s7+$0x6450] =	vst v6;
	v7 =	vmul.f32 $8.000000000e+00, v2;
	v2 =	vld [tilespmem:s7+$0x64C0]  }
0x47: {  	[tilespmem:s7+$0x6460] =	vst v5;
	v6 =	vmul.f32 $8.000000000e+00, v3;
	v3 =	vld [tilespmem:s7+$0x64D0]  }
0x48: {  	s6 =	sadd.s32 $0x400, s6;
	[tilespmem:s7+$0x6470] =	vst v7;
	v5 =	vmul.f32 $8.000000000e+00, v4;
	v4 =	vld [tilespmem:s7+$0x64E0]  }
0x49: {  	[tilespmem:s7+$0x6480] =	vst v6;
	v1 =	vmul.f32 $8.000000000e+00, v1;
	v6 =	vld [tilespmem:s7+$0x64F0]  }
0x4a: {  	[tilespmem:s7+$0x6490] =	vst v5;
	v0 =	vmul.f32 $8.000000000e+00, v0  }
0x4b: {  	[tilespmem:s7+$0x64A0] =	vst v1;
	v1 =	vmul.f32 $8.000000000e+00, v2  }
0x4c: {  	[tilespmem:s7+$0x64B0] =	vst v0;
	v0 =	vmul.f32 $8.000000000e+00, v3  }
0x4d: {  	[tilespmem:s7+$0x64C0] =	vst v1;
	v1 =	vmul.f32 $8.000000000e+00, v4  }
0x4e: {  	[tilespmem:s7+$0x64D0] =	vst v0;
	v0 =	vmul.f32 $8.000000000e+00, v6  }
0x4f: {  	[tilespmem:s7+$0x64E0] =	vst v1  }
0x50: {  	s6 =	simm.s32 $0x0;
	s13 =	rddreg [dreg:$0x3];
	[tilespmem:s7+$0x64F0] =	vst v0  }
0x51: {  	[hbm4b:s13+s6] =	stream.linear.scatter [tilespmem:s16], [sflag:$0x5], $0x4000, $0x38;
	[tilespmem:$0x16400] =	vst v63  }
0x52: {  	s14 =	simm.s32 $0x300  }
0x53: {  	[tilespmem:s29], [sflag:$0x4] =	stream.indirect.gather [hbm4b:s5+s15], $0x40, s14, s15, $0xb8;
	[tilespmem:$0x16400] =	vst v63  }
0x54: {  	s30 =	simm.s32 $0x380  }
0x55: {  	[tilespmem:s31], [sflag:$0x4] =	stream.indirect.gather [hbm4b:s5+s15], $0x40, s30, s15, $0xb8;
	[tilespmem:$0x16400] =	vst v63  }
0x56: {  	_ =	swait.ge [sflag:s1], $0x2000  }
0x57: {  	[sflag:s1] =	ssyncset.done $0x0  }
0x58: {  	[sflag:s1] =	ssyncadd.s32 $0xFFFFE000  }
0x59: {  	_ =	swait.ge [sflag:s1], $0x2000  }
0x5a: {  	[sflag:s1] =	ssyncset.done $0x0  }
0x5b: {  	s7 =	simm.s32 $0x0;
	[sflag:s1] =	ssyncadd.s32 $0xFFFFE000  }
0x5c: {  	v0 =	vld [tilespmem:s7+$0xA400]  }
0x5d: {  	v1 =	vld [tilespmem:s7+$0xA410]  }
0x5e: {  	v2 =	vld [tilespmem:s7+$0xA420]  }
0x5f: {  	v3 =	vld [tilespmem:s7+$0xA430]  }
0x60: {  	v4 =	vld [tilespmem:s7+$0xA440]  }
0x61: {  	v5 =	vld [tilespmem:s7+$0xA450];
	v0 =	vmul.f32 $8.000000000e+00, v0  }
0x62: {  	v6 =	vld [tilespmem:s7+$0xA460];
	v1 =	vmul.f32 $8.000000000e+00, v1  }
0x63: {  	v7 =	vld [tilespmem:s7+$0xA470];
	[tilespmem:s7+$0xA400] =	vst v0;
	v0 =	vmul.f32 $8.000000000e+00, v2  }
0x64: {  	v8 =	vld [tilespmem:s7+$0xA480];
	[tilespmem:s7+$0xA410] =	vst v1;
	v1 =	vmul.f32 $8.000000000e+00, v3  }
0x65: {  	v9 =	vld [tilespmem:s7+$0xA490];
	[tilespmem:s7+$0xA420] =	vst v0;
	v0 =	vmul.f32 $8.000000000e+00, v4  }
0x66: {  	v2 =	vmul.f32 $8.000000000e+00, v5;
	[tilespmem:s7+$0xA430] =	vst v1;
	v1 =	vld [tilespmem:s7+$0xA4A0]  }
0x67: {  	v3 =	vmul.f32 $8.000000000e+00, v6;
	[tilespmem:s7+$0xA440] =	vst v0;
	v0 =	vld [tilespmem:s7+$0xA4B0]  }
0x68: {  	[tilespmem:s7+$0xA450] =	vst v2;
	v2 =	vld [tilespmem:s7+$0xA4C0];
	v4 =	vmul.f32 $8.000000000e+00, v7  }
0x69: {  	v6 =	vmul.f32 $8.000000000e+00, v8;
	[tilespmem:s7+$0xA460] =	vst v3;
	v3 =	vld [tilespmem:s7+$0xA4D0]  }
0x6a: {  	s6 =	simm.s32 $0x400;
	v5 =	vmul.f32 $8.000000000e+00, v9;
	[tilespmem:s7+$0xA470] =	vst v4;
	v4 =	vld [tilespmem:s7+$0xA4E0]  }
.LBB2_4:
0x6b: {  	s8 =	sshra.s32 s6, $0x2;
	p0 =	sne.s32 s6, $0xFC00;
	[tilespmem:s7+$0xA480] =	vst v6;
	v1 =	vmul.f32 $8.000000000e+00, v1;
	v6 =	vld [tilespmem:s7+$0xA4F0]  }
0x6c: {  	v7 =	vld [tilespmem:s8+$0xA400];
	[tilespmem:s7+$0xA490] =	vst v5;
	v0 =	vmul.f32 $8.000000000e+00, v0  }
0x6d: {  	v5 =	vld [tilespmem:s8+$0xA410];
	[tilespmem:s7+$0xA4A0] =	vst v1;
	v1 =	vmul.f32 $8.000000000e+00, v2  }
0x6e: {  	v2 =	vld [tilespmem:s8+$0xA420];
	[tilespmem:s7+$0xA4B0] =	vst v0;
	v0 =	vmul.f32 $8.000000000e+00, v3  }
0x6f: {  	v3 =	vld [tilespmem:s8+$0xA430];
	[tilespmem:s7+$0xA4C0] =	vst v1;
	v1 =	vmul.f32 $8.000000000e+00, v4  }
0x70: {  	v4 =	vld [tilespmem:s8+$0xA440];
	[tilespmem:s7+$0xA4D0] =	vst v0;
	v0 =	vmul.f32 $8.000000000e+00, v6  }
0x71: {  	v6 =	vmul.f32 $8.000000000e+00, v7;
	v7 =	vld [tilespmem:s8+$0xA450];
	[tilespmem:s7+$0xA4E0] =	vst v1  }
0x72: {  	v1 =	vmul.f32 $8.000000000e+00, v5;
	v5 =	vld [tilespmem:s8+$0xA460];
	[tilespmem:s7+$0xA4F0] =	vst v0;
	s7 =	smov.u32 s8  }
0x73: {  	[tilespmem:s7+$0xA400] =	vst v6;
	v0 =	vmul.f32 $8.000000000e+00, v2;
	v2 =	vld [tilespmem:s7+$0xA470]  }
0x74: {  	[tilespmem:s7+$0xA410] =	vst v1;
	v1 =	vmul.f32 $8.000000000e+00, v3;
	v3 =	vld [tilespmem:s7+$0xA480]  }
0x75: {  	[tilespmem:s7+$0xA420] =	vst v0;
	v0 =	vmul.f32 $8.000000000e+00, v4;
	v4 =	vld [tilespmem:s7+$0xA490]  }
.Ltmp1:
0x76: {  	[tilespmem:s7+$0xA430] =	vst v1;
	v6 =	vmul.f32 $8.000000000e+00, v7;
	v1 =	vld [tilespmem:s7+$0xA4A0];
	(pc) =	sbr.rel @p0 .LBB2_4-.Ltmp1, $4  }
0x77: {  	[tilespmem:s7+$0xA440] =	vst v0;
	v5 =	vmul.f32 $8.000000000e+00, v5;
	v0 =	vld [tilespmem:s7+$0xA4B0]  }
0x78: {  	[tilespmem:s7+$0xA450] =	vst v6;
	v7 =	vmul.f32 $8.000000000e+00, v2;
	v2 =	vld [tilespmem:s7+$0xA4C0]  }
0x79: {  	[tilespmem:s7+$0xA460] =	vst v5;
	v6 =	vmul.f32 $8.000000000e+00, v3;
	v3 =	vld [tilespmem:s7+$0xA4D0]  }
0x7a: {  	s6 =	sadd.s32 $0x400, s6;
	[tilespmem:s7+$0xA470] =	vst v7;
	v5 =	vmul.f32 $8.000000000e+00, v4;
	v4 =	vld [tilespmem:s7+$0xA4E0]  }
0x7b: {  	[tilespmem:s7+$0xA480] =	vst v6;
	v1 =	vmul.f32 $8.000000000e+00, v1;
	v59 =	vld [tilespmem:s7+$0xA4F0]  }
0x7c: {  	[tilespmem:s7+$0xA490] =	vst v5;
	v0 =	vmul.f32 $8.000000000e+00, v0  }
0x7d: {  	[tilespmem:s7+$0xA4A0] =	vst v1;
	v60 =	vmul.f32 $8.000000000e+00, v2  }
0x7e: {  	[tilespmem:s7+$0xA4B0] =	vst v0;
	v61 =	vmul.f32 $8.000000000e+00, v3  }
0x7f: {  	[tilespmem:s7+$0xA4C0] =	vst v60;
	v62 =	vmul.f32 $8.000000000e+00, v4  }
0x80: {  	[tilespmem:s7+$0xA4D0] =	vst v61;
	v63 =	vmul.f32 $8.000000000e+00, v59  }
0x81: {  	[tilespmem:s7+$0xA4E0] =	vst v62  }
0x82: {  	s6 =	rddreg [dreg:$0x5];
	[tilespmem:s7+$0xA4F0] =	vst v63;
	s7 =	simm.s32 $0x0  }
0x83: {  	[hbm4b:s6+s7] =	stream.linear.scatter [tilespmem:s19], [sflag:$0x6], $0x4000, $0x38;
	[tilespmem:$0x16400] =	vst v63  }
.LBB2_6:
0x84: {  	s11 =	sshll.u32 s7, $0x2  }
0x85: {  	_ =	swait.ge [sflag:s0], $0x4000;
	s8 =	sadd.s32 $0x4, s11  }
0x86: {  	[sflag:s0] =	ssyncset.done $0x0;
	s6 =	sshll.u32 s8, $0x8  }
0x87: {  	[sflag:s0] =	ssyncadd.s32 $0xFFFFC000;
	s6 =	sand.u32 $0x3FFFFC00, s6  }
0x88: {  	[tilespmem:s16], [sflag:$0x1] =	stream.indirect.gather [hbm4b:s5+s15], $0x40, s6, s15, $0xb8;
	[tilespmem:$0x16400] =	vst v63  }
0x89: {  	s6 =	sor.u32 $0x80, s6  }
0x8a: {  	[tilespmem:s17], [sflag:$0x1] =	stream.indirect.gather [hbm4b:s5+s15], $0x40, s6, s15, $0xb8;
	[tilespmem:$0x16400] =	vst v63  }
0x8b: {  	_ =	swait.ge [sflag:s18], $0x2000  }
0x8c: {  	[sflag:s18] =	ssyncset.done $0x0  }
0x8d: {  	[sflag:s18] =	ssyncadd.s32 $0xFFFFE000  }
0x8e: {  	_ =	swait.ge [sflag:s18], $0x2000  }
0x8f: {  	[sflag:s18] =	ssyncset.done $0x0  }
0x90: {  	s13 =	simm.s32 $0x0;
	[sflag:s18] =	ssyncadd.s32 $0xFFFFE000  }
0x91: {  	v0 =	vld [tilespmem:s13+$0xE400]  }
0x92: {  	v1 =	vld [tilespmem:s13+$0xE410]  }
0x93: {  	v2 =	vld [tilespmem:s13+$0xE420]  }
0x94: {  	v3 =	vld [tilespmem:s13+$0xE430]  }
0x95: {  	v4 =	vld [tilespmem:s13+$0xE440]  }
0x96: {  	v5 =	vld [tilespmem:s13+$0xE450];
	v0 =	vmul.f32 $8.000000000e+00, v0  }
0x97: {  	v6 =	vld [tilespmem:s13+$0xE460];
	v1 =	vmul.f32 $8.000000000e+00, v1  }
0x98: {  	v7 =	vld [tilespmem:s13+$0xE470];
	[tilespmem:s13+$0xE400] =	vst v0;
	v0 =	vmul.f32 $8.000000000e+00, v2  }
0x99: {  	v8 =	vld [tilespmem:s13+$0xE480];
	[tilespmem:s13+$0xE410] =	vst v1;
	v1 =	vmul.f32 $8.000000000e+00, v3  }
0x9a: {  	v9 =	vld [tilespmem:s13+$0xE490];
	[tilespmem:s13+$0xE420] =	vst v0;
	v0 =	vmul.f32 $8.000000000e+00, v4  }
0x9b: {  	s12 =	sshll.u32 s7, $0xA;
	v2 =	vmul.f32 $8.000000000e+00, v5;
	[tilespmem:s13+$0xE430] =	vst v1;
	v1 =	vld [tilespmem:s13+$0xE4A0]  }
0x9c: {  	s30 =	sadd.s32 s12, s9;
	v3 =	vmul.f32 $8.000000000e+00, v6;
	[tilespmem:s13+$0xE440] =	vst v0;
	v0 =	vld [tilespmem:s13+$0xE4B0]  }
0x9d: {  	s6 =	sshll.u32 s30, $0x3;
	[tilespmem:s13+$0xE450] =	vst v2;
	v2 =	vld [tilespmem:s13+$0xE4C0];
	v4 =	vmul.f32 $8.000000000e+00, v7  }
0x9e: {  	s6 =	sand.u32 $0x1FFFF000, s6;
	v6 =	vmul.f32 $8.000000000e+00, v8;
	[tilespmem:s13+$0xE460] =	vst v3;
	v3 =	vld [tilespmem:s13+$0xE4D0]  }
0x9f: {  	s14 =	simm.s32 $0x400;
	s6 =	sadd.s32 s2, s6;
	v5 =	vmul.f32 $8.000000000e+00, v9;
	[tilespmem:s13+$0xE470] =	vst v4;
	v4 =	vld [tilespmem:s13+$0xE4E0]  }
.LBB2_7:
0xa0: {  	s30 =	sshra.s32 s14, $0x2;
	p0 =	sne.s32 s14, $0xFC00;
	[tilespmem:s13+$0xE480] =	vst v6;
	v1 =	vmul.f32 $8.000000000e+00, v1;
	v6 =	vld [tilespmem:s13+$0xE4F0]  }
0xa1: {  	v7 =	vld [tilespmem:s30+$0xE400];
	[tilespmem:s13+$0xE490] =	vst v5;
	v0 =	vmul.f32 $8.000000000e+00, v0  }
0xa2: {  	v5 =	vld [tilespmem:s30+$0xE410];
	[tilespmem:s13+$0xE4A0] =	vst v1;
	v1 =	vmul.f32 $8.000000000e+00, v2  }
0xa3: {  	v2 =	vld [tilespmem:s30+$0xE420];
	[tilespmem:s13+$0xE4B0] =	vst v0;
	v0 =	vmul.f32 $8.000000000e+00, v3  }
0xa4: {  	v3 =	vld [tilespmem:s30+$0xE430];
	[tilespmem:s13+$0xE4C0] =	vst v1;
	v1 =	vmul.f32 $8.000000000e+00, v4  }
0xa5: {  	v4 =	vld [tilespmem:s30+$0xE440];
	[tilespmem:s13+$0xE4D0] =	vst v0;
	v0 =	vmul.f32 $8.000000000e+00, v6  }
0xa6: {  	v6 =	vmul.f32 $8.000000000e+00, v7;
	v7 =	vld [tilespmem:s30+$0xE450];
	[tilespmem:s13+$0xE4E0] =	vst v1  }
0xa7: {  	v1 =	vmul.f32 $8.000000000e+00, v5;
	v5 =	vld [tilespmem:s30+$0xE460];
	[tilespmem:s13+$0xE4F0] =	vst v0;
	s13 =	smov.u32 s30  }
0xa8: {  	[tilespmem:s13+$0xE400] =	vst v6;
	v0 =	vmul.f32 $8.000000000e+00, v2;
	v2 =	vld [tilespmem:s13+$0xE470]  }
0xa9: {  	[tilespmem:s13+$0xE410] =	vst v1;
	v1 =	vmul.f32 $8.000000000e+00, v3;
	v3 =	vld [tilespmem:s13+$0xE480]  }
0xaa: {  	[tilespmem:s13+$0xE420] =	vst v0;
	v0 =	vmul.f32 $8.000000000e+00, v4;
	v4 =	vld [tilespmem:s13+$0xE490]  }
.Ltmp2:
0xab: {  	[tilespmem:s13+$0xE430] =	vst v1;
	v6 =	vmul.f32 $8.000000000e+00, v7;
	v1 =	vld [tilespmem:s13+$0xE4A0];
	(pc) =	sbr.rel @p0 .LBB2_7-.Ltmp2, $4  }
0xac: {  	[tilespmem:s13+$0xE440] =	vst v0;
	v5 =	vmul.f32 $8.000000000e+00, v5;
	v0 =	vld [tilespmem:s13+$0xE4B0]  }
0xad: {  	[tilespmem:s13+$0xE450] =	vst v6;
	v7 =	vmul.f32 $8.000000000e+00, v2;
	v2 =	vld [tilespmem:s13+$0xE4C0]  }
0xae: {  	[tilespmem:s13+$0xE460] =	vst v5;
	v6 =	vmul.f32 $8.000000000e+00, v3;
	v3 =	vld [tilespmem:s13+$0xE4D0]  }
0xaf: {  	s14 =	sadd.s32 $0x400, s14;
	[tilespmem:s13+$0xE470] =	vst v7;
	v5 =	vmul.f32 $8.000000000e+00, v4;
	v4 =	vld [tilespmem:s13+$0xE4E0]  }
0xb0: {  	[tilespmem:s13+$0xE480] =	vst v6;
	v1 =	vmul.f32 $8.000000000e+00, v1;
	v6 =	vld [tilespmem:s13+$0xE4F0]  }
0xb1: {  	[tilespmem:s13+$0xE490] =	vst v5;
	v0 =	vmul.f32 $8.000000000e+00, v0  }
0xb2: {  	[tilespmem:s13+$0xE4A0] =	vst v1;
	v1 =	vmul.f32 $8.000000000e+00, v2  }
0xb3: {  	[tilespmem:s13+$0xE4B0] =	vst v0;
	v0 =	vmul.f32 $8.000000000e+00, v3  }
0xb4: {  	[tilespmem:s13+$0xE4C0] =	vst v1;
	v1 =	vmul.f32 $8.000000000e+00, v4  }
0xb5: {  	[tilespmem:s13+$0xE4D0] =	vst v0;
	v0 =	vmul.f32 $8.000000000e+00, v6  }
0xb6: {  	[tilespmem:s13+$0xE4E0] =	vst v1  }
0xb7: {  	s30 =	simm.s32 $0x0;
	[tilespmem:s13+$0xE4F0] =	vst v0  }
0xb8: {  	[hbm4b:s6+s30] =	stream.linear.scatter [tilespmem:s23], [sflag:$0x7], $0x4000, $0x38;
	[tilespmem:$0x16400] =	vst v63  }
0xb9: {  	s11 =	sadd.s32 $0x5, s11;
	_ =	swait.ge [sflag:s20], $0x4000  }
0xba: {  	s14 =	sshll.u32 s11, $0x8;
	[sflag:s20] =	ssyncset.done $0x0  }
0xbb: {  	s6 =	sand.u32 $0x3FFFFF00, s14;
	[sflag:s20] =	ssyncadd.s32 $0xFFFFC000  }
0xbc: {  	[tilespmem:s19], [sflag:$0x2] =	stream.indirect.gather [hbm4b:s5+s15], $0x40, s6, s15, $0xb8;
	[tilespmem:$0x16400] =	vst v63  }
0xbd: {  	s6 =	sor.u32 $0x80, s6  }
0xbe: {  	[tilespmem:s21], [sflag:$0x2] =	stream.indirect.gather [hbm4b:s5+s15], $0x40, s6, s15, $0xb8;
	[tilespmem:$0x16400] =	vst v63  }
0xbf: {  	_ =	swait.ge [sflag:s22], $0x2000  }
0xc0: {  	[sflag:s22] =	ssyncset.done $0x0  }
0xc1: {  	[sflag:s22] =	ssyncadd.s32 $0xFFFFE000  }
0xc2: {  	_ =	swait.ge [sflag:s22], $0x2000  }
0xc3: {  	[sflag:s22] =	ssyncset.done $0x0  }
0xc4: {  	s13 =	simm.s32 $0x0;
	[sflag:s22] =	ssyncadd.s32 $0xFFFFE000  }
0xc5: {  	v0 =	vld [tilespmem:s13+$0x12400]  }
0xc6: {  	v1 =	vld [tilespmem:s13+$0x12410]  }
0xc7: {  	v2 =	vld [tilespmem:s13+$0x12420]  }
0xc8: {  	v3 =	vld [tilespmem:s13+$0x12430]  }
0xc9: {  	v4 =	vld [tilespmem:s13+$0x12440]  }
0xca: {  	v5 =	vld [tilespmem:s13+$0x12450];
	v0 =	vmul.f32 $8.000000000e+00, v0  }
0xcb: {  	v6 =	vld [tilespmem:s13+$0x12460];
	v1 =	vmul.f32 $8.000000000e+00, v1  }
0xcc: {  	v7 =	vld [tilespmem:s13+$0x12470];
	[tilespmem:s13+$0x12400] =	vst v0;
	v0 =	vmul.f32 $8.000000000e+00, v2  }
0xcd: {  	v8 =	vld [tilespmem:s13+$0x12480];
	[tilespmem:s13+$0x12410] =	vst v1;
	v1 =	vmul.f32 $8.000000000e+00, v3  }
0xce: {  	v9 =	vld [tilespmem:s13+$0x12490];
	[tilespmem:s13+$0x12420] =	vst v0;
	v0 =	vmul.f32 $8.000000000e+00, v4  }
0xcf: {  	v2 =	vmul.f32 $8.000000000e+00, v5;
	[tilespmem:s13+$0x12430] =	vst v1;
	v1 =	vld [tilespmem:s13+$0x124A0]  }
0xd0: {  	s30 =	sadd.s32 s12, s10;
	v3 =	vmul.f32 $8.000000000e+00, v6;
	[tilespmem:s13+$0x12440] =	vst v0;
	v0 =	vld [tilespmem:s13+$0x124B0]  }
0xd1: {  	s6 =	sshll.u32 s30, $0x3;
	[tilespmem:s13+$0x12450] =	vst v2;
	v2 =	vld [tilespmem:s13+$0x124C0];
	v4 =	vmul.f32 $8.000000000e+00, v7  }
0xd2: {  	s6 =	sand.u32 $0x1FFFF800, s6;
	v6 =	vmul.f32 $8.000000000e+00, v8;
	[tilespmem:s13+$0x12460] =	vst v3;
	v3 =	vld [tilespmem:s13+$0x124D0]  }
0xd3: {  	s14 =	simm.s32 $0x400;
	s6 =	sadd.s32 s2, s6;
	v5 =	vmul.f32 $8.000000000e+00, v9;
	[tilespmem:s13+$0x12470] =	vst v4;
	v4 =	vld [tilespmem:s13+$0x124E0]  }
.LBB2_9:
0xd4: {  	s30 =	sshra.s32 s14, $0x2;
	p0 =	sne.s32 s14, $0xFC00;
	[tilespmem:s13+$0x12480] =	vst v6;
	v1 =	vmul.f32 $8.000000000e+00, v1;
	v6 =	vld [tilespmem:s13+$0x124F0]  }
0xd5: {  	v7 =	vld [tilespmem:s30+$0x12400];
	[tilespmem:s13+$0x12490] =	vst v5;
	v0 =	vmul.f32 $8.000000000e+00, v0  }
0xd6: {  	v5 =	vld [tilespmem:s30+$0x12410];
	[tilespmem:s13+$0x124A0] =	vst v1;
	v1 =	vmul.f32 $8.000000000e+00, v2  }
0xd7: {  	v2 =	vld [tilespmem:s30+$0x12420];
	[tilespmem:s13+$0x124B0] =	vst v0;
	v0 =	vmul.f32 $8.000000000e+00, v3  }
0xd8: {  	v3 =	vld [tilespmem:s30+$0x12430];
	[tilespmem:s13+$0x124C0] =	vst v1;
	v1 =	vmul.f32 $8.000000000e+00, v4  }
0xd9: {  	v4 =	vld [tilespmem:s30+$0x12440];
	[tilespmem:s13+$0x124D0] =	vst v0;
	v0 =	vmul.f32 $8.000000000e+00, v6  }
0xda: {  	v6 =	vmul.f32 $8.000000000e+00, v7;
	v7 =	vld [tilespmem:s30+$0x12450];
	[tilespmem:s13+$0x124E0] =	vst v1  }
0xdb: {  	v1 =	vmul.f32 $8.000000000e+00, v5;
	v5 =	vld [tilespmem:s30+$0x12460];
	[tilespmem:s13+$0x124F0] =	vst v0;
	s13 =	smov.u32 s30  }
0xdc: {  	[tilespmem:s13+$0x12400] =	vst v6;
	v0 =	vmul.f32 $8.000000000e+00, v2;
	v2 =	vld [tilespmem:s13+$0x12470]  }
0xdd: {  	[tilespmem:s13+$0x12410] =	vst v1;
	v1 =	vmul.f32 $8.000000000e+00, v3;
	v3 =	vld [tilespmem:s13+$0x12480]  }
0xde: {  	[tilespmem:s13+$0x12420] =	vst v0;
	v0 =	vmul.f32 $8.000000000e+00, v4;
	v4 =	vld [tilespmem:s13+$0x12490]  }
.Ltmp3:
0xdf: {  	[tilespmem:s13+$0x12430] =	vst v1;
	v6 =	vmul.f32 $8.000000000e+00, v7;
	v1 =	vld [tilespmem:s13+$0x124A0];
	(pc) =	sbr.rel @p0 .LBB2_9-.Ltmp3, $4  }
0xe0: {  	[tilespmem:s13+$0x12440] =	vst v0;
	v5 =	vmul.f32 $8.000000000e+00, v5;
	v0 =	vld [tilespmem:s13+$0x124B0]  }
0xe1: {  	[tilespmem:s13+$0x12450] =	vst v6;
	v7 =	vmul.f32 $8.000000000e+00, v2;
	v2 =	vld [tilespmem:s13+$0x124C0]  }
0xe2: {  	[tilespmem:s13+$0x12460] =	vst v5;
	v6 =	vmul.f32 $8.000000000e+00, v3;
	v3 =	vld [tilespmem:s13+$0x124D0]  }
0xe3: {  	s14 =	sadd.s32 $0x400, s14;
	[tilespmem:s13+$0x12470] =	vst v7;
	v5 =	vmul.f32 $8.000000000e+00, v4;
	v4 =	vld [tilespmem:s13+$0x124E0]  }
0xe4: {  	[tilespmem:s13+$0x12480] =	vst v6;
	v1 =	vmul.f32 $8.000000000e+00, v1;
	v6 =	vld [tilespmem:s13+$0x124F0]  }
0xe5: {  	[tilespmem:s13+$0x12490] =	vst v5;
	v0 =	vmul.f32 $8.000000000e+00, v0  }
0xe6: {  	[tilespmem:s13+$0x124A0] =	vst v1;
	v1 =	vmul.f32 $8.000000000e+00, v2  }
0xe7: {  	[tilespmem:s13+$0x124B0] =	vst v0;
	v0 =	vmul.f32 $8.000000000e+00, v3  }
0xe8: {  	[tilespmem:s13+$0x124C0] =	vst v1;
	v1 =	vmul.f32 $8.000000000e+00, v4  }
0xe9: {  	[tilespmem:s13+$0x124D0] =	vst v0;
	v0 =	vmul.f32 $8.000000000e+00, v6  }
0xea: {  	[tilespmem:s13+$0x124E0] =	vst v1  }
0xeb: {  	s30 =	simm.s32 $0x0;
	[tilespmem:s13+$0x124F0] =	vst v0  }
0xec: {  	[hbm4b:s6+s30] =	stream.linear.scatter [tilespmem:s29], [sflag:$0x8], $0x4000, $0x38;
	[tilespmem:$0x16400] =	vst v63  }
0xed: {  	_ =	swait.ge [sflag:s24], $0x4000  }
0xee: {  	s12 =	sand.u32 $0x3FFFFC00, s12;
	[sflag:s24] =	ssyncset.done $0x0  }
0xef: {  	s13 =	sadd.s32 $0x600, s12;
	[sflag:s24] =	ssyncadd.s32 $0xFFFFC000  }
0xf0: {  	[tilespmem:s23], [sflag:$0x3] =	stream.indirect.gather [hbm4b:s5+s15], $0x40, s13, s15, $0xb8;
	[tilespmem:$0x16400] =	vst v63  }
0xf1: {  	s14 =	sadd.s32 $0x680, s12  }
0xf2: {  	[tilespmem:s25], [sflag:$0x3] =	stream.indirect.gather [hbm4b:s5+s15], $0x40, s14, s15, $0xb8;
	[tilespmem:$0x16400] =	vst v63  }
0xf3: {  	_ =	swait.ge [sflag:s26], $0x2000  }
0xf4: {  	[sflag:s26] =	ssyncset.done $0x0  }
0xf5: {  	[sflag:s26] =	ssyncadd.s32 $0xFFFFE000  }
0xf6: {  	_ =	swait.ge [sflag:s26], $0x2000  }
0xf7: {  	[sflag:s26] =	ssyncset.done $0x0  }
0xf8: {  	s13 =	simm.s32 $0x0;
	[sflag:s26] =	ssyncadd.s32 $0xFFFFE000  }
0xf9: {  	v0 =	vld [tilespmem:s13+$0x6400]  }
0xfa: {  	v1 =	vld [tilespmem:s13+$0x6410]  }
0xfb: {  	v2 =	vld [tilespmem:s13+$0x6420]  }
0xfc: {  	v3 =	vld [tilespmem:s13+$0x6430]  }
0xfd: {  	v4 =	vld [tilespmem:s13+$0x6440]  }
0xfe: {  	v5 =	vld [tilespmem:s13+$0x6450];
	v0 =	vmul.f32 $8.000000000e+00, v0  }
0xff: {  	v6 =	vld [tilespmem:s13+$0x6460];
	v1 =	vmul.f32 $8.000000000e+00, v1  }
0x100: {  	v7 =	vld [tilespmem:s13+$0x6470];
	[tilespmem:s13+$0x6400] =	vst v0;
	v0 =	vmul.f32 $8.000000000e+00, v2  }
0x101: {  	v8 =	vld [tilespmem:s13+$0x6480];
	[tilespmem:s13+$0x6410] =	vst v1;
	v1 =	vmul.f32 $8.000000000e+00, v3  }
0x102: {  	v9 =	vld [tilespmem:s13+$0x6490];
	[tilespmem:s13+$0x6420] =	vst v0;
	v0 =	vmul.f32 $8.000000000e+00, v4  }
0x103: {  	v2 =	vmul.f32 $8.000000000e+00, v5;
	[tilespmem:s13+$0x6430] =	vst v1;
	v1 =	vld [tilespmem:s13+$0x64A0]  }
0x104: {  	s30 =	sshll.u32 s8, $0xE;
	v3 =	vmul.f32 $8.000000000e+00, v6;
	[tilespmem:s13+$0x6440] =	vst v0;
	v0 =	vld [tilespmem:s13+$0x64B0]  }
0x105: {  	s6 =	sadd.s32 s4, s30;
	[tilespmem:s13+$0x6450] =	vst v2;
	v2 =	vld [tilespmem:s13+$0x64C0];
	v4 =	vmul.f32 $8.000000000e+00, v7  }
0x106: {  	s6 =	sshrl.u32 s6, $0x3;
	v6 =	vmul.f32 $8.000000000e+00, v8;
	[tilespmem:s13+$0x6460] =	vst v3;
	v3 =	vld [tilespmem:s13+$0x64D0]  }
0x107: {  	s8 =	simm.s32 $0x400;
	s6 =	sadd.s32 s2, s6;
	v5 =	vmul.f32 $8.000000000e+00, v9;
	[tilespmem:s13+$0x6470] =	vst v4;
	v4 =	vld [tilespmem:s13+$0x64E0]  }
.LBB2_11:
0x108: {  	s14 =	sshra.s32 s8, $0x2;
	p0 =	sne.s32 s8, $0xFC00;
	[tilespmem:s13+$0x6480] =	vst v6;
	v1 =	vmul.f32 $8.000000000e+00, v1;
	v6 =	vld [tilespmem:s13+$0x64F0]  }
0x109: {  	v7 =	vld [tilespmem:s14+$0x6400];
	[tilespmem:s13+$0x6490] =	vst v5;
	v0 =	vmul.f32 $8.000000000e+00, v0  }
0x10a: {  	v5 =	vld [tilespmem:s14+$0x6410];
	[tilespmem:s13+$0x64A0] =	vst v1;
	v1 =	vmul.f32 $8.000000000e+00, v2  }
0x10b: {  	v2 =	vld [tilespmem:s14+$0x6420];
	[tilespmem:s13+$0x64B0] =	vst v0;
	v0 =	vmul.f32 $8.000000000e+00, v3  }
0x10c: {  	v3 =	vld [tilespmem:s14+$0x6430];
	[tilespmem:s13+$0x64C0] =	vst v1;
	v1 =	vmul.f32 $8.000000000e+00, v4  }
0x10d: {  	v4 =	vld [tilespmem:s14+$0x6440];
	[tilespmem:s13+$0x64D0] =	vst v0;
	v0 =	vmul.f32 $8.000000000e+00, v6  }
0x10e: {  	v6 =	vmul.f32 $8.000000000e+00, v7;
	v7 =	vld [tilespmem:s14+$0x6450];
	[tilespmem:s13+$0x64E0] =	vst v1  }
0x10f: {  	v1 =	vmul.f32 $8.000000000e+00, v5;
	v5 =	vld [tilespmem:s14+$0x6460];
	[tilespmem:s13+$0x64F0] =	vst v0;
	s13 =	smov.u32 s14  }
0x110: {  	[tilespmem:s13+$0x6400] =	vst v6;
	v0 =	vmul.f32 $8.000000000e+00, v2;
	v2 =	vld [tilespmem:s13+$0x6470]  }
0x111: {  	[tilespmem:s13+$0x6410] =	vst v1;
	v1 =	vmul.f32 $8.000000000e+00, v3;
	v3 =	vld [tilespmem:s13+$0x6480]  }
0x112: {  	[tilespmem:s13+$0x6420] =	vst v0;
	v0 =	vmul.f32 $8.000000000e+00, v4;
	v4 =	vld [tilespmem:s13+$0x6490]  }
.Ltmp4:
0x113: {  	[tilespmem:s13+$0x6430] =	vst v1;
	v6 =	vmul.f32 $8.000000000e+00, v7;
	v1 =	vld [tilespmem:s13+$0x64A0];
	(pc) =	sbr.rel @p0 .LBB2_11-.Ltmp4, $4  }
0x114: {  	[tilespmem:s13+$0x6440] =	vst v0;
	v5 =	vmul.f32 $8.000000000e+00, v5;
	v0 =	vld [tilespmem:s13+$0x64B0]  }
0x115: {  	[tilespmem:s13+$0x6450] =	vst v6;
	v7 =	vmul.f32 $8.000000000e+00, v2;
	v2 =	vld [tilespmem:s13+$0x64C0]  }
0x116: {  	[tilespmem:s13+$0x6460] =	vst v5;
	v6 =	vmul.f32 $8.000000000e+00, v3;
	v3 =	vld [tilespmem:s13+$0x64D0]  }
0x117: {  	s8 =	sadd.s32 $0x400, s8;
	[tilespmem:s13+$0x6470] =	vst v7;
	v5 =	vmul.f32 $8.000000000e+00, v4;
	v4 =	vld [tilespmem:s13+$0x64E0]  }
0x118: {  	[tilespmem:s13+$0x6480] =	vst v6;
	v1 =	vmul.f32 $8.000000000e+00, v1;
	v6 =	vld [tilespmem:s13+$0x64F0]  }
0x119: {  	[tilespmem:s13+$0x6490] =	vst v5;
	v0 =	vmul.f32 $8.000000000e+00, v0  }
0x11a: {  	[tilespmem:s13+$0x64A0] =	vst v1;
	v1 =	vmul.f32 $8.000000000e+00, v2  }
0x11b: {  	[tilespmem:s13+$0x64B0] =	vst v0;
	v0 =	vmul.f32 $8.000000000e+00, v3  }
0x11c: {  	[tilespmem:s13+$0x64C0] =	vst v1;
	v1 =	vmul.f32 $8.000000000e+00, v4  }
0x11d: {  	[tilespmem:s13+$0x64D0] =	vst v0;
	v0 =	vmul.f32 $8.000000000e+00, v6  }
0x11e: {  	[tilespmem:s13+$0x64E0] =	vst v1  }
0x11f: {  	s8 =	simm.s32 $0x0;
	[tilespmem:s13+$0x64F0] =	vst v0  }
0x120: {  	[hbm4b:s6+s8] =	stream.linear.scatter [tilespmem:s16], [sflag:$0x5], $0x4000, $0x38;
	[tilespmem:$0x16400] =	vst v63  }
0x121: {  	_ =	swait.ge [sflag:s28], $0x4000  }
0x122: {  	[sflag:s28] =	ssyncset.done $0x0  }
0x123: {  	s13 =	sadd.s32 $0x700, s12;
	[sflag:s28] =	ssyncadd.s32 $0xFFFFC000  }
0x124: {  	[tilespmem:s29], [sflag:$0x4] =	stream.indirect.gather [hbm4b:s5+s15], $0x40, s13, s15, $0xb8;
	[tilespmem:$0x16400] =	vst v63  }
0x125: {  	s14 =	sadd.s32 $0x780, s12  }
0x126: {  	[tilespmem:s31], [sflag:$0x4] =	stream.indirect.gather [hbm4b:s5+s15], $0x40, s14, s15, $0xb8;
	[tilespmem:$0x16400] =	vst v63  }
0x127: {  	_ =	swait.ge [sflag:s1], $0x2000  }
0x128: {  	[sflag:s1] =	ssyncset.done $0x0  }
0x129: {  	[sflag:s1] =	ssyncadd.s32 $0xFFFFE000  }
0x12a: {  	_ =	swait.ge [sflag:s1], $0x2000  }
0x12b: {  	[sflag:s1] =	ssyncset.done $0x0  }
0x12c: {  	s8 =	simm.s32 $0x0;
	[sflag:s1] =	ssyncadd.s32 $0xFFFFE000  }
0x12d: {  	v0 =	vld [tilespmem:s8+$0xA400]  }
0x12e: {  	v1 =	vld [tilespmem:s8+$0xA410]  }
0x12f: {  	v2 =	vld [tilespmem:s8+$0xA420]  }
0x130: {  	v3 =	vld [tilespmem:s8+$0xA430]  }
0x131: {  	v4 =	vld [tilespmem:s8+$0xA440]  }
0x132: {  	v5 =	vld [tilespmem:s8+$0xA450];
	v0 =	vmul.f32 $8.000000000e+00, v0  }
0x133: {  	v6 =	vld [tilespmem:s8+$0xA460];
	v1 =	vmul.f32 $8.000000000e+00, v1  }
0x134: {  	v7 =	vld [tilespmem:s8+$0xA470];
	[tilespmem:s8+$0xA400] =	vst v0;
	v0 =	vmul.f32 $8.000000000e+00, v2  }
0x135: {  	v8 =	vld [tilespmem:s8+$0xA480];
	[tilespmem:s8+$0xA410] =	vst v1;
	v1 =	vmul.f32 $8.000000000e+00, v3  }
0x136: {  	v9 =	vld [tilespmem:s8+$0xA490];
	[tilespmem:s8+$0xA420] =	vst v0;
	v0 =	vmul.f32 $8.000000000e+00, v4  }
0x137: {  	v2 =	vmul.f32 $8.000000000e+00, v5;
	[tilespmem:s8+$0xA430] =	vst v1;
	v1 =	vld [tilespmem:s8+$0xA4A0]  }
0x138: {  	s30 =	sshll.u32 s11, $0xE;
	v3 =	vmul.f32 $8.000000000e+00, v6;
	[tilespmem:s8+$0xA440] =	vst v0;
	v0 =	vld [tilespmem:s8+$0xA4B0]  }
0x139: {  	s6 =	sadd.s32 s4, s30;
	[tilespmem:s8+$0xA450] =	vst v2;
	v2 =	vld [tilespmem:s8+$0xA4C0];
	v4 =	vmul.f32 $8.000000000e+00, v7  }
0x13a: {  	s6 =	sshrl.u32 s6, $0x3;
	v6 =	vmul.f32 $8.000000000e+00, v8;
	[tilespmem:s8+$0xA460] =	vst v3;
	v3 =	vld [tilespmem:s8+$0xA4D0]  }
0x13b: {  	s11 =	simm.s32 $0x400;
	s6 =	sadd.s32 s2, s6;
	v5 =	vmul.f32 $8.000000000e+00, v9;
	[tilespmem:s8+$0xA470] =	vst v4;
	v4 =	vld [tilespmem:s8+$0xA4E0]  }
.LBB2_13:
0x13c: {  	s12 =	sshra.s32 s11, $0x2;
	p0 =	sne.s32 s11, $0xFC00;
	[tilespmem:s8+$0xA480] =	vst v6;
	v1 =	vmul.f32 $8.000000000e+00, v1;
	v6 =	vld [tilespmem:s8+$0xA4F0]  }
0x13d: {  	v7 =	vld [tilespmem:s12+$0xA400];
	[tilespmem:s8+$0xA490] =	vst v5;
	v0 =	vmul.f32 $8.000000000e+00, v0  }
0x13e: {  	v5 =	vld [tilespmem:s12+$0xA410];
	[tilespmem:s8+$0xA4A0] =	vst v1;
	v1 =	vmul.f32 $8.000000000e+00, v2  }
0x13f: {  	v2 =	vld [tilespmem:s12+$0xA420];
	[tilespmem:s8+$0xA4B0] =	vst v0;
	v0 =	vmul.f32 $8.000000000e+00, v3  }
0x140: {  	v3 =	vld [tilespmem:s12+$0xA430];
	[tilespmem:s8+$0xA4C0] =	vst v1;
	v1 =	vmul.f32 $8.000000000e+00, v4  }
0x141: {  	v4 =	vld [tilespmem:s12+$0xA440];
	[tilespmem:s8+$0xA4D0] =	vst v0;
	v0 =	vmul.f32 $8.000000000e+00, v6  }
0x142: {  	v6 =	vmul.f32 $8.000000000e+00, v7;
	v7 =	vld [tilespmem:s12+$0xA450];
	[tilespmem:s8+$0xA4E0] =	vst v1  }
0x143: {  	v1 =	vmul.f32 $8.000000000e+00, v5;
	v5 =	vld [tilespmem:s12+$0xA460];
	[tilespmem:s8+$0xA4F0] =	vst v0;
	s8 =	smov.u32 s12  }
0x144: {  	[tilespmem:s8+$0xA400] =	vst v6;
	v0 =	vmul.f32 $8.000000000e+00, v2;
	v2 =	vld [tilespmem:s8+$0xA470]  }
0x145: {  	[tilespmem:s8+$0xA410] =	vst v1;
	v1 =	vmul.f32 $8.000000000e+00, v3;
	v3 =	vld [tilespmem:s8+$0xA480]  }
0x146: {  	[tilespmem:s8+$0xA420] =	vst v0;
	v0 =	vmul.f32 $8.000000000e+00, v4;
	v4 =	vld [tilespmem:s8+$0xA490]  }
.Ltmp5:
0x147: {  	[tilespmem:s8+$0xA430] =	vst v1;
	v6 =	vmul.f32 $8.000000000e+00, v7;
	v1 =	vld [tilespmem:s8+$0xA4A0];
	(pc) =	sbr.rel @p0 .LBB2_13-.Ltmp5, $4  }
0x148: {  	[tilespmem:s8+$0xA440] =	vst v0;
	v5 =	vmul.f32 $8.000000000e+00, v5;
	v0 =	vld [tilespmem:s8+$0xA4B0]  }
0x149: {  	[tilespmem:s8+$0xA450] =	vst v6;
	v7 =	vmul.f32 $8.000000000e+00, v2;
	v2 =	vld [tilespmem:s8+$0xA4C0]  }
0x14a: {  	[tilespmem:s8+$0xA460] =	vst v5;
	v6 =	vmul.f32 $8.000000000e+00, v3;
	v3 =	vld [tilespmem:s8+$0xA4D0]  }
0x14b: {  	s11 =	sadd.s32 $0x400, s11;
	[tilespmem:s8+$0xA470] =	vst v7;
	v5 =	vmul.f32 $8.000000000e+00, v4;
	v4 =	vld [tilespmem:s8+$0xA4E0]  }
0x14c: {  	[tilespmem:s8+$0xA480] =	vst v6;
	v1 =	vmul.f32 $8.000000000e+00, v1;
	v59 =	vld [tilespmem:s8+$0xA4F0]  }
0x14d: {  	[tilespmem:s8+$0xA490] =	vst v5;
	v0 =	vmul.f32 $8.000000000e+00, v0  }
0x14e: {  	s7 =	sadd.s32 $0x1, s7;
	[tilespmem:s8+$0xA4A0] =	vst v1;
	v60 =	vmul.f32 $8.000000000e+00, v2  }
0x14f: {  	p0 =	sne.s32 s7, $0x18;
	[tilespmem:s8+$0xA4B0] =	vst v0;
	v61 =	vmul.f32 $8.000000000e+00, v3  }
.Ltmp6:
0x150: {  	[tilespmem:s8+$0xA4C0] =	vst v60;
	v62 =	vmul.f32 $8.000000000e+00, v4;
	(pc) =	sbr.rel @p0 .LBB2_6-.Ltmp6, $4  }
0x151: {  	[tilespmem:s8+$0xA4D0] =	vst v61;
	v63 =	vmul.f32 $8.000000000e+00, v59  }
0x152: {  	[tilespmem:s8+$0xA4E0] =	vst v62  }
0x153: {  	[tilespmem:s8+$0xA4F0] =	vst v63  }
0x154: {  	[hbm4b:s6+s3] =	stream.linear.scatter [tilespmem:s19], [sflag:$0x6], $0x4000, $0x38;
	[tilespmem:$0x16400] =	vst v63  }
0x155: {  	_ =	swait.ge [sflag:s18], $0x2000  }
0x156: {  	[sflag:s18] =	ssyncset.done $0x0  }
0x157: {  	[sflag:s18] =	ssyncadd.s32 $0xFFFFE000  }
0x158: {  	_ =	swait.ge [sflag:s18], $0x2000  }
0x159: {  	[sflag:s18] =	ssyncset.done $0x0  }
0x15a: {  	s7 =	simm.s32 $0x0;
	[sflag:s18] =	ssyncadd.s32 $0xFFFFE000  }
0x15b: {  	v0 =	vld [tilespmem:s7+$0xE400]  }
0x15c: {  	v1 =	vld [tilespmem:s7+$0xE410]  }
0x15d: {  	v2 =	vld [tilespmem:s7+$0xE420]  }
0x15e: {  	v3 =	vld [tilespmem:s7+$0xE430]  }
0x15f: {  	v4 =	vld [tilespmem:s7+$0xE440]  }
0x160: {  	v5 =	vld [tilespmem:s7+$0xE450];
	v0 =	vmul.f32 $8.000000000e+00, v0  }
0x161: {  	v6 =	vld [tilespmem:s7+$0xE460];
	v1 =	vmul.f32 $8.000000000e+00, v1  }
0x162: {  	v7 =	vld [tilespmem:s7+$0xE470];
	[tilespmem:s7+$0xE400] =	vst v0;
	v0 =	vmul.f32 $8.000000000e+00, v2  }
0x163: {  	v8 =	vld [tilespmem:s7+$0xE480];
	[tilespmem:s7+$0xE410] =	vst v1;
	v1 =	vmul.f32 $8.000000000e+00, v3  }
0x164: {  	v9 =	vld [tilespmem:s7+$0xE490];
	[tilespmem:s7+$0xE420] =	vst v0;
	v0 =	vmul.f32 $8.000000000e+00, v4  }
0x165: {  	v2 =	vmul.f32 $8.000000000e+00, v5;
	[tilespmem:s7+$0xE430] =	vst v1;
	v1 =	vld [tilespmem:s7+$0xE4A0]  }
0x166: {  	v3 =	vmul.f32 $8.000000000e+00, v6;
	[tilespmem:s7+$0xE440] =	vst v0;
	v0 =	vld [tilespmem:s7+$0xE4B0]  }
0x167: {  	[tilespmem:s7+$0xE450] =	vst v2;
	v2 =	vld [tilespmem:s7+$0xE4C0];
	v4 =	vmul.f32 $8.000000000e+00, v7  }
0x168: {  	v6 =	vmul.f32 $8.000000000e+00, v8;
	[tilespmem:s7+$0xE460] =	vst v3;
	v3 =	vld [tilespmem:s7+$0xE4D0]  }
0x169: {  	s6 =	simm.s32 $0x400;
	v5 =	vmul.f32 $8.000000000e+00, v9;
	[tilespmem:s7+$0xE470] =	vst v4;
	v4 =	vld [tilespmem:s7+$0xE4E0]  }
.LBB2_16:
0x16a: {  	s8 =	sshra.s32 s6, $0x2;
	p0 =	sne.s32 s6, $0xFC00;
	[tilespmem:s7+$0xE480] =	vst v6;
	v1 =	vmul.f32 $8.000000000e+00, v1;
	v6 =	vld [tilespmem:s7+$0xE4F0]  }
0x16b: {  	v7 =	vld [tilespmem:s8+$0xE400];
	[tilespmem:s7+$0xE490] =	vst v5;
	v0 =	vmul.f32 $8.000000000e+00, v0  }
0x16c: {  	v5 =	vld [tilespmem:s8+$0xE410];
	[tilespmem:s7+$0xE4A0] =	vst v1;
	v1 =	vmul.f32 $8.000000000e+00, v2  }
0x16d: {  	v2 =	vld [tilespmem:s8+$0xE420];
	[tilespmem:s7+$0xE4B0] =	vst v0;
	v0 =	vmul.f32 $8.000000000e+00, v3  }
0x16e: {  	v3 =	vld [tilespmem:s8+$0xE430];
	[tilespmem:s7+$0xE4C0] =	vst v1;
	v1 =	vmul.f32 $8.000000000e+00, v4  }
0x16f: {  	v4 =	vld [tilespmem:s8+$0xE440];
	[tilespmem:s7+$0xE4D0] =	vst v0;
	v0 =	vmul.f32 $8.000000000e+00, v6  }
0x170: {  	v6 =	vmul.f32 $8.000000000e+00, v7;
	v7 =	vld [tilespmem:s8+$0xE450];
	[tilespmem:s7+$0xE4E0] =	vst v1  }
0x171: {  	v1 =	vmul.f32 $8.000000000e+00, v5;
	v5 =	vld [tilespmem:s8+$0xE460];
	[tilespmem:s7+$0xE4F0] =	vst v0;
	s7 =	smov.u32 s8  }
0x172: {  	[tilespmem:s7+$0xE400] =	vst v6;
	v0 =	vmul.f32 $8.000000000e+00, v2;
	v2 =	vld [tilespmem:s7+$0xE470]  }
0x173: {  	[tilespmem:s7+$0xE410] =	vst v1;
	v1 =	vmul.f32 $8.000000000e+00, v3;
	v3 =	vld [tilespmem:s7+$0xE480]  }
0x174: {  	[tilespmem:s7+$0xE420] =	vst v0;
	v0 =	vmul.f32 $8.000000000e+00, v4;
	v4 =	vld [tilespmem:s7+$0xE490]  }
.Ltmp7:
0x175: {  	[tilespmem:s7+$0xE430] =	vst v1;
	v6 =	vmul.f32 $8.000000000e+00, v7;
	v1 =	vld [tilespmem:s7+$0xE4A0];
	(pc) =	sbr.rel @p0 .LBB2_16-.Ltmp7, $4  }
0x176: {  	[tilespmem:s7+$0xE440] =	vst v0;
	v5 =	vmul.f32 $8.000000000e+00, v5;
	v0 =	vld [tilespmem:s7+$0xE4B0]  }
0x177: {  	[tilespmem:s7+$0xE450] =	vst v6;
	v7 =	vmul.f32 $8.000000000e+00, v2;
	v2 =	vld [tilespmem:s7+$0xE4C0]  }
0x178: {  	[tilespmem:s7+$0xE460] =	vst v5;
	v6 =	vmul.f32 $8.000000000e+00, v3;
	v3 =	vld [tilespmem:s7+$0xE4D0]  }
0x179: {  	s6 =	sadd.s32 $0x400, s6;
	[tilespmem:s7+$0xE470] =	vst v7;
	v5 =	vmul.f32 $8.000000000e+00, v4;
	v4 =	vld [tilespmem:s7+$0xE4E0]  }
0x17a: {  	[tilespmem:s7+$0xE480] =	vst v6;
	v1 =	vmul.f32 $8.000000000e+00, v1;
	v6 =	vld [tilespmem:s7+$0xE4F0]  }
0x17b: {  	[tilespmem:s7+$0xE490] =	vst v5;
	v0 =	vmul.f32 $8.000000000e+00, v0  }
0x17c: {  	[tilespmem:s7+$0xE4A0] =	vst v1;
	v1 =	vmul.f32 $8.000000000e+00, v2  }
0x17d: {  	[tilespmem:s7+$0xE4B0] =	vst v0;
	v0 =	vmul.f32 $8.000000000e+00, v3  }
0x17e: {  	[tilespmem:s7+$0xE4C0] =	vst v1;
	v1 =	vmul.f32 $8.000000000e+00, v4  }
0x17f: {  	[tilespmem:s7+$0xE4D0] =	vst v0;
	v0 =	vmul.f32 $8.000000000e+00, v6  }
0x180: {  	[tilespmem:s7+$0xE4E0] =	vst v1  }
0x181: {  	s6 =	simm.s32 $0x0;
	s30 =	rddreg [dreg:$0x6];
	[tilespmem:s7+$0xE4F0] =	vst v0  }
0x182: {  	[hbm4b:s30+s6] =	stream.linear.scatter [tilespmem:s23], [sflag:$0x7], $0x4000, $0x38;
	[tilespmem:$0x16400] =	vst v63  }
0x183: {  	_ =	swait.ge [sflag:s22], $0x2000  }
0x184: {  	[sflag:s22] =	ssyncset.done $0x0  }
0x185: {  	[sflag:s22] =	ssyncadd.s32 $0xFFFFE000  }
0x186: {  	_ =	swait.ge [sflag:s22], $0x2000  }
0x187: {  	[sflag:s22] =	ssyncset.done $0x0  }
0x188: {  	s7 =	simm.s32 $0x0;
	[sflag:s22] =	ssyncadd.s32 $0xFFFFE000  }
0x189: {  	v0 =	vld [tilespmem:s7+$0x12400]  }
0x18a: {  	v1 =	vld [tilespmem:s7+$0x12410]  }
0x18b: {  	v2 =	vld [tilespmem:s7+$0x12420]  }
0x18c: {  	v3 =	vld [tilespmem:s7+$0x12430]  }
0x18d: {  	v4 =	vld [tilespmem:s7+$0x12440]  }
0x18e: {  	v5 =	vld [tilespmem:s7+$0x12450];
	v0 =	vmul.f32 $8.000000000e+00, v0  }
0x18f: {  	v6 =	vld [tilespmem:s7+$0x12460];
	v1 =	vmul.f32 $8.000000000e+00, v1  }
0x190: {  	v7 =	vld [tilespmem:s7+$0x12470];
	[tilespmem:s7+$0x12400] =	vst v0;
	v0 =	vmul.f32 $8.000000000e+00, v2  }
0x191: {  	v8 =	vld [tilespmem:s7+$0x12480];
	[tilespmem:s7+$0x12410] =	vst v1;
	v1 =	vmul.f32 $8.000000000e+00, v3  }
0x192: {  	v9 =	vld [tilespmem:s7+$0x12490];
	[tilespmem:s7+$0x12420] =	vst v0;
	v0 =	vmul.f32 $8.000000000e+00, v4  }
0x193: {  	v2 =	vmul.f32 $8.000000000e+00, v5;
	[tilespmem:s7+$0x12430] =	vst v1;
	v1 =	vld [tilespmem:s7+$0x124A0]  }
0x194: {  	v3 =	vmul.f32 $8.000000000e+00, v6;
	[tilespmem:s7+$0x12440] =	vst v0;
	v0 =	vld [tilespmem:s7+$0x124B0]  }
0x195: {  	[tilespmem:s7+$0x12450] =	vst v2;
	v2 =	vld [tilespmem:s7+$0x124C0];
	v4 =	vmul.f32 $8.000000000e+00, v7  }
0x196: {  	v6 =	vmul.f32 $8.000000000e+00, v8;
	[tilespmem:s7+$0x12460] =	vst v3;
	v3 =	vld [tilespmem:s7+$0x124D0]  }
0x197: {  	s6 =	simm.s32 $0x400;
	v5 =	vmul.f32 $8.000000000e+00, v9;
	[tilespmem:s7+$0x12470] =	vst v4;
	v4 =	vld [tilespmem:s7+$0x124E0]  }
.LBB2_18:
0x198: {  	s8 =	sshra.s32 s6, $0x2;
	p0 =	sne.s32 s6, $0xFC00;
	[tilespmem:s7+$0x12480] =	vst v6;
	v1 =	vmul.f32 $8.000000000e+00, v1;
	v6 =	vld [tilespmem:s7+$0x124F0]  }
0x199: {  	v7 =	vld [tilespmem:s8+$0x12400];
	[tilespmem:s7+$0x12490] =	vst v5;
	v0 =	vmul.f32 $8.000000000e+00, v0  }
0x19a: {  	v5 =	vld [tilespmem:s8+$0x12410];
	[tilespmem:s7+$0x124A0] =	vst v1;
	v1 =	vmul.f32 $8.000000000e+00, v2  }
0x19b: {  	v2 =	vld [tilespmem:s8+$0x12420];
	[tilespmem:s7+$0x124B0] =	vst v0;
	v0 =	vmul.f32 $8.000000000e+00, v3  }
0x19c: {  	v3 =	vld [tilespmem:s8+$0x12430];
	[tilespmem:s7+$0x124C0] =	vst v1;
	v1 =	vmul.f32 $8.000000000e+00, v4  }
0x19d: {  	v4 =	vld [tilespmem:s8+$0x12440];
	[tilespmem:s7+$0x124D0] =	vst v0;
	v0 =	vmul.f32 $8.000000000e+00, v6  }
0x19e: {  	v6 =	vmul.f32 $8.000000000e+00, v7;
	v7 =	vld [tilespmem:s8+$0x12450];
	[tilespmem:s7+$0x124E0] =	vst v1  }
0x19f: {  	v1 =	vmul.f32 $8.000000000e+00, v5;
	v5 =	vld [tilespmem:s8+$0x12460];
	[tilespmem:s7+$0x124F0] =	vst v0;
	s7 =	smov.u32 s8  }
0x1a0: {  	[tilespmem:s7+$0x12400] =	vst v6;
	v0 =	vmul.f32 $8.000000000e+00, v2;
	v2 =	vld [tilespmem:s7+$0x12470]  }
0x1a1: {  	[tilespmem:s7+$0x12410] =	vst v1;
	v1 =	vmul.f32 $8.000000000e+00, v3;
	v3 =	vld [tilespmem:s7+$0x12480]  }
0x1a2: {  	[tilespmem:s7+$0x12420] =	vst v0;
	v0 =	vmul.f32 $8.000000000e+00, v4;
	v4 =	vld [tilespmem:s7+$0x12490]  }
.Ltmp8:
0x1a3: {  	[tilespmem:s7+$0x12430] =	vst v1;
	v6 =	vmul.f32 $8.000000000e+00, v7;
	v1 =	vld [tilespmem:s7+$0x124A0];
	(pc) =	sbr.rel @p0 .LBB2_18-.Ltmp8, $4  }
0x1a4: {  	[tilespmem:s7+$0x12440] =	vst v0;
	v5 =	vmul.f32 $8.000000000e+00, v5;
	v0 =	vld [tilespmem:s7+$0x124B0]  }
0x1a5: {  	[tilespmem:s7+$0x12450] =	vst v6;
	v7 =	vmul.f32 $8.000000000e+00, v2;
	v2 =	vld [tilespmem:s7+$0x124C0]  }
0x1a6: {  	[tilespmem:s7+$0x12460] =	vst v5;
	v6 =	vmul.f32 $8.000000000e+00, v3;
	v3 =	vld [tilespmem:s7+$0x124D0]  }
0x1a7: {  	s6 =	sadd.s32 $0x400, s6;
	[tilespmem:s7+$0x12470] =	vst v7;
	v5 =	vmul.f32 $8.000000000e+00, v4;
	v4 =	vld [tilespmem:s7+$0x124E0]  }
0x1a8: {  	[tilespmem:s7+$0x12480] =	vst v6;
	v1 =	vmul.f32 $8.000000000e+00, v1;
	v59 =	vld [tilespmem:s7+$0x124F0]  }
0x1a9: {  	[tilespmem:s7+$0x12490] =	vst v5;
	v0 =	vmul.f32 $8.000000000e+00, v0  }
0x1aa: {  	[tilespmem:s7+$0x124A0] =	vst v1;
	v60 =	vmul.f32 $8.000000000e+00, v2  }
0x1ab: {  	[tilespmem:s7+$0x124B0] =	vst v0;
	v61 =	vmul.f32 $8.000000000e+00, v3  }
0x1ac: {  	[tilespmem:s7+$0x124C0] =	vst v60;
	v62 =	vmul.f32 $8.000000000e+00, v4  }
0x1ad: {  	[tilespmem:s7+$0x124D0] =	vst v61;
	v63 =	vmul.f32 $8.000000000e+00, v59  }
0x1ae: {  	[tilespmem:s7+$0x124E0] =	vst v62  }
0x1af: {  	s6 =	rddreg [dreg:$0x7];
	[tilespmem:s7+$0x124F0] =	vst v63  }
0x1b0: {  	[hbm4b:s6+s3] =	stream.linear.scatter [tilespmem:s29], [sflag:$0x8], $0x4000, $0x38;
	[tilespmem:$0x16400] =	vst v63  }
0x1b1: {  	_ =	swait.ge [sflag:s0], $0x4000  }
0x1b2: {  	[sflag:s0] =	ssyncset.done $0x0  }
0x1b3: {  	[sflag:s0] =	ssyncadd.s32 $0xFFFFC000  }
0x1b4: {  	_ =	swait.ge [sflag:s20], $0x4000  }
0x1b5: {  	[sflag:s20] =	ssyncset.done $0x0  }
0x1b6: {  	[sflag:s20] =	ssyncadd.s32 $0xFFFFC000  }
0x1b7: {  	_ =	swait.ge [sflag:s24], $0x4000  }
0x1b8: {  	[sflag:s24] =	ssyncset.done $0x0  }
0x1b9: {  	[sflag:s24] =	ssyncadd.s32 $0xFFFFC000  }
0x1ba: {  	_ =	swait.ge [sflag:s28], $0x4000  }
0x1bb: {  	s14 =	rddreg [dreg:$0x9]  }
0x1bc: {  	s30 =	rddreg [dreg:$0x8];
	s7 =	sadd.s32 $0x1, s14  }
0x1bd: {  	p0 =	sne.s32 s7, s30  }
.Ltmp9:
0x1be: {  	_ = 	snop;
	(pc) =	sbr.rel @p0 .LBB2_1-.Ltmp9, $3  }
0x1bf: {  	_ =	sdelay $0x1  }
0x1c0: {  	[sflag:s28] =	ssyncset.done $0x0  }
0x1c1: {  	[sflag:s28] =	ssyncadd.s32 $0xFFFFC000  }
0x1c2: {  	_ =	sfence.sel $0x180000  }
0x1c3: {  	[bflag:$0x0] =	sbarrier.arrive $0xFFFF  }
0x1c4: {  	_ =	strace $0x90000047  }
0x1c5: {  	s0 =	stileid.u32;
	[bflag:$0x2] =	sbarrier.arrive $0xFFFF  }
0x1c6: {  	p0 =	sne.s32 s0, $0x0;
	s0 =	rddreg [dreg:$0x2]  }
0x1c7: {  	s0 =	sadd.s32 @!p0 $0x100000, s0  }
0x1c8: {  	[sflag:s0] =	ssyncadd.tile.s32 @!p0 $0x1;
	_ =	shalt  }
.Lfunc_end2:
_tile_overlayer_lowered:
.L_overlay_start_2:
0x1c9: {  	(tag) =	ssettag $0x2  }
0x1ca: {  	s0 =	rddreg [dreg:$0x0];
	s2 =	stileid.u32  }
0x1cb: {  	s1 =	rddreg [dreg:$0x1];
	p0 =	sne.s32 s2, $0x0  }
0x1cc: {  	s3 =	rddreg [dreg:$0x2];
	[bflag:$0x3] =	sbarrier.arrive $0xFFFF;
	s2 =	simm.s32 @!p0 $0x1C09  }
0x1cd: {  	[timem:s3], [sflag:s2] =	dma.local @!p0 [hbm:s0], s1  }
0x1ce: {  	s0 =	simm.s32 @!p0 $0x9  }
0x1cf: {  	_ =	swait.ge @!p0 [sflag:s0], s1  }
0x1d0: {  	s1 =	ssub.s32 @!p0 $0x0, s1;
	[sflag:s0] =	ssyncset.done @!p0 $0x0  }
0x1d1: {  	[sflag:s0] =	ssyncadd.s32 @!p0 s1  }
0x1d2: {  	[bflag:$0x3] =	sbarrier.arrive $0xFFFF  }
0x1d3: {  	_ =	shalt  }

// kernel: sparse-core-data-format-call.cloned.1.call-start
scs
called_computation_lowered:
.L_overlay_start_0:
0x0: {  	s2 =	sld [smem:$0x3FD9]  }
0x1: {  	s3 =	sld [smem:$0x3FFE];
	_ =	sdelay $0x1  }
0x2: {  	s1 =	srdreg.scid  }
0x3: {  	s0 =	sand.u32 $0x1, s1  }
0x4: {  	s18 =	sshll.u32 s0, $0xA;
	s2 =	sadd.s32 s3, s2  }
0x5: {  	s2 =	sadd.s32 s2, s18  }
0x6: {  	[smem:$0x3FC6] =	sst s2  }
0x7: {  	_ = 	snop  }
0x8: {  	s2 =	sld [smem:$0x3FD0];
	(tm) =	ssettm $0x1  }
0x9: {  	s19 =	sld [smem:$0x3FFB];
	_ =	sdelay $0x3  }
0xa: {  	_ =	strace s19  }
0xb: {  	s3 =	sld [smem:$0x3FFC];
	_ =	sdelay $0x3  }
0xc: {  	_ =	strace s3  }
0xd: {  	s3 =	sld [smem:$0x3FFD];
	_ =	sdelay $0x3  }
0xe: {  	_ =	strace s3  }
0xf: {  	_ =	strace $0x8FFFFFFF  }
0x10: {  	s20 =	sld [smem:$0x3FDB];
	_ =	sdelay $0x1  }
0x11: {  	s4 =	simm.s32 $_scs_section_size  }
0x12: {  	s5 =	simm.s32 $_size__tile_overlayer_lowered;
	s6 =	simm.s32 $_tile_overlayer_lowered  }
0x13: {  	s23 =	simm.s32 $0x1BFF;
	s22 =	sshll.u32 s6, $0x1;
	s3 =	sadd.s32 s4, s20  }
0x14: {  	s7 =	simm.s32 $0x0;
	s21 =	sshll.u32 s5, $0x1;
	s5 =	sadd.s32 s22, s3  }
0x15: {  	[timem:s7], [sflag:s23] =	dma.local [hbm:s5], s21  }
0x16: {  	_ =	swait.ge [sflag:s23], s21  }
0x17: {  	s4 =	ssub.s32 $0x0, s21;
	[sflag:s23] =	ssyncset.done $0x0  }
0x18: {  	[sflag:s23] =	ssyncadd.s32 s4;
	_ =	sdelay $0x1  }
0x19: {  	s24 =	simm.s32 $0x1B8B  }
0x1a: {  	_ =	swait.ge [sflag:s24], $0x1  }
0x1b: {  	[sflag:s24] =	ssyncset.done $0x0  }
0x1c: {  	s26 =	simm.s32 $0x1B8E;
	s25 =	sld [smem:$0x3FFE];
	[sflag:s24] =	ssyncadd.s32 $0xFFFFFFFF  }
0x1d: {  	s27 =	simm.s32 $execute0_lowered;
	[smem:$0x3FD2] =	sst s26  }
0x1e: {  	s5 =	sshll.u32 s27, $0x1;
	_ =	strace $0x80000049;
	[dreg:$0x1] =	wrdreg $0xFFFFFFFF  }
0x1f: {  	s28 =	simm.s32 $_size_execute0_lowered;
	s3 =	sadd.s32 s3, s5;
	[dreg:$0x0] =	wrdreg $0x0  }
0x20: {  	s5 =	sshll.u32 s28, $0x1;
	[dreg:$0x2] =	wrdreg s3  }
0x21: {  	[dreg:$0x3] =	wrdreg s5  }
0x22: {  	[dreg:$0x4] =	wrdreg $0xC0  }
0x23: {  	_ =	task [dreg:s7], $0x5FFFF  }
0x24: {  	[dreg:$0x1] =	wrdreg $0xFFFFFFFF  }
0x25: {  	[dreg:$0x0] =	wrdreg $0x60  }
0x26: {  	[dreg:$0x2] =	wrdreg s25  }
0x27: {  	[dreg:$0x3] =	wrdreg s2  }
0x28: {  	[dreg:$0x4] =	wrdreg $0x9  }
0x29: {  	_ =	task.clear_ibuf [dreg:s7], $0x5FFFF;
	_ =	strace $0x90000049  }
0x2a: {  	s29 =	simm.s32 $0x9;
	_ =	strace $0x8000004B  }
0x2b: {  	_ =	swait.ge [sflag:s29], $0x1  }
0x2c: {  	[sflag:s29] =	ssyncadd.s32 $0xFFFFFFFF  }
0x2d: {  	_ =	strace $0x9000004B  }
0x2e: {  	_ =	sfence  }
0x2f: {  	s30 =	sld [smem:$0x0];
	_ =	sdelay $0x2  }
0x30: {  	s31 =	sshll.u32 s1, $0xD;
	s1 =	sshrl.u32 s1, $0x2  }
0x31: {  	s3 =	sand.u32 $0x4000, s31;
	s1 =	sadd.s32 s1, s30  }
0x32: {  	s0 =	sor.u32 s3, s0;
	s1 =	sshll.u32 s1, $0x11  }
0x33: {  	s0 =	sor.u32 s1, s0  }
0x34: {  	s0 =	sadd.s32 $0x8F2B, s0  }
0x35: {  	[sflag:s0] =	ssyncadd.remote.s32 $0x1  }
0x36: {  	_ =	sfence.sel $0xFFFF  }
0x37: {  	[dreg:$0x0] =	wrdreg $0xFFFFFFFF;
	(pc) =	sbr.abs _section_cstart, $3  }
0x38: {  	[dreg:$0x1] =	wrdreg $0xFFFFFFFF  }
0x39: {  	_ =	task.clear_ibuf [dreg:s7], $0x2FFFF;
	_ =	strace $0x9FFFFFFF  }
0x3a: {  	(tm) =	ssettm $0x7FFFFFFF  }
0x3b: {  	_ =	shalt  }
tec
execute0_lowered:
.L_overlay_start_1:
0x0: {  	(tag) =	ssettag $0x1  }
0x1: {  	s0 =	srdreg.scid  }
0x2: {  	s1 =	sshll.u32 s0, $0x4  }
0x3: {  	s0 =	stileid.u32;
	s1 =	sand.u32 $0x10, s1  }
0x4: {  	s1 =	sor.u32 s0, s1  }
0x5: {  	s6 =	rddreg [dreg:$0x0];
	s4 =	simm.s32 $0x1;
	s2 =	sshll.u32 s1, $0x7  }
0x6: {  	s7 =	simm.s32 $0x2;
	s12 =	simm.s32 $0x0;
	s1 =	ssub.s32 $0x4000, s2  }
0x7: {  	s8 =	simm.s32 $0x20000;
	s13 =	simm.s32 $0x0;
	s3 =	sand.u32 $0xF80, s1  }
0x8: {  	s9 =	simm.s32 $0x0;
	s5 =	sshrl.u32 s1, $0xC;
	p0 =	sne.s32 s3, $0x0  }
.Ltmp0:
0x9: {  	s1 =	rddreg [dreg:$0x2];
	s4 =	simm.s32 @!p0 $0x0;
	(pc) =	sbr.rel .LBB1_1-.Ltmp0, $4  }
0xa: {  	s11 =	simm.s32 $0x0;
	s3 =	rddreg [dreg:$0x1];
	s5 =	sadd.s32 s4, s5  }
0xb: {  	_ =	strace $0x8000004A;
	s4 =	simm.s32 $0x1;
	s5 =	smul.u32 $0x32, s5  }
0xc: {  	s6 =	sadd.s32 $0xA00, s6;
	s10 =	smov.u32 s2;
	[sflag:s4] =	ssyncpa.u1 $0x0  }
0xd: {  	p0 =	por $0x0, $0x0;
	[sflag:s7] =	ssyncpa.u1 $0x0;
	s7 =	sor.u32 $0x1, s5  }
.LBB1_4:
0xe: {  	s16 =	sshll.u32 s13, $0x3;
	s17 =	sand.u32 $0x78, s13  }
0xf: {  	s30 =	sand.u32 $0x1F800, s13;
	s12 =	sshll.u32 s12, $0x11;
	s16 =	sand.u32 $0x3C00, s16  }
0x10: {  	[tilespmem:s15+$0x810 ss:$0x81] =	vst.msk $0xffff, v2;
	s31 =	sand.u32 $0x7, s13;
	s16 =	sor.u32 s17, s16;
	s17 =	sadd.s32 s3, s30  }
0x11: {  	[tilespmem:s15+$0x1020 ss:$0x81] =	vst.msk $0xffff, v0;
	s13 =	sshll.u32 s31, $0x12;
	s12 =	sadd.s32 s12, s17;
	s16 =	sshrl.u32 s16, $0x3  }
0x12: {  	[tilespmem:s15+$0x0 ss:$0x81] =	vst.msk $0xffff, v1;
	s13 =	sor.u32 $0x400, s13;
	s12 =	sadd.s32 s16, s12  }
0x13: {  	[hbm4b:s12+s13] =	stream.strided.scatter [tilespmem:s14], [sflag:$0x2], $0x2000, s8, s13, $0x20;
	[tilespmem:$0x8080] =	vst v63  }
.LBB1_5:
0x14: {  	s14 =	sadd.s32 $0x1, s9  }
0x15: {  	s12 =	sadd.s32 $0x1000, s10;
	s16 =	smov.u32 s10;
	p2 =	sgt.s32 s14, $0x31  }
0x16: {  	s16 =	smov.u32 @p2 s12  }
0x17: {  	s14 =	simm.s32 @p2 $0x0;
	p2 =	sgt.s32 s16, $0x3FFF  }
0x18: {  	s16 =	smov.u32 @p2 s2;
	p2 =	sne.s32 s11, s7  }
.Ltmp1:
0x19: {  	p1 =	slt.u32 s11, $0x2;
	(pc) =	sbr.rel @!p2 .LBB1_6-.Ltmp1, $4  }
0x1a: {  	s15 =	simm.s32 @!p1 $0x2  }
0x1b: {  	s13 =	smov.u32 s10;
	p0 =	por !p0, !p0;
	_ =	swait.ge @!p1 [sflag:s15], $0x2000  }
0x1c: {  	s12 =	smov.u32 s9;
	[sflag:s15] =	ssyncset.done @!p1 $0x0;
	s9 =	smov.u32 s14  }
0x1d: {  	s11 =	sadd.s32 $0x1, s11;
	[sflag:s15] =	ssyncadd.s32 @!p1 $0xFFFFE000;
	s10 =	smov.u32 s16  }
.LBB1_1:
0x1e: {  	p1 =	sge.u32 s11, s5  }
0x1f: {  	s14 =	sand.u32 @!p1 $0x1FFFFFF, s9  }
0x20: {  	s15 =	smulhi.u32 @!p1 $0x4924925, s14;
	_ =	sdelay $0x1  }
0x21: {  	s15 =	smul.u32 @!p1 $0x38, s15  }
0x22: {  	s16 =	sxor.u32 @!p1 $0xFFFFFFFF, s11;
	s17 =	smul.u32 @!p1 $0x380, s10  }
0x23: {  	s31 =	sadd.s32 $0xFFFFFFFF, s11;
	s16 =	sshll.u32 @!p1 s16, $0xD;
	s14 =	ssub.s32 @!p1 s14, s15  }
0x24: {  	s15 =	sand.u32 @!p1 $0x2000, s16;
	s16 =	sadd.s32 @!p1 s6, s17;
	s14 =	sshll.u32 @!p1 s14, $0x4  }
0x25: {  	s17 =	simm.s32 @!p1 $0x1C00;
	s14 =	sadd.s32 @!p1 s14, s16;
	s16 =	simm.s32 @!p1 $0x40  }
0x26: {  	[tilespmem:s15], [sflag:$0x1] =	stream.strided.gather @!p1 [hbm4b:s14+s16], $0x2000, s17, s16, $0x38;
	[tilespmem:$0x8080] =	vst v63  }
0x27: {  	p1 =	sge.u32 s31, s5  }
.Ltmp2:
0x28: {  	_ = 	snop;
	(pc) =	sbr.rel @p1 .LBB1_5-.Ltmp2, $1  }
0x29: {  	_ =	sdelay $0x3  }
0x2a: {  	s14 =	simm.s32 $0x1  }
0x2b: {  	_ =	swait.ge [sflag:s4], $0x2000;
	s14 =	simm.s32 @!p0 $0x0  }
0x2c: {  	[sflag:s4] =	ssyncset.done $0x0;
	s15 =	sshll.u32 s14, $0xD  }
0x2d: {  	[sflag:s4] =	ssyncadd.s32 $0xFFFFE000;
	s18 =	sor.u32 $0x20, s15  }
0x2e: {  	s14 =	smul.u32 $0x8100, s14;
	v3 =	vld [tilespmem:s18+$0x10]  }
0x2f: {  	s30 =	sand.u32 $0x1, s11;
	v2 =	vld [tilespmem:s18+$0xFFFFFFF0]  }
0x30: {  	s15 =	smul.u32 $0x8100, s30;
	s14 =	sshrl.u32 s14, $0x2;
	v0 =	vld [tilespmem:s18+$0x0]  }
0x31: {  	v1 =	vld [tilespmem:s18+$0xFFFFFFE0];
	s16 =	sor.u32 $0x4000, s14  }
0x32: {  	s31 =	sshrl.u32 s15, $0x2;
	s15 =	sadd.s32 $0x0, s16  }
0x33: {  	s17 =	simm.s32 $0x4;
	s18 =	sadd.s32 $0x40, s18;
	s14 =	sor.u32 $0x4000, s31;
	[tilespmem:s15+$0x1830 ss:$0x81] =	vst.msk $0xffff, v3  }
.LBB1_3:
0x34: {  	v3 =	vld [tilespmem:s18+$0x10];
	p1 =	sne.s32 s17, $0x1FC;
	[tilespmem:s15+$0x810 ss:$0x81] =	vst.msk $0xffff, v2;
	s19 =	smov.u32 s17;
	s17 =	sadd.s32 $0x4, s17  }
.Ltmp3:
0x35: {  	v2 =	vld [tilespmem:s18+$0xFFFFFFF0];
	[tilespmem:s15+$0x1020 ss:$0x81] =	vst.msk $0xffff, v0;
	(pc) =	sbr.rel @p1 .LBB1_3-.Ltmp3, $4  }
0x36: {  	v0 =	vld [tilespmem:s18+$0x0];
	[tilespmem:s15+$0x0 ss:$0x81] =	vst.msk $0xffff, v1  }
0x37: {  	s15 =	sshra.s32 s19, $0x2;
	v1 =	vld [tilespmem:s18+$0xFFFFFFE0]  }
0x38: {  	s15 =	sadd.s32 s15, s16  }
0x39: {  	s18 =	sadd.s32 $0x40, s18;
	[tilespmem:s15+$0x1830 ss:$0x81] =	vst.msk $0xffff, v3  }
.Ltmp4:
0x3a: {  	_ = 	snop;
	(pc) =	sbr.rel .LBB1_4-.Ltmp4, $1  }
0x3b: {  	_ =	sdelay $0x3  }
.LBB1_6:
0x3c: {  	_ =	sfence.sel $0x180000  }
0x3d: {  	s2 =	simm.s32 $0x1;
	[bflag:$0x0] =	sbarrier.arrive $0xFFFF  }
0x3e: {  	s31 =	simm.s32 $0x2;
	[sflag:s2] =	ssyncpa.u1 $0x1  }
0x3f: {  	[sflag:s31] =	ssyncpa.u1 $0x1  }
0x40: {  	p0 =	sne.s32 s0, $0x0;
	_ =	strace $0x9000004A  }
0x41: {  	s0 =	sadd.s32 @!p0 $0x100000, s1;
	[bflag:$0x2] =	sbarrier.arrive $0xFFFF  }
0x42: {  	[sflag:s0] =	ssyncadd.tile.s32 @!p0 $0x1;
	_ =	shalt  }
.Lfunc_end1:
_tile_overlayer_lowered:
.L_overlay_start_2:
0x43: {  	(tag) =	ssettag $0x2  }
0x44: {  	s0 =	rddreg [dreg:$0x0];
	s2 =	stileid.u32  }
0x45: {  	s1 =	rddreg [dreg:$0x1];
	p0 =	sne.s32 s2, $0x0  }
0x46: {  	s3 =	rddreg [dreg:$0x2];
	[bflag:$0x3] =	sbarrier.arrive $0xFFFF;
	s2 =	simm.s32 @!p0 $0x1C01  }
0x47: {  	[timem:s3], [sflag:s2] =	dma.local @!p0 [hbm:s0], s1  }
0x48: {  	s0 =	simm.s32 @!p0 $0x1  }
0x49: {  	_ =	swait.ge @!p0 [sflag:s0], s1  }
0x4a: {  	s1 =	ssub.s32 @!p0 $0x0, s1;
	[sflag:s0] =	ssyncset.done @!p0 $0x0  }
0x4b: {  	[sflag:s0] =	ssyncadd.s32 @!p0 s1  }
0x4c: {  	[bflag:$0x3] =	sbarrier.arrive $0xFFFF  }
0x4d: {  	_ =	shalt  }

</sc_bundles>
